<compile_context>
chip_gen: v7x
topology: tpu7x:2x2x1
jax: 0.10.2.dev20260603
libtpu: 0.0.44.dev20260713+nightly
codegen_flags: <defaults>
</compile_context>

<pallas_src>
import functools

import jax
import jax.numpy as jnp
from jax import lax
from jax.experimental import pallas as pl
from jax.experimental.pallas import tpu as pltpu
from jax.experimental.pallas import tpu_sc as plsc

N = 10000
E = 320000
H = 128
NPAD = 10240
NC = 2
NS = 16
NW = NC * NS
L = 16
EPT = E // NW
CAP = NPAD
KCH = 128
GRP = 8
BR = 256


def _a_body(x_ref, wi_ref, bi_ref, w1_ref, b1_ref, w2_ref, b2_ref, wc1_ref,
            h_ref, imp_ref, xw1_ref):
    h = jax.nn.relu(jnp.dot(x_ref[...], wi_ref[...],
                            preferred_element_type=jnp.float32) + bi_ref[...])
    t = jax.nn.relu(jnp.dot(h, w1_ref[...],
                            preferred_element_type=jnp.float32) + b1_ref[...])
    z = jnp.dot(t, w2_ref[...], preferred_element_type=jnp.float32) + b2_ref[...]
    h_ref[...] = h
    imp_ref[...] = jax.nn.sigmoid(z)
    xw1_ref[...] = jnp.dot(h, wc1_ref[...], preferred_element_type=jnp.float32)


def _run_a(x_pad, W_in, b_in, W_imp1, b_imp1, W_imp2, b_imp2, W_c1):
    grid = NPAD // BR
    return pl.pallas_call(
        _a_body,
        grid=(grid,),
        in_specs=[
            pl.BlockSpec((BR, H), lambda i: (i, 0)),
            pl.BlockSpec((H, H), lambda i: (0, 0)),
            pl.BlockSpec((1, H), lambda i: (0, 0)),
            pl.BlockSpec((H, H // 2), lambda i: (0, 0)),
            pl.BlockSpec((1, H // 2), lambda i: (0, 0)),
            pl.BlockSpec((H // 2, 1), lambda i: (0, 0)),
            pl.BlockSpec((1, 1), lambda i: (0, 0)),
            pl.BlockSpec((H, H), lambda i: (0, 0)),
        ],
        out_specs=[
            pl.BlockSpec((BR, H), lambda i: (i, 0)),
            pl.BlockSpec((BR, 1), lambda i: (i, 0)),
            pl.BlockSpec((BR, H), lambda i: (i, 0)),
        ],
        out_shape=[
            jax.ShapeDtypeStruct((NPAD, H), jnp.float32),
            jax.ShapeDtypeStruct((NPAD, 1), jnp.float32),
            jax.ShapeDtypeStruct((NPAD, H), jnp.float32),
        ],
    )(x_pad, W_in, b_in.reshape(1, H), W_imp1, b_imp1.reshape(1, H // 2),
      W_imp2, b_imp2.reshape(1, 1), W_c1)


def _b1_body(imp_hbm, row_hbm, col_hbm, ew_hbm, part_hbm,
             imp_v, row_v, col_v, ew_v, part_v, dsem):
    c = lax.axis_index("c")
    s = lax.axis_index("s")
    wid = s * NC + c
    base = wid * EPT
    cp1 = pltpu.async_copy(imp_hbm, imp_v, dsem)
    cp2 = pltpu.async_copy(row_hbm.at[pl.ds(base, EPT)], row_v, dsem)
    cp3 = pltpu.async_copy(col_hbm.at[pl.ds(base, EPT)], col_v, dsem)
    cp1.wait()
    cp2.wait()
    cp3.wait()

    def body(i, carry):
        sacc, qacc = carry
        r = row_v[pl.ds(i * L, L)]
        cc = col_v[pl.ds(i * L, L)]
        ir = plsc.load_gather(imp_v, [r])
        ic = plsc.load_gather(imp_v, [cc])
        ew = (ir + ic) * 0.5
        ew_v[pl.ds(i * L, L)] = ew
        return (sacc + ew, qacc + ew * ew)

    z16 = jnp.zeros((L,), jnp.float32)
    sacc, qacc = lax.fori_loop(0, EPT // L, body, (z16, z16))
    sv = jnp.sum(sacc)
    qv = jnp.sum(qacc)
    lane = lax.iota(jnp.int32, L)
    part_v[...] = jnp.where(lane == 0, sv, jnp.where(lane == 1, qv, 0.0))
    cp4 = pltpu.async_copy(ew_v, ew_hbm.at[pl.ds(base, EPT)], dsem)
    cp5 = pltpu.async_copy(part_v, part_hbm.at[wid], dsem)
    cp4.wait()
    cp5.wait()


def _run_b1(imp_flat, row, col):
    mesh = plsc.VectorSubcoreMesh(core_axis_name="c", subcore_axis_name="s")
    f = pl.kernel(
        _b1_body,
        out_type=[
            jax.ShapeDtypeStruct((E,), jnp.float32),
            jax.ShapeDtypeStruct((NW, L), jnp.float32),
        ],
        mesh=mesh,
        compiler_params=pltpu.CompilerParams(needs_layout_passes=False),
        scratch_types=[
            pltpu.VMEM((NPAD,), jnp.float32),
            pltpu.VMEM((EPT,), jnp.int32),
            pltpu.VMEM((EPT,), jnp.int32),
            pltpu.VMEM((EPT,), jnp.float32),
            pltpu.VMEM((L,), jnp.float32),
            pltpu.SemaphoreType.DMA,
        ],
    )
    return f(imp_flat, row, col)


def _b2_body(ew_hbm, row_hbm, col_hbm, thr_hbm,
             rowc_hbm, colc_hbm, cnt_hbm, degp_hbm,
             ew_v, row_v, col_v, rowc_v, colc_v, deg_v, thr_v, cnt_v, dsem):
    c = lax.axis_index("c")
    s = lax.axis_index("s")
    wid = s * NC + c
    base = wid * EPT
    cp1 = pltpu.async_copy(ew_hbm.at[pl.ds(base, EPT)], ew_v, dsem)
    cp2 = pltpu.async_copy(row_hbm.at[pl.ds(base, EPT)], row_v, dsem)
    cp3 = pltpu.async_copy(col_hbm.at[pl.ds(base, EPT)], col_v, dsem)
    cp4 = pltpu.async_copy(thr_hbm, thr_v, dsem)
    cp1.wait()
    cp2.wait()
    cp3.wait()
    cp4.wait()

    def zbody(i, _):
        deg_v[pl.ds(i * L, L)] = jnp.zeros((L,), jnp.float32)
        return 0

    lax.fori_loop(0, NPAD // L, zbody, 0)

    thr = thr_v[pl.ds(0, L)][0]
    ones = jnp.ones((L,), jnp.float32)

    def body(i, off):
        ew = ew_v[pl.ds(i * L, L)]
        m = ew > thr
        r = row_v[pl.ds(i * L, L)]
        cc = col_v[pl.ds(i * L, L)]
        plsc.store_compressed(rowc_v.at[pl.ds(off, L)], r, mask=m)
        plsc.store_compressed(colc_v.at[pl.ds(off, L)], cc, mask=m)
        plsc.addupdate_scatter(deg_v, [cc], ones, mask=m)
        return off + jnp.sum(m.astype(jnp.int32))

    off = lax.fori_loop(0, EPT // L, body, jnp.int32(0))

    sent = jnp.full((L,), N, jnp.int32)
    for k in range(KCH // L):
        rowc_v[pl.ds(off + k * L, L)] = sent
        colc_v[pl.ds(off + k * L, L)] = sent

    lane = lax.iota(jnp.int32, L)
    cnt_v[...] = jnp.where(lane == 0, off, 0)

    cp5 = pltpu.async_copy(rowc_v, rowc_hbm.at[wid], dsem)
    cp6 = pltpu.async_copy(colc_v, colc_hbm.at[wid], dsem)
    cp7 = pltpu.async_copy(cnt_v, cnt_hbm.at[wid], dsem)
    cp8 = pltpu.async_copy(deg_v, degp_hbm.at[wid], dsem)
    cp5.wait()
    cp6.wait()
    cp7.wait()
    cp8.wait()


def _run_b2(ew, row, col, thr_arr):
    mesh = plsc.VectorSubcoreMesh(core_axis_name="c", subcore_axis_name="s")
    f = pl.kernel(
        _b2_body,
        out_type=[
            jax.ShapeDtypeStruct((NW, CAP), jnp.int32),
            jax.ShapeDtypeStruct((NW, CAP), jnp.int32),
            jax.ShapeDtypeStruct((NW, L), jnp.int32),
            jax.ShapeDtypeStruct((NW, NPAD), jnp.float32),
        ],
        mesh=mesh,
        compiler_params=pltpu.CompilerParams(needs_layout_passes=False),
        scratch_types=[
            pltpu.VMEM((EPT,), jnp.float32),
            pltpu.VMEM((EPT,), jnp.int32),
            pltpu.VMEM((EPT,), jnp.int32),
            pltpu.VMEM((CAP,), jnp.int32),
            pltpu.VMEM((CAP,), jnp.int32),
            pltpu.VMEM((NPAD,), jnp.float32),
            pltpu.VMEM((L,), jnp.float32),
            pltpu.VMEM((L,), jnp.int32),
            pltpu.SemaphoreType.DMA,
        ],
    )
    return f(ew, row, col, thr_arr)


def _e0_body(xw_ref, degp_ref, xws_ref, dis_ref):
    i = pl.program_id(0)
    degsum = lax.dot_general(
        degp_ref[...], jnp.ones((NW, 1), jnp.float32),
        (((0,), (0,)), ((), ())), preferred_element_type=jnp.float32)
    dis = lax.rsqrt(degsum + 1.0)
    rid = i * BR + lax.broadcasted_iota(jnp.int32, (BR, 1), 0)
    dis = jnp.where(rid < N, dis, 0.0)
    xws_ref[...] = xw_ref[...] * dis
    dis_ref[...] = dis


def _run_e0(xw1, degp):
    grid = NPAD // BR
    return pl.pallas_call(
        _e0_body,
        grid=(grid,),
        in_specs=[
            pl.BlockSpec((BR, H), lambda i: (i, 0)),
            pl.BlockSpec((NW, BR), lambda i: (0, i)),
        ],
        out_specs=[
            pl.BlockSpec((BR, H), lambda i: (i, 0)),
            pl.BlockSpec((BR, 1), lambda i: (i, 0)),
        ],
        out_shape=[
            jax.ShapeDtypeStruct((NPAD, H), jnp.float32),
            jax.ShapeDtypeStruct((NPAD, 1), jnp.float32),
        ],
    )(xw1, degp)


def _d_body(xws_hbm, rowc_hbm, colc_hbm, cnt_hbm, s_hbm,
            row2_v, col2_v, cnt_v, rows_v, zer_v, agg_sh, sem, ssem):
    c = lax.axis_index("c")
    s = lax.axis_index("s")
    wid = s * NC + c

    def zb(i, _):
        for j in range(H // L):
            zer_v[i, pl.ds(j * L, L)] = jnp.zeros((L,), jnp.float32)
        return 0

    lax.fori_loop(0, 32, zb, 0)
    zcp = [pltpu.async_copy(zer_v, agg_sh.at[pl.ds(s * 640 + k * 32, 32)],
                            ssem) for k in range(20)]
    for cp in zcp:
        cp.wait()
    plsc.subcore_barrier()

    pltpu.sync_copy(cnt_hbm.at[wid], cnt_v)
    n = cnt_v[pl.ds(0, L)][0]
    nch = (n + (KCH - 1)) // KCH
    ngrp = (nch + (GRP - 1)) // GRP

    def scat_wait(par):
        pltpu.make_async_copy(
            rows_v.at[par], agg_sh.at[col2_v.at[0]], ssem).wait()

    def group(g, _):
        sc1 = pltpu.async_copy(
            rowc_hbm.at[wid, pl.ds(g * GRP, GRP)], row2_v, sem)
        sc2 = pltpu.async_copy(
            colc_hbm.at[wid, pl.ds(g * GRP, GRP)], col2_v, sem)
        sc1.wait()
        sc2.wait()
        m = jnp.minimum(nch - g * GRP, GRP)

        @pl.when(m > 0)
        def _():
            pltpu.async_copy(xws_hbm.at[row2_v.at[0]], rows_v.at[0], sem)

        def chunk(j, _):
            p = j % 2
            pltpu.make_async_copy(
                xws_hbm.at[row2_v.at[j]], rows_v.at[p], sem).wait()

            @pl.when(j >= 1)
            def _():
                scat_wait(1 - p)

            @pl.when(j + 1 < m)
            def _():
                pltpu.async_copy(
                    xws_hbm.at[row2_v.at[j + 1]], rows_v.at[1 - p], sem)

            pltpu.async_copy(rows_v.at[p], agg_sh.at[col2_v.at[j]], ssem,
                             add=True)
            return 0

        lax.fori_loop(0, m, chunk, 0)

        @pl.when(m > 0)
        def _():
            scat_wait((m - 1) % 2)

        return 0

    lax.fori_loop(0, ngrp, group, 0)
    plsc.subcore_barrier()

    wcp = [pltpu.async_copy(agg_sh.at[pl.ds(s * 640 + k * 64, 64)],
                            s_hbm.at[c].at[pl.ds(s * 640 + k * 64, 64)],
                            ssem) for k in range(10)]
    for cp in wcp:
        cp.wait()


def _run_d(xws, rowc3, colc3, cnt):
    mesh = plsc.VectorSubcoreMesh(core_axis_name="c", subcore_axis_name="s")
    f = pl.kernel(
        _d_body,
        out_type=jax.ShapeDtypeStruct((NC, NPAD, H), jnp.float32),
        mesh=mesh,
        compiler_params=pltpu.CompilerParams(needs_layout_passes=False),
        scratch_types=[
            pltpu.VMEM((GRP, KCH), jnp.int32),
            pltpu.VMEM((GRP, KCH), jnp.int32),
            pltpu.VMEM((L,), jnp.int32),
            pltpu.VMEM((2, KCH, H), jnp.float32),
            pltpu.VMEM((32, H), jnp.float32),
            pltpu.VMEM_SHARED((NPAD, H), jnp.float32),
            pltpu.SemaphoreType.DMA,
            pltpu.SemaphoreType.DMA,
        ],
    )
    return f(xws, rowc3, colc3, cnt)


def _e1_body(s_ref, xw_ref, dis_ref, b_ref, w2_ref, h_ref, wo1_ref, wo2_ref,
             xw2_ref, xws2_ref, po_ref):
    ssum = s_ref[0] + s_ref[1]
    dis = dis_ref[...]
    h1 = jax.nn.relu(dis * ssum + xw_ref[...] * (dis * dis) + b_ref[...])
    xw2 = jnp.dot(h1, w2_ref[...], preferred_element_type=jnp.float32)
    xw2_ref[...] = xw2
    xws2_ref[...] = xw2 * dis
    po_ref[...] = (jnp.dot(h_ref[...], wo1_ref[...],
                           preferred_element_type=jnp.float32)
                   + jnp.dot(h1, wo2_ref[...],
                             preferred_element_type=jnp.float32))


def _run_e1(s1, xw1, dis, b_c1, W_c2, h_pad, Wo1, Wo2):
    grid = NPAD // BR
    return pl.pallas_call(
        _e1_body,
        grid=(grid,),
        in_specs=[
            pl.BlockSpec((NC, BR, H), lambda i: (0, i, 0)),
            pl.BlockSpec((BR, H), lambda i: (i, 0)),
            pl.BlockSpec((BR, 1), lambda i: (i, 0)),
            pl.BlockSpec((1, H), lambda i: (0, 0)),
            pl.BlockSpec((H, H), lambda i: (0, 0)),
            pl.BlockSpec((BR, H), lambda i: (i, 0)),
            pl.BlockSpec((H, 1), lambda i: (0, 0)),
            pl.BlockSpec((H, 1), lambda i: (0, 0)),
        ],
        out_specs=[
            pl.BlockSpec((BR, H), lambda i: (i, 0)),
            pl.BlockSpec((BR, H), lambda i: (i, 0)),
            pl.BlockSpec((BR, 1), lambda i: (i, 0)),
        ],
        out_shape=[
            jax.ShapeDtypeStruct((NPAD, H), jnp.float32),
            jax.ShapeDtypeStruct((NPAD, H), jnp.float32),
            jax.ShapeDtypeStruct((NPAD, 1), jnp.float32),
        ],
    )(s1, xw1, dis, b_c1.reshape(1, H), W_c2, h_pad, Wo1, Wo2)


def _f_body(s_ref, xw2_ref, dis_ref, bc2_ref, po_ref,
            wo3_ref, bo_ref, out_ref):
    ssum = s_ref[0] + s_ref[1]
    dis = dis_ref[...]
    h2 = jax.nn.relu(dis * ssum + xw2_ref[...] * (dis * dis) + bc2_ref[...])
    out = (po_ref[...]
           + jnp.dot(h2, wo3_ref[...], preferred_element_type=jnp.float32)
           + bo_ref[...])
    out_ref[...] = out


def _run_f(s2, xw2, dis, b_c2, pout, Wo3, b_out):
    grid = NPAD // BR
    return pl.pallas_call(
        _f_body,
        grid=(grid,),
        in_specs=[
            pl.BlockSpec((NC, BR, H), lambda i: (0, i, 0)),
            pl.BlockSpec((BR, H), lambda i: (i, 0)),
            pl.BlockSpec((BR, 1), lambda i: (i, 0)),
            pl.BlockSpec((1, H), lambda i: (0, 0)),
            pl.BlockSpec((BR, 1), lambda i: (i, 0)),
            pl.BlockSpec((H, 1), lambda i: (0, 0)),
            pl.BlockSpec((1, 1), lambda i: (0, 0)),
        ],
        out_specs=pl.BlockSpec((BR, 1), lambda i: (i, 0)),
        out_shape=jax.ShapeDtypeStruct((NPAD, 1), jnp.float32),
    )(s2, xw2, dis, b_c2.reshape(1, H), pout, Wo3, b_out.reshape(1, 1))


def kernel(x, edge_index, W_in, b_in, W_imp1, b_imp1, W_imp2, b_imp2,
           W_c1, b_c1, W_c2, b_c2, W_out, b_out):
    row = edge_index[0]
    col = edge_index[1]
    x_pad = jnp.pad(x, ((0, NPAD - N), (0, 0)))

    h_pad, imp, xw1 = _run_a(x_pad, W_in, b_in, W_imp1, b_imp1, W_imp2,
                             b_imp2, W_c1)
    imp_flat = imp.reshape(NPAD)

    ew, part = _run_b1(imp_flat, row, col)

    ssum = jnp.sum(part[:, 0])
    qsum = jnp.sum(part[:, 1])
    mean = ssum / E
    var = jnp.maximum(qsum - ssum * mean, 0.0) / (E - 1)
    thr = mean + jnp.sqrt(var)
    thr_arr = jnp.full((L,), thr, jnp.float32)

    rowc, colc, cnt, degp = _run_b2(ew, row, col, thr_arr)
    rowc3 = rowc.reshape(NW, CAP // KCH, KCH)
    colc3 = colc.reshape(NW, CAP // KCH, KCH)

    xws1, dis = _run_e0(xw1, degp)
    s1 = _run_d(xws1, rowc3, colc3, cnt)
    xw2, xws2, pout = _run_e1(s1, xw1, dis, b_c1, W_c2, h_pad,
                              W_out[0:H], W_out[H:2 * H])
    s2 = _run_d(xws2, rowc3, colc3, cnt)
    out = _run_f(s2, xw2, dis, b_c2, pout, W_out[2 * H:3 * H], b_out)
    return out[:N, 0]

# --- scband reference (transcript-rebuilt; emitter-appended) ---
"""Pipeline reference for scband-selective-multi-hop-gcn-59115929862451 (READ-ONLY COPY).

The authoritative reference and input builder live on the scoring server;
editing this copy changes nothing except your own understanding.
"""

import jax, jax.numpy as jnp
import numpy as np

N = 10000
E = 320000
D_IN = 128
H = 128


def setup_inputs(seed: int = 0):
    key = jax.random.key(seed)
    ks = jax.random.split(key, 14)

    def kw(k, shape):
        fan_in = shape[0]
        return (jax.random.normal(k, shape, dtype=jnp.float32) * np.sqrt(2.0 / fan_in)).astype(jnp.float32)

    return {
        "x": jax.random.normal(ks[0], (N, D_IN), dtype=jnp.float32),
        "edge_index": jax.random.randint(ks[1], (2, E), 0, N, dtype=jnp.int32),
        "W_in": kw(ks[2], (D_IN, H)), "b_in": jnp.zeros((H,), jnp.float32),
        "W_imp1": kw(ks[3], (H, H // 2)), "b_imp1": jnp.zeros((H // 2,), jnp.float32),
        "W_imp2": kw(ks[4], (H // 2, 1)), "b_imp2": jnp.zeros((1,), jnp.float32),
        "W_c1": kw(ks[5], (H, H)), "b_c1": jnp.zeros((H,), jnp.float32),
        "W_c2": kw(ks[6], (H, H)), "b_c2": jnp.zeros((H,), jnp.float32),
        "W_out": kw(ks[7], (H * 3, 1)), "b_out": jnp.zeros((1,), jnp.float32),
    }


def _gcn_conv(xh, row, col, w_edge, W, b):
    # PyG GCNConv: add self-loops, symmetric normalization, linear transform, bias.
    # Filtered edges are represented with edge weight w_edge in {0,1}: edges with
    # weight 0 contribute nothing to degrees or messages, which is exactly
    # equivalent to edge_index[:, mask].
    n = xh.shape[0]
    xw = xh @ W
    deg = jnp.zeros((n,), xh.dtype).at[col].add(w_edge) + 1.0  # +1 for self loop
    dis = jax.lax.rsqrt(deg)
    norm = dis[row] * dis[col] * w_edge
    agg = jnp.zeros_like(xw).at[col].add(xw[row] * norm[:, None])
    agg = agg + xw * (dis * dis)[:, None]  # self-loop message (weight 1)
    return agg + b


def reference(x, edge_index, W_in, b_in, W_imp1, b_imp1, W_imp2, b_imp2, W_c1, b_c1, W_c2, b_c2, W_out, b_out):
    # eval mode: dropout is identity
    h = jax.nn.relu(x @ W_in + b_in)
    # node importance
    imp = jax.nn.sigmoid(jax.nn.relu(h @ W_imp1 + b_imp1) @ W_imp2 + b_imp2)  # [N, 1]
    row, col = edge_index[0], edge_index[1]
    ew = (imp[row] + imp[col]) / 2.0  # [E, 1]
    thr = jnp.mean(ew) + jnp.std(ew, ddof=1)  # torch .std() is unbiased
    w_edge = (ew[:, 0] > thr).astype(x.dtype)  # edge selection mask as 0/1 weights
    h1 = jax.nn.relu(_gcn_conv(h, row, col, w_edge, W_c1, b_c1))
    h2 = jax.nn.relu(_gcn_conv(h1, row, col, w_edge, W_c2, b_c2))
    final = jnp.concatenate([h, h1, h2], axis=1)  # [N, 3*H]
    out = final @ W_out + b_out  # [N, 1]
    return out[:, 0]

if __name__ == "__main__":
    import jax
    _d = setup_inputs()
    print(jax.jit(kernel)(*tuple(_d.values())))

</pallas_src>

<mosaic_0001>
#map = affine_map<(d0, d1) -> (0, 0)>
#map1 = affine_map<(d0, d1) -> (0, 0, 0)>
module attributes {stable_mosaic.version = 14 : i64} {
  func.func @_d_body(%arg0: i32, %arg1: i32, %arg2: memref<10240x128xf32, #tpu.memory_space<hbm>>, %arg3: memref<32x80x128xi32, #tpu.memory_space<hbm>>, %arg4: memref<32x80x128xi32, #tpu.memory_space<hbm>>, %arg5: memref<32x16xi32, #tpu.memory_space<hbm>>, %arg6: memref<2x10240x128xf32, #tpu.memory_space<hbm>>, %arg7: memref<8x128xi32, #tpu.memory_space<vmem>>, %arg8: memref<8x128xi32, #tpu.memory_space<vmem>>, %arg9: memref<16xi32, #tpu.memory_space<vmem>>, %arg10: memref<2x128x128xf32, #tpu.memory_space<vmem>>, %arg11: memref<32x128xf32, #tpu.memory_space<vmem>>, %arg12: memref<10240x128xf32, #tpu.memory_space<vmem_shared>>, %arg13: memref<!tpu.dma_semaphore, #tpu.memory_space<semaphore_mem>>, %arg14: memref<!tpu.dma_semaphore, #tpu.memory_space<semaphore_mem>>) attributes {dimension_semantics = [#tpu.dimension_semantics<core_parallel>, #tpu.dimension_semantics<subcore_parallel>], iteration_bounds = array<i64: 2, 16>, scalar_prefetch = 0 : i64, scratch_operands = 8 : i64, tpu.core_type = #tpu.core_type<sc_vector_subcore>, window_params = [{transform_indices = #map}, {transform_indices = #map1}, {transform_indices = #map1}, {transform_indices = #map}, {transform_indices = #map1}]} {
    %mul3A = arith.constant 2 : i32
    %mul3A_0 = arith.muli %arg1, %mul3A : i32
    %add3A = arith.addi %mul3A_0, %arg0 : i32
    %scan3A = arith.constant 0 : i32
    %scan3A_1 = arith.constant 0 : i32
    %scan3A_2 = arith.constant 32 : i32
    %scan3A_3 = arith.addi %scan3A_1, %scan3A_2 : i32
    %scan3A_4 = arith.constant 1 : i32
    %scan3A_5 = scf.for %scan3A_542 = %scan3A_1 to %scan3A_3 step %scan3A_4 iter_args(%scan3A_543 = %scan3A) -> (i32)  : i32 {
      %broadcast_in_dim3A = arith.constant 0.000000e+00 : f32
      %broadcast_in_dim3A_544 = vector.broadcast %broadcast_in_dim3A : f32 to vector<16xf32>
      %swap3A = arith.index_cast %scan3A_542 : i32 to index
      %swap3A_545 = arith.constant 0 : index
      %swap3A_546 = tpu.vector_load %arg11[%swap3A, %swap3A_545] {strides = array<i32>} : memref<32x128xf32, #tpu.memory_space<vmem>>, vector<16xf32>,
      tpu.vector_store %arg11[%swap3A, %swap3A_545], %broadcast_in_dim3A_544 {strides = array<i32>} : memref<32x128xf32, #tpu.memory_space<vmem>>, vector<16xf32>,
      %broadcast_in_dim3A_547 = arith.constant 0.000000e+00 : f32
      %broadcast_in_dim3A_548 = vector.broadcast %broadcast_in_dim3A_547 : f32 to vector<16xf32>
      %swap3A_549 = arith.index_cast %scan3A_542 : i32 to index
      %swap3A_550 = arith.constant 16 : index
      %swap3A_551 = tpu.vector_load %arg11[%swap3A_549, %swap3A_550] {strides = array<i32>} : memref<32x128xf32, #tpu.memory_space<vmem>>, vector<16xf32>,
      tpu.vector_store %arg11[%swap3A_549, %swap3A_550], %broadcast_in_dim3A_548 {strides = array<i32>} : memref<32x128xf32, #tpu.memory_space<vmem>>, vector<16xf32>,
      %broadcast_in_dim3A_552 = arith.constant 0.000000e+00 : f32
      %broadcast_in_dim3A_553 = vector.broadcast %broadcast_in_dim3A_552 : f32 to vector<16xf32>
      %swap3A_554 = arith.index_cast %scan3A_542 : i32 to index
      %swap3A_555 = arith.constant 32 : index
      %swap3A_556 = tpu.vector_load %arg11[%swap3A_554, %swap3A_555] {strides = array<i32>} : memref<32x128xf32, #tpu.memory_space<vmem>>, vector<16xf32>,
      tpu.vector_store %arg11[%swap3A_554, %swap3A_555], %broadcast_in_dim3A_553 {strides = array<i32>} : memref<32x128xf32, #tpu.memory_space<vmem>>, vector<16xf32>,
      %broadcast_in_dim3A_557 = arith.constant 0.000000e+00 : f32
      %broadcast_in_dim3A_558 = vector.broadcast %broadcast_in_dim3A_557 : f32 to vector<16xf32>
      %swap3A_559 = arith.index_cast %scan3A_542 : i32 to index
      %swap3A_560 = arith.constant 48 : index
      %swap3A_561 = tpu.vector_load %arg11[%swap3A_559, %swap3A_560] {strides = array<i32>} : memref<32x128xf32, #tpu.memory_space<vmem>>, vector<16xf32>,
      tpu.vector_store %arg11[%swap3A_559, %swap3A_560], %broadcast_in_dim3A_558 {strides = array<i32>} : memref<32x128xf32, #tpu.memory_space<vmem>>, vector<16xf32>,
      %broadcast_in_dim3A_562 = arith.constant 0.000000e+00 : f32
      %broadcast_in_dim3A_563 = vector.broadcast %broadcast_in_dim3A_562 : f32 to vector<16xf32>
      %swap3A_564 = arith.index_cast %scan3A_542 : i32 to index
      %swap3A_565 = arith.constant 64 : index
      %swap3A_566 = tpu.vector_load %arg11[%swap3A_564, %swap3A_565] {strides = array<i32>} : memref<32x128xf32, #tpu.memory_space<vmem>>, vector<16xf32>,
      tpu.vector_store %arg11[%swap3A_564, %swap3A_565], %broadcast_in_dim3A_563 {strides = array<i32>} : memref<32x128xf32, #tpu.memory_space<vmem>>, vector<16xf32>,
      %broadcast_in_dim3A_567 = arith.constant 0.000000e+00 : f32
      %broadcast_in_dim3A_568 = vector.broadcast %broadcast_in_dim3A_567 : f32 to vector<16xf32>
      %swap3A_569 = arith.index_cast %scan3A_542 : i32 to index
      %swap3A_570 = arith.constant 80 : index
      %swap3A_571 = tpu.vector_load %arg11[%swap3A_569, %swap3A_570] {strides = array<i32>} : memref<32x128xf32, #tpu.memory_space<vmem>>, vector<16xf32>,
      tpu.vector_store %arg11[%swap3A_569, %swap3A_570], %broadcast_in_dim3A_568 {strides = array<i32>} : memref<32x128xf32, #tpu.memory_space<vmem>>, vector<16xf32>,
      %broadcast_in_dim3A_572 = arith.constant 0.000000e+00 : f32
      %broadcast_in_dim3A_573 = vector.broadcast %broadcast_in_dim3A_572 : f32 to vector<16xf32>
      %swap3A_574 = arith.index_cast %scan3A_542 : i32 to index
      %swap3A_575 = arith.constant 96 : index
      %swap3A_576 = tpu.vector_load %arg11[%swap3A_574, %swap3A_575] {strides = array<i32>} : memref<32x128xf32, #tpu.memory_space<vmem>>, vector<16xf32>,
      tpu.vector_store %arg11[%swap3A_574, %swap3A_575], %broadcast_in_dim3A_573 {strides = array<i32>} : memref<32x128xf32, #tpu.memory_space<vmem>>, vector<16xf32>,
      %broadcast_in_dim3A_577 = arith.constant 0.000000e+00 : f32
      %broadcast_in_dim3A_578 = vector.broadcast %broadcast_in_dim3A_577 : f32 to vector<16xf32>
      %swap3A_579 = arith.index_cast %scan3A_542 : i32 to index
      %swap3A_580 = arith.constant 112 : index
      %swap3A_581 = tpu.vector_load %arg11[%swap3A_579, %swap3A_580] {strides = array<i32>} : memref<32x128xf32, #tpu.memory_space<vmem>>, vector<16xf32>,
      tpu.vector_store %arg11[%swap3A_579, %swap3A_580], %broadcast_in_dim3A_578 {strides = array<i32>} : memref<32x128xf32, #tpu.memory_space<vmem>>, vector<16xf32>,
      %scan3A_582 = arith.constant 0 : i32
      scf.yield %scan3A_582 : i32
    }
    %scan3A_6 = arith.constant 32 : i32
    %mul3A_7 = arith.constant 640 : i32
    %mul3A_8 = arith.muli %arg1, %mul3A_7 : i32
    %add3A_9 = arith.constant 0 : i32
    %add3A_10 = arith.addi %mul3A_8, %add3A_9 : i32
    %dma_start3A = arith.constant 0 : i32
    %dma_start3A_11 = tpu.memref_slice %arg12[%add3A_10, %dma_start3A] : memref<10240x128xf32, #tpu.memory_space<vmem_shared>> -> memref<32x128xf32, #tpu.memory_space<vmem_shared>>
    %dma_start3A_12 = arith.constant 0 : i32
    %dma_start3A_13 = tpu.memref_slice %arg12[%add3A_10, %dma_start3A_12] : memref<10240x128xf32, #tpu.memory_space<vmem_shared>> -> memref<32x128xf32, #tpu.memory_space<vmem_shared>>
    tpu.enqueue_dma source(%arg11 : memref<32x128xf32, #tpu.memory_space<vmem>>) target(%dma_start3A_13 : memref<32x128xf32, #tpu.memory_space<vmem_shared>>) target_semaphore(%arg14 : memref<!tpu.dma_semaphore, #tpu.memory_space<semaphore_mem>>)
    %mul3A_14 = arith.constant 640 : i32
    %mul3A_15 = arith.muli %arg1, %mul3A_14 : i32
    %add3A_16 = arith.constant 32 : i32
    %add3A_17 = arith.addi %mul3A_15, %add3A_16 : i32
    %dma_start3A_18 = arith.constant 0 : i32
    %dma_start3A_19 = tpu.memref_slice %arg12[%add3A_17, %dma_start3A_18] : memref<10240x128xf32, #tpu.memory_space<vmem_shared>> -> memref<32x128xf32, #tpu.memory_space<vmem_shared>>
    %dma_start3A_20 = arith.constant 0 : i32
    %dma_start3A_21 = tpu.memref_slice %arg12[%add3A_17, %dma_start3A_20] : memref<10240x128xf32, #tpu.memory_space<vmem_shared>> -> memref<32x128xf32, #tpu.memory_space<vmem_shared>>
    tpu.enqueue_dma source(%arg11 : memref<32x128xf32, #tpu.memory_space<vmem>>) target(%dma_start3A_21 : memref<32x128xf32, #tpu.memory_space<vmem_shared>>) target_semaphore(%arg14 : memref<!tpu.dma_semaphore, #tpu.memory_space<semaphore_mem>>)
    %mul3A_22 = arith.constant 640 : i32
    %mul3A_23 = arith.muli %arg1, %mul3A_22 : i32
    %add3A_24 = arith.constant 64 : i32
    %add3A_25 = arith.addi %mul3A_23, %add3A_24 : i32
    %dma_start3A_26 = arith.constant 0 : i32
    %dma_start3A_27 = tpu.memref_slice %arg12[%add3A_25, %dma_start3A_26] : memref<10240x128xf32, #tpu.memory_space<vmem_shared>> -> memref<32x128xf32, #tpu.memory_space<vmem_shared>>
    %dma_start3A_28 = arith.constant 0 : i32
    %dma_start3A_29 = tpu.memref_slice %arg12[%add3A_25, %dma_start3A_28] : memref<10240x128xf32, #tpu.memory_space<vmem_shared>> -> memref<32x128xf32, #tpu.memory_space<vmem_shared>>
    tpu.enqueue_dma source(%arg11 : memref<32x128xf32, #tpu.memory_space<vmem>>) target(%dma_start3A_29 : memref<32x128xf32, #tpu.memory_space<vmem_shared>>) target_semaphore(%arg14 : memref<!tpu.dma_semaphore, #tpu.memory_space<semaphore_mem>>)
    %mul3A_30 = arith.constant 640 : i32
    %mul3A_31 = arith.muli %arg1, %mul3A_30 : i32
    %add3A_32 = arith.constant 96 : i32
    %add3A_33 = arith.addi %mul3A_31, %add3A_32 : i32
    %dma_start3A_34 = arith.constant 0 : i32
    %dma_start3A_35 = tpu.memref_slice %arg12[%add3A_33, %dma_start3A_34] : memref<10240x128xf32, #tpu.memory_space<vmem_shared>> -> memref<32x128xf32, #tpu.memory_space<vmem_shared>>
    %dma_start3A_36 = arith.constant 0 : i32
    %dma_start3A_37 = tpu.memref_slice %arg12[%add3A_33, %dma_start3A_36] : memref<10240x128xf32, #tpu.memory_space<vmem_shared>> -> memref<32x128xf32, #tpu.memory_space<vmem_shared>>
    tpu.enqueue_dma source(%arg11 : memref<32x128xf32, #tpu.memory_space<vmem>>) target(%dma_start3A_37 : memref<32x128xf32, #tpu.memory_space<vmem_shared>>) target_semaphore(%arg14 : memref<!tpu.dma_semaphore, #tpu.memory_space<semaphore_mem>>)
    %mul3A_38 = arith.constant 640 : i32
    %mul3A_39 = arith.muli %arg1, %mul3A_38 : i32
    %add3A_40 = arith.constant 128 : i32
    %add3A_41 = arith.addi %mul3A_39, %add3A_40 : i32
    %dma_start3A_42 = arith.constant 0 : i32
    %dma_start3A_43 = tpu.memref_slice %arg12[%add3A_41, %dma_start3A_42] : memref<10240x128xf32, #tpu.memory_space<vmem_shared>> -> memref<32x128xf32, #tpu.memory_space<vmem_shared>>
    %dma_start3A_44 = arith.constant 0 : i32
    %dma_start3A_45 = tpu.memref_slice %arg12[%add3A_41, %dma_start3A_44] : memref<10240x128xf32, #tpu.memory_space<vmem_shared>> -> memref<32x128xf32, #tpu.memory_space<vmem_shared>>
    tpu.enqueue_dma source(%arg11 : memref<32x128xf32, #tpu.memory_space<vmem>>) target(%dma_start3A_45 : memref<32x128xf32, #tpu.memory_space<vmem_shared>>) target_semaphore(%arg14 : memref<!tpu.dma_semaphore, #tpu.memory_space<semaphore_mem>>)
    %mul3A_46 = arith.constant 640 : i32
    %mul3A_47 = arith.muli %arg1, %mul3A_46 : i32
    %add3A_48 = arith.constant 160 : i32
    %add3A_49 = arith.addi %mul3A_47, %add3A_48 : i32
    %dma_start3A_50 = arith.constant 0 : i32
    %dma_start3A_51 = tpu.memref_slice %arg12[%add3A_49, %dma_start3A_50] : memref<10240x128xf32, #tpu.memory_space<vmem_shared>> -> memref<32x128xf32, #tpu.memory_space<vmem_shared>>
    %dma_start3A_52 = arith.constant 0 : i32
    %dma_start3A_53 = tpu.memref_slice %arg12[%add3A_49, %dma_start3A_52] : memref<10240x128xf32, #tpu.memory_space<vmem_shared>> -> memref<32x128xf32, #tpu.memory_space<vmem_shared>>
    tpu.enqueue_dma source(%arg11 : memref<32x128xf32, #tpu.memory_space<vmem>>) target(%dma_start3A_53 : memref<32x128xf32, #tpu.memory_space<vmem_shared>>) target_semaphore(%arg14 : memref<!tpu.dma_semaphore, #tpu.memory_space<semaphore_mem>>)
    %mul3A_54 = arith.constant 640 : i32
    %mul3A_55 = arith.muli %arg1, %mul3A_54 : i32
    %add3A_56 = arith.constant 192 : i32
    %add3A_57 = arith.addi %mul3A_55, %add3A_56 : i32
    %dma_start3A_58 = arith.constant 0 : i32
    %dma_start3A_59 = tpu.memref_slice %arg12[%add3A_57, %dma_start3A_58] : memref<10240x128xf32, #tpu.memory_space<vmem_shared>> -> memref<32x128xf32, #tpu.memory_space<vmem_shared>>
    %dma_start3A_60 = arith.constant 0 : i32
    %dma_start3A_61 = tpu.memref_slice %arg12[%add3A_57, %dma_start3A_60] : memref<10240x128xf32, #tpu.memory_space<vmem_shared>> -> memref<32x128xf32, #tpu.memory_space<vmem_shared>>
    tpu.enqueue_dma source(%arg11 : memref<32x128xf32, #tpu.memory_space<vmem>>) target(%dma_start3A_61 : memref<32x128xf32, #tpu.memory_space<vmem_shared>>) target_semaphore(%arg14 : memref<!tpu.dma_semaphore, #tpu.memory_space<semaphore_mem>>)
    %mul3A_62 = arith.constant 640 : i32
    %mul3A_63 = arith.muli %arg1, %mul3A_62 : i32
    %add3A_64 = arith.constant 224 : i32
    %add3A_65 = arith.addi %mul3A_63, %add3A_64 : i32
    %dma_start3A_66 = arith.constant 0 : i32
    %dma_start3A_67 = tpu.memref_slice %arg12[%add3A_65, %dma_start3A_66] : memref<10240x128xf32, #tpu.memory_space<vmem_shared>> -> memref<32x128xf32, #tpu.memory_space<vmem_shared>>
    %dma_start3A_68 = arith.constant 0 : i32
    %dma_start3A_69 = tpu.memref_slice %arg12[%add3A_65, %dma_start3A_68] : memref<10240x128xf32, #tpu.memory_space<vmem_shared>> -> memref<32x128xf32, #tpu.memory_space<vmem_shared>>
    tpu.enqueue_dma source(%arg11 : memref<32x128xf32, #tpu.memory_space<vmem>>) target(%dma_start3A_69 : memref<32x128xf32, #tpu.memory_space<vmem_shared>>) target_semaphore(%arg14 : memref<!tpu.dma_semaphore, #tpu.memory_space<semaphore_mem>>)
    %mul3A_70 = arith.constant 640 : i32
    %mul3A_71 = arith.muli %arg1, %mul3A_70 : i32
    %add3A_72 = arith.constant 256 : i32
    %add3A_73 = arith.addi %mul3A_71, %add3A_72 : i32
    %dma_start3A_74 = arith.constant 0 : i32
    %dma_start3A_75 = tpu.memref_slice %arg12[%add3A_73, %dma_start3A_74] : memref<10240x128xf32, #tpu.memory_space<vmem_shared>> -> memref<32x128xf32, #tpu.memory_space<vmem_shared>>
    %dma_start3A_76 = arith.constant 0 : i32
    %dma_start3A_77 = tpu.memref_slice %arg12[%add3A_73, %dma_start3A_76] : memref<10240x128xf32, #tpu.memory_space<vmem_shared>> -> memref<32x128xf32, #tpu.memory_space<vmem_shared>>
    tpu.enqueue_dma source(%arg11 : memref<32x128xf32, #tpu.memory_space<vmem>>) target(%dma_start3A_77 : memref<32x128xf32, #tpu.memory_space<vmem_shared>>) target_semaphore(%arg14 : memref<!tpu.dma_semaphore, #tpu.memory_space<semaphore_mem>>)
    %mul3A_78 = arith.constant 640 : i32
    %mul3A_79 = arith.muli %arg1, %mul3A_78 : i32
    %add3A_80 = arith.constant 288 : i32
    %add3A_81 = arith.addi %mul3A_79, %add3A_80 : i32
    %dma_start3A_82 = arith.constant 0 : i32
    %dma_start3A_83 = tpu.memref_slice %arg12[%add3A_81, %dma_start3A_82] : memref<10240x128xf32, #tpu.memory_space<vmem_shared>> -> memref<32x128xf32, #tpu.memory_space<vmem_shared>>
    %dma_start3A_84 = arith.constant 0 : i32
    %dma_start3A_85 = tpu.memref_slice %arg12[%add3A_81, %dma_start3A_84] : memref<10240x128xf32, #tpu.memory_space<vmem_shared>> -> memref<32x128xf32, #tpu.memory_space<vmem_shared>>
    tpu.enqueue_dma source(%arg11 : memref<32x128xf32, #tpu.memory_space<vmem>>) target(%dma_start3A_85 : memref<32x128xf32, #tpu.memory_space<vmem_shared>>) target_semaphore(%arg14 : memref<!tpu.dma_semaphore, #tpu.memory_space<semaphore_mem>>)
    %mul3A_86 = arith.constant 640 : i32
    %mul3A_87 = arith.muli %arg1, %mul3A_86 : i32
    %add3A_88 = arith.constant 320 : i32
    %add3A_89 = arith.addi %mul3A_87, %add3A_88 : i32
    %dma_start3A_90 = arith.constant 0 : i32
    %dma_start3A_91 = tpu.memref_slice %arg12[%add3A_89, %dma_start3A_90] : memref<10240x128xf32, #tpu.memory_space<vmem_shared>> -> memref<32x128xf32, #tpu.memory_space<vmem_shared>>
    %dma_start3A_92 = arith.constant 0 : i32
    %dma_start3A_93 = tpu.memref_slice %arg12[%add3A_89, %dma_start3A_92] : memref<10240x128xf32, #tpu.memory_space<vmem_shared>> -> memref<32x128xf32, #tpu.memory_space<vmem_shared>>
    tpu.enqueue_dma source(%arg11 : memref<32x128xf32, #tpu.memory_space<vmem>>) target(%dma_start3A_93 : memref<32x128xf32, #tpu.memory_space<vmem_shared>>) target_semaphore(%arg14 : memref<!tpu.dma_semaphore, #tpu.memory_space<semaphore_mem>>)
    %mul3A_94 = arith.constant 640 : i32
    %mul3A_95 = arith.muli %arg1, %mul3A_94 : i32
    %add3A_96 = arith.constant 352 : i32
    %add3A_97 = arith.addi %mul3A_95, %add3A_96 : i32
    %dma_start3A_98 = arith.constant 0 : i32
    %dma_start3A_99 = tpu.memref_slice %arg12[%add3A_97, %dma_start3A_98] : memref<10240x128xf32, #tpu.memory_space<vmem_shared>> -> memref<32x128xf32, #tpu.memory_space<vmem_shared>>
    %dma_start3A_100 = arith.constant 0 : i32
    %dma_start3A_101 = tpu.memref_slice %arg12[%add3A_97, %dma_start3A_100] : memref<10240x128xf32, #tpu.memory_space<vmem_shared>> -> memref<32x128xf32, #tpu.memory_space<vmem_shared>>
    tpu.enqueue_dma source(%arg11 : memref<32x128xf32, #tpu.memory_space<vmem>>) target(%dma_start3A_101 : memref<32x128xf32, #tpu.memory_space<vmem_shared>>) target_semaphore(%arg14 : memref<!tpu.dma_semaphore, #tpu.memory_space<semaphore_mem>>)
    %mul3A_102 = arith.constant 640 : i32
    %mul3A_103 = arith.muli %arg1, %mul3A_102 : i32
    %add3A_104 = arith.constant 384 : i32
    %add3A_105 = arith.addi %mul3A_103, %add3A_104 : i32
    %dma_start3A_106 = arith.constant 0 : i32
    %dma_start3A_107 = tpu.memref_slice %arg12[%add3A_105, %dma_start3A_106] : memref<10240x128xf32, #tpu.memory_space<vmem_shared>> -> memref<32x128xf32, #tpu.memory_space<vmem_shared>>
    %dma_start3A_108 = arith.constant 0 : i32
    %dma_start3A_109 = tpu.memref_slice %arg12[%add3A_105, %dma_start3A_108] : memref<10240x128xf32, #tpu.memory_space<vmem_shared>> -> memref<32x128xf32, #tpu.memory_space<vmem_shared>>
    tpu.enqueue_dma source(%arg11 : memref<32x128xf32, #tpu.memory_space<vmem>>) target(%dma_start3A_109 : memref<32x128xf32, #tpu.memory_space<vmem_shared>>) target_semaphore(%arg14 : memref<!tpu.dma_semaphore, #tpu.memory_space<semaphore_mem>>)
    %mul3A_110 = arith.constant 640 : i32
    %mul3A_111 = arith.muli %arg1, %mul3A_110 : i32
    %add3A_112 = arith.constant 416 : i32
    %add3A_113 = arith.addi %mul3A_111, %add3A_112 : i32
    %dma_start3A_114 = arith.constant 0 : i32
    %dma_start3A_115 = tpu.memref_slice %arg12[%add3A_113, %dma_start3A_114] : memref<10240x128xf32, #tpu.memory_space<vmem_shared>> -> memref<32x128xf32, #tpu.memory_space<vmem_shared>>
    %dma_start3A_116 = arith.constant 0 : i32
    %dma_start3A_117 = tpu.memref_slice %arg12[%add3A_113, %dma_start3A_116] : memref<10240x128xf32, #tpu.memory_space<vmem_shared>> -> memref<32x128xf32, #tpu.memory_space<vmem_shared>>
    tpu.enqueue_dma source(%arg11 : memref<32x128xf32, #tpu.memory_space<vmem>>) target(%dma_start3A_117 : memref<32x128xf32, #tpu.memory_space<vmem_shared>>) target_semaphore(%arg14 : memref<!tpu.dma_semaphore, #tpu.memory_space<semaphore_mem>>)
    %mul3A_118 = arith.constant 640 : i32
    %mul3A_119 = arith.muli %arg1, %mul3A_118 : i32
    %add3A_120 = arith.constant 448 : i32
    %add3A_121 = arith.addi %mul3A_119, %add3A_120 : i32
    %dma_start3A_122 = arith.constant 0 : i32
    %dma_start3A_123 = tpu.memref_slice %arg12[%add3A_121, %dma_start3A_122] : memref<10240x128xf32, #tpu.memory_space<vmem_shared>> -> memref<32x128xf32, #tpu.memory_space<vmem_shared>>
    %dma_start3A_124 = arith.constant 0 : i32
    %dma_start3A_125 = tpu.memref_slice %arg12[%add3A_121, %dma_start3A_124] : memref<10240x128xf32, #tpu.memory_space<vmem_shared>> -> memref<32x128xf32, #tpu.memory_space<vmem_shared>>
    tpu.enqueue_dma source(%arg11 : memref<32x128xf32, #tpu.memory_space<vmem>>) target(%dma_start3A_125 : memref<32x128xf32, #tpu.memory_space<vmem_shared>>) target_semaphore(%arg14 : memref<!tpu.dma_semaphore, #tpu.memory_space<semaphore_mem>>)
    %mul3A_126 = arith.constant 640 : i32
    %mul3A_127 = arith.muli %arg1, %mul3A_126 : i32
    %add3A_128 = arith.constant 480 : i32
    %add3A_129 = arith.addi %mul3A_127, %add3A_128 : i32
    %dma_start3A_130 = arith.constant 0 : i32
    %dma_start3A_131 = tpu.memref_slice %arg12[%add3A_129, %dma_start3A_130] : memref<10240x128xf32, #tpu.memory_space<vmem_shared>> -> memref<32x128xf32, #tpu.memory_space<vmem_shared>>
    %dma_start3A_132 = arith.constant 0 : i32
    %dma_start3A_133 = tpu.memref_slice %arg12[%add3A_129, %dma_start3A_132] : memref<10240x128xf32, #tpu.memory_space<vmem_shared>> -> memref<32x128xf32, #tpu.memory_space<vmem_shared>>
    tpu.enqueue_dma source(%arg11 : memref<32x128xf32, #tpu.memory_space<vmem>>) target(%dma_start3A_133 : memref<32x128xf32, #tpu.memory_space<vmem_shared>>) target_semaphore(%arg14 : memref<!tpu.dma_semaphore, #tpu.memory_space<semaphore_mem>>)
    %mul3A_134 = arith.constant 640 : i32
    %mul3A_135 = arith.muli %arg1, %mul3A_134 : i32
    %add3A_136 = arith.constant 512 : i32
    %add3A_137 = arith.addi %mul3A_135, %add3A_136 : i32
    %dma_start3A_138 = arith.constant 0 : i32
    %dma_start3A_139 = tpu.memref_slice %arg12[%add3A_137, %dma_start3A_138] : memref<10240x128xf32, #tpu.memory_space<vmem_shared>> -> memref<32x128xf32, #tpu.memory_space<vmem_shared>>
    %dma_start3A_140 = arith.constant 0 : i32
    %dma_start3A_141 = tpu.memref_slice %arg12[%add3A_137, %dma_start3A_140] : memref<10240x128xf32, #tpu.memory_space<vmem_shared>> -> memref<32x128xf32, #tpu.memory_space<vmem_shared>>
    tpu.enqueue_dma source(%arg11 : memref<32x128xf32, #tpu.memory_space<vmem>>) target(%dma_start3A_141 : memref<32x128xf32, #tpu.memory_space<vmem_shared>>) target_semaphore(%arg14 : memref<!tpu.dma_semaphore, #tpu.memory_space<semaphore_mem>>)
    %mul3A_142 = arith.constant 640 : i32
    %mul3A_143 = arith.muli %arg1, %mul3A_142 : i32
    %add3A_144 = arith.constant 544 : i32
    %add3A_145 = arith.addi %mul3A_143, %add3A_144 : i32
    %dma_start3A_146 = arith.constant 0 : i32
    %dma_start3A_147 = tpu.memref_slice %arg12[%add3A_145, %dma_start3A_146] : memref<10240x128xf32, #tpu.memory_space<vmem_shared>> -> memref<32x128xf32, #tpu.memory_space<vmem_shared>>
    %dma_start3A_148 = arith.constant 0 : i32
    %dma_start3A_149 = tpu.memref_slice %arg12[%add3A_145, %dma_start3A_148] : memref<10240x128xf32, #tpu.memory_space<vmem_shared>> -> memref<32x128xf32, #tpu.memory_space<vmem_shared>>
    tpu.enqueue_dma source(%arg11 : memref<32x128xf32, #tpu.memory_space<vmem>>) target(%dma_start3A_149 : memref<32x128xf32, #tpu.memory_space<vmem_shared>>) target_semaphore(%arg14 : memref<!tpu.dma_semaphore, #tpu.memory_space<semaphore_mem>>)
    %mul3A_150 = arith.constant 640 : i32
    %mul3A_151 = arith.muli %arg1, %mul3A_150 : i32
    %add3A_152 = arith.constant 576 : i32
    %add3A_153 = arith.addi %mul3A_151, %add3A_152 : i32
    %dma_start3A_154 = arith.constant 0 : i32
    %dma_start3A_155 = tpu.memref_slice %arg12[%add3A_153, %dma_start3A_154] : memref<10240x128xf32, #tpu.memory_space<vmem_shared>> -> memref<32x128xf32, #tpu.memory_space<vmem_shared>>
    %dma_start3A_156 = arith.constant 0 : i32
    %dma_start3A_157 = tpu.memref_slice %arg12[%add3A_153, %dma_start3A_156] : memref<10240x128xf32, #tpu.memory_space<vmem_shared>> -> memref<32x128xf32, #tpu.memory_space<vmem_shared>>
    tpu.enqueue_dma source(%arg11 : memref<32x128xf32, #tpu.memory_space<vmem>>) target(%dma_start3A_157 : memref<32x128xf32, #tpu.memory_space<vmem_shared>>) target_semaphore(%arg14 : memref<!tpu.dma_semaphore, #tpu.memory_space<semaphore_mem>>)
    %mul3A_158 = arith.constant 640 : i32
    %mul3A_159 = arith.muli %arg1, %mul3A_158 : i32
    %add3A_160 = arith.constant 608 : i32
    %add3A_161 = arith.addi %mul3A_159, %add3A_160 : i32
    %dma_start3A_162 = arith.constant 0 : i32
    %dma_start3A_163 = tpu.memref_slice %arg12[%add3A_161, %dma_start3A_162] : memref<10240x128xf32, #tpu.memory_space<vmem_shared>> -> memref<32x128xf32, #tpu.memory_space<vmem_shared>>
    %dma_start3A_164 = arith.constant 0 : i32
    %dma_start3A_165 = tpu.memref_slice %arg12[%add3A_161, %dma_start3A_164] : memref<10240x128xf32, #tpu.memory_space<vmem_shared>> -> memref<32x128xf32, #tpu.memory_space<vmem_shared>>
    tpu.enqueue_dma source(%arg11 : memref<32x128xf32, #tpu.memory_space<vmem>>) target(%dma_start3A_165 : memref<32x128xf32, #tpu.memory_space<vmem_shared>>) target_semaphore(%arg14 : memref<!tpu.dma_semaphore, #tpu.memory_space<semaphore_mem>>)
    %dma_wait3A = arith.constant 0 : i32
    %dma_wait3A_166 = tpu.memref_slice %arg12[%add3A_10, %dma_wait3A] : memref<10240x128xf32, #tpu.memory_space<vmem_shared>> -> memref<32x128xf32, #tpu.memory_space<vmem_shared>>
    %dma_wait3A_167 = arith.constant 0 : i32
    %dma_wait3A_168 = tpu.memref_slice %arg12[%add3A_10, %dma_wait3A_167] : memref<10240x128xf32, #tpu.memory_space<vmem_shared>> -> memref<32x128xf32, #tpu.memory_space<vmem_shared>>
    tpu.wait_dma2 semaphore(%arg14 : memref<!tpu.dma_semaphore, #tpu.memory_space<semaphore_mem>>) src(%arg11 : memref<32x128xf32, #tpu.memory_space<vmem>>) dst(%dma_wait3A_168 : memref<32x128xf32, #tpu.memory_space<vmem_shared>>)
    %dma_wait3A_169 = arith.constant 0 : i32
    %dma_wait3A_170 = tpu.memref_slice %arg12[%add3A_17, %dma_wait3A_169] : memref<10240x128xf32, #tpu.memory_space<vmem_shared>> -> memref<32x128xf32, #tpu.memory_space<vmem_shared>>
    %dma_wait3A_171 = arith.constant 0 : i32
    %dma_wait3A_172 = tpu.memref_slice %arg12[%add3A_17, %dma_wait3A_171] : memref<10240x128xf32, #tpu.memory_space<vmem_shared>> -> memref<32x128xf32, #tpu.memory_space<vmem_shared>>
    tpu.wait_dma2 semaphore(%arg14 : memref<!tpu.dma_semaphore, #tpu.memory_space<semaphore_mem>>) src(%arg11 : memref<32x128xf32, #tpu.memory_space<vmem>>) dst(%dma_wait3A_172 : memref<32x128xf32, #tpu.memory_space<vmem_shared>>)
    %dma_wait3A_173 = arith.constant 0 : i32
    %dma_wait3A_174 = tpu.memref_slice %arg12[%add3A_25, %dma_wait3A_173] : memref<10240x128xf32, #tpu.memory_space<vmem_shared>> -> memref<32x128xf32, #tpu.memory_space<vmem_shared>>
    %dma_wait3A_175 = arith.constant 0 : i32
    %dma_wait3A_176 = tpu.memref_slice %arg12[%add3A_25, %dma_wait3A_175] : memref<10240x128xf32, #tpu.memory_space<vmem_shared>> -> memref<32x128xf32, #tpu.memory_space<vmem_shared>>
    tpu.wait_dma2 semaphore(%arg14 : memref<!tpu.dma_semaphore, #tpu.memory_space<semaphore_mem>>) src(%arg11 : memref<32x128xf32, #tpu.memory_space<vmem>>) dst(%dma_wait3A_176 : memref<32x128xf32, #tpu.memory_space<vmem_shared>>)
    %dma_wait3A_177 = arith.constant 0 : i32
    %dma_wait3A_178 = tpu.memref_slice %arg12[%add3A_33, %dma_wait3A_177] : memref<10240x128xf32, #tpu.memory_space<vmem_shared>> -> memref<32x128xf32, #tpu.memory_space<vmem_shared>>
    %dma_wait3A_179 = arith.constant 0 : i32
    %dma_wait3A_180 = tpu.memref_slice %arg12[%add3A_33, %dma_wait3A_179] : memref<10240x128xf32, #tpu.memory_space<vmem_shared>> -> memref<32x128xf32, #tpu.memory_space<vmem_shared>>
    tpu.wait_dma2 semaphore(%arg14 : memref<!tpu.dma_semaphore, #tpu.memory_space<semaphore_mem>>) src(%arg11 : memref<32x128xf32, #tpu.memory_space<vmem>>) dst(%dma_wait3A_180 : memref<32x128xf32, #tpu.memory_space<vmem_shared>>)
    %dma_wait3A_181 = arith.constant 0 : i32
    %dma_wait3A_182 = tpu.memref_slice %arg12[%add3A_41, %dma_wait3A_181] : memref<10240x128xf32, #tpu.memory_space<vmem_shared>> -> memref<32x128xf32, #tpu.memory_space<vmem_shared>>
    %dma_wait3A_183 = arith.constant 0 : i32
    %dma_wait3A_184 = tpu.memref_slice %arg12[%add3A_41, %dma_wait3A_183] : memref<10240x128xf32, #tpu.memory_space<vmem_shared>> -> memref<32x128xf32, #tpu.memory_space<vmem_shared>>
    tpu.wait_dma2 semaphore(%arg14 : memref<!tpu.dma_semaphore, #tpu.memory_space<semaphore_mem>>) src(%arg11 : memref<32x128xf32, #tpu.memory_space<vmem>>) dst(%dma_wait3A_184 : memref<32x128xf32, #tpu.memory_space<vmem_shared>>)
    %dma_wait3A_185 = arith.constant 0 : i32
    %dma_wait3A_186 = tpu.memref_slice %arg12[%add3A_49, %dma_wait3A_185] : memref<10240x128xf32, #tpu.memory_space<vmem_shared>> -> memref<32x128xf32, #tpu.memory_space<vmem_shared>>
    %dma_wait3A_187 = arith.constant 0 : i32
    %dma_wait3A_188 = tpu.memref_slice %arg12[%add3A_49, %dma_wait3A_187] : memref<10240x128xf32, #tpu.memory_space<vmem_shared>> -> memref<32x128xf32, #tpu.memory_space<vmem_shared>>
    tpu.wait_dma2 semaphore(%arg14 : memref<!tpu.dma_semaphore, #tpu.memory_space<semaphore_mem>>) src(%arg11 : memref<32x128xf32, #tpu.memory_space<vmem>>) dst(%dma_wait3A_188 : memref<32x128xf32, #tpu.memory_space<vmem_shared>>)
    %dma_wait3A_189 = arith.constant 0 : i32
    %dma_wait3A_190 = tpu.memref_slice %arg12[%add3A_57, %dma_wait3A_189] : memref<10240x128xf32, #tpu.memory_space<vmem_shared>> -> memref<32x128xf32, #tpu.memory_space<vmem_shared>>
    %dma_wait3A_191 = arith.constant 0 : i32
    %dma_wait3A_192 = tpu.memref_slice %arg12[%add3A_57, %dma_wait3A_191] : memref<10240x128xf32, #tpu.memory_space<vmem_shared>> -> memref<32x128xf32, #tpu.memory_space<vmem_shared>>
    tpu.wait_dma2 semaphore(%arg14 : memref<!tpu.dma_semaphore, #tpu.memory_space<semaphore_mem>>) src(%arg11 : memref<32x128xf32, #tpu.memory_space<vmem>>) dst(%dma_wait3A_192 : memref<32x128xf32, #tpu.memory_space<vmem_shared>>)
    %dma_wait3A_193 = arith.constant 0 : i32
    %dma_wait3A_194 = tpu.memref_slice %arg12[%add3A_65, %dma_wait3A_193] : memref<10240x128xf32, #tpu.memory_space<vmem_shared>> -> memref<32x128xf32, #tpu.memory_space<vmem_shared>>
    %dma_wait3A_195 = arith.constant 0 : i32
    %dma_wait3A_196 = tpu.memref_slice %arg12[%add3A_65, %dma_wait3A_195] : memref<10240x128xf32, #tpu.memory_space<vmem_shared>> -> memref<32x128xf32, #tpu.memory_space<vmem_shared>>
    tpu.wait_dma2 semaphore(%arg14 : memref<!tpu.dma_semaphore, #tpu.memory_space<semaphore_mem>>) src(%arg11 : memref<32x128xf32, #tpu.memory_space<vmem>>) dst(%dma_wait3A_196 : memref<32x128xf32, #tpu.memory_space<vmem_shared>>)
    %dma_wait3A_197 = arith.constant 0 : i32
    %dma_wait3A_198 = tpu.memref_slice %arg12[%add3A_73, %dma_wait3A_197] : memref<10240x128xf32, #tpu.memory_space<vmem_shared>> -> memref<32x128xf32, #tpu.memory_space<vmem_shared>>
    %dma_wait3A_199 = arith.constant 0 : i32
    %dma_wait3A_200 = tpu.memref_slice %arg12[%add3A_73, %dma_wait3A_199] : memref<10240x128xf32, #tpu.memory_space<vmem_shared>> -> memref<32x128xf32, #tpu.memory_space<vmem_shared>>
    tpu.wait_dma2 semaphore(%arg14 : memref<!tpu.dma_semaphore, #tpu.memory_space<semaphore_mem>>) src(%arg11 : memref<32x128xf32, #tpu.memory_space<vmem>>) dst(%dma_wait3A_200 : memref<32x128xf32, #tpu.memory_space<vmem_shared>>)
    %dma_wait3A_201 = arith.constant 0 : i32
    %dma_wait3A_202 = tpu.memref_slice %arg12[%add3A_81, %dma_wait3A_201] : memref<10240x128xf32, #tpu.memory_space<vmem_shared>> -> memref<32x128xf32, #tpu.memory_space<vmem_shared>>
    %dma_wait3A_203 = arith.constant 0 : i32
    %dma_wait3A_204 = tpu.memref_slice %arg12[%add3A_81, %dma_wait3A_203] : memref<10240x128xf32, #tpu.memory_space<vmem_shared>> -> memref<32x128xf32, #tpu.memory_space<vmem_shared>>
    tpu.wait_dma2 semaphore(%arg14 : memref<!tpu.dma_semaphore, #tpu.memory_space<semaphore_mem>>) src(%arg11 : memref<32x128xf32, #tpu.memory_space<vmem>>) dst(%dma_wait3A_204 : memref<32x128xf32, #tpu.memory_space<vmem_shared>>)
    %dma_wait3A_205 = arith.constant 0 : i32
    %dma_wait3A_206 = tpu.memref_slice %arg12[%add3A_89, %dma_wait3A_205] : memref<10240x128xf32, #tpu.memory_space<vmem_shared>> -> memref<32x128xf32, #tpu.memory_space<vmem_shared>>
    %dma_wait3A_207 = arith.constant 0 : i32
    %dma_wait3A_208 = tpu.memref_slice %arg12[%add3A_89, %dma_wait3A_207] : memref<10240x128xf32, #tpu.memory_space<vmem_shared>> -> memref<32x128xf32, #tpu.memory_space<vmem_shared>>
    tpu.wait_dma2 semaphore(%arg14 : memref<!tpu.dma_semaphore, #tpu.memory_space<semaphore_mem>>) src(%arg11 : memref<32x128xf32, #tpu.memory_space<vmem>>) dst(%dma_wait3A_208 : memref<32x128xf32, #tpu.memory_space<vmem_shared>>)
    %dma_wait3A_209 = arith.constant 0 : i32
    %dma_wait3A_210 = tpu.memref_slice %arg12[%add3A_97, %dma_wait3A_209] : memref<10240x128xf32, #tpu.memory_space<vmem_shared>> -> memref<32x128xf32, #tpu.memory_space<vmem_shared>>
    %dma_wait3A_211 = arith.constant 0 : i32
    %dma_wait3A_212 = tpu.memref_slice %arg12[%add3A_97, %dma_wait3A_211] : memref<10240x128xf32, #tpu.memory_space<vmem_shared>> -> memref<32x128xf32, #tpu.memory_space<vmem_shared>>
    tpu.wait_dma2 semaphore(%arg14 : memref<!tpu.dma_semaphore, #tpu.memory_space<semaphore_mem>>) src(%arg11 : memref<32x128xf32, #tpu.memory_space<vmem>>) dst(%dma_wait3A_212 : memref<32x128xf32, #tpu.memory_space<vmem_shared>>)
    %dma_wait3A_213 = arith.constant 0 : i32
    %dma_wait3A_214 = tpu.memref_slice %arg12[%add3A_105, %dma_wait3A_213] : memref<10240x128xf32, #tpu.memory_space<vmem_shared>> -> memref<32x128xf32, #tpu.memory_space<vmem_shared>>
    %dma_wait3A_215 = arith.constant 0 : i32
    %dma_wait3A_216 = tpu.memref_slice %arg12[%add3A_105, %dma_wait3A_215] : memref<10240x128xf32, #tpu.memory_space<vmem_shared>> -> memref<32x128xf32, #tpu.memory_space<vmem_shared>>
    tpu.wait_dma2 semaphore(%arg14 : memref<!tpu.dma_semaphore, #tpu.memory_space<semaphore_mem>>) src(%arg11 : memref<32x128xf32, #tpu.memory_space<vmem>>) dst(%dma_wait3A_216 : memref<32x128xf32, #tpu.memory_space<vmem_shared>>)
    %dma_wait3A_217 = arith.constant 0 : i32
    %dma_wait3A_218 = tpu.memref_slice %arg12[%add3A_113, %dma_wait3A_217] : memref<10240x128xf32, #tpu.memory_space<vmem_shared>> -> memref<32x128xf32, #tpu.memory_space<vmem_shared>>
    %dma_wait3A_219 = arith.constant 0 : i32
    %dma_wait3A_220 = tpu.memref_slice %arg12[%add3A_113, %dma_wait3A_219] : memref<10240x128xf32, #tpu.memory_space<vmem_shared>> -> memref<32x128xf32, #tpu.memory_space<vmem_shared>>
    tpu.wait_dma2 semaphore(%arg14 : memref<!tpu.dma_semaphore, #tpu.memory_space<semaphore_mem>>) src(%arg11 : memref<32x128xf32, #tpu.memory_space<vmem>>) dst(%dma_wait3A_220 : memref<32x128xf32, #tpu.memory_space<vmem_shared>>)
    %dma_wait3A_221 = arith.constant 0 : i32
    %dma_wait3A_222 = tpu.memref_slice %arg12[%add3A_121, %dma_wait3A_221] : memref<10240x128xf32, #tpu.memory_space<vmem_shared>> -> memref<32x128xf32, #tpu.memory_space<vmem_shared>>
    %dma_wait3A_223 = arith.constant 0 : i32
    %dma_wait3A_224 = tpu.memref_slice %arg12[%add3A_121, %dma_wait3A_223] : memref<10240x128xf32, #tpu.memory_space<vmem_shared>> -> memref<32x128xf32, #tpu.memory_space<vmem_shared>>
    tpu.wait_dma2 semaphore(%arg14 : memref<!tpu.dma_semaphore, #tpu.memory_space<semaphore_mem>>) src(%arg11 : memref<32x128xf32, #tpu.memory_space<vmem>>) dst(%dma_wait3A_224 : memref<32x128xf32, #tpu.memory_space<vmem_shared>>)
    %dma_wait3A_225 = arith.constant 0 : i32
    %dma_wait3A_226 = tpu.memref_slice %arg12[%add3A_129, %dma_wait3A_225] : memref<10240x128xf32, #tpu.memory_space<vmem_shared>> -> memref<32x128xf32, #tpu.memory_space<vmem_shared>>
    %dma_wait3A_227 = arith.constant 0 : i32
    %dma_wait3A_228 = tpu.memref_slice %arg12[%add3A_129, %dma_wait3A_227] : memref<10240x128xf32, #tpu.memory_space<vmem_shared>> -> memref<32x128xf32, #tpu.memory_space<vmem_shared>>
    tpu.wait_dma2 semaphore(%arg14 : memref<!tpu.dma_semaphore, #tpu.memory_space<semaphore_mem>>) src(%arg11 : memref<32x128xf32, #tpu.memory_space<vmem>>) dst(%dma_wait3A_228 : memref<32x128xf32, #tpu.memory_space<vmem_shared>>)
    %dma_wait3A_229 = arith.constant 0 : i32
    %dma_wait3A_230 = tpu.memref_slice %arg12[%add3A_137, %dma_wait3A_229] : memref<10240x128xf32, #tpu.memory_space<vmem_shared>> -> memref<32x128xf32, #tpu.memory_space<vmem_shared>>
    %dma_wait3A_231 = arith.constant 0 : i32
    %dma_wait3A_232 = tpu.memref_slice %arg12[%add3A_137, %dma_wait3A_231] : memref<10240x128xf32, #tpu.memory_space<vmem_shared>> -> memref<32x128xf32, #tpu.memory_space<vmem_shared>>
    tpu.wait_dma2 semaphore(%arg14 : memref<!tpu.dma_semaphore, #tpu.memory_space<semaphore_mem>>) src(%arg11 : memref<32x128xf32, #tpu.memory_space<vmem>>) dst(%dma_wait3A_232 : memref<32x128xf32, #tpu.memory_space<vmem_shared>>)
    %dma_wait3A_233 = arith.constant 0 : i32
    %dma_wait3A_234 = tpu.memref_slice %arg12[%add3A_145, %dma_wait3A_233] : memref<10240x128xf32, #tpu.memory_space<vmem_shared>> -> memref<32x128xf32, #tpu.memory_space<vmem_shared>>
    %dma_wait3A_235 = arith.constant 0 : i32
    %dma_wait3A_236 = tpu.memref_slice %arg12[%add3A_145, %dma_wait3A_235] : memref<10240x128xf32, #tpu.memory_space<vmem_shared>> -> memref<32x128xf32, #tpu.memory_space<vmem_shared>>
    tpu.wait_dma2 semaphore(%arg14 : memref<!tpu.dma_semaphore, #tpu.memory_space<semaphore_mem>>) src(%arg11 : memref<32x128xf32, #tpu.memory_space<vmem>>) dst(%dma_wait3A_236 : memref<32x128xf32, #tpu.memory_space<vmem_shared>>)
    %dma_wait3A_237 = arith.constant 0 : i32
    %dma_wait3A_238 = tpu.memref_slice %arg12[%add3A_153, %dma_wait3A_237] : memref<10240x128xf32, #tpu.memory_space<vmem_shared>> -> memref<32x128xf32, #tpu.memory_space<vmem_shared>>
    %dma_wait3A_239 = arith.constant 0 : i32
    %dma_wait3A_240 = tpu.memref_slice %arg12[%add3A_153, %dma_wait3A_239] : memref<10240x128xf32, #tpu.memory_space<vmem_shared>> -> memref<32x128xf32, #tpu.memory_space<vmem_shared>>
    tpu.wait_dma2 semaphore(%arg14 : memref<!tpu.dma_semaphore, #tpu.memory_space<semaphore_mem>>) src(%arg11 : memref<32x128xf32, #tpu.memory_space<vmem>>) dst(%dma_wait3A_240 : memref<32x128xf32, #tpu.memory_space<vmem_shared>>)
    %dma_wait3A_241 = arith.constant 0 : i32
    %dma_wait3A_242 = tpu.memref_slice %arg12[%add3A_161, %dma_wait3A_241] : memref<10240x128xf32, #tpu.memory_space<vmem_shared>> -> memref<32x128xf32, #tpu.memory_space<vmem_shared>>
    %dma_wait3A_243 = arith.constant 0 : i32
    %dma_wait3A_244 = tpu.memref_slice %arg12[%add3A_161, %dma_wait3A_243] : memref<10240x128xf32, #tpu.memory_space<vmem_shared>> -> memref<32x128xf32, #tpu.memory_space<vmem_shared>>
    tpu.wait_dma2 semaphore(%arg14 : memref<!tpu.dma_semaphore, #tpu.memory_space<semaphore_mem>>) src(%arg11 : memref<32x128xf32, #tpu.memory_space<vmem>>) dst(%dma_wait3A_244 : memref<32x128xf32, #tpu.memory_space<vmem_shared>>)
    %barrier3A = arith.constant 0 : index
    tpu.barrier barrier_id(%barrier3A)
    "tpu.region"() ({
      %run_scoped3A = tpu.sem_alloc : memref<!tpu.dma_semaphore, #tpu.memory_space<semaphore_mem>>
      %dma_start3A_542 = arith.constant 0 : i32
      %dma_start3A_543 = tpu.memref_slice %arg5[%add3A, %dma_start3A_542] : memref<32x16xi32, #tpu.memory_space<hbm>> -> memref<1x16xi32, #tpu.memory_space<hbm>>
      %dma_start3A_544 = tpu.memref_squeeze %dma_start3A_543 : memref<1x16xi32, #tpu.memory_space<hbm>> -> memref<16xi32, #tpu.memory_space<hbm>>
      %dma_start3A_545 = arith.constant 0 : i32
      %dma_start3A_546 = tpu.memref_slice %arg5[%add3A, %dma_start3A_545] : memref<32x16xi32, #tpu.memory_space<hbm>> -> memref<1x16xi32, #tpu.memory_space<hbm>>
      %dma_start3A_547 = tpu.memref_squeeze %dma_start3A_546 : memref<1x16xi32, #tpu.memory_space<hbm>> -> memref<16xi32, #tpu.memory_space<hbm>>
      tpu.enqueue_dma source(%dma_start3A_547 : memref<16xi32, #tpu.memory_space<hbm>>) target(%arg9 : memref<16xi32, #tpu.memory_space<vmem>>) target_semaphore(%run_scoped3A : memref<!tpu.dma_semaphore, #tpu.memory_space<semaphore_mem>>)
      %dma_wait3A_548 = arith.constant 0 : i32
      %dma_wait3A_549 = tpu.memref_slice %arg5[%add3A, %dma_wait3A_548] : memref<32x16xi32, #tpu.memory_space<hbm>> -> memref<1x16xi32, #tpu.memory_space<hbm>>
      %dma_wait3A_550 = tpu.memref_squeeze %dma_wait3A_549 : memref<1x16xi32, #tpu.memory_space<hbm>> -> memref<16xi32, #tpu.memory_space<hbm>>
      %dma_wait3A_551 = arith.constant 0 : i32
      %dma_wait3A_552 = tpu.memref_slice %arg5[%add3A, %dma_wait3A_551] : memref<32x16xi32, #tpu.memory_space<hbm>> -> memref<1x16xi32, #tpu.memory_space<hbm>>
      %dma_wait3A_553 = tpu.memref_squeeze %dma_wait3A_552 : memref<1x16xi32, #tpu.memory_space<hbm>> -> memref<16xi32, #tpu.memory_space<hbm>>
      tpu.wait_dma2 semaphore(%run_scoped3A : memref<!tpu.dma_semaphore, #tpu.memory_space<semaphore_mem>>) src(%dma_wait3A_553 : memref<16xi32, #tpu.memory_space<hbm>>) dst(%arg9 : memref<16xi32, #tpu.memory_space<vmem>>)
      tpu.yield
    }) : () -> ()
    %get3A = arith.constant 0 : index
    %get3A_245 = tpu.vector_load %arg9[%get3A] {strides = array<i32>} : memref<16xi32, #tpu.memory_space<vmem>>, vector<16xi32>,
    %slice3A = vector.extract_strided_slice %get3A_245 {offsets = [0], sizes = [1], strides = [1]} : vector<16xi32> to vector<1xi32>
    %squeeze3A = vector.extract %slice3A[0] : i32 from vector<1xi32>
    %add3A_246 = arith.constant 127 : i32
    %add3A_247 = arith.addi %squeeze3A, %add3A_246 : i32
    %jit3A = arith.constant 128 : i32
    %div3A = arith.divsi %add3A_247, %jit3A : i32
    %sign3A = arith.constant 0 : i32
    %sign3A_248 = arith.cmpi sgt, %add3A_247, %sign3A : i32
    %sign3A_249 = arith.extui %sign3A_248 : i1 to i32
    %sign3A_250 = arith.constant 0 : i32
    %sign3A_251 = arith.cmpi slt, %add3A_247, %sign3A_250 : i32
    %sign3A_252 = arith.extui %sign3A_251 : i1 to i32
    %sign3A_253 = arith.subi %sign3A_249, %sign3A_252 : i32
    %sign3A_254 = arith.constant 0 : i32
    %sign3A_255 = arith.cmpi sgt, %jit3A, %sign3A_254 : i32
    %sign3A_256 = arith.extui %sign3A_255 : i1 to i32
    %sign3A_257 = arith.constant 0 : i32
    %sign3A_258 = arith.cmpi slt, %jit3A, %sign3A_257 : i32
    %sign3A_259 = arith.extui %sign3A_258 : i1 to i32
    %sign3A_260 = arith.subi %sign3A_256, %sign3A_259 : i32
    %ne3A = arith.cmpi ne, %sign3A_253, %sign3A_260 : i32
    %rem3A = arith.remsi %add3A_247, %jit3A : i32
    %ne3A_261 = arith.constant 0 : i32
    %ne3A_262 = arith.cmpi ne, %rem3A, %ne3A_261 : i32
    %and3A = arith.andi %ne3A, %ne3A_262 : i1
    %sub3A = arith.constant 1 : i32
    %sub3A_263 = arith.subi %div3A, %sub3A : i32
    %select_n3A = arith.select %and3A, %sub3A_263, %div3A : i32
    %add3A_264 = arith.constant 7 : i32
    %add3A_265 = arith.addi %select_n3A, %add3A_264 : i32
    %jit3A_266 = arith.constant 8 : i32
    %div3A_267 = arith.divsi %add3A_265, %jit3A_266 : i32
    %sign3A_268 = arith.constant 0 : i32
    %sign3A_269 = arith.cmpi sgt, %add3A_265, %sign3A_268 : i32
    %sign3A_270 = arith.extui %sign3A_269 : i1 to i32
    %sign3A_271 = arith.constant 0 : i32
    %sign3A_272 = arith.cmpi slt, %add3A_265, %sign3A_271 : i32
    %sign3A_273 = arith.extui %sign3A_272 : i1 to i32
    %sign3A_274 = arith.subi %sign3A_270, %sign3A_273 : i32
    %sign3A_275 = arith.constant 0 : i32
    %sign3A_276 = arith.cmpi sgt, %jit3A_266, %sign3A_275 : i32
    %sign3A_277 = arith.extui %sign3A_276 : i1 to i32
    %sign3A_278 = arith.constant 0 : i32
    %sign3A_279 = arith.cmpi slt, %jit3A_266, %sign3A_278 : i32
    %sign3A_280 = arith.extui %sign3A_279 : i1 to i32
    %sign3A_281 = arith.subi %sign3A_277, %sign3A_280 : i32
    %ne3A_282 = arith.cmpi ne, %sign3A_274, %sign3A_281 : i32
    %rem3A_283 = arith.remsi %add3A_265, %jit3A_266 : i32
    %ne3A_284 = arith.constant 0 : i32
    %ne3A_285 = arith.cmpi ne, %rem3A_283, %ne3A_284 : i32
    %and3A_286 = arith.andi %ne3A_282, %ne3A_285 : i1
    %sub3A_287 = arith.constant 1 : i32
    %sub3A_288 = arith.subi %div3A_267, %sub3A_287 : i32
    %select_n3A_289 = arith.select %and3A_286, %sub3A_288, %div3A_267 : i32
    %while3A = arith.constant 0 : i32
    %while3A_290 = arith.constant 0 : i32
    %while3A_291 = arith.subi %select_n3A_289, %while3A : i32
    %while3A_292 = arith.addi %while3A, %while3A_291 : i32
    %while3A_293 = arith.constant 1 : i32
    %while3A_294 = arith.divsi %while3A_291, %while3A_293 : i32
    %while3A_295 = arith.muli %while3A_294, %while3A_293 : i32
    %while3A_296 = arith.addi %while3A, %while3A_295 : i32
    %while3A_297 = arith.constant 1 : i32
    %while3A_298 = scf.for %while3A_542 = %while3A to %while3A_296 step %while3A_297 iter_args(%while3A_543 = %while3A_290) -> (i32)  : i32 {
      %mul3A_544 = arith.constant 8 : i32
      %mul3A_545 = arith.muli %while3A_542, %mul3A_544 : i32
      %dma_start3A_546 = arith.constant 0 : i32
      %dma_start3A_547 = tpu.memref_slice %arg3[%add3A, %mul3A_545, %dma_start3A_546] : memref<32x80x128xi32, #tpu.memory_space<hbm>> -> memref<1x8x128xi32, #tpu.memory_space<hbm>>
      %dma_start3A_548 = tpu.memref_squeeze %dma_start3A_547 : memref<1x8x128xi32, #tpu.memory_space<hbm>> -> memref<8x128xi32, #tpu.memory_space<hbm>>
      %dma_start3A_549 = arith.constant 0 : i32
      %dma_start3A_550 = tpu.memref_slice %arg3[%add3A, %mul3A_545, %dma_start3A_549] : memref<32x80x128xi32, #tpu.memory_space<hbm>> -> memref<1x8x128xi32, #tpu.memory_space<hbm>>
      %dma_start3A_551 = tpu.memref_squeeze %dma_start3A_550 : memref<1x8x128xi32, #tpu.memory_space<hbm>> -> memref<8x128xi32, #tpu.memory_space<hbm>>
      tpu.enqueue_dma source(%dma_start3A_551 : memref<8x128xi32, #tpu.memory_space<hbm>>) target(%arg7 : memref<8x128xi32, #tpu.memory_space<vmem>>) target_semaphore(%arg13 : memref<!tpu.dma_semaphore, #tpu.memory_space<semaphore_mem>>)
      %mul3A_552 = arith.constant 8 : i32
      %mul3A_553 = arith.muli %while3A_542, %mul3A_552 : i32
      %dma_start3A_554 = arith.constant 0 : i32
      %dma_start3A_555 = tpu.memref_slice %arg4[%add3A, %mul3A_553, %dma_start3A_554] : memref<32x80x128xi32, #tpu.memory_space<hbm>> -> memref<1x8x128xi32, #tpu.memory_space<hbm>>
      %dma_start3A_556 = tpu.memref_squeeze %dma_start3A_555 : memref<1x8x128xi32, #tpu.memory_space<hbm>> -> memref<8x128xi32, #tpu.memory_space<hbm>>
      %dma_start3A_557 = arith.constant 0 : i32
      %dma_start3A_558 = tpu.memref_slice %arg4[%add3A, %mul3A_553, %dma_start3A_557] : memref<32x80x128xi32, #tpu.memory_space<hbm>> -> memref<1x8x128xi32, #tpu.memory_space<hbm>>
      %dma_start3A_559 = tpu.memref_squeeze %dma_start3A_558 : memref<1x8x128xi32, #tpu.memory_space<hbm>> -> memref<8x128xi32, #tpu.memory_space<hbm>>
      tpu.enqueue_dma source(%dma_start3A_559 : memref<8x128xi32, #tpu.memory_space<hbm>>) target(%arg8 : memref<8x128xi32, #tpu.memory_space<vmem>>) target_semaphore(%arg13 : memref<!tpu.dma_semaphore, #tpu.memory_space<semaphore_mem>>)
      %dma_wait3A_560 = arith.constant 0 : i32
      %dma_wait3A_561 = tpu.memref_slice %arg3[%add3A, %mul3A_545, %dma_wait3A_560] : memref<32x80x128xi32, #tpu.memory_space<hbm>> -> memref<1x8x128xi32, #tpu.memory_space<hbm>>
      %dma_wait3A_562 = tpu.memref_squeeze %dma_wait3A_561 : memref<1x8x128xi32, #tpu.memory_space<hbm>> -> memref<8x128xi32, #tpu.memory_space<hbm>>
      %dma_wait3A_563 = arith.constant 0 : i32
      %dma_wait3A_564 = tpu.memref_slice %arg3[%add3A, %mul3A_545, %dma_wait3A_563] : memref<32x80x128xi32, #tpu.memory_space<hbm>> -> memref<1x8x128xi32, #tpu.memory_space<hbm>>
      %dma_wait3A_565 = tpu.memref_squeeze %dma_wait3A_564 : memref<1x8x128xi32, #tpu.memory_space<hbm>> -> memref<8x128xi32, #tpu.memory_space<hbm>>
      tpu.wait_dma2 semaphore(%arg13 : memref<!tpu.dma_semaphore, #tpu.memory_space<semaphore_mem>>) src(%dma_wait3A_565 : memref<8x128xi32, #tpu.memory_space<hbm>>) dst(%arg7 : memref<8x128xi32, #tpu.memory_space<vmem>>)
      %dma_wait3A_566 = arith.constant 0 : i32
      %dma_wait3A_567 = tpu.memref_slice %arg4[%add3A, %mul3A_553, %dma_wait3A_566] : memref<32x80x128xi32, #tpu.memory_space<hbm>> -> memref<1x8x128xi32, #tpu.memory_space<hbm>>
      %dma_wait3A_568 = tpu.memref_squeeze %dma_wait3A_567 : memref<1x8x128xi32, #tpu.memory_space<hbm>> -> memref<8x128xi32, #tpu.memory_space<hbm>>
      %dma_wait3A_569 = arith.constant 0 : i32
      %dma_wait3A_570 = tpu.memref_slice %arg4[%add3A, %mul3A_553, %dma_wait3A_569] : memref<32x80x128xi32, #tpu.memory_space<hbm>> -> memref<1x8x128xi32, #tpu.memory_space<hbm>>
      %dma_wait3A_571 = tpu.memref_squeeze %dma_wait3A_570 : memref<1x8x128xi32, #tpu.memory_space<hbm>> -> memref<8x128xi32, #tpu.memory_space<hbm>>
      tpu.wait_dma2 semaphore(%arg13 : memref<!tpu.dma_semaphore, #tpu.memory_space<semaphore_mem>>) src(%dma_wait3A_571 : memref<8x128xi32, #tpu.memory_space<hbm>>) dst(%arg8 : memref<8x128xi32, #tpu.memory_space<vmem>>)
      %mul3A_572 = arith.constant 8 : i32
      %mul3A_573 = arith.muli %while3A_542, %mul3A_572 : i32
      %sub3A_574 = arith.subi %select_n3A, %mul3A_573 : i32
      %min3A = arith.constant 8 : i32
      %min3A_575 = arith.minsi %sub3A_574, %min3A : i32
      %gt3A = arith.constant 0 : i32
      %gt3A_576 = arith.cmpi sgt, %min3A_575, %gt3A : i32
      %convert_element_type3A = arith.extui %gt3A_576 : i1 to i32
      %cond3A = arith.constant 0 : i32
      %cond3A_577 = arith.cmpi ne, %convert_element_type3A, %cond3A : i32
      scf.if %cond3A_577 {
        %dma_start3A_596 = arith.constant 0 : i32
        %dma_start3A_597 = arith.constant 0 : i32
        %dma_start3A_598 = arith.constant 0 : i32
        %dma_start3A_599 = arith.constant 0 : i32
        %dma_start3A_600 = tpu.memref_slice %arg10[%dma_start3A_597, %dma_start3A_598, %dma_start3A_599] : memref<2x128x128xf32, #tpu.memory_space<vmem>> -> memref<1x128x128xf32, #tpu.memory_space<vmem>>
        %dma_start3A_601 = tpu.memref_squeeze %dma_start3A_600 : memref<1x128x128xf32, #tpu.memory_space<vmem>> -> memref<128x128xf32, #tpu.memory_space<vmem>>
        %dma_start3A_602 = arith.constant 0 : i32
        %dma_start3A_603 = tpu.memref_slice %arg7[%dma_start3A_596, %dma_start3A_602] : memref<8x128xi32, #tpu.memory_space<vmem>> -> memref<1x128xi32, #tpu.memory_space<vmem>>
        %dma_start3A_604 = tpu.memref_squeeze %dma_start3A_603 : memref<1x128xi32, #tpu.memory_space<vmem>> -> memref<128xi32, #tpu.memory_space<vmem>>
        %dma_start3A_605 = arith.constant 0 : i32
        %dma_start3A_606 = arith.constant 0 : i32
        %dma_start3A_607 = tpu.memref_slice %arg2[%dma_start3A_605, %dma_start3A_606] : memref<10240x128xf32, #tpu.memory_space<hbm>> -> memref<10240x128xf32, #tpu.memory_space<hbm>>
        tpu.enqueue_indirect_dma source(%dma_start3A_607 : memref<10240x128xf32, #tpu.memory_space<hbm>>) target(%dma_start3A_601 : memref<128x128xf32, #tpu.memory_space<vmem>>) offsets(%dma_start3A_604 : memref<128xi32, #tpu.memory_space<vmem>>) semaphore(%arg13 : memref<!tpu.dma_semaphore, #tpu.memory_space<semaphore_mem>>)
      } else {
      }
      %while3A_578 = arith.constant 0 : i32
      %while3A_579 = arith.constant 0 : i32
      %while3A_580 = arith.subi %min3A_575, %while3A_578 : i32
      %while3A_581 = arith.addi %while3A_578, %while3A_580 : i32
      %while3A_582 = arith.constant 1 : i32
      %while3A_583 = arith.divsi %while3A_580, %while3A_582 : i32
      %while3A_584 = arith.muli %while3A_583, %while3A_582 : i32
      %while3A_585 = arith.addi %while3A_578, %while3A_584 : i32
      %while3A_586 = arith.constant 1 : i32
      %while3A_587 = scf.for %while3A_596 = %while3A_578 to %while3A_585 step %while3A_586 iter_args(%while3A_597 = %while3A_579) -> (i32)  : i32 {
        %jit3A_598 = arith.constant 2 : i32
        %eq3A = arith.constant 0 : i32
        %eq3A_599 = arith.cmpi eq, %jit3A_598, %eq3A : i32
        %jit3A_600 = arith.constant 1 : i32
        %select_n3A_601 = arith.select %eq3A_599, %jit3A_600, %jit3A_598 : i32
        %rem3A_602 = arith.remsi %while3A_596, %select_n3A_601 : i32
        %ne3A_603 = arith.constant 0 : i32
        %ne3A_604 = arith.cmpi ne, %rem3A_602, %ne3A_603 : i32
        %lt3A = arith.constant 0 : i32
        %lt3A_605 = arith.cmpi slt, %rem3A_602, %lt3A : i32
        %lt3A_606 = arith.constant 0 : i32
        %lt3A_607 = arith.cmpi slt, %select_n3A_601, %lt3A_606 : i32
        %ne3A_608 = arith.xori %lt3A_605, %lt3A_607 : i1
        %and3A_609 = arith.andi %ne3A_608, %ne3A_604 : i1
        %add3A_610 = arith.addi %rem3A_602, %select_n3A_601 : i32
        %select_n3A_611 = arith.select %and3A_609, %add3A_610, %rem3A_602 : i32
        %dma_wait3A_612 = arith.constant 0 : i32
        %dma_wait3A_613 = arith.constant 0 : i32
        %dma_wait3A_614 = tpu.memref_slice %arg10[%select_n3A_611, %dma_wait3A_612, %dma_wait3A_613] : memref<2x128x128xf32, #tpu.memory_space<vmem>> -> memref<1x128x128xf32, #tpu.memory_space<vmem>>
        %dma_wait3A_615 = tpu.memref_squeeze %dma_wait3A_614 : memref<1x128x128xf32, #tpu.memory_space<vmem>> -> memref<128x128xf32, #tpu.memory_space<vmem>>
        %dma_wait3A_616 = arith.constant 0 : i32
        %dma_wait3A_617 = tpu.memref_slice %arg7[%while3A_596, %dma_wait3A_616] : memref<8x128xi32, #tpu.memory_space<vmem>> -> memref<1x128xi32, #tpu.memory_space<vmem>>
        %dma_wait3A_618 = tpu.memref_squeeze %dma_wait3A_617 : memref<1x128xi32, #tpu.memory_space<vmem>> -> memref<128xi32, #tpu.memory_space<vmem>>
        %dma_wait3A_619 = arith.constant 0 : i32
        %dma_wait3A_620 = arith.constant 0 : i32
        %dma_wait3A_621 = tpu.memref_slice %arg2[%dma_wait3A_619, %dma_wait3A_620] : memref<10240x128xf32, #tpu.memory_space<hbm>> -> memref<10240x128xf32, #tpu.memory_space<hbm>>
        tpu.wait_indirect_dma semaphore(%arg13 : memref<!tpu.dma_semaphore, #tpu.memory_space<semaphore_mem>>) src(%dma_wait3A_621 : memref<10240x128xf32, #tpu.memory_space<hbm>>) dst(%dma_wait3A_615 : memref<128x128xf32, #tpu.memory_space<vmem>>)
        %ge3A = arith.constant 1 : i32
        %ge3A_622 = arith.cmpi sge, %while3A_596, %ge3A : i32
        %convert_element_type3A_623 = arith.extui %ge3A_622 : i1 to i32
        %cond3A_624 = arith.constant 0 : i32
        %cond3A_625 = arith.cmpi ne, %convert_element_type3A_623, %cond3A_624 : i32
        scf.if %cond3A_625 {
          %sub3A_643 = arith.constant 1 : i32
          %sub3A_644 = arith.subi %sub3A_643, %select_n3A_611 : i32
          %dma_wait3A_645 = arith.constant 0 : i32
          %dma_wait3A_646 = arith.constant 0 : i32
          %dma_wait3A_647 = arith.constant 0 : i32
          %dma_wait3A_648 = tpu.memref_slice %arg10[%sub3A_644, %dma_wait3A_646, %dma_wait3A_647] : memref<2x128x128xf32, #tpu.memory_space<vmem>> -> memref<1x128x128xf32, #tpu.memory_space<vmem>>
          %dma_wait3A_649 = tpu.memref_squeeze %dma_wait3A_648 : memref<1x128x128xf32, #tpu.memory_space<vmem>> -> memref<128x128xf32, #tpu.memory_space<vmem>>
          %dma_wait3A_650 = arith.constant 0 : i32
          %dma_wait3A_651 = tpu.memref_slice %arg8[%dma_wait3A_645, %dma_wait3A_650] : memref<8x128xi32, #tpu.memory_space<vmem>> -> memref<1x128xi32, #tpu.memory_space<vmem>>
          %dma_wait3A_652 = tpu.memref_squeeze %dma_wait3A_651 : memref<1x128xi32, #tpu.memory_space<vmem>> -> memref<128xi32, #tpu.memory_space<vmem>>
          %dma_wait3A_653 = arith.constant 0 : i32
          %dma_wait3A_654 = arith.constant 0 : i32
          %dma_wait3A_655 = tpu.memref_slice %arg12[%dma_wait3A_653, %dma_wait3A_654] : memref<10240x128xf32, #tpu.memory_space<vmem_shared>> -> memref<10240x128xf32, #tpu.memory_space<vmem_shared>>
          tpu.wait_indirect_dma semaphore(%arg14 : memref<!tpu.dma_semaphore, #tpu.memory_space<semaphore_mem>>) src(%dma_wait3A_649 : memref<128x128xf32, #tpu.memory_space<vmem>>) dst(%dma_wait3A_655 : memref<10240x128xf32, #tpu.memory_space<vmem_shared>>)
        } else {
        }
        %add3A_626 = arith.constant 1 : i32
        %add3A_627 = arith.addi %while3A_596, %add3A_626 : i32
        %lt3A_628 = arith.cmpi slt, %add3A_627, %min3A_575 : i32
        %convert_element_type3A_629 = arith.extui %lt3A_628 : i1 to i32
        %cond3A_630 = arith.constant 0 : i32
        %cond3A_631 = arith.cmpi ne, %convert_element_type3A_629, %cond3A_630 : i32
        scf.if %cond3A_631 {
          %add3A_643 = arith.constant 1 : i32
          %add3A_644 = arith.addi %while3A_596, %add3A_643 : i32
          %sub3A_645 = arith.constant 1 : i32
          %sub3A_646 = arith.subi %sub3A_645, %select_n3A_611 : i32
          %dma_start3A_647 = arith.constant 0 : i32
          %dma_start3A_648 = arith.constant 0 : i32
          %dma_start3A_649 = tpu.memref_slice %arg10[%sub3A_646, %dma_start3A_647, %dma_start3A_648] : memref<2x128x128xf32, #tpu.memory_space<vmem>> -> memref<1x128x128xf32, #tpu.memory_space<vmem>>
          %dma_start3A_650 = tpu.memref_squeeze %dma_start3A_649 : memref<1x128x128xf32, #tpu.memory_space<vmem>> -> memref<128x128xf32, #tpu.memory_space<vmem>>
          %dma_start3A_651 = arith.constant 0 : i32
          %dma_start3A_652 = tpu.memref_slice %arg7[%add3A_644, %dma_start3A_651] : memref<8x128xi32, #tpu.memory_space<vmem>> -> memref<1x128xi32, #tpu.memory_space<vmem>>
          %dma_start3A_653 = tpu.memref_squeeze %dma_start3A_652 : memref<1x128xi32, #tpu.memory_space<vmem>> -> memref<128xi32, #tpu.memory_space<vmem>>
          %dma_start3A_654 = arith.constant 0 : i32
          %dma_start3A_655 = arith.constant 0 : i32
          %dma_start3A_656 = tpu.memref_slice %arg2[%dma_start3A_654, %dma_start3A_655] : memref<10240x128xf32, #tpu.memory_space<hbm>> -> memref<10240x128xf32, #tpu.memory_space<hbm>>
          tpu.enqueue_indirect_dma source(%dma_start3A_656 : memref<10240x128xf32, #tpu.memory_space<hbm>>) target(%dma_start3A_650 : memref<128x128xf32, #tpu.memory_space<vmem>>) offsets(%dma_start3A_653 : memref<128xi32, #tpu.memory_space<vmem>>) semaphore(%arg13 : memref<!tpu.dma_semaphore, #tpu.memory_space<semaphore_mem>>)
        } else {
        }
        %dma_start3A_632 = arith.constant 0 : i32
        %dma_start3A_633 = arith.constant 0 : i32
        %dma_start3A_634 = tpu.memref_slice %arg10[%select_n3A_611, %dma_start3A_632, %dma_start3A_633] : memref<2x128x128xf32, #tpu.memory_space<vmem>> -> memref<1x128x128xf32, #tpu.memory_space<vmem>>
        %dma_start3A_635 = tpu.memref_squeeze %dma_start3A_634 : memref<1x128x128xf32, #tpu.memory_space<vmem>> -> memref<128x128xf32, #tpu.memory_space<vmem>>
        %dma_start3A_636 = arith.constant 0 : i32
        %dma_start3A_637 = tpu.memref_slice %arg8[%while3A_596, %dma_start3A_636] : memref<8x128xi32, #tpu.memory_space<vmem>> -> memref<1x128xi32, #tpu.memory_space<vmem>>
        %dma_start3A_638 = tpu.memref_squeeze %dma_start3A_637 : memref<1x128xi32, #tpu.memory_space<vmem>> -> memref<128xi32, #tpu.memory_space<vmem>>
        %dma_start3A_639 = arith.constant 0 : i32
        %dma_start3A_640 = arith.constant 0 : i32
        %dma_start3A_641 = tpu.memref_slice %arg12[%dma_start3A_639, %dma_start3A_640] : memref<10240x128xf32, #tpu.memory_space<vmem_shared>> -> memref<10240x128xf32, #tpu.memory_space<vmem_shared>>
        tpu.enqueue_indirect_dma source(%dma_start3A_635 : memref<128x128xf32, #tpu.memory_space<vmem>>) target(%dma_start3A_641 : memref<10240x128xf32, #tpu.memory_space<vmem_shared>>) offsets(%dma_start3A_638 : memref<128xi32, #tpu.memory_space<vmem>>) semaphore(%arg14 : memref<!tpu.dma_semaphore, #tpu.memory_space<semaphore_mem>>) {add = true}
        %while3A_642 = arith.constant 0 : i32
        scf.yield %while3A_642 : i32
      }
      %while3A_588 = arith.constant 1 : i32
      %while3A_589 = scf.for %while3A_596 = %while3A_585 to %while3A_581 step %while3A_588 iter_args(%while3A_597 = %while3A_587) -> (i32)  : i32 {
        %jit3A_598 = arith.constant 2 : i32
        %eq3A = arith.constant 0 : i32
        %eq3A_599 = arith.cmpi eq, %jit3A_598, %eq3A : i32
        %jit3A_600 = arith.constant 1 : i32
        %select_n3A_601 = arith.select %eq3A_599, %jit3A_600, %jit3A_598 : i32
        %rem3A_602 = arith.remsi %while3A_596, %select_n3A_601 : i32
        %ne3A_603 = arith.constant 0 : i32
        %ne3A_604 = arith.cmpi ne, %rem3A_602, %ne3A_603 : i32
        %lt3A = arith.constant 0 : i32
        %lt3A_605 = arith.cmpi slt, %rem3A_602, %lt3A : i32
        %lt3A_606 = arith.constant 0 : i32
        %lt3A_607 = arith.cmpi slt, %select_n3A_601, %lt3A_606 : i32
        %ne3A_608 = arith.xori %lt3A_605, %lt3A_607 : i1
        %and3A_609 = arith.andi %ne3A_608, %ne3A_604 : i1
        %add3A_610 = arith.addi %rem3A_602, %select_n3A_601 : i32
        %select_n3A_611 = arith.select %and3A_609, %add3A_610, %rem3A_602 : i32
        %dma_wait3A_612 = arith.constant 0 : i32
        %dma_wait3A_613 = arith.constant 0 : i32
        %dma_wait3A_614 = tpu.memref_slice %arg10[%select_n3A_611, %dma_wait3A_612, %dma_wait3A_613] : memref<2x128x128xf32, #tpu.memory_space<vmem>> -> memref<1x128x128xf32, #tpu.memory_space<vmem>>
        %dma_wait3A_615 = tpu.memref_squeeze %dma_wait3A_614 : memref<1x128x128xf32, #tpu.memory_space<vmem>> -> memref<128x128xf32, #tpu.memory_space<vmem>>
        %dma_wait3A_616 = arith.constant 0 : i32
        %dma_wait3A_617 = tpu.memref_slice %arg7[%while3A_596, %dma_wait3A_616] : memref<8x128xi32, #tpu.memory_space<vmem>> -> memref<1x128xi32, #tpu.memory_space<vmem>>
        %dma_wait3A_618 = tpu.memref_squeeze %dma_wait3A_617 : memref<1x128xi32, #tpu.memory_space<vmem>> -> memref<128xi32, #tpu.memory_space<vmem>>
        %dma_wait3A_619 = arith.constant 0 : i32
        %dma_wait3A_620 = arith.constant 0 : i32
        %dma_wait3A_621 = tpu.memref_slice %arg2[%dma_wait3A_619, %dma_wait3A_620] : memref<10240x128xf32, #tpu.memory_space<hbm>> -> memref<10240x128xf32, #tpu.memory_space<hbm>>
        tpu.wait_indirect_dma semaphore(%arg13 : memref<!tpu.dma_semaphore, #tpu.memory_space<semaphore_mem>>) src(%dma_wait3A_621 : memref<10240x128xf32, #tpu.memory_space<hbm>>) dst(%dma_wait3A_615 : memref<128x128xf32, #tpu.memory_space<vmem>>)
        %ge3A = arith.constant 1 : i32
        %ge3A_622 = arith.cmpi sge, %while3A_596, %ge3A : i32
        %convert_element_type3A_623 = arith.extui %ge3A_622 : i1 to i32
        %cond3A_624 = arith.constant 0 : i32
        %cond3A_625 = arith.cmpi ne, %convert_element_type3A_623, %cond3A_624 : i32
        scf.if %cond3A_625 {
          %sub3A_643 = arith.constant 1 : i32
          %sub3A_644 = arith.subi %sub3A_643, %select_n3A_611 : i32
          %dma_wait3A_645 = arith.constant 0 : i32
          %dma_wait3A_646 = arith.constant 0 : i32
          %dma_wait3A_647 = arith.constant 0 : i32
          %dma_wait3A_648 = tpu.memref_slice %arg10[%sub3A_644, %dma_wait3A_646, %dma_wait3A_647] : memref<2x128x128xf32, #tpu.memory_space<vmem>> -> memref<1x128x128xf32, #tpu.memory_space<vmem>>
          %dma_wait3A_649 = tpu.memref_squeeze %dma_wait3A_648 : memref<1x128x128xf32, #tpu.memory_space<vmem>> -> memref<128x128xf32, #tpu.memory_space<vmem>>
          %dma_wait3A_650 = arith.constant 0 : i32
          %dma_wait3A_651 = tpu.memref_slice %arg8[%dma_wait3A_645, %dma_wait3A_650] : memref<8x128xi32, #tpu.memory_space<vmem>> -> memref<1x128xi32, #tpu.memory_space<vmem>>
          %dma_wait3A_652 = tpu.memref_squeeze %dma_wait3A_651 : memref<1x128xi32, #tpu.memory_space<vmem>> -> memref<128xi32, #tpu.memory_space<vmem>>
          %dma_wait3A_653 = arith.constant 0 : i32
          %dma_wait3A_654 = arith.constant 0 : i32
          %dma_wait3A_655 = tpu.memref_slice %arg12[%dma_wait3A_653, %dma_wait3A_654] : memref<10240x128xf32, #tpu.memory_space<vmem_shared>> -> memref<10240x128xf32, #tpu.memory_space<vmem_shared>>
          tpu.wait_indirect_dma semaphore(%arg14 : memref<!tpu.dma_semaphore, #tpu.memory_space<semaphore_mem>>) src(%dma_wait3A_649 : memref<128x128xf32, #tpu.memory_space<vmem>>) dst(%dma_wait3A_655 : memref<10240x128xf32, #tpu.memory_space<vmem_shared>>)
        } else {
        }
        %add3A_626 = arith.constant 1 : i32
        %add3A_627 = arith.addi %while3A_596, %add3A_626 : i32
        %lt3A_628 = arith.cmpi slt, %add3A_627, %min3A_575 : i32
        %convert_element_type3A_629 = arith.extui %lt3A_628 : i1 to i32
        %cond3A_630 = arith.constant 0 : i32
        %cond3A_631 = arith.cmpi ne, %convert_element_type3A_629, %cond3A_630 : i32
        scf.if %cond3A_631 {
          %add3A_643 = arith.constant 1 : i32
          %add3A_644 = arith.addi %while3A_596, %add3A_643 : i32
          %sub3A_645 = arith.constant 1 : i32
          %sub3A_646 = arith.subi %sub3A_645, %select_n3A_611 : i32
          %dma_start3A_647 = arith.constant 0 : i32
          %dma_start3A_648 = arith.constant 0 : i32
          %dma_start3A_649 = tpu.memref_slice %arg10[%sub3A_646, %dma_start3A_647, %dma_start3A_648] : memref<2x128x128xf32, #tpu.memory_space<vmem>> -> memref<1x128x128xf32, #tpu.memory_space<vmem>>
          %dma_start3A_650 = tpu.memref_squeeze %dma_start3A_649 : memref<1x128x128xf32, #tpu.memory_space<vmem>> -> memref<128x128xf32, #tpu.memory_space<vmem>>
          %dma_start3A_651 = arith.constant 0 : i32
          %dma_start3A_652 = tpu.memref_slice %arg7[%add3A_644, %dma_start3A_651] : memref<8x128xi32, #tpu.memory_space<vmem>> -> memref<1x128xi32, #tpu.memory_space<vmem>>
          %dma_start3A_653 = tpu.memref_squeeze %dma_start3A_652 : memref<1x128xi32, #tpu.memory_space<vmem>> -> memref<128xi32, #tpu.memory_space<vmem>>
          %dma_start3A_654 = arith.constant 0 : i32
          %dma_start3A_655 = arith.constant 0 : i32
          %dma_start3A_656 = tpu.memref_slice %arg2[%dma_start3A_654, %dma_start3A_655] : memref<10240x128xf32, #tpu.memory_space<hbm>> -> memref<10240x128xf32, #tpu.memory_space<hbm>>
          tpu.enqueue_indirect_dma source(%dma_start3A_656 : memref<10240x128xf32, #tpu.memory_space<hbm>>) target(%dma_start3A_650 : memref<128x128xf32, #tpu.memory_space<vmem>>) offsets(%dma_start3A_653 : memref<128xi32, #tpu.memory_space<vmem>>) semaphore(%arg13 : memref<!tpu.dma_semaphore, #tpu.memory_space<semaphore_mem>>)
        } else {
        }
        %dma_start3A_632 = arith.constant 0 : i32
        %dma_start3A_633 = arith.constant 0 : i32
        %dma_start3A_634 = tpu.memref_slice %arg10[%select_n3A_611, %dma_start3A_632, %dma_start3A_633] : memref<2x128x128xf32, #tpu.memory_space<vmem>> -> memref<1x128x128xf32, #tpu.memory_space<vmem>>
        %dma_start3A_635 = tpu.memref_squeeze %dma_start3A_634 : memref<1x128x128xf32, #tpu.memory_space<vmem>> -> memref<128x128xf32, #tpu.memory_space<vmem>>
        %dma_start3A_636 = arith.constant 0 : i32
        %dma_start3A_637 = tpu.memref_slice %arg8[%while3A_596, %dma_start3A_636] : memref<8x128xi32, #tpu.memory_space<vmem>> -> memref<1x128xi32, #tpu.memory_space<vmem>>
        %dma_start3A_638 = tpu.memref_squeeze %dma_start3A_637 : memref<1x128xi32, #tpu.memory_space<vmem>> -> memref<128xi32, #tpu.memory_space<vmem>>
        %dma_start3A_639 = arith.constant 0 : i32
        %dma_start3A_640 = arith.constant 0 : i32
        %dma_start3A_641 = tpu.memref_slice %arg12[%dma_start3A_639, %dma_start3A_640] : memref<10240x128xf32, #tpu.memory_space<vmem_shared>> -> memref<10240x128xf32, #tpu.memory_space<vmem_shared>>
        tpu.enqueue_indirect_dma source(%dma_start3A_635 : memref<128x128xf32, #tpu.memory_space<vmem>>) target(%dma_start3A_641 : memref<10240x128xf32, #tpu.memory_space<vmem_shared>>) offsets(%dma_start3A_638 : memref<128xi32, #tpu.memory_space<vmem>>) semaphore(%arg14 : memref<!tpu.dma_semaphore, #tpu.memory_space<semaphore_mem>>) {add = true}
        %while3A_642 = arith.constant 0 : i32
        scf.yield %while3A_642 : i32
      }
      %gt3A_590 = arith.constant 0 : i32
      %gt3A_591 = arith.cmpi sgt, %min3A_575, %gt3A_590 : i32
      %convert_element_type3A_592 = arith.extui %gt3A_591 : i1 to i32
      %cond3A_593 = arith.constant 0 : i32
      %cond3A_594 = arith.cmpi ne, %convert_element_type3A_592, %cond3A_593 : i32
      scf.if %cond3A_594 {
        %sub3A_596 = arith.constant 1 : i32
        %sub3A_597 = arith.subi %min3A_575, %sub3A_596 : i32
        %jit3A_598 = arith.constant 2 : i32
        %eq3A = arith.constant 0 : i32
        %eq3A_599 = arith.cmpi eq, %jit3A_598, %eq3A : i32
        %jit3A_600 = arith.constant 1 : i32
        %select_n3A_601 = arith.select %eq3A_599, %jit3A_600, %jit3A_598 : i32
        %rem3A_602 = arith.remsi %sub3A_597, %select_n3A_601 : i32
        %ne3A_603 = arith.constant 0 : i32
        %ne3A_604 = arith.cmpi ne, %rem3A_602, %ne3A_603 : i32
        %lt3A = arith.constant 0 : i32
        %lt3A_605 = arith.cmpi slt, %rem3A_602, %lt3A : i32
        %lt3A_606 = arith.constant 0 : i32
        %lt3A_607 = arith.cmpi slt, %select_n3A_601, %lt3A_606 : i32
        %ne3A_608 = arith.xori %lt3A_605, %lt3A_607 : i1
        %and3A_609 = arith.andi %ne3A_608, %ne3A_604 : i1
        %add3A_610 = arith.addi %rem3A_602, %select_n3A_601 : i32
        %select_n3A_611 = arith.select %and3A_609, %add3A_610, %rem3A_602 : i32
        %dma_wait3A_612 = arith.constant 0 : i32
        %dma_wait3A_613 = arith.constant 0 : i32
        %dma_wait3A_614 = arith.constant 0 : i32
        %dma_wait3A_615 = tpu.memref_slice %arg10[%select_n3A_611, %dma_wait3A_613, %dma_wait3A_614] : memref<2x128x128xf32, #tpu.memory_space<vmem>> -> memref<1x128x128xf32, #tpu.memory_space<vmem>>
        %dma_wait3A_616 = tpu.memref_squeeze %dma_wait3A_615 : memref<1x128x128xf32, #tpu.memory_space<vmem>> -> memref<128x128xf32, #tpu.memory_space<vmem>>
        %dma_wait3A_617 = arith.constant 0 : i32
        %dma_wait3A_618 = tpu.memref_slice %arg8[%dma_wait3A_612, %dma_wait3A_617] : memref<8x128xi32, #tpu.memory_space<vmem>> -> memref<1x128xi32, #tpu.memory_space<vmem>>
        %dma_wait3A_619 = tpu.memref_squeeze %dma_wait3A_618 : memref<1x128xi32, #tpu.memory_space<vmem>> -> memref<128xi32, #tpu.memory_space<vmem>>
        %dma_wait3A_620 = arith.constant 0 : i32
        %dma_wait3A_621 = arith.constant 0 : i32
        %dma_wait3A_622 = tpu.memref_slice %arg12[%dma_wait3A_620, %dma_wait3A_621] : memref<10240x128xf32, #tpu.memory_space<vmem_shared>> -> memref<10240x128xf32, #tpu.memory_space<vmem_shared>>
        tpu.wait_indirect_dma semaphore(%arg14 : memref<!tpu.dma_semaphore, #tpu.memory_space<semaphore_mem>>) src(%dma_wait3A_616 : memref<128x128xf32, #tpu.memory_space<vmem>>) dst(%dma_wait3A_622 : memref<10240x128xf32, #tpu.memory_space<vmem_shared>>)
      } else {
      }
      %while3A_595 = arith.constant 0 : i32
      scf.yield %while3A_595 : i32
    }
    %while3A_299 = arith.constant 1 : i32
    %while3A_300 = scf.for %while3A_542 = %while3A_296 to %while3A_292 step %while3A_299 iter_args(%while3A_543 = %while3A_298) -> (i32)  : i32 {
      %mul3A_544 = arith.constant 8 : i32
      %mul3A_545 = arith.muli %while3A_542, %mul3A_544 : i32
      %dma_start3A_546 = arith.constant 0 : i32
      %dma_start3A_547 = tpu.memref_slice %arg3[%add3A, %mul3A_545, %dma_start3A_546] : memref<32x80x128xi32, #tpu.memory_space<hbm>> -> memref<1x8x128xi32, #tpu.memory_space<hbm>>
      %dma_start3A_548 = tpu.memref_squeeze %dma_start3A_547 : memref<1x8x128xi32, #tpu.memory_space<hbm>> -> memref<8x128xi32, #tpu.memory_space<hbm>>
      %dma_start3A_549 = arith.constant 0 : i32
      %dma_start3A_550 = tpu.memref_slice %arg3[%add3A, %mul3A_545, %dma_start3A_549] : memref<32x80x128xi32, #tpu.memory_space<hbm>> -> memref<1x8x128xi32, #tpu.memory_space<hbm>>
      %dma_start3A_551 = tpu.memref_squeeze %dma_start3A_550 : memref<1x8x128xi32, #tpu.memory_space<hbm>> -> memref<8x128xi32, #tpu.memory_space<hbm>>
      tpu.enqueue_dma source(%dma_start3A_551 : memref<8x128xi32, #tpu.memory_space<hbm>>) target(%arg7 : memref<8x128xi32, #tpu.memory_space<vmem>>) target_semaphore(%arg13 : memref<!tpu.dma_semaphore, #tpu.memory_space<semaphore_mem>>)
      %mul3A_552 = arith.constant 8 : i32
      %mul3A_553 = arith.muli %while3A_542, %mul3A_552 : i32
      %dma_start3A_554 = arith.constant 0 : i32
      %dma_start3A_555 = tpu.memref_slice %arg4[%add3A, %mul3A_553, %dma_start3A_554] : memref<32x80x128xi32, #tpu.memory_space<hbm>> -> memref<1x8x128xi32, #tpu.memory_space<hbm>>
      %dma_start3A_556 = tpu.memref_squeeze %dma_start3A_555 : memref<1x8x128xi32, #tpu.memory_space<hbm>> -> memref<8x128xi32, #tpu.memory_space<hbm>>
      %dma_start3A_557 = arith.constant 0 : i32
      %dma_start3A_558 = tpu.memref_slice %arg4[%add3A, %mul3A_553, %dma_start3A_557] : memref<32x80x128xi32, #tpu.memory_space<hbm>> -> memref<1x8x128xi32, #tpu.memory_space<hbm>>
      %dma_start3A_559 = tpu.memref_squeeze %dma_start3A_558 : memref<1x8x128xi32, #tpu.memory_space<hbm>> -> memref<8x128xi32, #tpu.memory_space<hbm>>
      tpu.enqueue_dma source(%dma_start3A_559 : memref<8x128xi32, #tpu.memory_space<hbm>>) target(%arg8 : memref<8x128xi32, #tpu.memory_space<vmem>>) target_semaphore(%arg13 : memref<!tpu.dma_semaphore, #tpu.memory_space<semaphore_mem>>)
      %dma_wait3A_560 = arith.constant 0 : i32
      %dma_wait3A_561 = tpu.memref_slice %arg3[%add3A, %mul3A_545, %dma_wait3A_560] : memref<32x80x128xi32, #tpu.memory_space<hbm>> -> memref<1x8x128xi32, #tpu.memory_space<hbm>>
      %dma_wait3A_562 = tpu.memref_squeeze %dma_wait3A_561 : memref<1x8x128xi32, #tpu.memory_space<hbm>> -> memref<8x128xi32, #tpu.memory_space<hbm>>
      %dma_wait3A_563 = arith.constant 0 : i32
      %dma_wait3A_564 = tpu.memref_slice %arg3[%add3A, %mul3A_545, %dma_wait3A_563] : memref<32x80x128xi32, #tpu.memory_space<hbm>> -> memref<1x8x128xi32, #tpu.memory_space<hbm>>
      %dma_wait3A_565 = tpu.memref_squeeze %dma_wait3A_564 : memref<1x8x128xi32, #tpu.memory_space<hbm>> -> memref<8x128xi32, #tpu.memory_space<hbm>>
      tpu.wait_dma2 semaphore(%arg13 : memref<!tpu.dma_semaphore, #tpu.memory_space<semaphore_mem>>) src(%dma_wait3A_565 : memref<8x128xi32, #tpu.memory_space<hbm>>) dst(%arg7 : memref<8x128xi32, #tpu.memory_space<vmem>>)
      %dma_wait3A_566 = arith.constant 0 : i32
      %dma_wait3A_567 = tpu.memref_slice %arg4[%add3A, %mul3A_553, %dma_wait3A_566] : memref<32x80x128xi32, #tpu.memory_space<hbm>> -> memref<1x8x128xi32, #tpu.memory_space<hbm>>
      %dma_wait3A_568 = tpu.memref_squeeze %dma_wait3A_567 : memref<1x8x128xi32, #tpu.memory_space<hbm>> -> memref<8x128xi32, #tpu.memory_space<hbm>>
      %dma_wait3A_569 = arith.constant 0 : i32
      %dma_wait3A_570 = tpu.memref_slice %arg4[%add3A, %mul3A_553, %dma_wait3A_569] : memref<32x80x128xi32, #tpu.memory_space<hbm>> -> memref<1x8x128xi32, #tpu.memory_space<hbm>>
      %dma_wait3A_571 = tpu.memref_squeeze %dma_wait3A_570 : memref<1x8x128xi32, #tpu.memory_space<hbm>> -> memref<8x128xi32, #tpu.memory_space<hbm>>
      tpu.wait_dma2 semaphore(%arg13 : memref<!tpu.dma_semaphore, #tpu.memory_space<semaphore_mem>>) src(%dma_wait3A_571 : memref<8x128xi32, #tpu.memory_space<hbm>>) dst(%arg8 : memref<8x128xi32, #tpu.memory_space<vmem>>)
      %mul3A_572 = arith.constant 8 : i32
      %mul3A_573 = arith.muli %while3A_542, %mul3A_572 : i32
      %sub3A_574 = arith.subi %select_n3A, %mul3A_573 : i32
      %min3A = arith.constant 8 : i32
      %min3A_575 = arith.minsi %sub3A_574, %min3A : i32
      %gt3A = arith.constant 0 : i32
      %gt3A_576 = arith.cmpi sgt, %min3A_575, %gt3A : i32
      %convert_element_type3A = arith.extui %gt3A_576 : i1 to i32
      %cond3A = arith.constant 0 : i32
      %cond3A_577 = arith.cmpi ne, %convert_element_type3A, %cond3A : i32
      scf.if %cond3A_577 {
        %dma_start3A_596 = arith.constant 0 : i32
        %dma_start3A_597 = arith.constant 0 : i32
        %dma_start3A_598 = arith.constant 0 : i32
        %dma_start3A_599 = arith.constant 0 : i32
        %dma_start3A_600 = tpu.memref_slice %arg10[%dma_start3A_597, %dma_start3A_598, %dma_start3A_599] : memref<2x128x128xf32, #tpu.memory_space<vmem>> -> memref<1x128x128xf32, #tpu.memory_space<vmem>>
        %dma_start3A_601 = tpu.memref_squeeze %dma_start3A_600 : memref<1x128x128xf32, #tpu.memory_space<vmem>> -> memref<128x128xf32, #tpu.memory_space<vmem>>
        %dma_start3A_602 = arith.constant 0 : i32
        %dma_start3A_603 = tpu.memref_slice %arg7[%dma_start3A_596, %dma_start3A_602] : memref<8x128xi32, #tpu.memory_space<vmem>> -> memref<1x128xi32, #tpu.memory_space<vmem>>
        %dma_start3A_604 = tpu.memref_squeeze %dma_start3A_603 : memref<1x128xi32, #tpu.memory_space<vmem>> -> memref<128xi32, #tpu.memory_space<vmem>>
        %dma_start3A_605 = arith.constant 0 : i32
        %dma_start3A_606 = arith.constant 0 : i32
        %dma_start3A_607 = tpu.memref_slice %arg2[%dma_start3A_605, %dma_start3A_606] : memref<10240x128xf32, #tpu.memory_space<hbm>> -> memref<10240x128xf32, #tpu.memory_space<hbm>>
        tpu.enqueue_indirect_dma source(%dma_start3A_607 : memref<10240x128xf32, #tpu.memory_space<hbm>>) target(%dma_start3A_601 : memref<128x128xf32, #tpu.memory_space<vmem>>) offsets(%dma_start3A_604 : memref<128xi32, #tpu.memory_space<vmem>>) semaphore(%arg13 : memref<!tpu.dma_semaphore, #tpu.memory_space<semaphore_mem>>)
      } else {
      }
      %while3A_578 = arith.constant 0 : i32
      %while3A_579 = arith.constant 0 : i32
      %while3A_580 = arith.subi %min3A_575, %while3A_578 : i32
      %while3A_581 = arith.addi %while3A_578, %while3A_580 : i32
      %while3A_582 = arith.constant 1 : i32
      %while3A_583 = arith.divsi %while3A_580, %while3A_582 : i32
      %while3A_584 = arith.muli %while3A_583, %while3A_582 : i32
      %while3A_585 = arith.addi %while3A_578, %while3A_584 : i32
      %while3A_586 = arith.constant 1 : i32
      %while3A_587 = scf.for %while3A_596 = %while3A_578 to %while3A_585 step %while3A_586 iter_args(%while3A_597 = %while3A_579) -> (i32)  : i32 {
        %jit3A_598 = arith.constant 2 : i32
        %eq3A = arith.constant 0 : i32
        %eq3A_599 = arith.cmpi eq, %jit3A_598, %eq3A : i32
        %jit3A_600 = arith.constant 1 : i32
        %select_n3A_601 = arith.select %eq3A_599, %jit3A_600, %jit3A_598 : i32
        %rem3A_602 = arith.remsi %while3A_596, %select_n3A_601 : i32
        %ne3A_603 = arith.constant 0 : i32
        %ne3A_604 = arith.cmpi ne, %rem3A_602, %ne3A_603 : i32
        %lt3A = arith.constant 0 : i32
        %lt3A_605 = arith.cmpi slt, %rem3A_602, %lt3A : i32
        %lt3A_606 = arith.constant 0 : i32
        %lt3A_607 = arith.cmpi slt, %select_n3A_601, %lt3A_606 : i32
        %ne3A_608 = arith.xori %lt3A_605, %lt3A_607 : i1
        %and3A_609 = arith.andi %ne3A_608, %ne3A_604 : i1
        %add3A_610 = arith.addi %rem3A_602, %select_n3A_601 : i32
        %select_n3A_611 = arith.select %and3A_609, %add3A_610, %rem3A_602 : i32
        %dma_wait3A_612 = arith.constant 0 : i32
        %dma_wait3A_613 = arith.constant 0 : i32
        %dma_wait3A_614 = tpu.memref_slice %arg10[%select_n3A_611, %dma_wait3A_612, %dma_wait3A_613] : memref<2x128x128xf32, #tpu.memory_space<vmem>> -> memref<1x128x128xf32, #tpu.memory_space<vmem>>
        %dma_wait3A_615 = tpu.memref_squeeze %dma_wait3A_614 : memref<1x128x128xf32, #tpu.memory_space<vmem>> -> memref<128x128xf32, #tpu.memory_space<vmem>>
        %dma_wait3A_616 = arith.constant 0 : i32
        %dma_wait3A_617 = tpu.memref_slice %arg7[%while3A_596, %dma_wait3A_616] : memref<8x128xi32, #tpu.memory_space<vmem>> -> memref<1x128xi32, #tpu.memory_space<vmem>>
        %dma_wait3A_618 = tpu.memref_squeeze %dma_wait3A_617 : memref<1x128xi32, #tpu.memory_space<vmem>> -> memref<128xi32, #tpu.memory_space<vmem>>
        %dma_wait3A_619 = arith.constant 0 : i32
        %dma_wait3A_620 = arith.constant 0 : i32
        %dma_wait3A_621 = tpu.memref_slice %arg2[%dma_wait3A_619, %dma_wait3A_620] : memref<10240x128xf32, #tpu.memory_space<hbm>> -> memref<10240x128xf32, #tpu.memory_space<hbm>>
        tpu.wait_indirect_dma semaphore(%arg13 : memref<!tpu.dma_semaphore, #tpu.memory_space<semaphore_mem>>) src(%dma_wait3A_621 : memref<10240x128xf32, #tpu.memory_space<hbm>>) dst(%dma_wait3A_615 : memref<128x128xf32, #tpu.memory_space<vmem>>)
        %ge3A = arith.constant 1 : i32
        %ge3A_622 = arith.cmpi sge, %while3A_596, %ge3A : i32
        %convert_element_type3A_623 = arith.extui %ge3A_622 : i1 to i32
        %cond3A_624 = arith.constant 0 : i32
        %cond3A_625 = arith.cmpi ne, %convert_element_type3A_623, %cond3A_624 : i32
        scf.if %cond3A_625 {
          %sub3A_643 = arith.constant 1 : i32
          %sub3A_644 = arith.subi %sub3A_643, %select_n3A_611 : i32
          %dma_wait3A_645 = arith.constant 0 : i32
          %dma_wait3A_646 = arith.constant 0 : i32
          %dma_wait3A_647 = arith.constant 0 : i32
          %dma_wait3A_648 = tpu.memref_slice %arg10[%sub3A_644, %dma_wait3A_646, %dma_wait3A_647] : memref<2x128x128xf32, #tpu.memory_space<vmem>> -> memref<1x128x128xf32, #tpu.memory_space<vmem>>
          %dma_wait3A_649 = tpu.memref_squeeze %dma_wait3A_648 : memref<1x128x128xf32, #tpu.memory_space<vmem>> -> memref<128x128xf32, #tpu.memory_space<vmem>>
          %dma_wait3A_650 = arith.constant 0 : i32
          %dma_wait3A_651 = tpu.memref_slice %arg8[%dma_wait3A_645, %dma_wait3A_650] : memref<8x128xi32, #tpu.memory_space<vmem>> -> memref<1x128xi32, #tpu.memory_space<vmem>>
          %dma_wait3A_652 = tpu.memref_squeeze %dma_wait3A_651 : memref<1x128xi32, #tpu.memory_space<vmem>> -> memref<128xi32, #tpu.memory_space<vmem>>
          %dma_wait3A_653 = arith.constant 0 : i32
          %dma_wait3A_654 = arith.constant 0 : i32
          %dma_wait3A_655 = tpu.memref_slice %arg12[%dma_wait3A_653, %dma_wait3A_654] : memref<10240x128xf32, #tpu.memory_space<vmem_shared>> -> memref<10240x128xf32, #tpu.memory_space<vmem_shared>>
          tpu.wait_indirect_dma semaphore(%arg14 : memref<!tpu.dma_semaphore, #tpu.memory_space<semaphore_mem>>) src(%dma_wait3A_649 : memref<128x128xf32, #tpu.memory_space<vmem>>) dst(%dma_wait3A_655 : memref<10240x128xf32, #tpu.memory_space<vmem_shared>>)
        } else {
        }
        %add3A_626 = arith.constant 1 : i32
        %add3A_627 = arith.addi %while3A_596, %add3A_626 : i32
        %lt3A_628 = arith.cmpi slt, %add3A_627, %min3A_575 : i32
        %convert_element_type3A_629 = arith.extui %lt3A_628 : i1 to i32
        %cond3A_630 = arith.constant 0 : i32
        %cond3A_631 = arith.cmpi ne, %convert_element_type3A_629, %cond3A_630 : i32
        scf.if %cond3A_631 {
          %add3A_643 = arith.constant 1 : i32
          %add3A_644 = arith.addi %while3A_596, %add3A_643 : i32
          %sub3A_645 = arith.constant 1 : i32
          %sub3A_646 = arith.subi %sub3A_645, %select_n3A_611 : i32
          %dma_start3A_647 = arith.constant 0 : i32
          %dma_start3A_648 = arith.constant 0 : i32
          %dma_start3A_649 = tpu.memref_slice %arg10[%sub3A_646, %dma_start3A_647, %dma_start3A_648] : memref<2x128x128xf32, #tpu.memory_space<vmem>> -> memref<1x128x128xf32, #tpu.memory_space<vmem>>
          %dma_start3A_650 = tpu.memref_squeeze %dma_start3A_649 : memref<1x128x128xf32, #tpu.memory_space<vmem>> -> memref<128x128xf32, #tpu.memory_space<vmem>>
          %dma_start3A_651 = arith.constant 0 : i32
          %dma_start3A_652 = tpu.memref_slice %arg7[%add3A_644, %dma_start3A_651] : memref<8x128xi32, #tpu.memory_space<vmem>> -> memref<1x128xi32, #tpu.memory_space<vmem>>
          %dma_start3A_653 = tpu.memref_squeeze %dma_start3A_652 : memref<1x128xi32, #tpu.memory_space<vmem>> -> memref<128xi32, #tpu.memory_space<vmem>>
          %dma_start3A_654 = arith.constant 0 : i32
          %dma_start3A_655 = arith.constant 0 : i32
          %dma_start3A_656 = tpu.memref_slice %arg2[%dma_start3A_654, %dma_start3A_655] : memref<10240x128xf32, #tpu.memory_space<hbm>> -> memref<10240x128xf32, #tpu.memory_space<hbm>>
          tpu.enqueue_indirect_dma source(%dma_start3A_656 : memref<10240x128xf32, #tpu.memory_space<hbm>>) target(%dma_start3A_650 : memref<128x128xf32, #tpu.memory_space<vmem>>) offsets(%dma_start3A_653 : memref<128xi32, #tpu.memory_space<vmem>>) semaphore(%arg13 : memref<!tpu.dma_semaphore, #tpu.memory_space<semaphore_mem>>)
        } else {
        }
        %dma_start3A_632 = arith.constant 0 : i32
        %dma_start3A_633 = arith.constant 0 : i32
        %dma_start3A_634 = tpu.memref_slice %arg10[%select_n3A_611, %dma_start3A_632, %dma_start3A_633] : memref<2x128x128xf32, #tpu.memory_space<vmem>> -> memref<1x128x128xf32, #tpu.memory_space<vmem>>
        %dma_start3A_635 = tpu.memref_squeeze %dma_start3A_634 : memref<1x128x128xf32, #tpu.memory_space<vmem>> -> memref<128x128xf32, #tpu.memory_space<vmem>>
        %dma_start3A_636 = arith.constant 0 : i32
        %dma_start3A_637 = tpu.memref_slice %arg8[%while3A_596, %dma_start3A_636] : memref<8x128xi32, #tpu.memory_space<vmem>> -> memref<1x128xi32, #tpu.memory_space<vmem>>
        %dma_start3A_638 = tpu.memref_squeeze %dma_start3A_637 : memref<1x128xi32, #tpu.memory_space<vmem>> -> memref<128xi32, #tpu.memory_space<vmem>>
        %dma_start3A_639 = arith.constant 0 : i32
        %dma_start3A_640 = arith.constant 0 : i32
        %dma_start3A_641 = tpu.memref_slice %arg12[%dma_start3A_639, %dma_start3A_640] : memref<10240x128xf32, #tpu.memory_space<vmem_shared>> -> memref<10240x128xf32, #tpu.memory_space<vmem_shared>>
        tpu.enqueue_indirect_dma source(%dma_start3A_635 : memref<128x128xf32, #tpu.memory_space<vmem>>) target(%dma_start3A_641 : memref<10240x128xf32, #tpu.memory_space<vmem_shared>>) offsets(%dma_start3A_638 : memref<128xi32, #tpu.memory_space<vmem>>) semaphore(%arg14 : memref<!tpu.dma_semaphore, #tpu.memory_space<semaphore_mem>>) {add = true}
        %while3A_642 = arith.constant 0 : i32
        scf.yield %while3A_642 : i32
      }
      %while3A_588 = arith.constant 1 : i32
      %while3A_589 = scf.for %while3A_596 = %while3A_585 to %while3A_581 step %while3A_588 iter_args(%while3A_597 = %while3A_587) -> (i32)  : i32 {
        %jit3A_598 = arith.constant 2 : i32
        %eq3A = arith.constant 0 : i32
        %eq3A_599 = arith.cmpi eq, %jit3A_598, %eq3A : i32
        %jit3A_600 = arith.constant 1 : i32
        %select_n3A_601 = arith.select %eq3A_599, %jit3A_600, %jit3A_598 : i32
        %rem3A_602 = arith.remsi %while3A_596, %select_n3A_601 : i32
        %ne3A_603 = arith.constant 0 : i32
        %ne3A_604 = arith.cmpi ne, %rem3A_602, %ne3A_603 : i32
        %lt3A = arith.constant 0 : i32
        %lt3A_605 = arith.cmpi slt, %rem3A_602, %lt3A : i32
        %lt3A_606 = arith.constant 0 : i32
        %lt3A_607 = arith.cmpi slt, %select_n3A_601, %lt3A_606 : i32
        %ne3A_608 = arith.xori %lt3A_605, %lt3A_607 : i1
        %and3A_609 = arith.andi %ne3A_608, %ne3A_604 : i1
        %add3A_610 = arith.addi %rem3A_602, %select_n3A_601 : i32
        %select_n3A_611 = arith.select %and3A_609, %add3A_610, %rem3A_602 : i32
        %dma_wait3A_612 = arith.constant 0 : i32
        %dma_wait3A_613 = arith.constant 0 : i32
        %dma_wait3A_614 = tpu.memref_slice %arg10[%select_n3A_611, %dma_wait3A_612, %dma_wait3A_613] : memref<2x128x128xf32, #tpu.memory_space<vmem>> -> memref<1x128x128xf32, #tpu.memory_space<vmem>>
        %dma_wait3A_615 = tpu.memref_squeeze %dma_wait3A_614 : memref<1x128x128xf32, #tpu.memory_space<vmem>> -> memref<128x128xf32, #tpu.memory_space<vmem>>
        %dma_wait3A_616 = arith.constant 0 : i32
        %dma_wait3A_617 = tpu.memref_slice %arg7[%while3A_596, %dma_wait3A_616] : memref<8x128xi32, #tpu.memory_space<vmem>> -> memref<1x128xi32, #tpu.memory_space<vmem>>
        %dma_wait3A_618 = tpu.memref_squeeze %dma_wait3A_617 : memref<1x128xi32, #tpu.memory_space<vmem>> -> memref<128xi32, #tpu.memory_space<vmem>>
        %dma_wait3A_619 = arith.constant 0 : i32
        %dma_wait3A_620 = arith.constant 0 : i32
        %dma_wait3A_621 = tpu.memref_slice %arg2[%dma_wait3A_619, %dma_wait3A_620] : memref<10240x128xf32, #tpu.memory_space<hbm>> -> memref<10240x128xf32, #tpu.memory_space<hbm>>
        tpu.wait_indirect_dma semaphore(%arg13 : memref<!tpu.dma_semaphore, #tpu.memory_space<semaphore_mem>>) src(%dma_wait3A_621 : memref<10240x128xf32, #tpu.memory_space<hbm>>) dst(%dma_wait3A_615 : memref<128x128xf32, #tpu.memory_space<vmem>>)
        %ge3A = arith.constant 1 : i32
        %ge3A_622 = arith.cmpi sge, %while3A_596, %ge3A : i32
        %convert_element_type3A_623 = arith.extui %ge3A_622 : i1 to i32
        %cond3A_624 = arith.constant 0 : i32
        %cond3A_625 = arith.cmpi ne, %convert_element_type3A_623, %cond3A_624 : i32
        scf.if %cond3A_625 {
          %sub3A_643 = arith.constant 1 : i32
          %sub3A_644 = arith.subi %sub3A_643, %select_n3A_611 : i32
          %dma_wait3A_645 = arith.constant 0 : i32
          %dma_wait3A_646 = arith.constant 0 : i32
          %dma_wait3A_647 = arith.constant 0 : i32
          %dma_wait3A_648 = tpu.memref_slice %arg10[%sub3A_644, %dma_wait3A_646, %dma_wait3A_647] : memref<2x128x128xf32, #tpu.memory_space<vmem>> -> memref<1x128x128xf32, #tpu.memory_space<vmem>>
          %dma_wait3A_649 = tpu.memref_squeeze %dma_wait3A_648 : memref<1x128x128xf32, #tpu.memory_space<vmem>> -> memref<128x128xf32, #tpu.memory_space<vmem>>
          %dma_wait3A_650 = arith.constant 0 : i32
          %dma_wait3A_651 = tpu.memref_slice %arg8[%dma_wait3A_645, %dma_wait3A_650] : memref<8x128xi32, #tpu.memory_space<vmem>> -> memref<1x128xi32, #tpu.memory_space<vmem>>
          %dma_wait3A_652 = tpu.memref_squeeze %dma_wait3A_651 : memref<1x128xi32, #tpu.memory_space<vmem>> -> memref<128xi32, #tpu.memory_space<vmem>>
          %dma_wait3A_653 = arith.constant 0 : i32
          %dma_wait3A_654 = arith.constant 0 : i32
          %dma_wait3A_655 = tpu.memref_slice %arg12[%dma_wait3A_653, %dma_wait3A_654] : memref<10240x128xf32, #tpu.memory_space<vmem_shared>> -> memref<10240x128xf32, #tpu.memory_space<vmem_shared>>
          tpu.wait_indirect_dma semaphore(%arg14 : memref<!tpu.dma_semaphore, #tpu.memory_space<semaphore_mem>>) src(%dma_wait3A_649 : memref<128x128xf32, #tpu.memory_space<vmem>>) dst(%dma_wait3A_655 : memref<10240x128xf32, #tpu.memory_space<vmem_shared>>)
        } else {
        }
        %add3A_626 = arith.constant 1 : i32
        %add3A_627 = arith.addi %while3A_596, %add3A_626 : i32
        %lt3A_628 = arith.cmpi slt, %add3A_627, %min3A_575 : i32
        %convert_element_type3A_629 = arith.extui %lt3A_628 : i1 to i32
        %cond3A_630 = arith.constant 0 : i32
        %cond3A_631 = arith.cmpi ne, %convert_element_type3A_629, %cond3A_630 : i32
        scf.if %cond3A_631 {
          %add3A_643 = arith.constant 1 : i32
          %add3A_644 = arith.addi %while3A_596, %add3A_643 : i32
          %sub3A_645 = arith.constant 1 : i32
          %sub3A_646 = arith.subi %sub3A_645, %select_n3A_611 : i32
          %dma_start3A_647 = arith.constant 0 : i32
          %dma_start3A_648 = arith.constant 0 : i32
          %dma_start3A_649 = tpu.memref_slice %arg10[%sub3A_646, %dma_start3A_647, %dma_start3A_648] : memref<2x128x128xf32, #tpu.memory_space<vmem>> -> memref<1x128x128xf32, #tpu.memory_space<vmem>>
          %dma_start3A_650 = tpu.memref_squeeze %dma_start3A_649 : memref<1x128x128xf32, #tpu.memory_space<vmem>> -> memref<128x128xf32, #tpu.memory_space<vmem>>
          %dma_start3A_651 = arith.constant 0 : i32
          %dma_start3A_652 = tpu.memref_slice %arg7[%add3A_644, %dma_start3A_651] : memref<8x128xi32, #tpu.memory_space<vmem>> -> memref<1x128xi32, #tpu.memory_space<vmem>>
          %dma_start3A_653 = tpu.memref_squeeze %dma_start3A_652 : memref<1x128xi32, #tpu.memory_space<vmem>> -> memref<128xi32, #tpu.memory_space<vmem>>
          %dma_start3A_654 = arith.constant 0 : i32
          %dma_start3A_655 = arith.constant 0 : i32
          %dma_start3A_656 = tpu.memref_slice %arg2[%dma_start3A_654, %dma_start3A_655] : memref<10240x128xf32, #tpu.memory_space<hbm>> -> memref<10240x128xf32, #tpu.memory_space<hbm>>
          tpu.enqueue_indirect_dma source(%dma_start3A_656 : memref<10240x128xf32, #tpu.memory_space<hbm>>) target(%dma_start3A_650 : memref<128x128xf32, #tpu.memory_space<vmem>>) offsets(%dma_start3A_653 : memref<128xi32, #tpu.memory_space<vmem>>) semaphore(%arg13 : memref<!tpu.dma_semaphore, #tpu.memory_space<semaphore_mem>>)
        } else {
        }
        %dma_start3A_632 = arith.constant 0 : i32
        %dma_start3A_633 = arith.constant 0 : i32
        %dma_start3A_634 = tpu.memref_slice %arg10[%select_n3A_611, %dma_start3A_632, %dma_start3A_633] : memref<2x128x128xf32, #tpu.memory_space<vmem>> -> memref<1x128x128xf32, #tpu.memory_space<vmem>>
        %dma_start3A_635 = tpu.memref_squeeze %dma_start3A_634 : memref<1x128x128xf32, #tpu.memory_space<vmem>> -> memref<128x128xf32, #tpu.memory_space<vmem>>
        %dma_start3A_636 = arith.constant 0 : i32
        %dma_start3A_637 = tpu.memref_slice %arg8[%while3A_596, %dma_start3A_636] : memref<8x128xi32, #tpu.memory_space<vmem>> -> memref<1x128xi32, #tpu.memory_space<vmem>>
        %dma_start3A_638 = tpu.memref_squeeze %dma_start3A_637 : memref<1x128xi32, #tpu.memory_space<vmem>> -> memref<128xi32, #tpu.memory_space<vmem>>
        %dma_start3A_639 = arith.constant 0 : i32
        %dma_start3A_640 = arith.constant 0 : i32
        %dma_start3A_641 = tpu.memref_slice %arg12[%dma_start3A_639, %dma_start3A_640] : memref<10240x128xf32, #tpu.memory_space<vmem_shared>> -> memref<10240x128xf32, #tpu.memory_space<vmem_shared>>
        tpu.enqueue_indirect_dma source(%dma_start3A_635 : memref<128x128xf32, #tpu.memory_space<vmem>>) target(%dma_start3A_641 : memref<10240x128xf32, #tpu.memory_space<vmem_shared>>) offsets(%dma_start3A_638 : memref<128xi32, #tpu.memory_space<vmem>>) semaphore(%arg14 : memref<!tpu.dma_semaphore, #tpu.memory_space<semaphore_mem>>) {add = true}
        %while3A_642 = arith.constant 0 : i32
        scf.yield %while3A_642 : i32
      }
      %gt3A_590 = arith.constant 0 : i32
      %gt3A_591 = arith.cmpi sgt, %min3A_575, %gt3A_590 : i32
      %convert_element_type3A_592 = arith.extui %gt3A_591 : i1 to i32
      %cond3A_593 = arith.constant 0 : i32
      %cond3A_594 = arith.cmpi ne, %convert_element_type3A_592, %cond3A_593 : i32
      scf.if %cond3A_594 {
        %sub3A_596 = arith.constant 1 : i32
        %sub3A_597 = arith.subi %min3A_575, %sub3A_596 : i32
        %jit3A_598 = arith.constant 2 : i32
        %eq3A = arith.constant 0 : i32
        %eq3A_599 = arith.cmpi eq, %jit3A_598, %eq3A : i32
        %jit3A_600 = arith.constant 1 : i32
        %select_n3A_601 = arith.select %eq3A_599, %jit3A_600, %jit3A_598 : i32
        %rem3A_602 = arith.remsi %sub3A_597, %select_n3A_601 : i32
        %ne3A_603 = arith.constant 0 : i32
        %ne3A_604 = arith.cmpi ne, %rem3A_602, %ne3A_603 : i32
        %lt3A = arith.constant 0 : i32
        %lt3A_605 = arith.cmpi slt, %rem3A_602, %lt3A : i32
        %lt3A_606 = arith.constant 0 : i32
        %lt3A_607 = arith.cmpi slt, %select_n3A_601, %lt3A_606 : i32
        %ne3A_608 = arith.xori %lt3A_605, %lt3A_607 : i1
        %and3A_609 = arith.andi %ne3A_608, %ne3A_604 : i1
        %add3A_610 = arith.addi %rem3A_602, %select_n3A_601 : i32
        %select_n3A_611 = arith.select %and3A_609, %add3A_610, %rem3A_602 : i32
        %dma_wait3A_612 = arith.constant 0 : i32
        %dma_wait3A_613 = arith.constant 0 : i32
        %dma_wait3A_614 = arith.constant 0 : i32
        %dma_wait3A_615 = tpu.memref_slice %arg10[%select_n3A_611, %dma_wait3A_613, %dma_wait3A_614] : memref<2x128x128xf32, #tpu.memory_space<vmem>> -> memref<1x128x128xf32, #tpu.memory_space<vmem>>
        %dma_wait3A_616 = tpu.memref_squeeze %dma_wait3A_615 : memref<1x128x128xf32, #tpu.memory_space<vmem>> -> memref<128x128xf32, #tpu.memory_space<vmem>>
        %dma_wait3A_617 = arith.constant 0 : i32
        %dma_wait3A_618 = tpu.memref_slice %arg8[%dma_wait3A_612, %dma_wait3A_617] : memref<8x128xi32, #tpu.memory_space<vmem>> -> memref<1x128xi32, #tpu.memory_space<vmem>>
        %dma_wait3A_619 = tpu.memref_squeeze %dma_wait3A_618 : memref<1x128xi32, #tpu.memory_space<vmem>> -> memref<128xi32, #tpu.memory_space<vmem>>
        %dma_wait3A_620 = arith.constant 0 : i32
        %dma_wait3A_621 = arith.constant 0 : i32
        %dma_wait3A_622 = tpu.memref_slice %arg12[%dma_wait3A_620, %dma_wait3A_621] : memref<10240x128xf32, #tpu.memory_space<vmem_shared>> -> memref<10240x128xf32, #tpu.memory_space<vmem_shared>>
        tpu.wait_indirect_dma semaphore(%arg14 : memref<!tpu.dma_semaphore, #tpu.memory_space<semaphore_mem>>) src(%dma_wait3A_616 : memref<128x128xf32, #tpu.memory_space<vmem>>) dst(%dma_wait3A_622 : memref<10240x128xf32, #tpu.memory_space<vmem_shared>>)
      } else {
      }
      %while3A_595 = arith.constant 0 : i32
      scf.yield %while3A_595 : i32
    }
    %barrier3A_301 = arith.constant 0 : index
    tpu.barrier barrier_id(%barrier3A_301)
    %mul3A_302 = arith.constant 640 : i32
    %mul3A_303 = arith.muli %arg1, %mul3A_302 : i32
    %add3A_304 = arith.constant 0 : i32
    %add3A_305 = arith.addi %mul3A_303, %add3A_304 : i32
    %mul3A_306 = arith.constant 640 : i32
    %mul3A_307 = arith.muli %arg1, %mul3A_306 : i32
    %add3A_308 = arith.constant 0 : i32
    %add3A_309 = arith.addi %mul3A_307, %add3A_308 : i32
    %dma_start3A_310 = arith.constant 0 : i32
    %dma_start3A_311 = arith.constant 0 : i32
    %dma_start3A_312 = tpu.memref_slice %arg6[%arg0, %dma_start3A_310, %dma_start3A_311] : memref<2x10240x128xf32, #tpu.memory_space<hbm>> -> memref<1x10240x128xf32, #tpu.memory_space<hbm>>
    %dma_start3A_313 = tpu.memref_squeeze %dma_start3A_312 : memref<1x10240x128xf32, #tpu.memory_space<hbm>> -> memref<10240x128xf32, #tpu.memory_space<hbm>>
    %dma_start3A_314 = arith.constant 0 : i32
    %dma_start3A_315 = tpu.memref_slice %dma_start3A_313[%add3A_309, %dma_start3A_314] : memref<10240x128xf32, #tpu.memory_space<hbm>> -> memref<64x128xf32, #tpu.memory_space<hbm>>
    %dma_start3A_316 = arith.constant 0 : i32
    %dma_start3A_317 = tpu.memref_slice %arg12[%add3A_305, %dma_start3A_316] : memref<10240x128xf32, #tpu.memory_space<vmem_shared>> -> memref<64x128xf32, #tpu.memory_space<vmem_shared>>
    tpu.enqueue_dma source(%dma_start3A_317 : memref<64x128xf32, #tpu.memory_space<vmem_shared>>) target(%dma_start3A_315 : memref<64x128xf32, #tpu.memory_space<hbm>>) target_semaphore(%arg14 : memref<!tpu.dma_semaphore, #tpu.memory_space<semaphore_mem>>)
    %mul3A_318 = arith.constant 640 : i32
    %mul3A_319 = arith.muli %arg1, %mul3A_318 : i32
    %add3A_320 = arith.constant 64 : i32
    %add3A_321 = arith.addi %mul3A_319, %add3A_320 : i32
    %mul3A_322 = arith.constant 640 : i32
    %mul3A_323 = arith.muli %arg1, %mul3A_322 : i32
    %add3A_324 = arith.constant 64 : i32
    %add3A_325 = arith.addi %mul3A_323, %add3A_324 : i32
    %dma_start3A_326 = arith.constant 0 : i32
    %dma_start3A_327 = arith.constant 0 : i32
    %dma_start3A_328 = tpu.memref_slice %arg6[%arg0, %dma_start3A_326, %dma_start3A_327] : memref<2x10240x128xf32, #tpu.memory_space<hbm>> -> memref<1x10240x128xf32, #tpu.memory_space<hbm>>
    %dma_start3A_329 = tpu.memref_squeeze %dma_start3A_328 : memref<1x10240x128xf32, #tpu.memory_space<hbm>> -> memref<10240x128xf32, #tpu.memory_space<hbm>>
    %dma_start3A_330 = arith.constant 0 : i32
    %dma_start3A_331 = tpu.memref_slice %dma_start3A_329[%add3A_325, %dma_start3A_330] : memref<10240x128xf32, #tpu.memory_space<hbm>> -> memref<64x128xf32, #tpu.memory_space<hbm>>
    %dma_start3A_332 = arith.constant 0 : i32
    %dma_start3A_333 = tpu.memref_slice %arg12[%add3A_321, %dma_start3A_332] : memref<10240x128xf32, #tpu.memory_space<vmem_shared>> -> memref<64x128xf32, #tpu.memory_space<vmem_shared>>
    tpu.enqueue_dma source(%dma_start3A_333 : memref<64x128xf32, #tpu.memory_space<vmem_shared>>) target(%dma_start3A_331 : memref<64x128xf32, #tpu.memory_space<hbm>>) target_semaphore(%arg14 : memref<!tpu.dma_semaphore, #tpu.memory_space<semaphore_mem>>)
    %mul3A_334 = arith.constant 640 : i32
    %mul3A_335 = arith.muli %arg1, %mul3A_334 : i32
    %add3A_336 = arith.constant 128 : i32
    %add3A_337 = arith.addi %mul3A_335, %add3A_336 : i32
    %mul3A_338 = arith.constant 640 : i32
    %mul3A_339 = arith.muli %arg1, %mul3A_338 : i32
    %add3A_340 = arith.constant 128 : i32
    %add3A_341 = arith.addi %mul3A_339, %add3A_340 : i32
    %dma_start3A_342 = arith.constant 0 : i32
    %dma_start3A_343 = arith.constant 0 : i32
    %dma_start3A_344 = tpu.memref_slice %arg6[%arg0, %dma_start3A_342, %dma_start3A_343] : memref<2x10240x128xf32, #tpu.memory_space<hbm>> -> memref<1x10240x128xf32, #tpu.memory_space<hbm>>
    %dma_start3A_345 = tpu.memref_squeeze %dma_start3A_344 : memref<1x10240x128xf32, #tpu.memory_space<hbm>> -> memref<10240x128xf32, #tpu.memory_space<hbm>>
    %dma_start3A_346 = arith.constant 0 : i32
    %dma_start3A_347 = tpu.memref_slice %dma_start3A_345[%add3A_341, %dma_start3A_346] : memref<10240x128xf32, #tpu.memory_space<hbm>> -> memref<64x128xf32, #tpu.memory_space<hbm>>
    %dma_start3A_348 = arith.constant 0 : i32
    %dma_start3A_349 = tpu.memref_slice %arg12[%add3A_337, %dma_start3A_348] : memref<10240x128xf32, #tpu.memory_space<vmem_shared>> -> memref<64x128xf32, #tpu.memory_space<vmem_shared>>
    tpu.enqueue_dma source(%dma_start3A_349 : memref<64x128xf32, #tpu.memory_space<vmem_shared>>) target(%dma_start3A_347 : memref<64x128xf32, #tpu.memory_space<hbm>>) target_semaphore(%arg14 : memref<!tpu.dma_semaphore, #tpu.memory_space<semaphore_mem>>)
    %mul3A_350 = arith.constant 640 : i32
    %mul3A_351 = arith.muli %arg1, %mul3A_350 : i32
    %add3A_352 = arith.constant 192 : i32
    %add3A_353 = arith.addi %mul3A_351, %add3A_352 : i32
    %mul3A_354 = arith.constant 640 : i32
    %mul3A_355 = arith.muli %arg1, %mul3A_354 : i32
    %add3A_356 = arith.constant 192 : i32
    %add3A_357 = arith.addi %mul3A_355, %add3A_356 : i32
    %dma_start3A_358 = arith.constant 0 : i32
    %dma_start3A_359 = arith.constant 0 : i32
    %dma_start3A_360 = tpu.memref_slice %arg6[%arg0, %dma_start3A_358, %dma_start3A_359] : memref<2x10240x128xf32, #tpu.memory_space<hbm>> -> memref<1x10240x128xf32, #tpu.memory_space<hbm>>
    %dma_start3A_361 = tpu.memref_squeeze %dma_start3A_360 : memref<1x10240x128xf32, #tpu.memory_space<hbm>> -> memref<10240x128xf32, #tpu.memory_space<hbm>>
    %dma_start3A_362 = arith.constant 0 : i32
    %dma_start3A_363 = tpu.memref_slice %dma_start3A_361[%add3A_357, %dma_start3A_362] : memref<10240x128xf32, #tpu.memory_space<hbm>> -> memref<64x128xf32, #tpu.memory_space<hbm>>
    %dma_start3A_364 = arith.constant 0 : i32
    %dma_start3A_365 = tpu.memref_slice %arg12[%add3A_353, %dma_start3A_364] : memref<10240x128xf32, #tpu.memory_space<vmem_shared>> -> memref<64x128xf32, #tpu.memory_space<vmem_shared>>
    tpu.enqueue_dma source(%dma_start3A_365 : memref<64x128xf32, #tpu.memory_space<vmem_shared>>) target(%dma_start3A_363 : memref<64x128xf32, #tpu.memory_space<hbm>>) target_semaphore(%arg14 : memref<!tpu.dma_semaphore, #tpu.memory_space<semaphore_mem>>)
    %mul3A_366 = arith.constant 640 : i32
    %mul3A_367 = arith.muli %arg1, %mul3A_366 : i32
    %add3A_368 = arith.constant 256 : i32
    %add3A_369 = arith.addi %mul3A_367, %add3A_368 : i32
    %mul3A_370 = arith.constant 640 : i32
    %mul3A_371 = arith.muli %arg1, %mul3A_370 : i32
    %add3A_372 = arith.constant 256 : i32
    %add3A_373 = arith.addi %mul3A_371, %add3A_372 : i32
    %dma_start3A_374 = arith.constant 0 : i32
    %dma_start3A_375 = arith.constant 0 : i32
    %dma_start3A_376 = tpu.memref_slice %arg6[%arg0, %dma_start3A_374, %dma_start3A_375] : memref<2x10240x128xf32, #tpu.memory_space<hbm>> -> memref<1x10240x128xf32, #tpu.memory_space<hbm>>
    %dma_start3A_377 = tpu.memref_squeeze %dma_start3A_376 : memref<1x10240x128xf32, #tpu.memory_space<hbm>> -> memref<10240x128xf32, #tpu.memory_space<hbm>>
    %dma_start3A_378 = arith.constant 0 : i32
    %dma_start3A_379 = tpu.memref_slice %dma_start3A_377[%add3A_373, %dma_start3A_378] : memref<10240x128xf32, #tpu.memory_space<hbm>> -> memref<64x128xf32, #tpu.memory_space<hbm>>
    %dma_start3A_380 = arith.constant 0 : i32
    %dma_start3A_381 = tpu.memref_slice %arg12[%add3A_369, %dma_start3A_380] : memref<10240x128xf32, #tpu.memory_space<vmem_shared>> -> memref<64x128xf32, #tpu.memory_space<vmem_shared>>
    tpu.enqueue_dma source(%dma_start3A_381 : memref<64x128xf32, #tpu.memory_space<vmem_shared>>) target(%dma_start3A_379 : memref<64x128xf32, #tpu.memory_space<hbm>>) target_semaphore(%arg14 : memref<!tpu.dma_semaphore, #tpu.memory_space<semaphore_mem>>)
    %mul3A_382 = arith.constant 640 : i32
    %mul3A_383 = arith.muli %arg1, %mul3A_382 : i32
    %add3A_384 = arith.constant 320 : i32
    %add3A_385 = arith.addi %mul3A_383, %add3A_384 : i32
    %mul3A_386 = arith.constant 640 : i32
    %mul3A_387 = arith.muli %arg1, %mul3A_386 : i32
    %add3A_388 = arith.constant 320 : i32
    %add3A_389 = arith.addi %mul3A_387, %add3A_388 : i32
    %dma_start3A_390 = arith.constant 0 : i32
    %dma_start3A_391 = arith.constant 0 : i32
    %dma_start3A_392 = tpu.memref_slice %arg6[%arg0, %dma_start3A_390, %dma_start3A_391] : memref<2x10240x128xf32, #tpu.memory_space<hbm>> -> memref<1x10240x128xf32, #tpu.memory_space<hbm>>
    %dma_start3A_393 = tpu.memref_squeeze %dma_start3A_392 : memref<1x10240x128xf32, #tpu.memory_space<hbm>> -> memref<10240x128xf32, #tpu.memory_space<hbm>>
    %dma_start3A_394 = arith.constant 0 : i32
    %dma_start3A_395 = tpu.memref_slice %dma_start3A_393[%add3A_389, %dma_start3A_394] : memref<10240x128xf32, #tpu.memory_space<hbm>> -> memref<64x128xf32, #tpu.memory_space<hbm>>
    %dma_start3A_396 = arith.constant 0 : i32
    %dma_start3A_397 = tpu.memref_slice %arg12[%add3A_385, %dma_start3A_396] : memref<10240x128xf32, #tpu.memory_space<vmem_shared>> -> memref<64x128xf32, #tpu.memory_space<vmem_shared>>
    tpu.enqueue_dma source(%dma_start3A_397 : memref<64x128xf32, #tpu.memory_space<vmem_shared>>) target(%dma_start3A_395 : memref<64x128xf32, #tpu.memory_space<hbm>>) target_semaphore(%arg14 : memref<!tpu.dma_semaphore, #tpu.memory_space<semaphore_mem>>)
    %mul3A_398 = arith.constant 640 : i32
    %mul3A_399 = arith.muli %arg1, %mul3A_398 : i32
    %add3A_400 = arith.constant 384 : i32
    %add3A_401 = arith.addi %mul3A_399, %add3A_400 : i32
    %mul3A_402 = arith.constant 640 : i32
    %mul3A_403 = arith.muli %arg1, %mul3A_402 : i32
    %add3A_404 = arith.constant 384 : i32
    %add3A_405 = arith.addi %mul3A_403, %add3A_404 : i32
    %dma_start3A_406 = arith.constant 0 : i32
    %dma_start3A_407 = arith.constant 0 : i32
    %dma_start3A_408 = tpu.memref_slice %arg6[%arg0, %dma_start3A_406, %dma_start3A_407] : memref<2x10240x128xf32, #tpu.memory_space<hbm>> -> memref<1x10240x128xf32, #tpu.memory_space<hbm>>
    %dma_start3A_409 = tpu.memref_squeeze %dma_start3A_408 : memref<1x10240x128xf32, #tpu.memory_space<hbm>> -> memref<10240x128xf32, #tpu.memory_space<hbm>>
    %dma_start3A_410 = arith.constant 0 : i32
    %dma_start3A_411 = tpu.memref_slice %dma_start3A_409[%add3A_405, %dma_start3A_410] : memref<10240x128xf32, #tpu.memory_space<hbm>> -> memref<64x128xf32, #tpu.memory_space<hbm>>
    %dma_start3A_412 = arith.constant 0 : i32
    %dma_start3A_413 = tpu.memref_slice %arg12[%add3A_401, %dma_start3A_412] : memref<10240x128xf32, #tpu.memory_space<vmem_shared>> -> memref<64x128xf32, #tpu.memory_space<vmem_shared>>
    tpu.enqueue_dma source(%dma_start3A_413 : memref<64x128xf32, #tpu.memory_space<vmem_shared>>) target(%dma_start3A_411 : memref<64x128xf32, #tpu.memory_space<hbm>>) target_semaphore(%arg14 : memref<!tpu.dma_semaphore, #tpu.memory_space<semaphore_mem>>)
    %mul3A_414 = arith.constant 640 : i32
    %mul3A_415 = arith.muli %arg1, %mul3A_414 : i32
    %add3A_416 = arith.constant 448 : i32
    %add3A_417 = arith.addi %mul3A_415, %add3A_416 : i32
    %mul3A_418 = arith.constant 640 : i32
    %mul3A_419 = arith.muli %arg1, %mul3A_418 : i32
    %add3A_420 = arith.constant 448 : i32
    %add3A_421 = arith.addi %mul3A_419, %add3A_420 : i32
    %dma_start3A_422 = arith.constant 0 : i32
    %dma_start3A_423 = arith.constant 0 : i32
    %dma_start3A_424 = tpu.memref_slice %arg6[%arg0, %dma_start3A_422, %dma_start3A_423] : memref<2x10240x128xf32, #tpu.memory_space<hbm>> -> memref<1x10240x128xf32, #tpu.memory_space<hbm>>
    %dma_start3A_425 = tpu.memref_squeeze %dma_start3A_424 : memref<1x10240x128xf32, #tpu.memory_space<hbm>> -> memref<10240x128xf32, #tpu.memory_space<hbm>>
    %dma_start3A_426 = arith.constant 0 : i32
    %dma_start3A_427 = tpu.memref_slice %dma_start3A_425[%add3A_421, %dma_start3A_426] : memref<10240x128xf32, #tpu.memory_space<hbm>> -> memref<64x128xf32, #tpu.memory_space<hbm>>
    %dma_start3A_428 = arith.constant 0 : i32
    %dma_start3A_429 = tpu.memref_slice %arg12[%add3A_417, %dma_start3A_428] : memref<10240x128xf32, #tpu.memory_space<vmem_shared>> -> memref<64x128xf32, #tpu.memory_space<vmem_shared>>
    tpu.enqueue_dma source(%dma_start3A_429 : memref<64x128xf32, #tpu.memory_space<vmem_shared>>) target(%dma_start3A_427 : memref<64x128xf32, #tpu.memory_space<hbm>>) target_semaphore(%arg14 : memref<!tpu.dma_semaphore, #tpu.memory_space<semaphore_mem>>)
    %mul3A_430 = arith.constant 640 : i32
    %mul3A_431 = arith.muli %arg1, %mul3A_430 : i32
    %add3A_432 = arith.constant 512 : i32
    %add3A_433 = arith.addi %mul3A_431, %add3A_432 : i32
    %mul3A_434 = arith.constant 640 : i32
    %mul3A_435 = arith.muli %arg1, %mul3A_434 : i32
    %add3A_436 = arith.constant 512 : i32
    %add3A_437 = arith.addi %mul3A_435, %add3A_436 : i32
    %dma_start3A_438 = arith.constant 0 : i32
    %dma_start3A_439 = arith.constant 0 : i32
    %dma_start3A_440 = tpu.memref_slice %arg6[%arg0, %dma_start3A_438, %dma_start3A_439] : memref<2x10240x128xf32, #tpu.memory_space<hbm>> -> memref<1x10240x128xf32, #tpu.memory_space<hbm>>
    %dma_start3A_441 = tpu.memref_squeeze %dma_start3A_440 : memref<1x10240x128xf32, #tpu.memory_space<hbm>> -> memref<10240x128xf32, #tpu.memory_space<hbm>>
    %dma_start3A_442 = arith.constant 0 : i32
    %dma_start3A_443 = tpu.memref_slice %dma_start3A_441[%add3A_437, %dma_start3A_442] : memref<10240x128xf32, #tpu.memory_space<hbm>> -> memref<64x128xf32, #tpu.memory_space<hbm>>
    %dma_start3A_444 = arith.constant 0 : i32
    %dma_start3A_445 = tpu.memref_slice %arg12[%add3A_433, %dma_start3A_444] : memref<10240x128xf32, #tpu.memory_space<vmem_shared>> -> memref<64x128xf32, #tpu.memory_space<vmem_shared>>
    tpu.enqueue_dma source(%dma_start3A_445 : memref<64x128xf32, #tpu.memory_space<vmem_shared>>) target(%dma_start3A_443 : memref<64x128xf32, #tpu.memory_space<hbm>>) target_semaphore(%arg14 : memref<!tpu.dma_semaphore, #tpu.memory_space<semaphore_mem>>)
    %mul3A_446 = arith.constant 640 : i32
    %mul3A_447 = arith.muli %arg1, %mul3A_446 : i32
    %add3A_448 = arith.constant 576 : i32
    %add3A_449 = arith.addi %mul3A_447, %add3A_448 : i32
    %mul3A_450 = arith.constant 640 : i32
    %mul3A_451 = arith.muli %arg1, %mul3A_450 : i32
    %add3A_452 = arith.constant 576 : i32
    %add3A_453 = arith.addi %mul3A_451, %add3A_452 : i32
    %dma_start3A_454 = arith.constant 0 : i32
    %dma_start3A_455 = arith.constant 0 : i32
    %dma_start3A_456 = tpu.memref_slice %arg6[%arg0, %dma_start3A_454, %dma_start3A_455] : memref<2x10240x128xf32, #tpu.memory_space<hbm>> -> memref<1x10240x128xf32, #tpu.memory_space<hbm>>
    %dma_start3A_457 = tpu.memref_squeeze %dma_start3A_456 : memref<1x10240x128xf32, #tpu.memory_space<hbm>> -> memref<10240x128xf32, #tpu.memory_space<hbm>>
    %dma_start3A_458 = arith.constant 0 : i32
    %dma_start3A_459 = tpu.memref_slice %dma_start3A_457[%add3A_453, %dma_start3A_458] : memref<10240x128xf32, #tpu.memory_space<hbm>> -> memref<64x128xf32, #tpu.memory_space<hbm>>
    %dma_start3A_460 = arith.constant 0 : i32
    %dma_start3A_461 = tpu.memref_slice %arg12[%add3A_449, %dma_start3A_460] : memref<10240x128xf32, #tpu.memory_space<vmem_shared>> -> memref<64x128xf32, #tpu.memory_space<vmem_shared>>
    tpu.enqueue_dma source(%dma_start3A_461 : memref<64x128xf32, #tpu.memory_space<vmem_shared>>) target(%dma_start3A_459 : memref<64x128xf32, #tpu.memory_space<hbm>>) target_semaphore(%arg14 : memref<!tpu.dma_semaphore, #tpu.memory_space<semaphore_mem>>)
    %dma_wait3A_462 = arith.constant 0 : i32
    %dma_wait3A_463 = arith.constant 0 : i32
    %dma_wait3A_464 = tpu.memref_slice %arg6[%arg0, %dma_wait3A_462, %dma_wait3A_463] : memref<2x10240x128xf32, #tpu.memory_space<hbm>> -> memref<1x10240x128xf32, #tpu.memory_space<hbm>>
    %dma_wait3A_465 = tpu.memref_squeeze %dma_wait3A_464 : memref<1x10240x128xf32, #tpu.memory_space<hbm>> -> memref<10240x128xf32, #tpu.memory_space<hbm>>
    %dma_wait3A_466 = arith.constant 0 : i32
    %dma_wait3A_467 = tpu.memref_slice %dma_wait3A_465[%add3A_309, %dma_wait3A_466] : memref<10240x128xf32, #tpu.memory_space<hbm>> -> memref<64x128xf32, #tpu.memory_space<hbm>>
    %dma_wait3A_468 = arith.constant 0 : i32
    %dma_wait3A_469 = tpu.memref_slice %arg12[%add3A_305, %dma_wait3A_468] : memref<10240x128xf32, #tpu.memory_space<vmem_shared>> -> memref<64x128xf32, #tpu.memory_space<vmem_shared>>
    tpu.wait_dma2 semaphore(%arg14 : memref<!tpu.dma_semaphore, #tpu.memory_space<semaphore_mem>>) src(%dma_wait3A_469 : memref<64x128xf32, #tpu.memory_space<vmem_shared>>) dst(%dma_wait3A_467 : memref<64x128xf32, #tpu.memory_space<hbm>>)
    %dma_wait3A_470 = arith.constant 0 : i32
    %dma_wait3A_471 = arith.constant 0 : i32
    %dma_wait3A_472 = tpu.memref_slice %arg6[%arg0, %dma_wait3A_470, %dma_wait3A_471] : memref<2x10240x128xf32, #tpu.memory_space<hbm>> -> memref<1x10240x128xf32, #tpu.memory_space<hbm>>
    %dma_wait3A_473 = tpu.memref_squeeze %dma_wait3A_472 : memref<1x10240x128xf32, #tpu.memory_space<hbm>> -> memref<10240x128xf32, #tpu.memory_space<hbm>>
    %dma_wait3A_474 = arith.constant 0 : i32
    %dma_wait3A_475 = tpu.memref_slice %dma_wait3A_473[%add3A_325, %dma_wait3A_474] : memref<10240x128xf32, #tpu.memory_space<hbm>> -> memref<64x128xf32, #tpu.memory_space<hbm>>
    %dma_wait3A_476 = arith.constant 0 : i32
    %dma_wait3A_477 = tpu.memref_slice %arg12[%add3A_321, %dma_wait3A_476] : memref<10240x128xf32, #tpu.memory_space<vmem_shared>> -> memref<64x128xf32, #tpu.memory_space<vmem_shared>>
    tpu.wait_dma2 semaphore(%arg14 : memref<!tpu.dma_semaphore, #tpu.memory_space<semaphore_mem>>) src(%dma_wait3A_477 : memref<64x128xf32, #tpu.memory_space<vmem_shared>>) dst(%dma_wait3A_475 : memref<64x128xf32, #tpu.memory_space<hbm>>)
    %dma_wait3A_478 = arith.constant 0 : i32
    %dma_wait3A_479 = arith.constant 0 : i32
    %dma_wait3A_480 = tpu.memref_slice %arg6[%arg0, %dma_wait3A_478, %dma_wait3A_479] : memref<2x10240x128xf32, #tpu.memory_space<hbm>> -> memref<1x10240x128xf32, #tpu.memory_space<hbm>>
    %dma_wait3A_481 = tpu.memref_squeeze %dma_wait3A_480 : memref<1x10240x128xf32, #tpu.memory_space<hbm>> -> memref<10240x128xf32, #tpu.memory_space<hbm>>
    %dma_wait3A_482 = arith.constant 0 : i32
    %dma_wait3A_483 = tpu.memref_slice %dma_wait3A_481[%add3A_341, %dma_wait3A_482] : memref<10240x128xf32, #tpu.memory_space<hbm>> -> memref<64x128xf32, #tpu.memory_space<hbm>>
    %dma_wait3A_484 = arith.constant 0 : i32
    %dma_wait3A_485 = tpu.memref_slice %arg12[%add3A_337, %dma_wait3A_484] : memref<10240x128xf32, #tpu.memory_space<vmem_shared>> -> memref<64x128xf32, #tpu.memory_space<vmem_shared>>
    tpu.wait_dma2 semaphore(%arg14 : memref<!tpu.dma_semaphore, #tpu.memory_space<semaphore_mem>>) src(%dma_wait3A_485 : memref<64x128xf32, #tpu.memory_space<vmem_shared>>) dst(%dma_wait3A_483 : memref<64x128xf32, #tpu.memory_space<hbm>>)
    %dma_wait3A_486 = arith.constant 0 : i32
    %dma_wait3A_487 = arith.constant 0 : i32
    %dma_wait3A_488 = tpu.memref_slice %arg6[%arg0, %dma_wait3A_486, %dma_wait3A_487] : memref<2x10240x128xf32, #tpu.memory_space<hbm>> -> memref<1x10240x128xf32, #tpu.memory_space<hbm>>
    %dma_wait3A_489 = tpu.memref_squeeze %dma_wait3A_488 : memref<1x10240x128xf32, #tpu.memory_space<hbm>> -> memref<10240x128xf32, #tpu.memory_space<hbm>>
    %dma_wait3A_490 = arith.constant 0 : i32
    %dma_wait3A_491 = tpu.memref_slice %dma_wait3A_489[%add3A_357, %dma_wait3A_490] : memref<10240x128xf32, #tpu.memory_space<hbm>> -> memref<64x128xf32, #tpu.memory_space<hbm>>
    %dma_wait3A_492 = arith.constant 0 : i32
    %dma_wait3A_493 = tpu.memref_slice %arg12[%add3A_353, %dma_wait3A_492] : memref<10240x128xf32, #tpu.memory_space<vmem_shared>> -> memref<64x128xf32, #tpu.memory_space<vmem_shared>>
    tpu.wait_dma2 semaphore(%arg14 : memref<!tpu.dma_semaphore, #tpu.memory_space<semaphore_mem>>) src(%dma_wait3A_493 : memref<64x128xf32, #tpu.memory_space<vmem_shared>>) dst(%dma_wait3A_491 : memref<64x128xf32, #tpu.memory_space<hbm>>)
    %dma_wait3A_494 = arith.constant 0 : i32
    %dma_wait3A_495 = arith.constant 0 : i32
    %dma_wait3A_496 = tpu.memref_slice %arg6[%arg0, %dma_wait3A_494, %dma_wait3A_495] : memref<2x10240x128xf32, #tpu.memory_space<hbm>> -> memref<1x10240x128xf32, #tpu.memory_space<hbm>>
    %dma_wait3A_497 = tpu.memref_squeeze %dma_wait3A_496 : memref<1x10240x128xf32, #tpu.memory_space<hbm>> -> memref<10240x128xf32, #tpu.memory_space<hbm>>
    %dma_wait3A_498 = arith.constant 0 : i32
    %dma_wait3A_499 = tpu.memref_slice %dma_wait3A_497[%add3A_373, %dma_wait3A_498] : memref<10240x128xf32, #tpu.memory_space<hbm>> -> memref<64x128xf32, #tpu.memory_space<hbm>>
    %dma_wait3A_500 = arith.constant 0 : i32
    %dma_wait3A_501 = tpu.memref_slice %arg12[%add3A_369, %dma_wait3A_500] : memref<10240x128xf32, #tpu.memory_space<vmem_shared>> -> memref<64x128xf32, #tpu.memory_space<vmem_shared>>
    tpu.wait_dma2 semaphore(%arg14 : memref<!tpu.dma_semaphore, #tpu.memory_space<semaphore_mem>>) src(%dma_wait3A_501 : memref<64x128xf32, #tpu.memory_space<vmem_shared>>) dst(%dma_wait3A_499 : memref<64x128xf32, #tpu.memory_space<hbm>>)
    %dma_wait3A_502 = arith.constant 0 : i32
    %dma_wait3A_503 = arith.constant 0 : i32
    %dma_wait3A_504 = tpu.memref_slice %arg6[%arg0, %dma_wait3A_502, %dma_wait3A_503] : memref<2x10240x128xf32, #tpu.memory_space<hbm>> -> memref<1x10240x128xf32, #tpu.memory_space<hbm>>
    %dma_wait3A_505 = tpu.memref_squeeze %dma_wait3A_504 : memref<1x10240x128xf32, #tpu.memory_space<hbm>> -> memref<10240x128xf32, #tpu.memory_space<hbm>>
    %dma_wait3A_506 = arith.constant 0 : i32
    %dma_wait3A_507 = tpu.memref_slice %dma_wait3A_505[%add3A_389, %dma_wait3A_506] : memref<10240x128xf32, #tpu.memory_space<hbm>> -> memref<64x128xf32, #tpu.memory_space<hbm>>
    %dma_wait3A_508 = arith.constant 0 : i32
    %dma_wait3A_509 = tpu.memref_slice %arg12[%add3A_385, %dma_wait3A_508] : memref<10240x128xf32, #tpu.memory_space<vmem_shared>> -> memref<64x128xf32, #tpu.memory_space<vmem_shared>>
    tpu.wait_dma2 semaphore(%arg14 : memref<!tpu.dma_semaphore, #tpu.memory_space<semaphore_mem>>) src(%dma_wait3A_509 : memref<64x128xf32, #tpu.memory_space<vmem_shared>>) dst(%dma_wait3A_507 : memref<64x128xf32, #tpu.memory_space<hbm>>)
    %dma_wait3A_510 = arith.constant 0 : i32
    %dma_wait3A_511 = arith.constant 0 : i32
    %dma_wait3A_512 = tpu.memref_slice %arg6[%arg0, %dma_wait3A_510, %dma_wait3A_511] : memref<2x10240x128xf32, #tpu.memory_space<hbm>> -> memref<1x10240x128xf32, #tpu.memory_space<hbm>>
    %dma_wait3A_513 = tpu.memref_squeeze %dma_wait3A_512 : memref<1x10240x128xf32, #tpu.memory_space<hbm>> -> memref<10240x128xf32, #tpu.memory_space<hbm>>
    %dma_wait3A_514 = arith.constant 0 : i32
    %dma_wait3A_515 = tpu.memref_slice %dma_wait3A_513[%add3A_405, %dma_wait3A_514] : memref<10240x128xf32, #tpu.memory_space<hbm>> -> memref<64x128xf32, #tpu.memory_space<hbm>>
    %dma_wait3A_516 = arith.constant 0 : i32
    %dma_wait3A_517 = tpu.memref_slice %arg12[%add3A_401, %dma_wait3A_516] : memref<10240x128xf32, #tpu.memory_space<vmem_shared>> -> memref<64x128xf32, #tpu.memory_space<vmem_shared>>
    tpu.wait_dma2 semaphore(%arg14 : memref<!tpu.dma_semaphore, #tpu.memory_space<semaphore_mem>>) src(%dma_wait3A_517 : memref<64x128xf32, #tpu.memory_space<vmem_shared>>) dst(%dma_wait3A_515 : memref<64x128xf32, #tpu.memory_space<hbm>>)
    %dma_wait3A_518 = arith.constant 0 : i32
    %dma_wait3A_519 = arith.constant 0 : i32
    %dma_wait3A_520 = tpu.memref_slice %arg6[%arg0, %dma_wait3A_518, %dma_wait3A_519] : memref<2x10240x128xf32, #tpu.memory_space<hbm>> -> memref<1x10240x128xf32, #tpu.memory_space<hbm>>
    %dma_wait3A_521 = tpu.memref_squeeze %dma_wait3A_520 : memref<1x10240x128xf32, #tpu.memory_space<hbm>> -> memref<10240x128xf32, #tpu.memory_space<hbm>>
    %dma_wait3A_522 = arith.constant 0 : i32
    %dma_wait3A_523 = tpu.memref_slice %dma_wait3A_521[%add3A_421, %dma_wait3A_522] : memref<10240x128xf32, #tpu.memory_space<hbm>> -> memref<64x128xf32, #tpu.memory_space<hbm>>
    %dma_wait3A_524 = arith.constant 0 : i32
    %dma_wait3A_525 = tpu.memref_slice %arg12[%add3A_417, %dma_wait3A_524] : memref<10240x128xf32, #tpu.memory_space<vmem_shared>> -> memref<64x128xf32, #tpu.memory_space<vmem_shared>>
    tpu.wait_dma2 semaphore(%arg14 : memref<!tpu.dma_semaphore, #tpu.memory_space<semaphore_mem>>) src(%dma_wait3A_525 : memref<64x128xf32, #tpu.memory_space<vmem_shared>>) dst(%dma_wait3A_523 : memref<64x128xf32, #tpu.memory_space<hbm>>)
    %dma_wait3A_526 = arith.constant 0 : i32
    %dma_wait3A_527 = arith.constant 0 : i32
    %dma_wait3A_528 = tpu.memref_slice %arg6[%arg0, %dma_wait3A_526, %dma_wait3A_527] : memref<2x10240x128xf32, #tpu.memory_space<hbm>> -> memref<1x10240x128xf32, #tpu.memory_space<hbm>>
    %dma_wait3A_529 = tpu.memref_squeeze %dma_wait3A_528 : memref<1x10240x128xf32, #tpu.memory_space<hbm>> -> memref<10240x128xf32, #tpu.memory_space<hbm>>
    %dma_wait3A_530 = arith.constant 0 : i32
    %dma_wait3A_531 = tpu.memref_slice %dma_wait3A_529[%add3A_437, %dma_wait3A_530] : memref<10240x128xf32, #tpu.memory_space<hbm>> -> memref<64x128xf32, #tpu.memory_space<hbm>>
    %dma_wait3A_532 = arith.constant 0 : i32
    %dma_wait3A_533 = tpu.memref_slice %arg12[%add3A_433, %dma_wait3A_532] : memref<10240x128xf32, #tpu.memory_space<vmem_shared>> -> memref<64x128xf32, #tpu.memory_space<vmem_shared>>
    tpu.wait_dma2 semaphore(%arg14 : memref<!tpu.dma_semaphore, #tpu.memory_space<semaphore_mem>>) src(%dma_wait3A_533 : memref<64x128xf32, #tpu.memory_space<vmem_shared>>) dst(%dma_wait3A_531 : memref<64x128xf32, #tpu.memory_space<hbm>>)
    %dma_wait3A_534 = arith.constant 0 : i32
    %dma_wait3A_535 = arith.constant 0 : i32
    %dma_wait3A_536 = tpu.memref_slice %arg6[%arg0, %dma_wait3A_534, %dma_wait3A_535] : memref<2x10240x128xf32, #tpu.memory_space<hbm>> -> memref<1x10240x128xf32, #tpu.memory_space<hbm>>
    %dma_wait3A_537 = tpu.memref_squeeze %dma_wait3A_536 : memref<1x10240x128xf32, #tpu.memory_space<hbm>> -> memref<10240x128xf32, #tpu.memory_space<hbm>>
    %dma_wait3A_538 = arith.constant 0 : i32
    %dma_wait3A_539 = tpu.memref_slice %dma_wait3A_537[%add3A_453, %dma_wait3A_538] : memref<10240x128xf32, #tpu.memory_space<hbm>> -> memref<64x128xf32, #tpu.memory_space<hbm>>
    %dma_wait3A_540 = arith.constant 0 : i32
    %dma_wait3A_541 = tpu.memref_slice %arg12[%add3A_449, %dma_wait3A_540] : memref<10240x128xf32, #tpu.memory_space<vmem_shared>> -> memref<64x128xf32, #tpu.memory_space<vmem_shared>>
    tpu.wait_dma2 semaphore(%arg14 : memref<!tpu.dma_semaphore, #tpu.memory_space<semaphore_mem>>) src(%dma_wait3A_541 : memref<64x128xf32, #tpu.memory_space<vmem_shared>>) dst(%dma_wait3A_539 : memref<64x128xf32, #tpu.memory_space<hbm>>)
    return
  }
}

#map = affine_map<(d0, d1) -> (0)>
#map1 = affine_map<(d0, d1) -> (0, 0)>
module attributes {stable_mosaic.version = 14 : i64} {
  func.func @_b1_body(%arg0: i32, %arg1: i32, %arg2: memref<10240xf32, #tpu.memory_space<hbm>>, %arg3: memref<320000xi32, #tpu.memory_space<hbm>>, %arg4: memref<320000xi32, #tpu.memory_space<hbm>>, %arg5: memref<320000xf32, #tpu.memory_space<hbm>>, %arg6: memref<32x16xf32, #tpu.memory_space<hbm>>, %arg7: memref<10240xf32, #tpu.memory_space<vmem>>, %arg8: memref<10000xi32, #tpu.memory_space<vmem>>, %arg9: memref<10000xi32, #tpu.memory_space<vmem>>, %arg10: memref<10000xf32, #tpu.memory_space<vmem>>, %arg11: memref<16xf32, #tpu.memory_space<vmem>>, %arg12: memref<!tpu.dma_semaphore, #tpu.memory_space<semaphore_mem>>) attributes {dimension_semantics = [#tpu.dimension_semantics<core_parallel>, #tpu.dimension_semantics<subcore_parallel>], iteration_bounds = array<i64: 2, 16>, scalar_prefetch = 0 : i64, scratch_operands = 6 : i64, tpu.core_type = #tpu.core_type<sc_vector_subcore>, window_params = [{transform_indices = #map}, {transform_indices = #map}, {transform_indices = #map}, {transform_indices = #map}, {transform_indices = #map1}]} {
    %mul3A = arith.constant 2 : i32
    %mul3A_0 = arith.muli %arg1, %mul3A : i32
    %add3A = arith.addi %mul3A_0, %arg0 : i32
    %mul3A_1 = arith.constant 10000 : i32
    %mul3A_2 = arith.muli %add3A, %mul3A_1 : i32
    tpu.enqueue_dma source(%arg2 : memref<10240xf32, #tpu.memory_space<hbm>>) target(%arg7 : memref<10240xf32, #tpu.memory_space<vmem>>) target_semaphore(%arg12 : memref<!tpu.dma_semaphore, #tpu.memory_space<semaphore_mem>>)
    %dma_start3A = tpu.memref_slice %arg3[%mul3A_2] : memref<320000xi32, #tpu.memory_space<hbm>> -> memref<10000xi32, #tpu.memory_space<hbm>>
    %dma_start3A_3 = tpu.memref_slice %arg3[%mul3A_2] : memref<320000xi32, #tpu.memory_space<hbm>> -> memref<10000xi32, #tpu.memory_space<hbm>>
    tpu.enqueue_dma source(%dma_start3A_3 : memref<10000xi32, #tpu.memory_space<hbm>>) target(%arg8 : memref<10000xi32, #tpu.memory_space<vmem>>) target_semaphore(%arg12 : memref<!tpu.dma_semaphore, #tpu.memory_space<semaphore_mem>>)
    %dma_start3A_4 = tpu.memref_slice %arg4[%mul3A_2] : memref<320000xi32, #tpu.memory_space<hbm>> -> memref<10000xi32, #tpu.memory_space<hbm>>
    %dma_start3A_5 = tpu.memref_slice %arg4[%mul3A_2] : memref<320000xi32, #tpu.memory_space<hbm>> -> memref<10000xi32, #tpu.memory_space<hbm>>
    tpu.enqueue_dma source(%dma_start3A_5 : memref<10000xi32, #tpu.memory_space<hbm>>) target(%arg9 : memref<10000xi32, #tpu.memory_space<vmem>>) target_semaphore(%arg12 : memref<!tpu.dma_semaphore, #tpu.memory_space<semaphore_mem>>)
    tpu.wait_dma2 semaphore(%arg12 : memref<!tpu.dma_semaphore, #tpu.memory_space<semaphore_mem>>) src(%arg2 : memref<10240xf32, #tpu.memory_space<hbm>>) dst(%arg7 : memref<10240xf32, #tpu.memory_space<vmem>>)
    %dma_wait3A = tpu.memref_slice %arg3[%mul3A_2] : memref<320000xi32, #tpu.memory_space<hbm>> -> memref<10000xi32, #tpu.memory_space<hbm>>
    %dma_wait3A_6 = tpu.memref_slice %arg3[%mul3A_2] : memref<320000xi32, #tpu.memory_space<hbm>> -> memref<10000xi32, #tpu.memory_space<hbm>>
    tpu.wait_dma2 semaphore(%arg12 : memref<!tpu.dma_semaphore, #tpu.memory_space<semaphore_mem>>) src(%dma_wait3A_6 : memref<10000xi32, #tpu.memory_space<hbm>>) dst(%arg8 : memref<10000xi32, #tpu.memory_space<vmem>>)
    %dma_wait3A_7 = tpu.memref_slice %arg4[%mul3A_2] : memref<320000xi32, #tpu.memory_space<hbm>> -> memref<10000xi32, #tpu.memory_space<hbm>>
    %dma_wait3A_8 = tpu.memref_slice %arg4[%mul3A_2] : memref<320000xi32, #tpu.memory_space<hbm>> -> memref<10000xi32, #tpu.memory_space<hbm>>
    tpu.wait_dma2 semaphore(%arg12 : memref<!tpu.dma_semaphore, #tpu.memory_space<semaphore_mem>>) src(%dma_wait3A_8 : memref<10000xi32, #tpu.memory_space<hbm>>) dst(%arg9 : memref<10000xi32, #tpu.memory_space<vmem>>)
    %broadcast_in_dim3A = arith.constant 0.000000e+00 : f32
    %broadcast_in_dim3A_9 = vector.broadcast %broadcast_in_dim3A : f32 to vector<16xf32>
    %scan3A = arith.constant 0 : i32
    %scan3A_10 = arith.constant 625 : i32
    %scan3A_11 = arith.addi %scan3A, %scan3A_10 : i32
    %scan3A_12 = arith.constant 1 : i32
    %scan3A_13:2 = scf.for %scan3A_48 = %scan3A to %scan3A_11 step %scan3A_12 iter_args(%scan3A_49 = %broadcast_in_dim3A_9, %scan3A_50 = %broadcast_in_dim3A_9) -> (vector<16xf32>, vector<16xf32>)  : i32 {
      %mul3A_51 = arith.constant 16 : i32
      %mul3A_52 = arith.muli %scan3A_48, %mul3A_51 : i32
      %get3A = arith.index_cast %mul3A_52 : i32 to index
      %get3A_53 = tpu.vector_load %arg8[%get3A] {strides = array<i32>} : memref<10000xi32, #tpu.memory_space<vmem>>, vector<16xi32>,
      %mul3A_54 = arith.constant 16 : i32
      %mul3A_55 = arith.muli %scan3A_48, %mul3A_54 : i32
      %get3A_56 = arith.index_cast %mul3A_55 : i32 to index
      %get3A_57 = tpu.vector_load %arg9[%get3A_56] {strides = array<i32>} : memref<10000xi32, #tpu.memory_space<vmem>>, vector<16xi32>,
      %gather3A = tpu.vector_load_idx %arg7[%get3A_53] : memref<10240xf32, #tpu.memory_space<vmem>>[vector<16xi32>], vector<16xf32>,
      %gather3A_58 = tpu.vector_load_idx %arg7[%get3A_57] : memref<10240xf32, #tpu.memory_space<vmem>>[vector<16xi32>], vector<16xf32>,
      %add3A_59 = arith.addf %gather3A, %gather3A_58 : vector<16xf32>
      %mul3A_60 = arith.constant 5.000000e-01 : f32
      %mul3A_61 = vector.broadcast %mul3A_60 : f32 to vector<16xf32>
      %mul3A_62 = arith.mulf %add3A_59, %mul3A_61 : vector<16xf32>
      %mul3A_63 = arith.constant 16 : i32
      %mul3A_64 = arith.muli %scan3A_48, %mul3A_63 : i32
      %swap3A_65 = arith.index_cast %mul3A_64 : i32 to index
      %swap3A_66 = tpu.vector_load %arg10[%swap3A_65] {strides = array<i32>} : memref<10000xf32, #tpu.memory_space<vmem>>, vector<16xf32>,
      tpu.vector_store %arg10[%swap3A_65], %mul3A_62 {strides = array<i32>} : memref<10000xf32, #tpu.memory_space<vmem>>, vector<16xf32>,
      %add3A_67 = arith.addf %scan3A_49, %mul3A_62 : vector<16xf32>
      %mul3A_68 = arith.mulf %mul3A_62, %mul3A_62 : vector<16xf32>
      %add3A_69 = arith.addf %scan3A_50, %mul3A_68 : vector<16xf32>
      scf.yield %add3A_67, %add3A_69 : vector<16xf32>, vector<16xf32>
    }
    %scan3A_14 = arith.constant 625 : i32
    %reduce_sum3A = arith.constant true
    %reduce_sum3A_15 = vector.broadcast %reduce_sum3A : i1 to vector<16xi1>
    %reduce_sum3A_16 = tpu.scan <sum>, %scan3A_13#0 masked %reduce_sum3A_15 : vector<16xf32>, vector<16xi1> -> vector<16xf32>
    %reduce_sum3A_17 = vector.extract %reduce_sum3A_16[15] : f32 from vector<16xf32>
    %reduce_sum3A_18 = arith.constant true
    %reduce_sum3A_19 = vector.broadcast %reduce_sum3A_18 : i1 to vector<16xi1>
    %reduce_sum3A_20 = tpu.scan <sum>, %scan3A_13#1 masked %reduce_sum3A_19 : vector<16xf32>, vector<16xi1> -> vector<16xf32>
    %reduce_sum3A_21 = vector.extract %reduce_sum3A_20[15] : f32 from vector<16xf32>
    %iota3A = tpu.iota {dimensions = array<i32: 0>} : vector<16xi32>
    %eq3A = arith.constant 0 : i32
    %eq3A_22 = vector.broadcast %eq3A : i32 to vector<16xi32>
    %eq3A_23 = arith.cmpi eq, %iota3A, %eq3A_22 : vector<16xi32>
    %eq3A_24 = arith.constant 1 : i32
    %eq3A_25 = vector.broadcast %eq3A_24 : i32 to vector<16xi32>
    %eq3A_26 = arith.cmpi eq, %iota3A, %eq3A_25 : vector<16xi32>
    %jit3A = arith.constant 0.000000e+00 : f32
    %broadcast_in_dim3A_27 = vector.broadcast %reduce_sum3A_21 : f32 to vector<16xf32>
    %broadcast_in_dim3A_28 = vector.broadcast %jit3A : f32 to vector<16xf32>
    %select_n3A = arith.select %eq3A_26, %broadcast_in_dim3A_27, %broadcast_in_dim3A_28 : vector<16xi1>, vector<16xf32>
    %broadcast_in_dim3A_29 = vector.broadcast %reduce_sum3A_17 : f32 to vector<16xf32>
    %select_n3A_30 = arith.select %eq3A_23, %broadcast_in_dim3A_29, %select_n3A : vector<16xi1>, vector<16xf32>
    %swap3A = arith.constant 0 : index
    %swap3A_31 = tpu.vector_load %arg11[%swap3A] {strides = array<i32>} : memref<16xf32, #tpu.memory_space<vmem>>, vector<16xf32>,
    tpu.vector_store %arg11[%swap3A], %select_n3A_30 {strides = array<i32>} : memref<16xf32, #tpu.memory_space<vmem>>, vector<16xf32>,
    %dma_start3A_32 = tpu.memref_slice %arg5[%mul3A_2] : memref<320000xf32, #tpu.memory_space<hbm>> -> memref<10000xf32, #tpu.memory_space<hbm>>
    %dma_start3A_33 = tpu.memref_slice %arg5[%mul3A_2] : memref<320000xf32, #tpu.memory_space<hbm>> -> memref<10000xf32, #tpu.memory_space<hbm>>
    tpu.enqueue_dma source(%arg10 : memref<10000xf32, #tpu.memory_space<vmem>>) target(%dma_start3A_33 : memref<10000xf32, #tpu.memory_space<hbm>>) target_semaphore(%arg12 : memref<!tpu.dma_semaphore, #tpu.memory_space<semaphore_mem>>)
    %dma_start3A_34 = arith.constant 0 : i32
    %dma_start3A_35 = tpu.memref_slice %arg6[%add3A, %dma_start3A_34] : memref<32x16xf32, #tpu.memory_space<hbm>> -> memref<1x16xf32, #tpu.memory_space<hbm>>
    %dma_start3A_36 = tpu.memref_squeeze %dma_start3A_35 : memref<1x16xf32, #tpu.memory_space<hbm>> -> memref<16xf32, #tpu.memory_space<hbm>>
    %dma_start3A_37 = arith.constant 0 : i32
    %dma_start3A_38 = tpu.memref_slice %arg6[%add3A, %dma_start3A_37] : memref<32x16xf32, #tpu.memory_space<hbm>> -> memref<1x16xf32, #tpu.memory_space<hbm>>
    %dma_start3A_39 = tpu.memref_squeeze %dma_start3A_38 : memref<1x16xf32, #tpu.memory_space<hbm>> -> memref<16xf32, #tpu.memory_space<hbm>>
    tpu.enqueue_dma source(%arg11 : memref<16xf32, #tpu.memory_space<vmem>>) target(%dma_start3A_39 : memref<16xf32, #tpu.memory_space<hbm>>) target_semaphore(%arg12 : memref<!tpu.dma_semaphore, #tpu.memory_space<semaphore_mem>>)
    %dma_wait3A_40 = tpu.memref_slice %arg5[%mul3A_2] : memref<320000xf32, #tpu.memory_space<hbm>> -> memref<10000xf32, #tpu.memory_space<hbm>>
    %dma_wait3A_41 = tpu.memref_slice %arg5[%mul3A_2] : memref<320000xf32, #tpu.memory_space<hbm>> -> memref<10000xf32, #tpu.memory_space<hbm>>
    tpu.wait_dma2 semaphore(%arg12 : memref<!tpu.dma_semaphore, #tpu.memory_space<semaphore_mem>>) src(%arg10 : memref<10000xf32, #tpu.memory_space<vmem>>) dst(%dma_wait3A_41 : memref<10000xf32, #tpu.memory_space<hbm>>)
    %dma_wait3A_42 = arith.constant 0 : i32
    %dma_wait3A_43 = tpu.memref_slice %arg6[%add3A, %dma_wait3A_42] : memref<32x16xf32, #tpu.memory_space<hbm>> -> memref<1x16xf32, #tpu.memory_space<hbm>>
    %dma_wait3A_44 = tpu.memref_squeeze %dma_wait3A_43 : memref<1x16xf32, #tpu.memory_space<hbm>> -> memref<16xf32, #tpu.memory_space<hbm>>
    %dma_wait3A_45 = arith.constant 0 : i32
    %dma_wait3A_46 = tpu.memref_slice %arg6[%add3A, %dma_wait3A_45] : memref<32x16xf32, #tpu.memory_space<hbm>> -> memref<1x16xf32, #tpu.memory_space<hbm>>
    %dma_wait3A_47 = tpu.memref_squeeze %dma_wait3A_46 : memref<1x16xf32, #tpu.memory_space<hbm>> -> memref<16xf32, #tpu.memory_space<hbm>>
    tpu.wait_dma2 semaphore(%arg12 : memref<!tpu.dma_semaphore, #tpu.memory_space<semaphore_mem>>) src(%arg11 : memref<16xf32, #tpu.memory_space<vmem>>) dst(%dma_wait3A_47 : memref<16xf32, #tpu.memory_space<hbm>>)
    return
  }
}

#map = affine_map<(d0, d1) -> (0, 0)>
#map1 = affine_map<(d0, d1) -> (0, 0, 0)>
module attributes {stable_mosaic.version = 14 : i64} {
  func.func @_d_body(%arg0: i32, %arg1: i32, %arg2: memref<10240x128xf32, #tpu.memory_space<hbm>>, %arg3: memref<32x80x128xi32, #tpu.memory_space<hbm>>, %arg4: memref<32x80x128xi32, #tpu.memory_space<hbm>>, %arg5: memref<32x16xi32, #tpu.memory_space<hbm>>, %arg6: memref<2x10240x128xf32, #tpu.memory_space<hbm>>, %arg7: memref<8x128xi32, #tpu.memory_space<vmem>>, %arg8: memref<8x128xi32, #tpu.memory_space<vmem>>, %arg9: memref<16xi32, #tpu.memory_space<vmem>>, %arg10: memref<2x128x128xf32, #tpu.memory_space<vmem>>, %arg11: memref<32x128xf32, #tpu.memory_space<vmem>>, %arg12: memref<10240x128xf32, #tpu.memory_space<vmem_shared>>, %arg13: memref<!tpu.dma_semaphore, #tpu.memory_space<semaphore_mem>>, %arg14: memref<!tpu.dma_semaphore, #tpu.memory_space<semaphore_mem>>) attributes {dimension_semantics = [#tpu.dimension_semantics<core_parallel>, #tpu.dimension_semantics<subcore_parallel>], iteration_bounds = array<i64: 2, 16>, scalar_prefetch = 0 : i64, scratch_operands = 8 : i64, tpu.core_type = #tpu.core_type<sc_vector_subcore>, window_params = [{transform_indices = #map}, {transform_indices = #map1}, {transform_indices = #map1}, {transform_indices = #map}, {transform_indices = #map1}]} {
    %mul3A = arith.constant 2 : i32
    %mul3A_0 = arith.muli %arg1, %mul3A : i32
    %add3A = arith.addi %mul3A_0, %arg0 : i32
    %scan3A = arith.constant 0 : i32
    %scan3A_1 = arith.constant 0 : i32
    %scan3A_2 = arith.constant 32 : i32
    %scan3A_3 = arith.addi %scan3A_1, %scan3A_2 : i32
    %scan3A_4 = arith.constant 1 : i32
    %scan3A_5 = scf.for %scan3A_542 = %scan3A_1 to %scan3A_3 step %scan3A_4 iter_args(%scan3A_543 = %scan3A) -> (i32)  : i32 {
      %broadcast_in_dim3A = arith.constant 0.000000e+00 : f32
      %broadcast_in_dim3A_544 = vector.broadcast %broadcast_in_dim3A : f32 to vector<16xf32>
      %swap3A = arith.index_cast %scan3A_542 : i32 to index
      %swap3A_545 = arith.constant 0 : index
      %swap3A_546 = tpu.vector_load %arg11[%swap3A, %swap3A_545] {strides = array<i32>} : memref<32x128xf32, #tpu.memory_space<vmem>>, vector<16xf32>,
      tpu.vector_store %arg11[%swap3A, %swap3A_545], %broadcast_in_dim3A_544 {strides = array<i32>} : memref<32x128xf32, #tpu.memory_space<vmem>>, vector<16xf32>,
      %broadcast_in_dim3A_547 = arith.constant 0.000000e+00 : f32
      %broadcast_in_dim3A_548 = vector.broadcast %broadcast_in_dim3A_547 : f32 to vector<16xf32>
      %swap3A_549 = arith.index_cast %scan3A_542 : i32 to index
      %swap3A_550 = arith.constant 16 : index
      %swap3A_551 = tpu.vector_load %arg11[%swap3A_549, %swap3A_550] {strides = array<i32>} : memref<32x128xf32, #tpu.memory_space<vmem>>, vector<16xf32>,
      tpu.vector_store %arg11[%swap3A_549, %swap3A_550], %broadcast_in_dim3A_548 {strides = array<i32>} : memref<32x128xf32, #tpu.memory_space<vmem>>, vector<16xf32>,
      %broadcast_in_dim3A_552 = arith.constant 0.000000e+00 : f32
      %broadcast_in_dim3A_553 = vector.broadcast %broadcast_in_dim3A_552 : f32 to vector<16xf32>
      %swap3A_554 = arith.index_cast %scan3A_542 : i32 to index
      %swap3A_555 = arith.constant 32 : index
      %swap3A_556 = tpu.vector_load %arg11[%swap3A_554, %swap3A_555] {strides = array<i32>} : memref<32x128xf32, #tpu.memory_space<vmem>>, vector<16xf32>,
      tpu.vector_store %arg11[%swap3A_554, %swap3A_555], %broadcast_in_dim3A_553 {strides = array<i32>} : memref<32x128xf32, #tpu.memory_space<vmem>>, vector<16xf32>,
      %broadcast_in_dim3A_557 = arith.constant 0.000000e+00 : f32
      %broadcast_in_dim3A_558 = vector.broadcast %broadcast_in_dim3A_557 : f32 to vector<16xf32>
      %swap3A_559 = arith.index_cast %scan3A_542 : i32 to index
      %swap3A_560 = arith.constant 48 : index
      %swap3A_561 = tpu.vector_load %arg11[%swap3A_559, %swap3A_560] {strides = array<i32>} : memref<32x128xf32, #tpu.memory_space<vmem>>, vector<16xf32>,
      tpu.vector_store %arg11[%swap3A_559, %swap3A_560], %broadcast_in_dim3A_558 {strides = array<i32>} : memref<32x128xf32, #tpu.memory_space<vmem>>, vector<16xf32>,
      %broadcast_in_dim3A_562 = arith.constant 0.000000e+00 : f32
      %broadcast_in_dim3A_563 = vector.broadcast %broadcast_in_dim3A_562 : f32 to vector<16xf32>
      %swap3A_564 = arith.index_cast %scan3A_542 : i32 to index
      %swap3A_565 = arith.constant 64 : index
      %swap3A_566 = tpu.vector_load %arg11[%swap3A_564, %swap3A_565] {strides = array<i32>} : memref<32x128xf32, #tpu.memory_space<vmem>>, vector<16xf32>,
      tpu.vector_store %arg11[%swap3A_564, %swap3A_565], %broadcast_in_dim3A_563 {strides = array<i32>} : memref<32x128xf32, #tpu.memory_space<vmem>>, vector<16xf32>,
      %broadcast_in_dim3A_567 = arith.constant 0.000000e+00 : f32
      %broadcast_in_dim3A_568 = vector.broadcast %broadcast_in_dim3A_567 : f32 to vector<16xf32>
      %swap3A_569 = arith.index_cast %scan3A_542 : i32 to index
      %swap3A_570 = arith.constant 80 : index
      %swap3A_571 = tpu.vector_load %arg11[%swap3A_569, %swap3A_570] {strides = array<i32>} : memref<32x128xf32, #tpu.memory_space<vmem>>, vector<16xf32>,
      tpu.vector_store %arg11[%swap3A_569, %swap3A_570], %broadcast_in_dim3A_568 {strides = array<i32>} : memref<32x128xf32, #tpu.memory_space<vmem>>, vector<16xf32>,
      %broadcast_in_dim3A_572 = arith.constant 0.000000e+00 : f32
      %broadcast_in_dim3A_573 = vector.broadcast %broadcast_in_dim3A_572 : f32 to vector<16xf32>
      %swap3A_574 = arith.index_cast %scan3A_542 : i32 to index
      %swap3A_575 = arith.constant 96 : index
      %swap3A_576 = tpu.vector_load %arg11[%swap3A_574, %swap3A_575] {strides = array<i32>} : memref<32x128xf32, #tpu.memory_space<vmem>>, vector<16xf32>,
      tpu.vector_store %arg11[%swap3A_574, %swap3A_575], %broadcast_in_dim3A_573 {strides = array<i32>} : memref<32x128xf32, #tpu.memory_space<vmem>>, vector<16xf32>,
      %broadcast_in_dim3A_577 = arith.constant 0.000000e+00 : f32
      %broadcast_in_dim3A_578 = vector.broadcast %broadcast_in_dim3A_577 : f32 to vector<16xf32>
      %swap3A_579 = arith.index_cast %scan3A_542 : i32 to index
      %swap3A_580 = arith.constant 112 : index
      %swap3A_581 = tpu.vector_load %arg11[%swap3A_579, %swap3A_580] {strides = array<i32>} : memref<32x128xf32, #tpu.memory_space<vmem>>, vector<16xf32>,
      tpu.vector_store %arg11[%swap3A_579, %swap3A_580], %broadcast_in_dim3A_578 {strides = array<i32>} : memref<32x128xf32, #tpu.memory_space<vmem>>, vector<16xf32>,
      %scan3A_582 = arith.constant 0 : i32
      scf.yield %scan3A_582 : i32
    }
    %scan3A_6 = arith.constant 32 : i32
    %mul3A_7 = arith.constant 640 : i32
    %mul3A_8 = arith.muli %arg1, %mul3A_7 : i32
    %add3A_9 = arith.constant 0 : i32
    %add3A_10 = arith.addi %mul3A_8, %add3A_9 : i32
    %dma_start3A = arith.constant 0 : i32
    %dma_start3A_11 = tpu.memref_slice %arg12[%add3A_10, %dma_start3A] : memref<10240x128xf32, #tpu.memory_space<vmem_shared>> -> memref<32x128xf32, #tpu.memory_space<vmem_shared>>
    %dma_start3A_12 = arith.constant 0 : i32
    %dma_start3A_13 = tpu.memref_slice %arg12[%add3A_10, %dma_start3A_12] : memref<10240x128xf32, #tpu.memory_space<vmem_shared>> -> memref<32x128xf32, #tpu.memory_space<vmem_shared>>
    tpu.enqueue_dma source(%arg11 : memref<32x128xf32, #tpu.memory_space<vmem>>) target(%dma_start3A_13 : memref<32x128xf32, #tpu.memory_space<vmem_shared>>) target_semaphore(%arg14 : memref<!tpu.dma_semaphore, #tpu.memory_space<semaphore_mem>>)
    %mul3A_14 = arith.constant 640 : i32
    %mul3A_15 = arith.muli %arg1, %mul3A_14 : i32
    %add3A_16 = arith.constant 32 : i32
    %add3A_17 = arith.addi %mul3A_15, %add3A_16 : i32
    %dma_start3A_18 = arith.constant 0 : i32
    %dma_start3A_19 = tpu.memref_slice %arg12[%add3A_17, %dma_start3A_18] : memref<10240x128xf32, #tpu.memory_space<vmem_shared>> -> memref<32x128xf32, #tpu.memory_space<vmem_shared>>
    %dma_start3A_20 = arith.constant 0 : i32
    %dma_start3A_21 = tpu.memref_slice %arg12[%add3A_17, %dma_start3A_20] : memref<10240x128xf32, #tpu.memory_space<vmem_shared>> -> memref<32x128xf32, #tpu.memory_space<vmem_shared>>
    tpu.enqueue_dma source(%arg11 : memref<32x128xf32, #tpu.memory_space<vmem>>) target(%dma_start3A_21 : memref<32x128xf32, #tpu.memory_space<vmem_shared>>) target_semaphore(%arg14 : memref<!tpu.dma_semaphore, #tpu.memory_space<semaphore_mem>>)
    %mul3A_22 = arith.constant 640 : i32
    %mul3A_23 = arith.muli %arg1, %mul3A_22 : i32
    %add3A_24 = arith.constant 64 : i32
    %add3A_25 = arith.addi %mul3A_23, %add3A_24 : i32
    %dma_start3A_26 = arith.constant 0 : i32
    %dma_start3A_27 = tpu.memref_slice %arg12[%add3A_25, %dma_start3A_26] : memref<10240x128xf32, #tpu.memory_space<vmem_shared>> -> memref<32x128xf32, #tpu.memory_space<vmem_shared>>
    %dma_start3A_28 = arith.constant 0 : i32
    %dma_start3A_29 = tpu.memref_slice %arg12[%add3A_25, %dma_start3A_28] : memref<10240x128xf32, #tpu.memory_space<vmem_shared>> -> memref<32x128xf32, #tpu.memory_space<vmem_shared>>
    tpu.enqueue_dma source(%arg11 : memref<32x128xf32, #tpu.memory_space<vmem>>) target(%dma_start3A_29 : memref<32x128xf32, #tpu.memory_space<vmem_shared>>) target_semaphore(%arg14 : memref<!tpu.dma_semaphore, #tpu.memory_space<semaphore_mem>>)
    %mul3A_30 = arith.constant 640 : i32
    %mul3A_31 = arith.muli %arg1, %mul3A_30 : i32
    %add3A_32 = arith.constant 96 : i32
    %add3A_33 = arith.addi %mul3A_31, %add3A_32 : i32
    %dma_start3A_34 = arith.constant 0 : i32
    %dma_start3A_35 = tpu.memref_slice %arg12[%add3A_33, %dma_start3A_34] : memref<10240x128xf32, #tpu.memory_space<vmem_shared>> -> memref<32x128xf32, #tpu.memory_space<vmem_shared>>
    %dma_start3A_36 = arith.constant 0 : i32
    %dma_start3A_37 = tpu.memref_slice %arg12[%add3A_33, %dma_start3A_36] : memref<10240x128xf32, #tpu.memory_space<vmem_shared>> -> memref<32x128xf32, #tpu.memory_space<vmem_shared>>
    tpu.enqueue_dma source(%arg11 : memref<32x128xf32, #tpu.memory_space<vmem>>) target(%dma_start3A_37 : memref<32x128xf32, #tpu.memory_space<vmem_shared>>) target_semaphore(%arg14 : memref<!tpu.dma_semaphore, #tpu.memory_space<semaphore_mem>>)
    %mul3A_38 = arith.constant 640 : i32
    %mul3A_39 = arith.muli %arg1, %mul3A_38 : i32
    %add3A_40 = arith.constant 128 : i32
    %add3A_41 = arith.addi %mul3A_39, %add3A_40 : i32
    %dma_start3A_42 = arith.constant 0 : i32
    %dma_start3A_43 = tpu.memref_slice %arg12[%add3A_41, %dma_start3A_42] : memref<10240x128xf32, #tpu.memory_space<vmem_shared>> -> memref<32x128xf32, #tpu.memory_space<vmem_shared>>
    %dma_start3A_44 = arith.constant 0 : i32
    %dma_start3A_45 = tpu.memref_slice %arg12[%add3A_41, %dma_start3A_44] : memref<10240x128xf32, #tpu.memory_space<vmem_shared>> -> memref<32x128xf32, #tpu.memory_space<vmem_shared>>
    tpu.enqueue_dma source(%arg11 : memref<32x128xf32, #tpu.memory_space<vmem>>) target(%dma_start3A_45 : memref<32x128xf32, #tpu.memory_space<vmem_shared>>) target_semaphore(%arg14 : memref<!tpu.dma_semaphore, #tpu.memory_space<semaphore_mem>>)
    %mul3A_46 = arith.constant 640 : i32
    %mul3A_47 = arith.muli %arg1, %mul3A_46 : i32
    %add3A_48 = arith.constant 160 : i32
    %add3A_49 = arith.addi %mul3A_47, %add3A_48 : i32
    %dma_start3A_50 = arith.constant 0 : i32
    %dma_start3A_51 = tpu.memref_slice %arg12[%add3A_49, %dma_start3A_50] : memref<10240x128xf32, #tpu.memory_space<vmem_shared>> -> memref<32x128xf32, #tpu.memory_space<vmem_shared>>
    %dma_start3A_52 = arith.constant 0 : i32
    %dma_start3A_53 = tpu.memref_slice %arg12[%add3A_49, %dma_start3A_52] : memref<10240x128xf32, #tpu.memory_space<vmem_shared>> -> memref<32x128xf32, #tpu.memory_space<vmem_shared>>
    tpu.enqueue_dma source(%arg11 : memref<32x128xf32, #tpu.memory_space<vmem>>) target(%dma_start3A_53 : memref<32x128xf32, #tpu.memory_space<vmem_shared>>) target_semaphore(%arg14 : memref<!tpu.dma_semaphore, #tpu.memory_space<semaphore_mem>>)
    %mul3A_54 = arith.constant 640 : i32
    %mul3A_55 = arith.muli %arg1, %mul3A_54 : i32
    %add3A_56 = arith.constant 192 : i32
    %add3A_57 = arith.addi %mul3A_55, %add3A_56 : i32
    %dma_start3A_58 = arith.constant 0 : i32
    %dma_start3A_59 = tpu.memref_slice %arg12[%add3A_57, %dma_start3A_58] : memref<10240x128xf32, #tpu.memory_space<vmem_shared>> -> memref<32x128xf32, #tpu.memory_space<vmem_shared>>
    %dma_start3A_60 = arith.constant 0 : i32
    %dma_start3A_61 = tpu.memref_slice %arg12[%add3A_57, %dma_start3A_60] : memref<10240x128xf32, #tpu.memory_space<vmem_shared>> -> memref<32x128xf32, #tpu.memory_space<vmem_shared>>
    tpu.enqueue_dma source(%arg11 : memref<32x128xf32, #tpu.memory_space<vmem>>) target(%dma_start3A_61 : memref<32x128xf32, #tpu.memory_space<vmem_shared>>) target_semaphore(%arg14 : memref<!tpu.dma_semaphore, #tpu.memory_space<semaphore_mem>>)
    %mul3A_62 = arith.constant 640 : i32
    %mul3A_63 = arith.muli %arg1, %mul3A_62 : i32
    %add3A_64 = arith.constant 224 : i32
    %add3A_65 = arith.addi %mul3A_63, %add3A_64 : i32
    %dma_start3A_66 = arith.constant 0 : i32
    %dma_start3A_67 = tpu.memref_slice %arg12[%add3A_65, %dma_start3A_66] : memref<10240x128xf32, #tpu.memory_space<vmem_shared>> -> memref<32x128xf32, #tpu.memory_space<vmem_shared>>
    %dma_start3A_68 = arith.constant 0 : i32
    %dma_start3A_69 = tpu.memref_slice %arg12[%add3A_65, %dma_start3A_68] : memref<10240x128xf32, #tpu.memory_space<vmem_shared>> -> memref<32x128xf32, #tpu.memory_space<vmem_shared>>
    tpu.enqueue_dma source(%arg11 : memref<32x128xf32, #tpu.memory_space<vmem>>) target(%dma_start3A_69 : memref<32x128xf32, #tpu.memory_space<vmem_shared>>) target_semaphore(%arg14 : memref<!tpu.dma_semaphore, #tpu.memory_space<semaphore_mem>>)
    %mul3A_70 = arith.constant 640 : i32
    %mul3A_71 = arith.muli %arg1, %mul3A_70 : i32
    %add3A_72 = arith.constant 256 : i32
    %add3A_73 = arith.addi %mul3A_71, %add3A_72 : i32
    %dma_start3A_74 = arith.constant 0 : i32
    %dma_start3A_75 = tpu.memref_slice %arg12[%add3A_73, %dma_start3A_74] : memref<10240x128xf32, #tpu.memory_space<vmem_shared>> -> memref<32x128xf32, #tpu.memory_space<vmem_shared>>
    %dma_start3A_76 = arith.constant 0 : i32
    %dma_start3A_77 = tpu.memref_slice %arg12[%add3A_73, %dma_start3A_76] : memref<10240x128xf32, #tpu.memory_space<vmem_shared>> -> memref<32x128xf32, #tpu.memory_space<vmem_shared>>
    tpu.enqueue_dma source(%arg11 : memref<32x128xf32, #tpu.memory_space<vmem>>) target(%dma_start3A_77 : memref<32x128xf32, #tpu.memory_space<vmem_shared>>) target_semaphore(%arg14 : memref<!tpu.dma_semaphore, #tpu.memory_space<semaphore_mem>>)
    %mul3A_78 = arith.constant 640 : i32
    %mul3A_79 = arith.muli %arg1, %mul3A_78 : i32
    %add3A_80 = arith.constant 288 : i32
    %add3A_81 = arith.addi %mul3A_79, %add3A_80 : i32
    %dma_start3A_82 = arith.constant 0 : i32
    %dma_start3A_83 = tpu.memref_slice %arg12[%add3A_81, %dma_start3A_82] : memref<10240x128xf32, #tpu.memory_space<vmem_shared>> -> memref<32x128xf32, #tpu.memory_space<vmem_shared>>
    %dma_start3A_84 = arith.constant 0 : i32
    %dma_start3A_85 = tpu.memref_slice %arg12[%add3A_81, %dma_start3A_84] : memref<10240x128xf32, #tpu.memory_space<vmem_shared>> -> memref<32x128xf32, #tpu.memory_space<vmem_shared>>
    tpu.enqueue_dma source(%arg11 : memref<32x128xf32, #tpu.memory_space<vmem>>) target(%dma_start3A_85 : memref<32x128xf32, #tpu.memory_space<vmem_shared>>) target_semaphore(%arg14 : memref<!tpu.dma_semaphore, #tpu.memory_space<semaphore_mem>>)
    %mul3A_86 = arith.constant 640 : i32
    %mul3A_87 = arith.muli %arg1, %mul3A_86 : i32
    %add3A_88 = arith.constant 320 : i32
    %add3A_89 = arith.addi %mul3A_87, %add3A_88 : i32
    %dma_start3A_90 = arith.constant 0 : i32
    %dma_start3A_91 = tpu.memref_slice %arg12[%add3A_89, %dma_start3A_90] : memref<10240x128xf32, #tpu.memory_space<vmem_shared>> -> memref<32x128xf32, #tpu.memory_space<vmem_shared>>
    %dma_start3A_92 = arith.constant 0 : i32
    %dma_start3A_93 = tpu.memref_slice %arg12[%add3A_89, %dma_start3A_92] : memref<10240x128xf32, #tpu.memory_space<vmem_shared>> -> memref<32x128xf32, #tpu.memory_space<vmem_shared>>
    tpu.enqueue_dma source(%arg11 : memref<32x128xf32, #tpu.memory_space<vmem>>) target(%dma_start3A_93 : memref<32x128xf32, #tpu.memory_space<vmem_shared>>) target_semaphore(%arg14 : memref<!tpu.dma_semaphore, #tpu.memory_space<semaphore_mem>>)
    %mul3A_94 = arith.constant 640 : i32
    %mul3A_95 = arith.muli %arg1, %mul3A_94 : i32
    %add3A_96 = arith.constant 352 : i32
    %add3A_97 = arith.addi %mul3A_95, %add3A_96 : i32
    %dma_start3A_98 = arith.constant 0 : i32
    %dma_start3A_99 = tpu.memref_slice %arg12[%add3A_97, %dma_start3A_98] : memref<10240x128xf32, #tpu.memory_space<vmem_shared>> -> memref<32x128xf32, #tpu.memory_space<vmem_shared>>
    %dma_start3A_100 = arith.constant 0 : i32
    %dma_start3A_101 = tpu.memref_slice %arg12[%add3A_97, %dma_start3A_100] : memref<10240x128xf32, #tpu.memory_space<vmem_shared>> -> memref<32x128xf32, #tpu.memory_space<vmem_shared>>
    tpu.enqueue_dma source(%arg11 : memref<32x128xf32, #tpu.memory_space<vmem>>) target(%dma_start3A_101 : memref<32x128xf32, #tpu.memory_space<vmem_shared>>) target_semaphore(%arg14 : memref<!tpu.dma_semaphore, #tpu.memory_space<semaphore_mem>>)
    %mul3A_102 = arith.constant 640 : i32
    %mul3A_103 = arith.muli %arg1, %mul3A_102 : i32
    %add3A_104 = arith.constant 384 : i32
    %add3A_105 = arith.addi %mul3A_103, %add3A_104 : i32
    %dma_start3A_106 = arith.constant 0 : i32
    %dma_start3A_107 = tpu.memref_slice %arg12[%add3A_105, %dma_start3A_106] : memref<10240x128xf32, #tpu.memory_space<vmem_shared>> -> memref<32x128xf32, #tpu.memory_space<vmem_shared>>
    %dma_start3A_108 = arith.constant 0 : i32
    %dma_start3A_109 = tpu.memref_slice %arg12[%add3A_105, %dma_start3A_108] : memref<10240x128xf32, #tpu.memory_space<vmem_shared>> -> memref<32x128xf32, #tpu.memory_space<vmem_shared>>
    tpu.enqueue_dma source(%arg11 : memref<32x128xf32, #tpu.memory_space<vmem>>) target(%dma_start3A_109 : memref<32x128xf32, #tpu.memory_space<vmem_shared>>) target_semaphore(%arg14 : memref<!tpu.dma_semaphore, #tpu.memory_space<semaphore_mem>>)
    %mul3A_110 = arith.constant 640 : i32
    %mul3A_111 = arith.muli %arg1, %mul3A_110 : i32
    %add3A_112 = arith.constant 416 : i32
    %add3A_113 = arith.addi %mul3A_111, %add3A_112 : i32
    %dma_start3A_114 = arith.constant 0 : i32
    %dma_start3A_115 = tpu.memref_slice %arg12[%add3A_113, %dma_start3A_114] : memref<10240x128xf32, #tpu.memory_space<vmem_shared>> -> memref<32x128xf32, #tpu.memory_space<vmem_shared>>
    %dma_start3A_116 = arith.constant 0 : i32
    %dma_start3A_117 = tpu.memref_slice %arg12[%add3A_113, %dma_start3A_116] : memref<10240x128xf32, #tpu.memory_space<vmem_shared>> -> memref<32x128xf32, #tpu.memory_space<vmem_shared>>
    tpu.enqueue_dma source(%arg11 : memref<32x128xf32, #tpu.memory_space<vmem>>) target(%dma_start3A_117 : memref<32x128xf32, #tpu.memory_space<vmem_shared>>) target_semaphore(%arg14 : memref<!tpu.dma_semaphore, #tpu.memory_space<semaphore_mem>>)
    %mul3A_118 = arith.constant 640 : i32
    %mul3A_119 = arith.muli %arg1, %mul3A_118 : i32
    %add3A_120 = arith.constant 448 : i32
    %add3A_121 = arith.addi %mul3A_119, %add3A_120 : i32
    %dma_start3A_122 = arith.constant 0 : i32
    %dma_start3A_123 = tpu.memref_slice %arg12[%add3A_121, %dma_start3A_122] : memref<10240x128xf32, #tpu.memory_space<vmem_shared>> -> memref<32x128xf32, #tpu.memory_space<vmem_shared>>
    %dma_start3A_124 = arith.constant 0 : i32
    %dma_start3A_125 = tpu.memref_slice %arg12[%add3A_121, %dma_start3A_124] : memref<10240x128xf32, #tpu.memory_space<vmem_shared>> -> memref<32x128xf32, #tpu.memory_space<vmem_shared>>
    tpu.enqueue_dma source(%arg11 : memref<32x128xf32, #tpu.memory_space<vmem>>) target(%dma_start3A_125 : memref<32x128xf32, #tpu.memory_space<vmem_shared>>) target_semaphore(%arg14 : memref<!tpu.dma_semaphore, #tpu.memory_space<semaphore_mem>>)
    %mul3A_126 = arith.constant 640 : i32
    %mul3A_127 = arith.muli %arg1, %mul3A_126 : i32
    %add3A_128 = arith.constant 480 : i32
    %add3A_129 = arith.addi %mul3A_127, %add3A_128 : i32
    %dma_start3A_130 = arith.constant 0 : i32
    %dma_start3A_131 = tpu.memref_slice %arg12[%add3A_129, %dma_start3A_130] : memref<10240x128xf32, #tpu.memory_space<vmem_shared>> -> memref<32x128xf32, #tpu.memory_space<vmem_shared>>
    %dma_start3A_132 = arith.constant 0 : i32
    %dma_start3A_133 = tpu.memref_slice %arg12[%add3A_129, %dma_start3A_132] : memref<10240x128xf32, #tpu.memory_space<vmem_shared>> -> memref<32x128xf32, #tpu.memory_space<vmem_shared>>
    tpu.enqueue_dma source(%arg11 : memref<32x128xf32, #tpu.memory_space<vmem>>) target(%dma_start3A_133 : memref<32x128xf32, #tpu.memory_space<vmem_shared>>) target_semaphore(%arg14 : memref<!tpu.dma_semaphore, #tpu.memory_space<semaphore_mem>>)
    %mul3A_134 = arith.constant 640 : i32
    %mul3A_135 = arith.muli %arg1, %mul3A_134 : i32
    %add3A_136 = arith.constant 512 : i32
    %add3A_137 = arith.addi %mul3A_135, %add3A_136 : i32
    %dma_start3A_138 = arith.constant 0 : i32
    %dma_start3A_139 = tpu.memref_slice %arg12[%add3A_137, %dma_start3A_138] : memref<10240x128xf32, #tpu.memory_space<vmem_shared>> -> memref<32x128xf32, #tpu.memory_space<vmem_shared>>
    %dma_start3A_140 = arith.constant 0 : i32
    %dma_start3A_141 = tpu.memref_slice %arg12[%add3A_137, %dma_start3A_140] : memref<10240x128xf32, #tpu.memory_space<vmem_shared>> -> memref<32x128xf32, #tpu.memory_space<vmem_shared>>
    tpu.enqueue_dma source(%arg11 : memref<32x128xf32, #tpu.memory_space<vmem>>) target(%dma_start3A_141 : memref<32x128xf32, #tpu.memory_space<vmem_shared>>) target_semaphore(%arg14 : memref<!tpu.dma_semaphore, #tpu.memory_space<semaphore_mem>>)
    %mul3A_142 = arith.constant 640 : i32
    %mul3A_143 = arith.muli %arg1, %mul3A_142 : i32
    %add3A_144 = arith.constant 544 : i32
    %add3A_145 = arith.addi %mul3A_143, %add3A_144 : i32
    %dma_start3A_146 = arith.constant 0 : i32
    %dma_start3A_147 = tpu.memref_slice %arg12[%add3A_145, %dma_start3A_146] : memref<10240x128xf32, #tpu.memory_space<vmem_shared>> -> memref<32x128xf32, #tpu.memory_space<vmem_shared>>
    %dma_start3A_148 = arith.constant 0 : i32
    %dma_start3A_149 = tpu.memref_slice %arg12[%add3A_145, %dma_start3A_148] : memref<10240x128xf32, #tpu.memory_space<vmem_shared>> -> memref<32x128xf32, #tpu.memory_space<vmem_shared>>
    tpu.enqueue_dma source(%arg11 : memref<32x128xf32, #tpu.memory_space<vmem>>) target(%dma_start3A_149 : memref<32x128xf32, #tpu.memory_space<vmem_shared>>) target_semaphore(%arg14 : memref<!tpu.dma_semaphore, #tpu.memory_space<semaphore_mem>>)
    %mul3A_150 = arith.constant 640 : i32
    %mul3A_151 = arith.muli %arg1, %mul3A_150 : i32
    %add3A_152 = arith.constant 576 : i32
    %add3A_153 = arith.addi %mul3A_151, %add3A_152 : i32
    %dma_start3A_154 = arith.constant 0 : i32
    %dma_start3A_155 = tpu.memref_slice %arg12[%add3A_153, %dma_start3A_154] : memref<10240x128xf32, #tpu.memory_space<vmem_shared>> -> memref<32x128xf32, #tpu.memory_space<vmem_shared>>
    %dma_start3A_156 = arith.constant 0 : i32
    %dma_start3A_157 = tpu.memref_slice %arg12[%add3A_153, %dma_start3A_156] : memref<10240x128xf32, #tpu.memory_space<vmem_shared>> -> memref<32x128xf32, #tpu.memory_space<vmem_shared>>
    tpu.enqueue_dma source(%arg11 : memref<32x128xf32, #tpu.memory_space<vmem>>) target(%dma_start3A_157 : memref<32x128xf32, #tpu.memory_space<vmem_shared>>) target_semaphore(%arg14 : memref<!tpu.dma_semaphore, #tpu.memory_space<semaphore_mem>>)
    %mul3A_158 = arith.constant 640 : i32
    %mul3A_159 = arith.muli %arg1, %mul3A_158 : i32
    %add3A_160 = arith.constant 608 : i32
    %add3A_161 = arith.addi %mul3A_159, %add3A_160 : i32
    %dma_start3A_162 = arith.constant 0 : i32
    %dma_start3A_163 = tpu.memref_slice %arg12[%add3A_161, %dma_start3A_162] : memref<10240x128xf32, #tpu.memory_space<vmem_shared>> -> memref<32x128xf32, #tpu.memory_space<vmem_shared>>
    %dma_start3A_164 = arith.constant 0 : i32
    %dma_start3A_165 = tpu.memref_slice %arg12[%add3A_161, %dma_start3A_164] : memref<10240x128xf32, #tpu.memory_space<vmem_shared>> -> memref<32x128xf32, #tpu.memory_space<vmem_shared>>
    tpu.enqueue_dma source(%arg11 : memref<32x128xf32, #tpu.memory_space<vmem>>) target(%dma_start3A_165 : memref<32x128xf32, #tpu.memory_space<vmem_shared>>) target_semaphore(%arg14 : memref<!tpu.dma_semaphore, #tpu.memory_space<semaphore_mem>>)
    %dma_wait3A = arith.constant 0 : i32
    %dma_wait3A_166 = tpu.memref_slice %arg12[%add3A_10, %dma_wait3A] : memref<10240x128xf32, #tpu.memory_space<vmem_shared>> -> memref<32x128xf32, #tpu.memory_space<vmem_shared>>
    %dma_wait3A_167 = arith.constant 0 : i32
    %dma_wait3A_168 = tpu.memref_slice %arg12[%add3A_10, %dma_wait3A_167] : memref<10240x128xf32, #tpu.memory_space<vmem_shared>> -> memref<32x128xf32, #tpu.memory_space<vmem_shared>>
    tpu.wait_dma2 semaphore(%arg14 : memref<!tpu.dma_semaphore, #tpu.memory_space<semaphore_mem>>) src(%arg11 : memref<32x128xf32, #tpu.memory_space<vmem>>) dst(%dma_wait3A_168 : memref<32x128xf32, #tpu.memory_space<vmem_shared>>)
    %dma_wait3A_169 = arith.constant 0 : i32
    %dma_wait3A_170 = tpu.memref_slice %arg12[%add3A_17, %dma_wait3A_169] : memref<10240x128xf32, #tpu.memory_space<vmem_shared>> -> memref<32x128xf32, #tpu.memory_space<vmem_shared>>
    %dma_wait3A_171 = arith.constant 0 : i32
    %dma_wait3A_172 = tpu.memref_slice %arg12[%add3A_17, %dma_wait3A_171] : memref<10240x128xf32, #tpu.memory_space<vmem_shared>> -> memref<32x128xf32, #tpu.memory_space<vmem_shared>>
    tpu.wait_dma2 semaphore(%arg14 : memref<!tpu.dma_semaphore, #tpu.memory_space<semaphore_mem>>) src(%arg11 : memref<32x128xf32, #tpu.memory_space<vmem>>) dst(%dma_wait3A_172 : memref<32x128xf32, #tpu.memory_space<vmem_shared>>)
    %dma_wait3A_173 = arith.constant 0 : i32
    %dma_wait3A_174 = tpu.memref_slice %arg12[%add3A_25, %dma_wait3A_173] : memref<10240x128xf32, #tpu.memory_space<vmem_shared>> -> memref<32x128xf32, #tpu.memory_space<vmem_shared>>
    %dma_wait3A_175 = arith.constant 0 : i32
    %dma_wait3A_176 = tpu.memref_slice %arg12[%add3A_25, %dma_wait3A_175] : memref<10240x128xf32, #tpu.memory_space<vmem_shared>> -> memref<32x128xf32, #tpu.memory_space<vmem_shared>>
    tpu.wait_dma2 semaphore(%arg14 : memref<!tpu.dma_semaphore, #tpu.memory_space<semaphore_mem>>) src(%arg11 : memref<32x128xf32, #tpu.memory_space<vmem>>) dst(%dma_wait3A_176 : memref<32x128xf32, #tpu.memory_space<vmem_shared>>)
    %dma_wait3A_177 = arith.constant 0 : i32
    %dma_wait3A_178 = tpu.memref_slice %arg12[%add3A_33, %dma_wait3A_177] : memref<10240x128xf32, #tpu.memory_space<vmem_shared>> -> memref<32x128xf32, #tpu.memory_space<vmem_shared>>
    %dma_wait3A_179 = arith.constant 0 : i32
    %dma_wait3A_180 = tpu.memref_slice %arg12[%add3A_33, %dma_wait3A_179] : memref<10240x128xf32, #tpu.memory_space<vmem_shared>> -> memref<32x128xf32, #tpu.memory_space<vmem_shared>>
    tpu.wait_dma2 semaphore(%arg14 : memref<!tpu.dma_semaphore, #tpu.memory_space<semaphore_mem>>) src(%arg11 : memref<32x128xf32, #tpu.memory_space<vmem>>) dst(%dma_wait3A_180 : memref<32x128xf32, #tpu.memory_space<vmem_shared>>)
    %dma_wait3A_181 = arith.constant 0 : i32
    %dma_wait3A_182 = tpu.memref_slice %arg12[%add3A_41, %dma_wait3A_181] : memref<10240x128xf32, #tpu.memory_space<vmem_shared>> -> memref<32x128xf32, #tpu.memory_space<vmem_shared>>
    %dma_wait3A_183 = arith.constant 0 : i32
    %dma_wait3A_184 = tpu.memref_slice %arg12[%add3A_41, %dma_wait3A_183] : memref<10240x128xf32, #tpu.memory_space<vmem_shared>> -> memref<32x128xf32, #tpu.memory_space<vmem_shared>>
    tpu.wait_dma2 semaphore(%arg14 : memref<!tpu.dma_semaphore, #tpu.memory_space<semaphore_mem>>) src(%arg11 : memref<32x128xf32, #tpu.memory_space<vmem>>) dst(%dma_wait3A_184 : memref<32x128xf32, #tpu.memory_space<vmem_shared>>)
    %dma_wait3A_185 = arith.constant 0 : i32
    %dma_wait3A_186 = tpu.memref_slice %arg12[%add3A_49, %dma_wait3A_185] : memref<10240x128xf32, #tpu.memory_space<vmem_shared>> -> memref<32x128xf32, #tpu.memory_space<vmem_shared>>
    %dma_wait3A_187 = arith.constant 0 : i32
    %dma_wait3A_188 = tpu.memref_slice %arg12[%add3A_49, %dma_wait3A_187] : memref<10240x128xf32, #tpu.memory_space<vmem_shared>> -> memref<32x128xf32, #tpu.memory_space<vmem_shared>>
    tpu.wait_dma2 semaphore(%arg14 : memref<!tpu.dma_semaphore, #tpu.memory_space<semaphore_mem>>) src(%arg11 : memref<32x128xf32, #tpu.memory_space<vmem>>) dst(%dma_wait3A_188 : memref<32x128xf32, #tpu.memory_space<vmem_shared>>)
    %dma_wait3A_189 = arith.constant 0 : i32
    %dma_wait3A_190 = tpu.memref_slice %arg12[%add3A_57, %dma_wait3A_189] : memref<10240x128xf32, #tpu.memory_space<vmem_shared>> -> memref<32x128xf32, #tpu.memory_space<vmem_shared>>
    %dma_wait3A_191 = arith.constant 0 : i32
    %dma_wait3A_192 = tpu.memref_slice %arg12[%add3A_57, %dma_wait3A_191] : memref<10240x128xf32, #tpu.memory_space<vmem_shared>> -> memref<32x128xf32, #tpu.memory_space<vmem_shared>>
    tpu.wait_dma2 semaphore(%arg14 : memref<!tpu.dma_semaphore, #tpu.memory_space<semaphore_mem>>) src(%arg11 : memref<32x128xf32, #tpu.memory_space<vmem>>) dst(%dma_wait3A_192 : memref<32x128xf32, #tpu.memory_space<vmem_shared>>)
    %dma_wait3A_193 = arith.constant 0 : i32
    %dma_wait3A_194 = tpu.memref_slice %arg12[%add3A_65, %dma_wait3A_193] : memref<10240x128xf32, #tpu.memory_space<vmem_shared>> -> memref<32x128xf32, #tpu.memory_space<vmem_shared>>
    %dma_wait3A_195 = arith.constant 0 : i32
    %dma_wait3A_196 = tpu.memref_slice %arg12[%add3A_65, %dma_wait3A_195] : memref<10240x128xf32, #tpu.memory_space<vmem_shared>> -> memref<32x128xf32, #tpu.memory_space<vmem_shared>>
    tpu.wait_dma2 semaphore(%arg14 : memref<!tpu.dma_semaphore, #tpu.memory_space<semaphore_mem>>) src(%arg11 : memref<32x128xf32, #tpu.memory_space<vmem>>) dst(%dma_wait3A_196 : memref<32x128xf32, #tpu.memory_space<vmem_shared>>)
    %dma_wait3A_197 = arith.constant 0 : i32
    %dma_wait3A_198 = tpu.memref_slice %arg12[%add3A_73, %dma_wait3A_197] : memref<10240x128xf32, #tpu.memory_space<vmem_shared>> -> memref<32x128xf32, #tpu.memory_space<vmem_shared>>
    %dma_wait3A_199 = arith.constant 0 : i32
    %dma_wait3A_200 = tpu.memref_slice %arg12[%add3A_73, %dma_wait3A_199] : memref<10240x128xf32, #tpu.memory_space<vmem_shared>> -> memref<32x128xf32, #tpu.memory_space<vmem_shared>>
    tpu.wait_dma2 semaphore(%arg14 : memref<!tpu.dma_semaphore, #tpu.memory_space<semaphore_mem>>) src(%arg11 : memref<32x128xf32, #tpu.memory_space<vmem>>) dst(%dma_wait3A_200 : memref<32x128xf32, #tpu.memory_space<vmem_shared>>)
    %dma_wait3A_201 = arith.constant 0 : i32
    %dma_wait3A_202 = tpu.memref_slice %arg12[%add3A_81, %dma_wait3A_201] : memref<10240x128xf32, #tpu.memory_space<vmem_shared>> -> memref<32x128xf32, #tpu.memory_space<vmem_shared>>
    %dma_wait3A_203 = arith.constant 0 : i32
    %dma_wait3A_204 = tpu.memref_slice %arg12[%add3A_81, %dma_wait3A_203] : memref<10240x128xf32, #tpu.memory_space<vmem_shared>> -> memref<32x128xf32, #tpu.memory_space<vmem_shared>>
    tpu.wait_dma2 semaphore(%arg14 : memref<!tpu.dma_semaphore, #tpu.memory_space<semaphore_mem>>) src(%arg11 : memref<32x128xf32, #tpu.memory_space<vmem>>) dst(%dma_wait3A_204 : memref<32x128xf32, #tpu.memory_space<vmem_shared>>)
    %dma_wait3A_205 = arith.constant 0 : i32
    %dma_wait3A_206 = tpu.memref_slice %arg12[%add3A_89, %dma_wait3A_205] : memref<10240x128xf32, #tpu.memory_space<vmem_shared>> -> memref<32x128xf32, #tpu.memory_space<vmem_shared>>
    %dma_wait3A_207 = arith.constant 0 : i32
    %dma_wait3A_208 = tpu.memref_slice %arg12[%add3A_89, %dma_wait3A_207] : memref<10240x128xf32, #tpu.memory_space<vmem_shared>> -> memref<32x128xf32, #tpu.memory_space<vmem_shared>>
    tpu.wait_dma2 semaphore(%arg14 : memref<!tpu.dma_semaphore, #tpu.memory_space<semaphore_mem>>) src(%arg11 : memref<32x128xf32, #tpu.memory_space<vmem>>) dst(%dma_wait3A_208 : memref<32x128xf32, #tpu.memory_space<vmem_shared>>)
    %dma_wait3A_209 = arith.constant 0 : i32
    %dma_wait3A_210 = tpu.memref_slice %arg12[%add3A_97, %dma_wait3A_209] : memref<10240x128xf32, #tpu.memory_space<vmem_shared>> -> memref<32x128xf32, #tpu.memory_space<vmem_shared>>
    %dma_wait3A_211 = arith.constant 0 : i32
    %dma_wait3A_212 = tpu.memref_slice %arg12[%add3A_97, %dma_wait3A_211] : memref<10240x128xf32, #tpu.memory_space<vmem_shared>> -> memref<32x128xf32, #tpu.memory_space<vmem_shared>>
    tpu.wait_dma2 semaphore(%arg14 : memref<!tpu.dma_semaphore, #tpu.memory_space<semaphore_mem>>) src(%arg11 : memref<32x128xf32, #tpu.memory_space<vmem>>) dst(%dma_wait3A_212 : memref<32x128xf32, #tpu.memory_space<vmem_shared>>)
    %dma_wait3A_213 = arith.constant 0 : i32
    %dma_wait3A_214 = tpu.memref_slice %arg12[%add3A_105, %dma_wait3A_213] : memref<10240x128xf32, #tpu.memory_space<vmem_shared>> -> memref<32x128xf32, #tpu.memory_space<vmem_shared>>
    %dma_wait3A_215 = arith.constant 0 : i32
    %dma_wait3A_216 = tpu.memref_slice %arg12[%add3A_105, %dma_wait3A_215] : memref<10240x128xf32, #tpu.memory_space<vmem_shared>> -> memref<32x128xf32, #tpu.memory_space<vmem_shared>>
    tpu.wait_dma2 semaphore(%arg14 : memref<!tpu.dma_semaphore, #tpu.memory_space<semaphore_mem>>) src(%arg11 : memref<32x128xf32, #tpu.memory_space<vmem>>) dst(%dma_wait3A_216 : memref<32x128xf32, #tpu.memory_space<vmem_shared>>)
    %dma_wait3A_217 = arith.constant 0 : i32
    %dma_wait3A_218 = tpu.memref_slice %arg12[%add3A_113, %dma_wait3A_217] : memref<10240x128xf32, #tpu.memory_space<vmem_shared>> -> memref<32x128xf32, #tpu.memory_space<vmem_shared>>
    %dma_wait3A_219 = arith.constant 0 : i32
    %dma_wait3A_220 = tpu.memref_slice %arg12[%add3A_113, %dma_wait3A_219] : memref<10240x128xf32, #tpu.memory_space<vmem_shared>> -> memref<32x128xf32, #tpu.memory_space<vmem_shared>>
    tpu.wait_dma2 semaphore(%arg14 : memref<!tpu.dma_semaphore, #tpu.memory_space<semaphore_mem>>) src(%arg11 : memref<32x128xf32, #tpu.memory_space<vmem>>) dst(%dma_wait3A_220 : memref<32x128xf32, #tpu.memory_space<vmem_shared>>)
    %dma_wait3A_221 = arith.constant 0 : i32
    %dma_wait3A_222 = tpu.memref_slice %arg12[%add3A_121, %dma_wait3A_221] : memref<10240x128xf32, #tpu.memory_space<vmem_shared>> -> memref<32x128xf32, #tpu.memory_space<vmem_shared>>
    %dma_wait3A_223 = arith.constant 0 : i32
    %dma_wait3A_224 = tpu.memref_slice %arg12[%add3A_121, %dma_wait3A_223] : memref<10240x128xf32, #tpu.memory_space<vmem_shared>> -> memref<32x128xf32, #tpu.memory_space<vmem_shared>>
    tpu.wait_dma2 semaphore(%arg14 : memref<!tpu.dma_semaphore, #tpu.memory_space<semaphore_mem>>) src(%arg11 : memref<32x128xf32, #tpu.memory_space<vmem>>) dst(%dma_wait3A_224 : memref<32x128xf32, #tpu.memory_space<vmem_shared>>)
    %dma_wait3A_225 = arith.constant 0 : i32
    %dma_wait3A_226 = tpu.memref_slice %arg12[%add3A_129, %dma_wait3A_225] : memref<10240x128xf32, #tpu.memory_space<vmem_shared>> -> memref<32x128xf32, #tpu.memory_space<vmem_shared>>
    %dma_wait3A_227 = arith.constant 0 : i32
    %dma_wait3A_228 = tpu.memref_slice %arg12[%add3A_129, %dma_wait3A_227] : memref<10240x128xf32, #tpu.memory_space<vmem_shared>> -> memref<32x128xf32, #tpu.memory_space<vmem_shared>>
    tpu.wait_dma2 semaphore(%arg14 : memref<!tpu.dma_semaphore, #tpu.memory_space<semaphore_mem>>) src(%arg11 : memref<32x128xf32, #tpu.memory_space<vmem>>) dst(%dma_wait3A_228 : memref<32x128xf32, #tpu.memory_space<vmem_shared>>)
    %dma_wait3A_229 = arith.constant 0 : i32
    %dma_wait3A_230 = tpu.memref_slice %arg12[%add3A_137, %dma_wait3A_229] : memref<10240x128xf32, #tpu.memory_space<vmem_shared>> -> memref<32x128xf32, #tpu.memory_space<vmem_shared>>
    %dma_wait3A_231 = arith.constant 0 : i32
    %dma_wait3A_232 = tpu.memref_slice %arg12[%add3A_137, %dma_wait3A_231] : memref<10240x128xf32, #tpu.memory_space<vmem_shared>> -> memref<32x128xf32, #tpu.memory_space<vmem_shared>>
    tpu.wait_dma2 semaphore(%arg14 : memref<!tpu.dma_semaphore, #tpu.memory_space<semaphore_mem>>) src(%arg11 : memref<32x128xf32, #tpu.memory_space<vmem>>) dst(%dma_wait3A_232 : memref<32x128xf32, #tpu.memory_space<vmem_shared>>)
    %dma_wait3A_233 = arith.constant 0 : i32
    %dma_wait3A_234 = tpu.memref_slice %arg12[%add3A_145, %dma_wait3A_233] : memref<10240x128xf32, #tpu.memory_space<vmem_shared>> -> memref<32x128xf32, #tpu.memory_space<vmem_shared>>
    %dma_wait3A_235 = arith.constant 0 : i32
    %dma_wait3A_236 = tpu.memref_slice %arg12[%add3A_145, %dma_wait3A_235] : memref<10240x128xf32, #tpu.memory_space<vmem_shared>> -> memref<32x128xf32, #tpu.memory_space<vmem_shared>>
    tpu.wait_dma2 semaphore(%arg14 : memref<!tpu.dma_semaphore, #tpu.memory_space<semaphore_mem>>) src(%arg11 : memref<32x128xf32, #tpu.memory_space<vmem>>) dst(%dma_wait3A_236 : memref<32x128xf32, #tpu.memory_space<vmem_shared>>)
    %dma_wait3A_237 = arith.constant 0 : i32
    %dma_wait3A_238 = tpu.memref_slice %arg12[%add3A_153, %dma_wait3A_237] : memref<10240x128xf32, #tpu.memory_space<vmem_shared>> -> memref<32x128xf32, #tpu.memory_space<vmem_shared>>
    %dma_wait3A_239 = arith.constant 0 : i32
    %dma_wait3A_240 = tpu.memref_slice %arg12[%add3A_153, %dma_wait3A_239] : memref<10240x128xf32, #tpu.memory_space<vmem_shared>> -> memref<32x128xf32, #tpu.memory_space<vmem_shared>>
    tpu.wait_dma2 semaphore(%arg14 : memref<!tpu.dma_semaphore, #tpu.memory_space<semaphore_mem>>) src(%arg11 : memref<32x128xf32, #tpu.memory_space<vmem>>) dst(%dma_wait3A_240 : memref<32x128xf32, #tpu.memory_space<vmem_shared>>)
    %dma_wait3A_241 = arith.constant 0 : i32
    %dma_wait3A_242 = tpu.memref_slice %arg12[%add3A_161, %dma_wait3A_241] : memref<10240x128xf32, #tpu.memory_space<vmem_shared>> -> memref<32x128xf32, #tpu.memory_space<vmem_shared>>
    %dma_wait3A_243 = arith.constant 0 : i32
    %dma_wait3A_244 = tpu.memref_slice %arg12[%add3A_161, %dma_wait3A_243] : memref<10240x128xf32, #tpu.memory_space<vmem_shared>> -> memref<32x128xf32, #tpu.memory_space<vmem_shared>>
    tpu.wait_dma2 semaphore(%arg14 : memref<!tpu.dma_semaphore, #tpu.memory_space<semaphore_mem>>) src(%arg11 : memref<32x128xf32, #tpu.memory_space<vmem>>) dst(%dma_wait3A_244 : memref<32x128xf32, #tpu.memory_space<vmem_shared>>)
    %barrier3A = arith.constant 0 : index
    tpu.barrier barrier_id(%barrier3A)
    "tpu.region"() ({
      %run_scoped3A = tpu.sem_alloc : memref<!tpu.dma_semaphore, #tpu.memory_space<semaphore_mem>>
      %dma_start3A_542 = arith.constant 0 : i32
      %dma_start3A_543 = tpu.memref_slice %arg5[%add3A, %dma_start3A_542] : memref<32x16xi32, #tpu.memory_space<hbm>> -> memref<1x16xi32, #tpu.memory_space<hbm>>
      %dma_start3A_544 = tpu.memref_squeeze %dma_start3A_543 : memref<1x16xi32, #tpu.memory_space<hbm>> -> memref<16xi32, #tpu.memory_space<hbm>>
      %dma_start3A_545 = arith.constant 0 : i32
      %dma_start3A_546 = tpu.memref_slice %arg5[%add3A, %dma_start3A_545] : memref<32x16xi32, #tpu.memory_space<hbm>> -> memref<1x16xi32, #tpu.memory_space<hbm>>
      %dma_start3A_547 = tpu.memref_squeeze %dma_start3A_546 : memref<1x16xi32, #tpu.memory_space<hbm>> -> memref<16xi32, #tpu.memory_space<hbm>>
      tpu.enqueue_dma source(%dma_start3A_547 : memref<16xi32, #tpu.memory_space<hbm>>) target(%arg9 : memref<16xi32, #tpu.memory_space<vmem>>) target_semaphore(%run_scoped3A : memref<!tpu.dma_semaphore, #tpu.memory_space<semaphore_mem>>)
      %dma_wait3A_548 = arith.constant 0 : i32
      %dma_wait3A_549 = tpu.memref_slice %arg5[%add3A, %dma_wait3A_548] : memref<32x16xi32, #tpu.memory_space<hbm>> -> memref<1x16xi32, #tpu.memory_space<hbm>>
      %dma_wait3A_550 = tpu.memref_squeeze %dma_wait3A_549 : memref<1x16xi32, #tpu.memory_space<hbm>> -> memref<16xi32, #tpu.memory_space<hbm>>
      %dma_wait3A_551 = arith.constant 0 : i32
      %dma_wait3A_552 = tpu.memref_slice %arg5[%add3A, %dma_wait3A_551] : memref<32x16xi32, #tpu.memory_space<hbm>> -> memref<1x16xi32, #tpu.memory_space<hbm>>
      %dma_wait3A_553 = tpu.memref_squeeze %dma_wait3A_552 : memref<1x16xi32, #tpu.memory_space<hbm>> -> memref<16xi32, #tpu.memory_space<hbm>>
      tpu.wait_dma2 semaphore(%run_scoped3A : memref<!tpu.dma_semaphore, #tpu.memory_space<semaphore_mem>>) src(%dma_wait3A_553 : memref<16xi32, #tpu.memory_space<hbm>>) dst(%arg9 : memref<16xi32, #tpu.memory_space<vmem>>)
      tpu.yield
    }) : () -> ()
    %get3A = arith.constant 0 : index
    %get3A_245 = tpu.vector_load %arg9[%get3A] {strides = array<i32>} : memref<16xi32, #tpu.memory_space<vmem>>, vector<16xi32>,
    %slice3A = vector.extract_strided_slice %get3A_245 {offsets = [0], sizes = [1], strides = [1]} : vector<16xi32> to vector<1xi32>
    %squeeze3A = vector.extract %slice3A[0] : i32 from vector<1xi32>
    %add3A_246 = arith.constant 127 : i32
    %add3A_247 = arith.addi %squeeze3A, %add3A_246 : i32
    %jit3A = arith.constant 128 : i32
    %div3A = arith.divsi %add3A_247, %jit3A : i32
    %sign3A = arith.constant 0 : i32
    %sign3A_248 = arith.cmpi sgt, %add3A_247, %sign3A : i32
    %sign3A_249 = arith.extui %sign3A_248 : i1 to i32
    %sign3A_250 = arith.constant 0 : i32
    %sign3A_251 = arith.cmpi slt, %add3A_247, %sign3A_250 : i32
    %sign3A_252 = arith.extui %sign3A_251 : i1 to i32
    %sign3A_253 = arith.subi %sign3A_249, %sign3A_252 : i32
    %sign3A_254 = arith.constant 0 : i32
    %sign3A_255 = arith.cmpi sgt, %jit3A, %sign3A_254 : i32
    %sign3A_256 = arith.extui %sign3A_255 : i1 to i32
    %sign3A_257 = arith.constant 0 : i32
    %sign3A_258 = arith.cmpi slt, %jit3A, %sign3A_257 : i32
    %sign3A_259 = arith.extui %sign3A_258 : i1 to i32
    %sign3A_260 = arith.subi %sign3A_256, %sign3A_259 : i32
    %ne3A = arith.cmpi ne, %sign3A_253, %sign3A_260 : i32
    %rem3A = arith.remsi %add3A_247, %jit3A : i32
    %ne3A_261 = arith.constant 0 : i32
    %ne3A_262 = arith.cmpi ne, %rem3A, %ne3A_261 : i32
    %and3A = arith.andi %ne3A, %ne3A_262 : i1
    %sub3A = arith.constant 1 : i32
    %sub3A_263 = arith.subi %div3A, %sub3A : i32
    %select_n3A = arith.select %and3A, %sub3A_263, %div3A : i32
    %add3A_264 = arith.constant 7 : i32
    %add3A_265 = arith.addi %select_n3A, %add3A_264 : i32
    %jit3A_266 = arith.constant 8 : i32
    %div3A_267 = arith.divsi %add3A_265, %jit3A_266 : i32
    %sign3A_268 = arith.constant 0 : i32
    %sign3A_269 = arith.cmpi sgt, %add3A_265, %sign3A_268 : i32
    %sign3A_270 = arith.extui %sign3A_269 : i1 to i32
    %sign3A_271 = arith.constant 0 : i32
    %sign3A_272 = arith.cmpi slt, %add3A_265, %sign3A_271 : i32
    %sign3A_273 = arith.extui %sign3A_272 : i1 to i32
    %sign3A_274 = arith.subi %sign3A_270, %sign3A_273 : i32
    %sign3A_275 = arith.constant 0 : i32
    %sign3A_276 = arith.cmpi sgt, %jit3A_266, %sign3A_275 : i32
    %sign3A_277 = arith.extui %sign3A_276 : i1 to i32
    %sign3A_278 = arith.constant 0 : i32
    %sign3A_279 = arith.cmpi slt, %jit3A_266, %sign3A_278 : i32
    %sign3A_280 = arith.extui %sign3A_279 : i1 to i32
    %sign3A_281 = arith.subi %sign3A_277, %sign3A_280 : i32
    %ne3A_282 = arith.cmpi ne, %sign3A_274, %sign3A_281 : i32
    %rem3A_283 = arith.remsi %add3A_265, %jit3A_266 : i32
    %ne3A_284 = arith.constant 0 : i32
    %ne3A_285 = arith.cmpi ne, %rem3A_283, %ne3A_284 : i32
    %and3A_286 = arith.andi %ne3A_282, %ne3A_285 : i1
    %sub3A_287 = arith.constant 1 : i32
    %sub3A_288 = arith.subi %div3A_267, %sub3A_287 : i32
    %select_n3A_289 = arith.select %and3A_286, %sub3A_288, %div3A_267 : i32
    %while3A = arith.constant 0 : i32
    %while3A_290 = arith.constant 0 : i32
    %while3A_291 = arith.subi %select_n3A_289, %while3A : i32
    %while3A_292 = arith.addi %while3A, %while3A_291 : i32
    %while3A_293 = arith.constant 1 : i32
    %while3A_294 = arith.divsi %while3A_291, %while3A_293 : i32
    %while3A_295 = arith.muli %while3A_294, %while3A_293 : i32
    %while3A_296 = arith.addi %while3A, %while3A_295 : i32
    %while3A_297 = arith.constant 1 : i32
    %while3A_298 = scf.for %while3A_542 = %while3A to %while3A_296 step %while3A_297 iter_args(%while3A_543 = %while3A_290) -> (i32)  : i32 {
      %mul3A_544 = arith.constant 8 : i32
      %mul3A_545 = arith.muli %while3A_542, %mul3A_544 : i32
      %dma_start3A_546 = arith.constant 0 : i32
      %dma_start3A_547 = tpu.memref_slice %arg3[%add3A, %mul3A_545, %dma_start3A_546] : memref<32x80x128xi32, #tpu.memory_space<hbm>> -> memref<1x8x128xi32, #tpu.memory_space<hbm>>
      %dma_start3A_548 = tpu.memref_squeeze %dma_start3A_547 : memref<1x8x128xi32, #tpu.memory_space<hbm>> -> memref<8x128xi32, #tpu.memory_space<hbm>>
      %dma_start3A_549 = arith.constant 0 : i32
      %dma_start3A_550 = tpu.memref_slice %arg3[%add3A, %mul3A_545, %dma_start3A_549] : memref<32x80x128xi32, #tpu.memory_space<hbm>> -> memref<1x8x128xi32, #tpu.memory_space<hbm>>
      %dma_start3A_551 = tpu.memref_squeeze %dma_start3A_550 : memref<1x8x128xi32, #tpu.memory_space<hbm>> -> memref<8x128xi32, #tpu.memory_space<hbm>>
      tpu.enqueue_dma source(%dma_start3A_551 : memref<8x128xi32, #tpu.memory_space<hbm>>) target(%arg7 : memref<8x128xi32, #tpu.memory_space<vmem>>) target_semaphore(%arg13 : memref<!tpu.dma_semaphore, #tpu.memory_space<semaphore_mem>>)
      %mul3A_552 = arith.constant 8 : i32
      %mul3A_553 = arith.muli %while3A_542, %mul3A_552 : i32
      %dma_start3A_554 = arith.constant 0 : i32
      %dma_start3A_555 = tpu.memref_slice %arg4[%add3A, %mul3A_553, %dma_start3A_554] : memref<32x80x128xi32, #tpu.memory_space<hbm>> -> memref<1x8x128xi32, #tpu.memory_space<hbm>>
      %dma_start3A_556 = tpu.memref_squeeze %dma_start3A_555 : memref<1x8x128xi32, #tpu.memory_space<hbm>> -> memref<8x128xi32, #tpu.memory_space<hbm>>
      %dma_start3A_557 = arith.constant 0 : i32
      %dma_start3A_558 = tpu.memref_slice %arg4[%add3A, %mul3A_553, %dma_start3A_557] : memref<32x80x128xi32, #tpu.memory_space<hbm>> -> memref<1x8x128xi32, #tpu.memory_space<hbm>>
      %dma_start3A_559 = tpu.memref_squeeze %dma_start3A_558 : memref<1x8x128xi32, #tpu.memory_space<hbm>> -> memref<8x128xi32, #tpu.memory_space<hbm>>
      tpu.enqueue_dma source(%dma_start3A_559 : memref<8x128xi32, #tpu.memory_space<hbm>>) target(%arg8 : memref<8x128xi32, #tpu.memory_space<vmem>>) target_semaphore(%arg13 : memref<!tpu.dma_semaphore, #tpu.memory_space<semaphore_mem>>)
      %dma_wait3A_560 = arith.constant 0 : i32
      %dma_wait3A_561 = tpu.memref_slice %arg3[%add3A, %mul3A_545, %dma_wait3A_560] : memref<32x80x128xi32, #tpu.memory_space<hbm>> -> memref<1x8x128xi32, #tpu.memory_space<hbm>>
      %dma_wait3A_562 = tpu.memref_squeeze %dma_wait3A_561 : memref<1x8x128xi32, #tpu.memory_space<hbm>> -> memref<8x128xi32, #tpu.memory_space<hbm>>
      %dma_wait3A_563 = arith.constant 0 : i32
      %dma_wait3A_564 = tpu.memref_slice %arg3[%add3A, %mul3A_545, %dma_wait3A_563] : memref<32x80x128xi32, #tpu.memory_space<hbm>> -> memref<1x8x128xi32, #tpu.memory_space<hbm>>
      %dma_wait3A_565 = tpu.memref_squeeze %dma_wait3A_564 : memref<1x8x128xi32, #tpu.memory_space<hbm>> -> memref<8x128xi32, #tpu.memory_space<hbm>>
      tpu.wait_dma2 semaphore(%arg13 : memref<!tpu.dma_semaphore, #tpu.memory_space<semaphore_mem>>) src(%dma_wait3A_565 : memref<8x128xi32, #tpu.memory_space<hbm>>) dst(%arg7 : memref<8x128xi32, #tpu.memory_space<vmem>>)
      %dma_wait3A_566 = arith.constant 0 : i32
      %dma_wait3A_567 = tpu.memref_slice %arg4[%add3A, %mul3A_553, %dma_wait3A_566] : memref<32x80x128xi32, #tpu.memory_space<hbm>> -> memref<1x8x128xi32, #tpu.memory_space<hbm>>
      %dma_wait3A_568 = tpu.memref_squeeze %dma_wait3A_567 : memref<1x8x128xi32, #tpu.memory_space<hbm>> -> memref<8x128xi32, #tpu.memory_space<hbm>>
      %dma_wait3A_569 = arith.constant 0 : i32
      %dma_wait3A_570 = tpu.memref_slice %arg4[%add3A, %mul3A_553, %dma_wait3A_569] : memref<32x80x128xi32, #tpu.memory_space<hbm>> -> memref<1x8x128xi32, #tpu.memory_space<hbm>>
      %dma_wait3A_571 = tpu.memref_squeeze %dma_wait3A_570 : memref<1x8x128xi32, #tpu.memory_space<hbm>> -> memref<8x128xi32, #tpu.memory_space<hbm>>
      tpu.wait_dma2 semaphore(%arg13 : memref<!tpu.dma_semaphore, #tpu.memory_space<semaphore_mem>>) src(%dma_wait3A_571 : memref<8x128xi32, #tpu.memory_space<hbm>>) dst(%arg8 : memref<8x128xi32, #tpu.memory_space<vmem>>)
      %mul3A_572 = arith.constant 8 : i32
      %mul3A_573 = arith.muli %while3A_542, %mul3A_572 : i32
      %sub3A_574 = arith.subi %select_n3A, %mul3A_573 : i32
      %min3A = arith.constant 8 : i32
      %min3A_575 = arith.minsi %sub3A_574, %min3A : i32
      %gt3A = arith.constant 0 : i32
      %gt3A_576 = arith.cmpi sgt, %min3A_575, %gt3A : i32
      %convert_element_type3A = arith.extui %gt3A_576 : i1 to i32
      %cond3A = arith.constant 0 : i32
      %cond3A_577 = arith.cmpi ne, %convert_element_type3A, %cond3A : i32
      scf.if %cond3A_577 {
        %dma_start3A_596 = arith.constant 0 : i32
        %dma_start3A_597 = arith.constant 0 : i32
        %dma_start3A_598 = arith.constant 0 : i32
        %dma_start3A_599 = arith.constant 0 : i32
        %dma_start3A_600 = tpu.memref_slice %arg10[%dma_start3A_597, %dma_start3A_598, %dma_start3A_599] : memref<2x128x128xf32, #tpu.memory_space<vmem>> -> memref<1x128x128xf32, #tpu.memory_space<vmem>>
        %dma_start3A_601 = tpu.memref_squeeze %dma_start3A_600 : memref<1x128x128xf32, #tpu.memory_space<vmem>> -> memref<128x128xf32, #tpu.memory_space<vmem>>
        %dma_start3A_602 = arith.constant 0 : i32
        %dma_start3A_603 = tpu.memref_slice %arg7[%dma_start3A_596, %dma_start3A_602] : memref<8x128xi32, #tpu.memory_space<vmem>> -> memref<1x128xi32, #tpu.memory_space<vmem>>
        %dma_start3A_604 = tpu.memref_squeeze %dma_start3A_603 : memref<1x128xi32, #tpu.memory_space<vmem>> -> memref<128xi32, #tpu.memory_space<vmem>>
        %dma_start3A_605 = arith.constant 0 : i32
        %dma_start3A_606 = arith.constant 0 : i32
        %dma_start3A_607 = tpu.memref_slice %arg2[%dma_start3A_605, %dma_start3A_606] : memref<10240x128xf32, #tpu.memory_space<hbm>> -> memref<10240x128xf32, #tpu.memory_space<hbm>>
        tpu.enqueue_indirect_dma source(%dma_start3A_607 : memref<10240x128xf32, #tpu.memory_space<hbm>>) target(%dma_start3A_601 : memref<128x128xf32, #tpu.memory_space<vmem>>) offsets(%dma_start3A_604 : memref<128xi32, #tpu.memory_space<vmem>>) semaphore(%arg13 : memref<!tpu.dma_semaphore, #tpu.memory_space<semaphore_mem>>)
      } else {
      }
      %while3A_578 = arith.constant 0 : i32
      %while3A_579 = arith.constant 0 : i32
      %while3A_580 = arith.subi %min3A_575, %while3A_578 : i32
      %while3A_581 = arith.addi %while3A_578, %while3A_580 : i32
      %while3A_582 = arith.constant 1 : i32
      %while3A_583 = arith.divsi %while3A_580, %while3A_582 : i32
      %while3A_584 = arith.muli %while3A_583, %while3A_582 : i32
      %while3A_585 = arith.addi %while3A_578, %while3A_584 : i32
      %while3A_586 = arith.constant 1 : i32
      %while3A_587 = scf.for %while3A_596 = %while3A_578 to %while3A_585 step %while3A_586 iter_args(%while3A_597 = %while3A_579) -> (i32)  : i32 {
        %jit3A_598 = arith.constant 2 : i32
        %eq3A = arith.constant 0 : i32
        %eq3A_599 = arith.cmpi eq, %jit3A_598, %eq3A : i32
        %jit3A_600 = arith.constant 1 : i32
        %select_n3A_601 = arith.select %eq3A_599, %jit3A_600, %jit3A_598 : i32
        %rem3A_602 = arith.remsi %while3A_596, %select_n3A_601 : i32
        %ne3A_603 = arith.constant 0 : i32
        %ne3A_604 = arith.cmpi ne, %rem3A_602, %ne3A_603 : i32
        %lt3A = arith.constant 0 : i32
        %lt3A_605 = arith.cmpi slt, %rem3A_602, %lt3A : i32
        %lt3A_606 = arith.constant 0 : i32
        %lt3A_607 = arith.cmpi slt, %select_n3A_601, %lt3A_606 : i32
        %ne3A_608 = arith.xori %lt3A_605, %lt3A_607 : i1
        %and3A_609 = arith.andi %ne3A_608, %ne3A_604 : i1
        %add3A_610 = arith.addi %rem3A_602, %select_n3A_601 : i32
        %select_n3A_611 = arith.select %and3A_609, %add3A_610, %rem3A_602 : i32
        %dma_wait3A_612 = arith.constant 0 : i32
        %dma_wait3A_613 = arith.constant 0 : i32
        %dma_wait3A_614 = tpu.memref_slice %arg10[%select_n3A_611, %dma_wait3A_612, %dma_wait3A_613] : memref<2x128x128xf32, #tpu.memory_space<vmem>> -> memref<1x128x128xf32, #tpu.memory_space<vmem>>
        %dma_wait3A_615 = tpu.memref_squeeze %dma_wait3A_614 : memref<1x128x128xf32, #tpu.memory_space<vmem>> -> memref<128x128xf32, #tpu.memory_space<vmem>>
        %dma_wait3A_616 = arith.constant 0 : i32
        %dma_wait3A_617 = tpu.memref_slice %arg7[%while3A_596, %dma_wait3A_616] : memref<8x128xi32, #tpu.memory_space<vmem>> -> memref<1x128xi32, #tpu.memory_space<vmem>>
        %dma_wait3A_618 = tpu.memref_squeeze %dma_wait3A_617 : memref<1x128xi32, #tpu.memory_space<vmem>> -> memref<128xi32, #tpu.memory_space<vmem>>
        %dma_wait3A_619 = arith.constant 0 : i32
        %dma_wait3A_620 = arith.constant 0 : i32
        %dma_wait3A_621 = tpu.memref_slice %arg2[%dma_wait3A_619, %dma_wait3A_620] : memref<10240x128xf32, #tpu.memory_space<hbm>> -> memref<10240x128xf32, #tpu.memory_space<hbm>>
        tpu.wait_indirect_dma semaphore(%arg13 : memref<!tpu.dma_semaphore, #tpu.memory_space<semaphore_mem>>) src(%dma_wait3A_621 : memref<10240x128xf32, #tpu.memory_space<hbm>>) dst(%dma_wait3A_615 : memref<128x128xf32, #tpu.memory_space<vmem>>)
        %ge3A = arith.constant 1 : i32
        %ge3A_622 = arith.cmpi sge, %while3A_596, %ge3A : i32
        %convert_element_type3A_623 = arith.extui %ge3A_622 : i1 to i32
        %cond3A_624 = arith.constant 0 : i32
        %cond3A_625 = arith.cmpi ne, %convert_element_type3A_623, %cond3A_624 : i32
        scf.if %cond3A_625 {
          %sub3A_643 = arith.constant 1 : i32
          %sub3A_644 = arith.subi %sub3A_643, %select_n3A_611 : i32
          %dma_wait3A_645 = arith.constant 0 : i32
          %dma_wait3A_646 = arith.constant 0 : i32
          %dma_wait3A_647 = arith.constant 0 : i32
          %dma_wait3A_648 = tpu.memref_slice %arg10[%sub3A_644, %dma_wait3A_646, %dma_wait3A_647] : memref<2x128x128xf32, #tpu.memory_space<vmem>> -> memref<1x128x128xf32, #tpu.memory_space<vmem>>
          %dma_wait3A_649 = tpu.memref_squeeze %dma_wait3A_648 : memref<1x128x128xf32, #tpu.memory_space<vmem>> -> memref<128x128xf32, #tpu.memory_space<vmem>>
          %dma_wait3A_650 = arith.constant 0 : i32
          %dma_wait3A_651 = tpu.memref_slice %arg8[%dma_wait3A_645, %dma_wait3A_650] : memref<8x128xi32, #tpu.memory_space<vmem>> -> memref<1x128xi32, #tpu.memory_space<vmem>>
          %dma_wait3A_652 = tpu.memref_squeeze %dma_wait3A_651 : memref<1x128xi32, #tpu.memory_space<vmem>> -> memref<128xi32, #tpu.memory_space<vmem>>
          %dma_wait3A_653 = arith.constant 0 : i32
          %dma_wait3A_654 = arith.constant 0 : i32
          %dma_wait3A_655 = tpu.memref_slice %arg12[%dma_wait3A_653, %dma_wait3A_654] : memref<10240x128xf32, #tpu.memory_space<vmem_shared>> -> memref<10240x128xf32, #tpu.memory_space<vmem_shared>>
          tpu.wait_indirect_dma semaphore(%arg14 : memref<!tpu.dma_semaphore, #tpu.memory_space<semaphore_mem>>) src(%dma_wait3A_649 : memref<128x128xf32, #tpu.memory_space<vmem>>) dst(%dma_wait3A_655 : memref<10240x128xf32, #tpu.memory_space<vmem_shared>>)
        } else {
        }
        %add3A_626 = arith.constant 1 : i32
        %add3A_627 = arith.addi %while3A_596, %add3A_626 : i32
        %lt3A_628 = arith.cmpi slt, %add3A_627, %min3A_575 : i32
        %convert_element_type3A_629 = arith.extui %lt3A_628 : i1 to i32
        %cond3A_630 = arith.constant 0 : i32
        %cond3A_631 = arith.cmpi ne, %convert_element_type3A_629, %cond3A_630 : i32
        scf.if %cond3A_631 {
          %add3A_643 = arith.constant 1 : i32
          %add3A_644 = arith.addi %while3A_596, %add3A_643 : i32
          %sub3A_645 = arith.constant 1 : i32
          %sub3A_646 = arith.subi %sub3A_645, %select_n3A_611 : i32
          %dma_start3A_647 = arith.constant 0 : i32
          %dma_start3A_648 = arith.constant 0 : i32
          %dma_start3A_649 = tpu.memref_slice %arg10[%sub3A_646, %dma_start3A_647, %dma_start3A_648] : memref<2x128x128xf32, #tpu.memory_space<vmem>> -> memref<1x128x128xf32, #tpu.memory_space<vmem>>
          %dma_start3A_650 = tpu.memref_squeeze %dma_start3A_649 : memref<1x128x128xf32, #tpu.memory_space<vmem>> -> memref<128x128xf32, #tpu.memory_space<vmem>>
          %dma_start3A_651 = arith.constant 0 : i32
          %dma_start3A_652 = tpu.memref_slice %arg7[%add3A_644, %dma_start3A_651] : memref<8x128xi32, #tpu.memory_space<vmem>> -> memref<1x128xi32, #tpu.memory_space<vmem>>
          %dma_start3A_653 = tpu.memref_squeeze %dma_start3A_652 : memref<1x128xi32, #tpu.memory_space<vmem>> -> memref<128xi32, #tpu.memory_space<vmem>>
          %dma_start3A_654 = arith.constant 0 : i32
          %dma_start3A_655 = arith.constant 0 : i32
          %dma_start3A_656 = tpu.memref_slice %arg2[%dma_start3A_654, %dma_start3A_655] : memref<10240x128xf32, #tpu.memory_space<hbm>> -> memref<10240x128xf32, #tpu.memory_space<hbm>>
          tpu.enqueue_indirect_dma source(%dma_start3A_656 : memref<10240x128xf32, #tpu.memory_space<hbm>>) target(%dma_start3A_650 : memref<128x128xf32, #tpu.memory_space<vmem>>) offsets(%dma_start3A_653 : memref<128xi32, #tpu.memory_space<vmem>>) semaphore(%arg13 : memref<!tpu.dma_semaphore, #tpu.memory_space<semaphore_mem>>)
        } else {
        }
        %dma_start3A_632 = arith.constant 0 : i32
        %dma_start3A_633 = arith.constant 0 : i32
        %dma_start3A_634 = tpu.memref_slice %arg10[%select_n3A_611, %dma_start3A_632, %dma_start3A_633] : memref<2x128x128xf32, #tpu.memory_space<vmem>> -> memref<1x128x128xf32, #tpu.memory_space<vmem>>
        %dma_start3A_635 = tpu.memref_squeeze %dma_start3A_634 : memref<1x128x128xf32, #tpu.memory_space<vmem>> -> memref<128x128xf32, #tpu.memory_space<vmem>>
        %dma_start3A_636 = arith.constant 0 : i32
        %dma_start3A_637 = tpu.memref_slice %arg8[%while3A_596, %dma_start3A_636] : memref<8x128xi32, #tpu.memory_space<vmem>> -> memref<1x128xi32, #tpu.memory_space<vmem>>
        %dma_start3A_638 = tpu.memref_squeeze %dma_start3A_637 : memref<1x128xi32, #tpu.memory_space<vmem>> -> memref<128xi32, #tpu.memory_space<vmem>>
        %dma_start3A_639 = arith.constant 0 : i32
        %dma_start3A_640 = arith.constant 0 : i32
        %dma_start3A_641 = tpu.memref_slice %arg12[%dma_start3A_639, %dma_start3A_640] : memref<10240x128xf32, #tpu.memory_space<vmem_shared>> -> memref<10240x128xf32, #tpu.memory_space<vmem_shared>>
        tpu.enqueue_indirect_dma source(%dma_start3A_635 : memref<128x128xf32, #tpu.memory_space<vmem>>) target(%dma_start3A_641 : memref<10240x128xf32, #tpu.memory_space<vmem_shared>>) offsets(%dma_start3A_638 : memref<128xi32, #tpu.memory_space<vmem>>) semaphore(%arg14 : memref<!tpu.dma_semaphore, #tpu.memory_space<semaphore_mem>>) {add = true}
        %while3A_642 = arith.constant 0 : i32
        scf.yield %while3A_642 : i32
      }
      %while3A_588 = arith.constant 1 : i32
      %while3A_589 = scf.for %while3A_596 = %while3A_585 to %while3A_581 step %while3A_588 iter_args(%while3A_597 = %while3A_587) -> (i32)  : i32 {
        %jit3A_598 = arith.constant 2 : i32
        %eq3A = arith.constant 0 : i32
        %eq3A_599 = arith.cmpi eq, %jit3A_598, %eq3A : i32
        %jit3A_600 = arith.constant 1 : i32
        %select_n3A_601 = arith.select %eq3A_599, %jit3A_600, %jit3A_598 : i32
        %rem3A_602 = arith.remsi %while3A_596, %select_n3A_601 : i32
        %ne3A_603 = arith.constant 0 : i32
        %ne3A_604 = arith.cmpi ne, %rem3A_602, %ne3A_603 : i32
        %lt3A = arith.constant 0 : i32
        %lt3A_605 = arith.cmpi slt, %rem3A_602, %lt3A : i32
        %lt3A_606 = arith.constant 0 : i32
        %lt3A_607 = arith.cmpi slt, %select_n3A_601, %lt3A_606 : i32
        %ne3A_608 = arith.xori %lt3A_605, %lt3A_607 : i1
        %and3A_609 = arith.andi %ne3A_608, %ne3A_604 : i1
        %add3A_610 = arith.addi %rem3A_602, %select_n3A_601 : i32
        %select_n3A_611 = arith.select %and3A_609, %add3A_610, %rem3A_602 : i32
        %dma_wait3A_612 = arith.constant 0 : i32
        %dma_wait3A_613 = arith.constant 0 : i32
        %dma_wait3A_614 = tpu.memref_slice %arg10[%select_n3A_611, %dma_wait3A_612, %dma_wait3A_613] : memref<2x128x128xf32, #tpu.memory_space<vmem>> -> memref<1x128x128xf32, #tpu.memory_space<vmem>>
        %dma_wait3A_615 = tpu.memref_squeeze %dma_wait3A_614 : memref<1x128x128xf32, #tpu.memory_space<vmem>> -> memref<128x128xf32, #tpu.memory_space<vmem>>
        %dma_wait3A_616 = arith.constant 0 : i32
        %dma_wait3A_617 = tpu.memref_slice %arg7[%while3A_596, %dma_wait3A_616] : memref<8x128xi32, #tpu.memory_space<vmem>> -> memref<1x128xi32, #tpu.memory_space<vmem>>
        %dma_wait3A_618 = tpu.memref_squeeze %dma_wait3A_617 : memref<1x128xi32, #tpu.memory_space<vmem>> -> memref<128xi32, #tpu.memory_space<vmem>>
        %dma_wait3A_619 = arith.constant 0 : i32
        %dma_wait3A_620 = arith.constant 0 : i32
        %dma_wait3A_621 = tpu.memref_slice %arg2[%dma_wait3A_619, %dma_wait3A_620] : memref<10240x128xf32, #tpu.memory_space<hbm>> -> memref<10240x128xf32, #tpu.memory_space<hbm>>
        tpu.wait_indirect_dma semaphore(%arg13 : memref<!tpu.dma_semaphore, #tpu.memory_space<semaphore_mem>>) src(%dma_wait3A_621 : memref<10240x128xf32, #tpu.memory_space<hbm>>) dst(%dma_wait3A_615 : memref<128x128xf32, #tpu.memory_space<vmem>>)
        %ge3A = arith.constant 1 : i32
        %ge3A_622 = arith.cmpi sge, %while3A_596, %ge3A : i32
        %convert_element_type3A_623 = arith.extui %ge3A_622 : i1 to i32
        %cond3A_624 = arith.constant 0 : i32
        %cond3A_625 = arith.cmpi ne, %convert_element_type3A_623, %cond3A_624 : i32
        scf.if %cond3A_625 {
          %sub3A_643 = arith.constant 1 : i32
          %sub3A_644 = arith.subi %sub3A_643, %select_n3A_611 : i32
          %dma_wait3A_645 = arith.constant 0 : i32
          %dma_wait3A_646 = arith.constant 0 : i32
          %dma_wait3A_647 = arith.constant 0 : i32
          %dma_wait3A_648 = tpu.memref_slice %arg10[%sub3A_644, %dma_wait3A_646, %dma_wait3A_647] : memref<2x128x128xf32, #tpu.memory_space<vmem>> -> memref<1x128x128xf32, #tpu.memory_space<vmem>>
          %dma_wait3A_649 = tpu.memref_squeeze %dma_wait3A_648 : memref<1x128x128xf32, #tpu.memory_space<vmem>> -> memref<128x128xf32, #tpu.memory_space<vmem>>
          %dma_wait3A_650 = arith.constant 0 : i32
          %dma_wait3A_651 = tpu.memref_slice %arg8[%dma_wait3A_645, %dma_wait3A_650] : memref<8x128xi32, #tpu.memory_space<vmem>> -> memref<1x128xi32, #tpu.memory_space<vmem>>
          %dma_wait3A_652 = tpu.memref_squeeze %dma_wait3A_651 : memref<1x128xi32, #tpu.memory_space<vmem>> -> memref<128xi32, #tpu.memory_space<vmem>>
          %dma_wait3A_653 = arith.constant 0 : i32
          %dma_wait3A_654 = arith.constant 0 : i32
          %dma_wait3A_655 = tpu.memref_slice %arg12[%dma_wait3A_653, %dma_wait3A_654] : memref<10240x128xf32, #tpu.memory_space<vmem_shared>> -> memref<10240x128xf32, #tpu.memory_space<vmem_shared>>
          tpu.wait_indirect_dma semaphore(%arg14 : memref<!tpu.dma_semaphore, #tpu.memory_space<semaphore_mem>>) src(%dma_wait3A_649 : memref<128x128xf32, #tpu.memory_space<vmem>>) dst(%dma_wait3A_655 : memref<10240x128xf32, #tpu.memory_space<vmem_shared>>)
        } else {
        }
        %add3A_626 = arith.constant 1 : i32
        %add3A_627 = arith.addi %while3A_596, %add3A_626 : i32
        %lt3A_628 = arith.cmpi slt, %add3A_627, %min3A_575 : i32
        %convert_element_type3A_629 = arith.extui %lt3A_628 : i1 to i32
        %cond3A_630 = arith.constant 0 : i32
        %cond3A_631 = arith.cmpi ne, %convert_element_type3A_629, %cond3A_630 : i32
        scf.if %cond3A_631 {
          %add3A_643 = arith.constant 1 : i32
          %add3A_644 = arith.addi %while3A_596, %add3A_643 : i32
          %sub3A_645 = arith.constant 1 : i32
          %sub3A_646 = arith.subi %sub3A_645, %select_n3A_611 : i32
          %dma_start3A_647 = arith.constant 0 : i32
          %dma_start3A_648 = arith.constant 0 : i32
          %dma_start3A_649 = tpu.memref_slice %arg10[%sub3A_646, %dma_start3A_647, %dma_start3A_648] : memref<2x128x128xf32, #tpu.memory_space<vmem>> -> memref<1x128x128xf32, #tpu.memory_space<vmem>>
          %dma_start3A_650 = tpu.memref_squeeze %dma_start3A_649 : memref<1x128x128xf32, #tpu.memory_space<vmem>> -> memref<128x128xf32, #tpu.memory_space<vmem>>
          %dma_start3A_651 = arith.constant 0 : i32
          %dma_start3A_652 = tpu.memref_slice %arg7[%add3A_644, %dma_start3A_651] : memref<8x128xi32, #tpu.memory_space<vmem>> -> memref<1x128xi32, #tpu.memory_space<vmem>>
          %dma_start3A_653 = tpu.memref_squeeze %dma_start3A_652 : memref<1x128xi32, #tpu.memory_space<vmem>> -> memref<128xi32, #tpu.memory_space<vmem>>
          %dma_start3A_654 = arith.constant 0 : i32
          %dma_start3A_655 = arith.constant 0 : i32
          %dma_start3A_656 = tpu.memref_slice %arg2[%dma_start3A_654, %dma_start3A_655] : memref<10240x128xf32, #tpu.memory_space<hbm>> -> memref<10240x128xf32, #tpu.memory_space<hbm>>
          tpu.enqueue_indirect_dma source(%dma_start3A_656 : memref<10240x128xf32, #tpu.memory_space<hbm>>) target(%dma_start3A_650 : memref<128x128xf32, #tpu.memory_space<vmem>>) offsets(%dma_start3A_653 : memref<128xi32, #tpu.memory_space<vmem>>) semaphore(%arg13 : memref<!tpu.dma_semaphore, #tpu.memory_space<semaphore_mem>>)
        } else {
        }
        %dma_start3A_632 = arith.constant 0 : i32
        %dma_start3A_633 = arith.constant 0 : i32
        %dma_start3A_634 = tpu.memref_slice %arg10[%select_n3A_611, %dma_start3A_632, %dma_start3A_633] : memref<2x128x128xf32, #tpu.memory_space<vmem>> -> memref<1x128x128xf32, #tpu.memory_space<vmem>>
        %dma_start3A_635 = tpu.memref_squeeze %dma_start3A_634 : memref<1x128x128xf32, #tpu.memory_space<vmem>> -> memref<128x128xf32, #tpu.memory_space<vmem>>
        %dma_start3A_636 = arith.constant 0 : i32
        %dma_start3A_637 = tpu.memref_slice %arg8[%while3A_596, %dma_start3A_636] : memref<8x128xi32, #tpu.memory_space<vmem>> -> memref<1x128xi32, #tpu.memory_space<vmem>>
        %dma_start3A_638 = tpu.memref_squeeze %dma_start3A_637 : memref<1x128xi32, #tpu.memory_space<vmem>> -> memref<128xi32, #tpu.memory_space<vmem>>
        %dma_start3A_639 = arith.constant 0 : i32
        %dma_start3A_640 = arith.constant 0 : i32
        %dma_start3A_641 = tpu.memref_slice %arg12[%dma_start3A_639, %dma_start3A_640] : memref<10240x128xf32, #tpu.memory_space<vmem_shared>> -> memref<10240x128xf32, #tpu.memory_space<vmem_shared>>
        tpu.enqueue_indirect_dma source(%dma_start3A_635 : memref<128x128xf32, #tpu.memory_space<vmem>>) target(%dma_start3A_641 : memref<10240x128xf32, #tpu.memory_space<vmem_shared>>) offsets(%dma_start3A_638 : memref<128xi32, #tpu.memory_space<vmem>>) semaphore(%arg14 : memref<!tpu.dma_semaphore, #tpu.memory_space<semaphore_mem>>) {add = true}
        %while3A_642 = arith.constant 0 : i32
        scf.yield %while3A_642 : i32
      }
      %gt3A_590 = arith.constant 0 : i32
      %gt3A_591 = arith.cmpi sgt, %min3A_575, %gt3A_590 : i32
      %convert_element_type3A_592 = arith.extui %gt3A_591 : i1 to i32
      %cond3A_593 = arith.constant 0 : i32
      %cond3A_594 = arith.cmpi ne, %convert_element_type3A_592, %cond3A_593 : i32
      scf.if %cond3A_594 {
        %sub3A_596 = arith.constant 1 : i32
        %sub3A_597 = arith.subi %min3A_575, %sub3A_596 : i32
        %jit3A_598 = arith.constant 2 : i32
        %eq3A = arith.constant 0 : i32
        %eq3A_599 = arith.cmpi eq, %jit3A_598, %eq3A : i32
        %jit3A_600 = arith.constant 1 : i32
        %select_n3A_601 = arith.select %eq3A_599, %jit3A_600, %jit3A_598 : i32
        %rem3A_602 = arith.remsi %sub3A_597, %select_n3A_601 : i32
        %ne3A_603 = arith.constant 0 : i32
        %ne3A_604 = arith.cmpi ne, %rem3A_602, %ne3A_603 : i32
        %lt3A = arith.constant 0 : i32
        %lt3A_605 = arith.cmpi slt, %rem3A_602, %lt3A : i32
        %lt3A_606 = arith.constant 0 : i32
        %lt3A_607 = arith.cmpi slt, %select_n3A_601, %lt3A_606 : i32
        %ne3A_608 = arith.xori %lt3A_605, %lt3A_607 : i1
        %and3A_609 = arith.andi %ne3A_608, %ne3A_604 : i1
        %add3A_610 = arith.addi %rem3A_602, %select_n3A_601 : i32
        %select_n3A_611 = arith.select %and3A_609, %add3A_610, %rem3A_602 : i32
        %dma_wait3A_612 = arith.constant 0 : i32
        %dma_wait3A_613 = arith.constant 0 : i32
        %dma_wait3A_614 = arith.constant 0 : i32
        %dma_wait3A_615 = tpu.memref_slice %arg10[%select_n3A_611, %dma_wait3A_613, %dma_wait3A_614] : memref<2x128x128xf32, #tpu.memory_space<vmem>> -> memref<1x128x128xf32, #tpu.memory_space<vmem>>
        %dma_wait3A_616 = tpu.memref_squeeze %dma_wait3A_615 : memref<1x128x128xf32, #tpu.memory_space<vmem>> -> memref<128x128xf32, #tpu.memory_space<vmem>>
        %dma_wait3A_617 = arith.constant 0 : i32
        %dma_wait3A_618 = tpu.memref_slice %arg8[%dma_wait3A_612, %dma_wait3A_617] : memref<8x128xi32, #tpu.memory_space<vmem>> -> memref<1x128xi32, #tpu.memory_space<vmem>>
        %dma_wait3A_619 = tpu.memref_squeeze %dma_wait3A_618 : memref<1x128xi32, #tpu.memory_space<vmem>> -> memref<128xi32, #tpu.memory_space<vmem>>
        %dma_wait3A_620 = arith.constant 0 : i32
        %dma_wait3A_621 = arith.constant 0 : i32
        %dma_wait3A_622 = tpu.memref_slice %arg12[%dma_wait3A_620, %dma_wait3A_621] : memref<10240x128xf32, #tpu.memory_space<vmem_shared>> -> memref<10240x128xf32, #tpu.memory_space<vmem_shared>>
        tpu.wait_indirect_dma semaphore(%arg14 : memref<!tpu.dma_semaphore, #tpu.memory_space<semaphore_mem>>) src(%dma_wait3A_616 : memref<128x128xf32, #tpu.memory_space<vmem>>) dst(%dma_wait3A_622 : memref<10240x128xf32, #tpu.memory_space<vmem_shared>>)
      } else {
      }
      %while3A_595 = arith.constant 0 : i32
      scf.yield %while3A_595 : i32
    }
    %while3A_299 = arith.constant 1 : i32
    %while3A_300 = scf.for %while3A_542 = %while3A_296 to %while3A_292 step %while3A_299 iter_args(%while3A_543 = %while3A_298) -> (i32)  : i32 {
      %mul3A_544 = arith.constant 8 : i32
      %mul3A_545 = arith.muli %while3A_542, %mul3A_544 : i32
      %dma_start3A_546 = arith.constant 0 : i32
      %dma_start3A_547 = tpu.memref_slice %arg3[%add3A, %mul3A_545, %dma_start3A_546] : memref<32x80x128xi32, #tpu.memory_space<hbm>> -> memref<1x8x128xi32, #tpu.memory_space<hbm>>
      %dma_start3A_548 = tpu.memref_squeeze %dma_start3A_547 : memref<1x8x128xi32, #tpu.memory_space<hbm>> -> memref<8x128xi32, #tpu.memory_space<hbm>>
      %dma_start3A_549 = arith.constant 0 : i32
      %dma_start3A_550 = tpu.memref_slice %arg3[%add3A, %mul3A_545, %dma_start3A_549] : memref<32x80x128xi32, #tpu.memory_space<hbm>> -> memref<1x8x128xi32, #tpu.memory_space<hbm>>
      %dma_start3A_551 = tpu.memref_squeeze %dma_start3A_550 : memref<1x8x128xi32, #tpu.memory_space<hbm>> -> memref<8x128xi32, #tpu.memory_space<hbm>>
      tpu.enqueue_dma source(%dma_start3A_551 : memref<8x128xi32, #tpu.memory_space<hbm>>) target(%arg7 : memref<8x128xi32, #tpu.memory_space<vmem>>) target_semaphore(%arg13 : memref<!tpu.dma_semaphore, #tpu.memory_space<semaphore_mem>>)
      %mul3A_552 = arith.constant 8 : i32
      %mul3A_553 = arith.muli %while3A_542, %mul3A_552 : i32
      %dma_start3A_554 = arith.constant 0 : i32
      %dma_start3A_555 = tpu.memref_slice %arg4[%add3A, %mul3A_553, %dma_start3A_554] : memref<32x80x128xi32, #tpu.memory_space<hbm>> -> memref<1x8x128xi32, #tpu.memory_space<hbm>>
      %dma_start3A_556 = tpu.memref_squeeze %dma_start3A_555 : memref<1x8x128xi32, #tpu.memory_space<hbm>> -> memref<8x128xi32, #tpu.memory_space<hbm>>
      %dma_start3A_557 = arith.constant 0 : i32
      %dma_start3A_558 = tpu.memref_slice %arg4[%add3A, %mul3A_553, %dma_start3A_557] : memref<32x80x128xi32, #tpu.memory_space<hbm>> -> memref<1x8x128xi32, #tpu.memory_space<hbm>>
      %dma_start3A_559 = tpu.memref_squeeze %dma_start3A_558 : memref<1x8x128xi32, #tpu.memory_space<hbm>> -> memref<8x128xi32, #tpu.memory_space<hbm>>
      tpu.enqueue_dma source(%dma_start3A_559 : memref<8x128xi32, #tpu.memory_space<hbm>>) target(%arg8 : memref<8x128xi32, #tpu.memory_space<vmem>>) target_semaphore(%arg13 : memref<!tpu.dma_semaphore, #tpu.memory_space<semaphore_mem>>)
      %dma_wait3A_560 = arith.constant 0 : i32
      %dma_wait3A_561 = tpu.memref_slice %arg3[%add3A, %mul3A_545, %dma_wait3A_560] : memref<32x80x128xi32, #tpu.memory_space<hbm>> -> memref<1x8x128xi32, #tpu.memory_space<hbm>>
      %dma_wait3A_562 = tpu.memref_squeeze %dma_wait3A_561 : memref<1x8x128xi32, #tpu.memory_space<hbm>> -> memref<8x128xi32, #tpu.memory_space<hbm>>
      %dma_wait3A_563 = arith.constant 0 : i32
      %dma_wait3A_564 = tpu.memref_slice %arg3[%add3A, %mul3A_545, %dma_wait3A_563] : memref<32x80x128xi32, #tpu.memory_space<hbm>> -> memref<1x8x128xi32, #tpu.memory_space<hbm>>
      %dma_wait3A_565 = tpu.memref_squeeze %dma_wait3A_564 : memref<1x8x128xi32, #tpu.memory_space<hbm>> -> memref<8x128xi32, #tpu.memory_space<hbm>>
      tpu.wait_dma2 semaphore(%arg13 : memref<!tpu.dma_semaphore, #tpu.memory_space<semaphore_mem>>) src(%dma_wait3A_565 : memref<8x128xi32, #tpu.memory_space<hbm>>) dst(%arg7 : memref<8x128xi32, #tpu.memory_space<vmem>>)
      %dma_wait3A_566 = arith.constant 0 : i32
      %dma_wait3A_567 = tpu.memref_slice %arg4[%add3A, %mul3A_553, %dma_wait3A_566] : memref<32x80x128xi32, #tpu.memory_space<hbm>> -> memref<1x8x128xi32, #tpu.memory_space<hbm>>
      %dma_wait3A_568 = tpu.memref_squeeze %dma_wait3A_567 : memref<1x8x128xi32, #tpu.memory_space<hbm>> -> memref<8x128xi32, #tpu.memory_space<hbm>>
      %dma_wait3A_569 = arith.constant 0 : i32
      %dma_wait3A_570 = tpu.memref_slice %arg4[%add3A, %mul3A_553, %dma_wait3A_569] : memref<32x80x128xi32, #tpu.memory_space<hbm>> -> memref<1x8x128xi32, #tpu.memory_space<hbm>>
      %dma_wait3A_571 = tpu.memref_squeeze %dma_wait3A_570 : memref<1x8x128xi32, #tpu.memory_space<hbm>> -> memref<8x128xi32, #tpu.memory_space<hbm>>
      tpu.wait_dma2 semaphore(%arg13 : memref<!tpu.dma_semaphore, #tpu.memory_space<semaphore_mem>>) src(%dma_wait3A_571 : memref<8x128xi32, #tpu.memory_space<hbm>>) dst(%arg8 : memref<8x128xi32, #tpu.memory_space<vmem>>)
      %mul3A_572 = arith.constant 8 : i32
      %mul3A_573 = arith.muli %while3A_542, %mul3A_572 : i32
      %sub3A_574 = arith.subi %select_n3A, %mul3A_573 : i32
      %min3A = arith.constant 8 : i32
      %min3A_575 = arith.minsi %sub3A_574, %min3A : i32
      %gt3A = arith.constant 0 : i32
      %gt3A_576 = arith.cmpi sgt, %min3A_575, %gt3A : i32
      %convert_element_type3A = arith.extui %gt3A_576 : i1 to i32
      %cond3A = arith.constant 0 : i32
      %cond3A_577 = arith.cmpi ne, %convert_element_type3A, %cond3A : i32
      scf.if %cond3A_577 {
        %dma_start3A_596 = arith.constant 0 : i32
        %dma_start3A_597 = arith.constant 0 : i32
        %dma_start3A_598 = arith.constant 0 : i32
        %dma_start3A_599 = arith.constant 0 : i32
        %dma_start3A_600 = tpu.memref_slice %arg10[%dma_start3A_597, %dma_start3A_598, %dma_start3A_599] : memref<2x128x128xf32, #tpu.memory_space<vmem>> -> memref<1x128x128xf32, #tpu.memory_space<vmem>>
        %dma_start3A_601 = tpu.memref_squeeze %dma_start3A_600 : memref<1x128x128xf32, #tpu.memory_space<vmem>> -> memref<128x128xf32, #tpu.memory_space<vmem>>
        %dma_start3A_602 = arith.constant 0 : i32
        %dma_start3A_603 = tpu.memref_slice %arg7[%dma_start3A_596, %dma_start3A_602] : memref<8x128xi32, #tpu.memory_space<vmem>> -> memref<1x128xi32, #tpu.memory_space<vmem>>
        %dma_start3A_604 = tpu.memref_squeeze %dma_start3A_603 : memref<1x128xi32, #tpu.memory_space<vmem>> -> memref<128xi32, #tpu.memory_space<vmem>>
        %dma_start3A_605 = arith.constant 0 : i32
        %dma_start3A_606 = arith.constant 0 : i32
        %dma_start3A_607 = tpu.memref_slice %arg2[%dma_start3A_605, %dma_start3A_606] : memref<10240x128xf32, #tpu.memory_space<hbm>> -> memref<10240x128xf32, #tpu.memory_space<hbm>>
        tpu.enqueue_indirect_dma source(%dma_start3A_607 : memref<10240x128xf32, #tpu.memory_space<hbm>>) target(%dma_start3A_601 : memref<128x128xf32, #tpu.memory_space<vmem>>) offsets(%dma_start3A_604 : memref<128xi32, #tpu.memory_space<vmem>>) semaphore(%arg13 : memref<!tpu.dma_semaphore, #tpu.memory_space<semaphore_mem>>)
      } else {
      }
      %while3A_578 = arith.constant 0 : i32
      %while3A_579 = arith.constant 0 : i32
      %while3A_580 = arith.subi %min3A_575, %while3A_578 : i32
      %while3A_581 = arith.addi %while3A_578, %while3A_580 : i32
      %while3A_582 = arith.constant 1 : i32
      %while3A_583 = arith.divsi %while3A_580, %while3A_582 : i32
      %while3A_584 = arith.muli %while3A_583, %while3A_582 : i32
      %while3A_585 = arith.addi %while3A_578, %while3A_584 : i32
      %while3A_586 = arith.constant 1 : i32
      %while3A_587 = scf.for %while3A_596 = %while3A_578 to %while3A_585 step %while3A_586 iter_args(%while3A_597 = %while3A_579) -> (i32)  : i32 {
        %jit3A_598 = arith.constant 2 : i32
        %eq3A = arith.constant 0 : i32
        %eq3A_599 = arith.cmpi eq, %jit3A_598, %eq3A : i32
        %jit3A_600 = arith.constant 1 : i32
        %select_n3A_601 = arith.select %eq3A_599, %jit3A_600, %jit3A_598 : i32
        %rem3A_602 = arith.remsi %while3A_596, %select_n3A_601 : i32
        %ne3A_603 = arith.constant 0 : i32
        %ne3A_604 = arith.cmpi ne, %rem3A_602, %ne3A_603 : i32
        %lt3A = arith.constant 0 : i32
        %lt3A_605 = arith.cmpi slt, %rem3A_602, %lt3A : i32
        %lt3A_606 = arith.constant 0 : i32
        %lt3A_607 = arith.cmpi slt, %select_n3A_601, %lt3A_606 : i32
        %ne3A_608 = arith.xori %lt3A_605, %lt3A_607 : i1
        %and3A_609 = arith.andi %ne3A_608, %ne3A_604 : i1
        %add3A_610 = arith.addi %rem3A_602, %select_n3A_601 : i32
        %select_n3A_611 = arith.select %and3A_609, %add3A_610, %rem3A_602 : i32
        %dma_wait3A_612 = arith.constant 0 : i32
        %dma_wait3A_613 = arith.constant 0 : i32
        %dma_wait3A_614 = tpu.memref_slice %arg10[%select_n3A_611, %dma_wait3A_612, %dma_wait3A_613] : memref<2x128x128xf32, #tpu.memory_space<vmem>> -> memref<1x128x128xf32, #tpu.memory_space<vmem>>
        %dma_wait3A_615 = tpu.memref_squeeze %dma_wait3A_614 : memref<1x128x128xf32, #tpu.memory_space<vmem>> -> memref<128x128xf32, #tpu.memory_space<vmem>>
        %dma_wait3A_616 = arith.constant 0 : i32
        %dma_wait3A_617 = tpu.memref_slice %arg7[%while3A_596, %dma_wait3A_616] : memref<8x128xi32, #tpu.memory_space<vmem>> -> memref<1x128xi32, #tpu.memory_space<vmem>>
        %dma_wait3A_618 = tpu.memref_squeeze %dma_wait3A_617 : memref<1x128xi32, #tpu.memory_space<vmem>> -> memref<128xi32, #tpu.memory_space<vmem>>
        %dma_wait3A_619 = arith.constant 0 : i32
        %dma_wait3A_620 = arith.constant 0 : i32
        %dma_wait3A_621 = tpu.memref_slice %arg2[%dma_wait3A_619, %dma_wait3A_620] : memref<10240x128xf32, #tpu.memory_space<hbm>> -> memref<10240x128xf32, #tpu.memory_space<hbm>>
        tpu.wait_indirect_dma semaphore(%arg13 : memref<!tpu.dma_semaphore, #tpu.memory_space<semaphore_mem>>) src(%dma_wait3A_621 : memref<10240x128xf32, #tpu.memory_space<hbm>>) dst(%dma_wait3A_615 : memref<128x128xf32, #tpu.memory_space<vmem>>)
        %ge3A = arith.constant 1 : i32
        %ge3A_622 = arith.cmpi sge, %while3A_596, %ge3A : i32
        %convert_element_type3A_623 = arith.extui %ge3A_622 : i1 to i32
        %cond3A_624 = arith.constant 0 : i32
        %cond3A_625 = arith.cmpi ne, %convert_element_type3A_623, %cond3A_624 : i32
        scf.if %cond3A_625 {
          %sub3A_643 = arith.constant 1 : i32
          %sub3A_644 = arith.subi %sub3A_643, %select_n3A_611 : i32
          %dma_wait3A_645 = arith.constant 0 : i32
          %dma_wait3A_646 = arith.constant 0 : i32
          %dma_wait3A_647 = arith.constant 0 : i32
          %dma_wait3A_648 = tpu.memref_slice %arg10[%sub3A_644, %dma_wait3A_646, %dma_wait3A_647] : memref<2x128x128xf32, #tpu.memory_space<vmem>> -> memref<1x128x128xf32, #tpu.memory_space<vmem>>
          %dma_wait3A_649 = tpu.memref_squeeze %dma_wait3A_648 : memref<1x128x128xf32, #tpu.memory_space<vmem>> -> memref<128x128xf32, #tpu.memory_space<vmem>>
          %dma_wait3A_650 = arith.constant 0 : i32
          %dma_wait3A_651 = tpu.memref_slice %arg8[%dma_wait3A_645, %dma_wait3A_650] : memref<8x128xi32, #tpu.memory_space<vmem>> -> memref<1x128xi32, #tpu.memory_space<vmem>>
          %dma_wait3A_652 = tpu.memref_squeeze %dma_wait3A_651 : memref<1x128xi32, #tpu.memory_space<vmem>> -> memref<128xi32, #tpu.memory_space<vmem>>
          %dma_wait3A_653 = arith.constant 0 : i32
          %dma_wait3A_654 = arith.constant 0 : i32
          %dma_wait3A_655 = tpu.memref_slice %arg12[%dma_wait3A_653, %dma_wait3A_654] : memref<10240x128xf32, #tpu.memory_space<vmem_shared>> -> memref<10240x128xf32, #tpu.memory_space<vmem_shared>>
          tpu.wait_indirect_dma semaphore(%arg14 : memref<!tpu.dma_semaphore, #tpu.memory_space<semaphore_mem>>) src(%dma_wait3A_649 : memref<128x128xf32, #tpu.memory_space<vmem>>) dst(%dma_wait3A_655 : memref<10240x128xf32, #tpu.memory_space<vmem_shared>>)
        } else {
        }
        %add3A_626 = arith.constant 1 : i32
        %add3A_627 = arith.addi %while3A_596, %add3A_626 : i32
        %lt3A_628 = arith.cmpi slt, %add3A_627, %min3A_575 : i32
        %convert_element_type3A_629 = arith.extui %lt3A_628 : i1 to i32
        %cond3A_630 = arith.constant 0 : i32
        %cond3A_631 = arith.cmpi ne, %convert_element_type3A_629, %cond3A_630 : i32
        scf.if %cond3A_631 {
          %add3A_643 = arith.constant 1 : i32
          %add3A_644 = arith.addi %while3A_596, %add3A_643 : i32
          %sub3A_645 = arith.constant 1 : i32
          %sub3A_646 = arith.subi %sub3A_645, %select_n3A_611 : i32
          %dma_start3A_647 = arith.constant 0 : i32
          %dma_start3A_648 = arith.constant 0 : i32
          %dma_start3A_649 = tpu.memref_slice %arg10[%sub3A_646, %dma_start3A_647, %dma_start3A_648] : memref<2x128x128xf32, #tpu.memory_space<vmem>> -> memref<1x128x128xf32, #tpu.memory_space<vmem>>
          %dma_start3A_650 = tpu.memref_squeeze %dma_start3A_649 : memref<1x128x128xf32, #tpu.memory_space<vmem>> -> memref<128x128xf32, #tpu.memory_space<vmem>>
          %dma_start3A_651 = arith.constant 0 : i32
          %dma_start3A_652 = tpu.memref_slice %arg7[%add3A_644, %dma_start3A_651] : memref<8x128xi32, #tpu.memory_space<vmem>> -> memref<1x128xi32, #tpu.memory_space<vmem>>
          %dma_start3A_653 = tpu.memref_squeeze %dma_start3A_652 : memref<1x128xi32, #tpu.memory_space<vmem>> -> memref<128xi32, #tpu.memory_space<vmem>>
          %dma_start3A_654 = arith.constant 0 : i32
          %dma_start3A_655 = arith.constant 0 : i32
          %dma_start3A_656 = tpu.memref_slice %arg2[%dma_start3A_654, %dma_start3A_655] : memref<10240x128xf32, #tpu.memory_space<hbm>> -> memref<10240x128xf32, #tpu.memory_space<hbm>>
          tpu.enqueue_indirect_dma source(%dma_start3A_656 : memref<10240x128xf32, #tpu.memory_space<hbm>>) target(%dma_start3A_650 : memref<128x128xf32, #tpu.memory_space<vmem>>) offsets(%dma_start3A_653 : memref<128xi32, #tpu.memory_space<vmem>>) semaphore(%arg13 : memref<!tpu.dma_semaphore, #tpu.memory_space<semaphore_mem>>)
        } else {
        }
        %dma_start3A_632 = arith.constant 0 : i32
        %dma_start3A_633 = arith.constant 0 : i32
        %dma_start3A_634 = tpu.memref_slice %arg10[%select_n3A_611, %dma_start3A_632, %dma_start3A_633] : memref<2x128x128xf32, #tpu.memory_space<vmem>> -> memref<1x128x128xf32, #tpu.memory_space<vmem>>
        %dma_start3A_635 = tpu.memref_squeeze %dma_start3A_634 : memref<1x128x128xf32, #tpu.memory_space<vmem>> -> memref<128x128xf32, #tpu.memory_space<vmem>>
        %dma_start3A_636 = arith.constant 0 : i32
        %dma_start3A_637 = tpu.memref_slice %arg8[%while3A_596, %dma_start3A_636] : memref<8x128xi32, #tpu.memory_space<vmem>> -> memref<1x128xi32, #tpu.memory_space<vmem>>
        %dma_start3A_638 = tpu.memref_squeeze %dma_start3A_637 : memref<1x128xi32, #tpu.memory_space<vmem>> -> memref<128xi32, #tpu.memory_space<vmem>>
        %dma_start3A_639 = arith.constant 0 : i32
        %dma_start3A_640 = arith.constant 0 : i32
        %dma_start3A_641 = tpu.memref_slice %arg12[%dma_start3A_639, %dma_start3A_640] : memref<10240x128xf32, #tpu.memory_space<vmem_shared>> -> memref<10240x128xf32, #tpu.memory_space<vmem_shared>>
        tpu.enqueue_indirect_dma source(%dma_start3A_635 : memref<128x128xf32, #tpu.memory_space<vmem>>) target(%dma_start3A_641 : memref<10240x128xf32, #tpu.memory_space<vmem_shared>>) offsets(%dma_start3A_638 : memref<128xi32, #tpu.memory_space<vmem>>) semaphore(%arg14 : memref<!tpu.dma_semaphore, #tpu.memory_space<semaphore_mem>>) {add = true}
        %while3A_642 = arith.constant 0 : i32
        scf.yield %while3A_642 : i32
      }
      %while3A_588 = arith.constant 1 : i32
      %while3A_589 = scf.for %while3A_596 = %while3A_585 to %while3A_581 step %while3A_588 iter_args(%while3A_597 = %while3A_587) -> (i32)  : i32 {
        %jit3A_598 = arith.constant 2 : i32
        %eq3A = arith.constant 0 : i32
        %eq3A_599 = arith.cmpi eq, %jit3A_598, %eq3A : i32
        %jit3A_600 = arith.constant 1 : i32
        %select_n3A_601 = arith.select %eq3A_599, %jit3A_600, %jit3A_598 : i32
        %rem3A_602 = arith.remsi %while3A_596, %select_n3A_601 : i32
        %ne3A_603 = arith.constant 0 : i32
        %ne3A_604 = arith.cmpi ne, %rem3A_602, %ne3A_603 : i32
        %lt3A = arith.constant 0 : i32
        %lt3A_605 = arith.cmpi slt, %rem3A_602, %lt3A : i32
        %lt3A_606 = arith.constant 0 : i32
        %lt3A_607 = arith.cmpi slt, %select_n3A_601, %lt3A_606 : i32
        %ne3A_608 = arith.xori %lt3A_605, %lt3A_607 : i1
        %and3A_609 = arith.andi %ne3A_608, %ne3A_604 : i1
        %add3A_610 = arith.addi %rem3A_602, %select_n3A_601 : i32
        %select_n3A_611 = arith.select %and3A_609, %add3A_610, %rem3A_602 : i32
        %dma_wait3A_612 = arith.constant 0 : i32
        %dma_wait3A_613 = arith.constant 0 : i32
        %dma_wait3A_614 = tpu.memref_slice %arg10[%select_n3A_611, %dma_wait3A_612, %dma_wait3A_613] : memref<2x128x128xf32, #tpu.memory_space<vmem>> -> memref<1x128x128xf32, #tpu.memory_space<vmem>>
        %dma_wait3A_615 = tpu.memref_squeeze %dma_wait3A_614 : memref<1x128x128xf32, #tpu.memory_space<vmem>> -> memref<128x128xf32, #tpu.memory_space<vmem>>
        %dma_wait3A_616 = arith.constant 0 : i32
        %dma_wait3A_617 = tpu.memref_slice %arg7[%while3A_596, %dma_wait3A_616] : memref<8x128xi32, #tpu.memory_space<vmem>> -> memref<1x128xi32, #tpu.memory_space<vmem>>
        %dma_wait3A_618 = tpu.memref_squeeze %dma_wait3A_617 : memref<1x128xi32, #tpu.memory_space<vmem>> -> memref<128xi32, #tpu.memory_space<vmem>>
        %dma_wait3A_619 = arith.constant 0 : i32
        %dma_wait3A_620 = arith.constant 0 : i32
        %dma_wait3A_621 = tpu.memref_slice %arg2[%dma_wait3A_619, %dma_wait3A_620] : memref<10240x128xf32, #tpu.memory_space<hbm>> -> memref<10240x128xf32, #tpu.memory_space<hbm>>
        tpu.wait_indirect_dma semaphore(%arg13 : memref<!tpu.dma_semaphore, #tpu.memory_space<semaphore_mem>>) src(%dma_wait3A_621 : memref<10240x128xf32, #tpu.memory_space<hbm>>) dst(%dma_wait3A_615 : memref<128x128xf32, #tpu.memory_space<vmem>>)
        %ge3A = arith.constant 1 : i32
        %ge3A_622 = arith.cmpi sge, %while3A_596, %ge3A : i32
        %convert_element_type3A_623 = arith.extui %ge3A_622 : i1 to i32
        %cond3A_624 = arith.constant 0 : i32
        %cond3A_625 = arith.cmpi ne, %convert_element_type3A_623, %cond3A_624 : i32
        scf.if %cond3A_625 {
          %sub3A_643 = arith.constant 1 : i32
          %sub3A_644 = arith.subi %sub3A_643, %select_n3A_611 : i32
          %dma_wait3A_645 = arith.constant 0 : i32
          %dma_wait3A_646 = arith.constant 0 : i32
          %dma_wait3A_647 = arith.constant 0 : i32
          %dma_wait3A_648 = tpu.memref_slice %arg10[%sub3A_644, %dma_wait3A_646, %dma_wait3A_647] : memref<2x128x128xf32, #tpu.memory_space<vmem>> -> memref<1x128x128xf32, #tpu.memory_space<vmem>>
          %dma_wait3A_649 = tpu.memref_squeeze %dma_wait3A_648 : memref<1x128x128xf32, #tpu.memory_space<vmem>> -> memref<128x128xf32, #tpu.memory_space<vmem>>
          %dma_wait3A_650 = arith.constant 0 : i32
          %dma_wait3A_651 = tpu.memref_slice %arg8[%dma_wait3A_645, %dma_wait3A_650] : memref<8x128xi32, #tpu.memory_space<vmem>> -> memref<1x128xi32, #tpu.memory_space<vmem>>
          %dma_wait3A_652 = tpu.memref_squeeze %dma_wait3A_651 : memref<1x128xi32, #tpu.memory_space<vmem>> -> memref<128xi32, #tpu.memory_space<vmem>>
          %dma_wait3A_653 = arith.constant 0 : i32
          %dma_wait3A_654 = arith.constant 0 : i32
          %dma_wait3A_655 = tpu.memref_slice %arg12[%dma_wait3A_653, %dma_wait3A_654] : memref<10240x128xf32, #tpu.memory_space<vmem_shared>> -> memref<10240x128xf32, #tpu.memory_space<vmem_shared>>
          tpu.wait_indirect_dma semaphore(%arg14 : memref<!tpu.dma_semaphore, #tpu.memory_space<semaphore_mem>>) src(%dma_wait3A_649 : memref<128x128xf32, #tpu.memory_space<vmem>>) dst(%dma_wait3A_655 : memref<10240x128xf32, #tpu.memory_space<vmem_shared>>)
        } else {
        }
        %add3A_626 = arith.constant 1 : i32
        %add3A_627 = arith.addi %while3A_596, %add3A_626 : i32
        %lt3A_628 = arith.cmpi slt, %add3A_627, %min3A_575 : i32
        %convert_element_type3A_629 = arith.extui %lt3A_628 : i1 to i32
        %cond3A_630 = arith.constant 0 : i32
        %cond3A_631 = arith.cmpi ne, %convert_element_type3A_629, %cond3A_630 : i32
        scf.if %cond3A_631 {
          %add3A_643 = arith.constant 1 : i32
          %add3A_644 = arith.addi %while3A_596, %add3A_643 : i32
          %sub3A_645 = arith.constant 1 : i32
          %sub3A_646 = arith.subi %sub3A_645, %select_n3A_611 : i32
          %dma_start3A_647 = arith.constant 0 : i32
          %dma_start3A_648 = arith.constant 0 : i32
          %dma_start3A_649 = tpu.memref_slice %arg10[%sub3A_646, %dma_start3A_647, %dma_start3A_648] : memref<2x128x128xf32, #tpu.memory_space<vmem>> -> memref<1x128x128xf32, #tpu.memory_space<vmem>>
          %dma_start3A_650 = tpu.memref_squeeze %dma_start3A_649 : memref<1x128x128xf32, #tpu.memory_space<vmem>> -> memref<128x128xf32, #tpu.memory_space<vmem>>
          %dma_start3A_651 = arith.constant 0 : i32
          %dma_start3A_652 = tpu.memref_slice %arg7[%add3A_644, %dma_start3A_651] : memref<8x128xi32, #tpu.memory_space<vmem>> -> memref<1x128xi32, #tpu.memory_space<vmem>>
          %dma_start3A_653 = tpu.memref_squeeze %dma_start3A_652 : memref<1x128xi32, #tpu.memory_space<vmem>> -> memref<128xi32, #tpu.memory_space<vmem>>
          %dma_start3A_654 = arith.constant 0 : i32
          %dma_start3A_655 = arith.constant 0 : i32
          %dma_start3A_656 = tpu.memref_slice %arg2[%dma_start3A_654, %dma_start3A_655] : memref<10240x128xf32, #tpu.memory_space<hbm>> -> memref<10240x128xf32, #tpu.memory_space<hbm>>
          tpu.enqueue_indirect_dma source(%dma_start3A_656 : memref<10240x128xf32, #tpu.memory_space<hbm>>) target(%dma_start3A_650 : memref<128x128xf32, #tpu.memory_space<vmem>>) offsets(%dma_start3A_653 : memref<128xi32, #tpu.memory_space<vmem>>) semaphore(%arg13 : memref<!tpu.dma_semaphore, #tpu.memory_space<semaphore_mem>>)
        } else {
        }
        %dma_start3A_632 = arith.constant 0 : i32
        %dma_start3A_633 = arith.constant 0 : i32
        %dma_start3A_634 = tpu.memref_slice %arg10[%select_n3A_611, %dma_start3A_632, %dma_start3A_633] : memref<2x128x128xf32, #tpu.memory_space<vmem>> -> memref<1x128x128xf32, #tpu.memory_space<vmem>>
        %dma_start3A_635 = tpu.memref_squeeze %dma_start3A_634 : memref<1x128x128xf32, #tpu.memory_space<vmem>> -> memref<128x128xf32, #tpu.memory_space<vmem>>
        %dma_start3A_636 = arith.constant 0 : i32
        %dma_start3A_637 = tpu.memref_slice %arg8[%while3A_596, %dma_start3A_636] : memref<8x128xi32, #tpu.memory_space<vmem>> -> memref<1x128xi32, #tpu.memory_space<vmem>>
        %dma_start3A_638 = tpu.memref_squeeze %dma_start3A_637 : memref<1x128xi32, #tpu.memory_space<vmem>> -> memref<128xi32, #tpu.memory_space<vmem>>
        %dma_start3A_639 = arith.constant 0 : i32
        %dma_start3A_640 = arith.constant 0 : i32
        %dma_start3A_641 = tpu.memref_slice %arg12[%dma_start3A_639, %dma_start3A_640] : memref<10240x128xf32, #tpu.memory_space<vmem_shared>> -> memref<10240x128xf32, #tpu.memory_space<vmem_shared>>
        tpu.enqueue_indirect_dma source(%dma_start3A_635 : memref<128x128xf32, #tpu.memory_space<vmem>>) target(%dma_start3A_641 : memref<10240x128xf32, #tpu.memory_space<vmem_shared>>) offsets(%dma_start3A_638 : memref<128xi32, #tpu.memory_space<vmem>>) semaphore(%arg14 : memref<!tpu.dma_semaphore, #tpu.memory_space<semaphore_mem>>) {add = true}
        %while3A_642 = arith.constant 0 : i32
        scf.yield %while3A_642 : i32
      }
      %gt3A_590 = arith.constant 0 : i32
      %gt3A_591 = arith.cmpi sgt, %min3A_575, %gt3A_590 : i32
      %convert_element_type3A_592 = arith.extui %gt3A_591 : i1 to i32
      %cond3A_593 = arith.constant 0 : i32
      %cond3A_594 = arith.cmpi ne, %convert_element_type3A_592, %cond3A_593 : i32
      scf.if %cond3A_594 {
        %sub3A_596 = arith.constant 1 : i32
        %sub3A_597 = arith.subi %min3A_575, %sub3A_596 : i32
        %jit3A_598 = arith.constant 2 : i32
        %eq3A = arith.constant 0 : i32
        %eq3A_599 = arith.cmpi eq, %jit3A_598, %eq3A : i32
        %jit3A_600 = arith.constant 1 : i32
        %select_n3A_601 = arith.select %eq3A_599, %jit3A_600, %jit3A_598 : i32
        %rem3A_602 = arith.remsi %sub3A_597, %select_n3A_601 : i32
        %ne3A_603 = arith.constant 0 : i32
        %ne3A_604 = arith.cmpi ne, %rem3A_602, %ne3A_603 : i32
        %lt3A = arith.constant 0 : i32
        %lt3A_605 = arith.cmpi slt, %rem3A_602, %lt3A : i32
        %lt3A_606 = arith.constant 0 : i32
        %lt3A_607 = arith.cmpi slt, %select_n3A_601, %lt3A_606 : i32
        %ne3A_608 = arith.xori %lt3A_605, %lt3A_607 : i1
        %and3A_609 = arith.andi %ne3A_608, %ne3A_604 : i1
        %add3A_610 = arith.addi %rem3A_602, %select_n3A_601 : i32
        %select_n3A_611 = arith.select %and3A_609, %add3A_610, %rem3A_602 : i32
        %dma_wait3A_612 = arith.constant 0 : i32
        %dma_wait3A_613 = arith.constant 0 : i32
        %dma_wait3A_614 = arith.constant 0 : i32
        %dma_wait3A_615 = tpu.memref_slice %arg10[%select_n3A_611, %dma_wait3A_613, %dma_wait3A_614] : memref<2x128x128xf32, #tpu.memory_space<vmem>> -> memref<1x128x128xf32, #tpu.memory_space<vmem>>
        %dma_wait3A_616 = tpu.memref_squeeze %dma_wait3A_615 : memref<1x128x128xf32, #tpu.memory_space<vmem>> -> memref<128x128xf32, #tpu.memory_space<vmem>>
        %dma_wait3A_617 = arith.constant 0 : i32
        %dma_wait3A_618 = tpu.memref_slice %arg8[%dma_wait3A_612, %dma_wait3A_617] : memref<8x128xi32, #tpu.memory_space<vmem>> -> memref<1x128xi32, #tpu.memory_space<vmem>>
        %dma_wait3A_619 = tpu.memref_squeeze %dma_wait3A_618 : memref<1x128xi32, #tpu.memory_space<vmem>> -> memref<128xi32, #tpu.memory_space<vmem>>
        %dma_wait3A_620 = arith.constant 0 : i32
        %dma_wait3A_621 = arith.constant 0 : i32
        %dma_wait3A_622 = tpu.memref_slice %arg12[%dma_wait3A_620, %dma_wait3A_621] : memref<10240x128xf32, #tpu.memory_space<vmem_shared>> -> memref<10240x128xf32, #tpu.memory_space<vmem_shared>>
        tpu.wait_indirect_dma semaphore(%arg14 : memref<!tpu.dma_semaphore, #tpu.memory_space<semaphore_mem>>) src(%dma_wait3A_616 : memref<128x128xf32, #tpu.memory_space<vmem>>) dst(%dma_wait3A_622 : memref<10240x128xf32, #tpu.memory_space<vmem_shared>>)
      } else {
      }
      %while3A_595 = arith.constant 0 : i32
      scf.yield %while3A_595 : i32
    }
    %barrier3A_301 = arith.constant 0 : index
    tpu.barrier barrier_id(%barrier3A_301)
    %mul3A_302 = arith.constant 640 : i32
    %mul3A_303 = arith.muli %arg1, %mul3A_302 : i32
    %add3A_304 = arith.constant 0 : i32
    %add3A_305 = arith.addi %mul3A_303, %add3A_304 : i32
    %mul3A_306 = arith.constant 640 : i32
    %mul3A_307 = arith.muli %arg1, %mul3A_306 : i32
    %add3A_308 = arith.constant 0 : i32
    %add3A_309 = arith.addi %mul3A_307, %add3A_308 : i32
    %dma_start3A_310 = arith.constant 0 : i32
    %dma_start3A_311 = arith.constant 0 : i32
    %dma_start3A_312 = tpu.memref_slice %arg6[%arg0, %dma_start3A_310, %dma_start3A_311] : memref<2x10240x128xf32, #tpu.memory_space<hbm>> -> memref<1x10240x128xf32, #tpu.memory_space<hbm>>
    %dma_start3A_313 = tpu.memref_squeeze %dma_start3A_312 : memref<1x10240x128xf32, #tpu.memory_space<hbm>> -> memref<10240x128xf32, #tpu.memory_space<hbm>>
    %dma_start3A_314 = arith.constant 0 : i32
    %dma_start3A_315 = tpu.memref_slice %dma_start3A_313[%add3A_309, %dma_start3A_314] : memref<10240x128xf32, #tpu.memory_space<hbm>> -> memref<64x128xf32, #tpu.memory_space<hbm>>
    %dma_start3A_316 = arith.constant 0 : i32
    %dma_start3A_317 = tpu.memref_slice %arg12[%add3A_305, %dma_start3A_316] : memref<10240x128xf32, #tpu.memory_space<vmem_shared>> -> memref<64x128xf32, #tpu.memory_space<vmem_shared>>
    tpu.enqueue_dma source(%dma_start3A_317 : memref<64x128xf32, #tpu.memory_space<vmem_shared>>) target(%dma_start3A_315 : memref<64x128xf32, #tpu.memory_space<hbm>>) target_semaphore(%arg14 : memref<!tpu.dma_semaphore, #tpu.memory_space<semaphore_mem>>)
    %mul3A_318 = arith.constant 640 : i32
    %mul3A_319 = arith.muli %arg1, %mul3A_318 : i32
    %add3A_320 = arith.constant 64 : i32
    %add3A_321 = arith.addi %mul3A_319, %add3A_320 : i32
    %mul3A_322 = arith.constant 640 : i32
    %mul3A_323 = arith.muli %arg1, %mul3A_322 : i32
    %add3A_324 = arith.constant 64 : i32
    %add3A_325 = arith.addi %mul3A_323, %add3A_324 : i32
    %dma_start3A_326 = arith.constant 0 : i32
    %dma_start3A_327 = arith.constant 0 : i32
    %dma_start3A_328 = tpu.memref_slice %arg6[%arg0, %dma_start3A_326, %dma_start3A_327] : memref<2x10240x128xf32, #tpu.memory_space<hbm>> -> memref<1x10240x128xf32, #tpu.memory_space<hbm>>
    %dma_start3A_329 = tpu.memref_squeeze %dma_start3A_328 : memref<1x10240x128xf32, #tpu.memory_space<hbm>> -> memref<10240x128xf32, #tpu.memory_space<hbm>>
    %dma_start3A_330 = arith.constant 0 : i32
    %dma_start3A_331 = tpu.memref_slice %dma_start3A_329[%add3A_325, %dma_start3A_330] : memref<10240x128xf32, #tpu.memory_space<hbm>> -> memref<64x128xf32, #tpu.memory_space<hbm>>
    %dma_start3A_332 = arith.constant 0 : i32
    %dma_start3A_333 = tpu.memref_slice %arg12[%add3A_321, %dma_start3A_332] : memref<10240x128xf32, #tpu.memory_space<vmem_shared>> -> memref<64x128xf32, #tpu.memory_space<vmem_shared>>
    tpu.enqueue_dma source(%dma_start3A_333 : memref<64x128xf32, #tpu.memory_space<vmem_shared>>) target(%dma_start3A_331 : memref<64x128xf32, #tpu.memory_space<hbm>>) target_semaphore(%arg14 : memref<!tpu.dma_semaphore, #tpu.memory_space<semaphore_mem>>)
    %mul3A_334 = arith.constant 640 : i32
    %mul3A_335 = arith.muli %arg1, %mul3A_334 : i32
    %add3A_336 = arith.constant 128 : i32
    %add3A_337 = arith.addi %mul3A_335, %add3A_336 : i32
    %mul3A_338 = arith.constant 640 : i32
    %mul3A_339 = arith.muli %arg1, %mul3A_338 : i32
    %add3A_340 = arith.constant 128 : i32
    %add3A_341 = arith.addi %mul3A_339, %add3A_340 : i32
    %dma_start3A_342 = arith.constant 0 : i32
    %dma_start3A_343 = arith.constant 0 : i32
    %dma_start3A_344 = tpu.memref_slice %arg6[%arg0, %dma_start3A_342, %dma_start3A_343] : memref<2x10240x128xf32, #tpu.memory_space<hbm>> -> memref<1x10240x128xf32, #tpu.memory_space<hbm>>
    %dma_start3A_345 = tpu.memref_squeeze %dma_start3A_344 : memref<1x10240x128xf32, #tpu.memory_space<hbm>> -> memref<10240x128xf32, #tpu.memory_space<hbm>>
    %dma_start3A_346 = arith.constant 0 : i32
    %dma_start3A_347 = tpu.memref_slice %dma_start3A_345[%add3A_341, %dma_start3A_346] : memref<10240x128xf32, #tpu.memory_space<hbm>> -> memref<64x128xf32, #tpu.memory_space<hbm>>
    %dma_start3A_348 = arith.constant 0 : i32
    %dma_start3A_349 = tpu.memref_slice %arg12[%add3A_337, %dma_start3A_348] : memref<10240x128xf32, #tpu.memory_space<vmem_shared>> -> memref<64x128xf32, #tpu.memory_space<vmem_shared>>
    tpu.enqueue_dma source(%dma_start3A_349 : memref<64x128xf32, #tpu.memory_space<vmem_shared>>) target(%dma_start3A_347 : memref<64x128xf32, #tpu.memory_space<hbm>>) target_semaphore(%arg14 : memref<!tpu.dma_semaphore, #tpu.memory_space<semaphore_mem>>)
    %mul3A_350 = arith.constant 640 : i32
    %mul3A_351 = arith.muli %arg1, %mul3A_350 : i32
    %add3A_352 = arith.constant 192 : i32
    %add3A_353 = arith.addi %mul3A_351, %add3A_352 : i32
    %mul3A_354 = arith.constant 640 : i32
    %mul3A_355 = arith.muli %arg1, %mul3A_354 : i32
    %add3A_356 = arith.constant 192 : i32
    %add3A_357 = arith.addi %mul3A_355, %add3A_356 : i32
    %dma_start3A_358 = arith.constant 0 : i32
    %dma_start3A_359 = arith.constant 0 : i32
    %dma_start3A_360 = tpu.memref_slice %arg6[%arg0, %dma_start3A_358, %dma_start3A_359] : memref<2x10240x128xf32, #tpu.memory_space<hbm>> -> memref<1x10240x128xf32, #tpu.memory_space<hbm>>
    %dma_start3A_361 = tpu.memref_squeeze %dma_start3A_360 : memref<1x10240x128xf32, #tpu.memory_space<hbm>> -> memref<10240x128xf32, #tpu.memory_space<hbm>>
    %dma_start3A_362 = arith.constant 0 : i32
    %dma_start3A_363 = tpu.memref_slice %dma_start3A_361[%add3A_357, %dma_start3A_362] : memref<10240x128xf32, #tpu.memory_space<hbm>> -> memref<64x128xf32, #tpu.memory_space<hbm>>
    %dma_start3A_364 = arith.constant 0 : i32
    %dma_start3A_365 = tpu.memref_slice %arg12[%add3A_353, %dma_start3A_364] : memref<10240x128xf32, #tpu.memory_space<vmem_shared>> -> memref<64x128xf32, #tpu.memory_space<vmem_shared>>
    tpu.enqueue_dma source(%dma_start3A_365 : memref<64x128xf32, #tpu.memory_space<vmem_shared>>) target(%dma_start3A_363 : memref<64x128xf32, #tpu.memory_space<hbm>>) target_semaphore(%arg14 : memref<!tpu.dma_semaphore, #tpu.memory_space<semaphore_mem>>)
    %mul3A_366 = arith.constant 640 : i32
    %mul3A_367 = arith.muli %arg1, %mul3A_366 : i32
    %add3A_368 = arith.constant 256 : i32
    %add3A_369 = arith.addi %mul3A_367, %add3A_368 : i32
    %mul3A_370 = arith.constant 640 : i32
    %mul3A_371 = arith.muli %arg1, %mul3A_370 : i32
    %add3A_372 = arith.constant 256 : i32
    %add3A_373 = arith.addi %mul3A_371, %add3A_372 : i32
    %dma_start3A_374 = arith.constant 0 : i32
    %dma_start3A_375 = arith.constant 0 : i32
    %dma_start3A_376 = tpu.memref_slice %arg6[%arg0, %dma_start3A_374, %dma_start3A_375] : memref<2x10240x128xf32, #tpu.memory_space<hbm>> -> memref<1x10240x128xf32, #tpu.memory_space<hbm>>
    %dma_start3A_377 = tpu.memref_squeeze %dma_start3A_376 : memref<1x10240x128xf32, #tpu.memory_space<hbm>> -> memref<10240x128xf32, #tpu.memory_space<hbm>>
    %dma_start3A_378 = arith.constant 0 : i32
    %dma_start3A_379 = tpu.memref_slice %dma_start3A_377[%add3A_373, %dma_start3A_378] : memref<10240x128xf32, #tpu.memory_space<hbm>> -> memref<64x128xf32, #tpu.memory_space<hbm>>
    %dma_start3A_380 = arith.constant 0 : i32
    %dma_start3A_381 = tpu.memref_slice %arg12[%add3A_369, %dma_start3A_380] : memref<10240x128xf32, #tpu.memory_space<vmem_shared>> -> memref<64x128xf32, #tpu.memory_space<vmem_shared>>
    tpu.enqueue_dma source(%dma_start3A_381 : memref<64x128xf32, #tpu.memory_space<vmem_shared>>) target(%dma_start3A_379 : memref<64x128xf32, #tpu.memory_space<hbm>>) target_semaphore(%arg14 : memref<!tpu.dma_semaphore, #tpu.memory_space<semaphore_mem>>)
    %mul3A_382 = arith.constant 640 : i32
    %mul3A_383 = arith.muli %arg1, %mul3A_382 : i32
    %add3A_384 = arith.constant 320 : i32
    %add3A_385 = arith.addi %mul3A_383, %add3A_384 : i32
    %mul3A_386 = arith.constant 640 : i32
    %mul3A_387 = arith.muli %arg1, %mul3A_386 : i32
    %add3A_388 = arith.constant 320 : i32
    %add3A_389 = arith.addi %mul3A_387, %add3A_388 : i32
    %dma_start3A_390 = arith.constant 0 : i32
    %dma_start3A_391 = arith.constant 0 : i32
    %dma_start3A_392 = tpu.memref_slice %arg6[%arg0, %dma_start3A_390, %dma_start3A_391] : memref<2x10240x128xf32, #tpu.memory_space<hbm>> -> memref<1x10240x128xf32, #tpu.memory_space<hbm>>
    %dma_start3A_393 = tpu.memref_squeeze %dma_start3A_392 : memref<1x10240x128xf32, #tpu.memory_space<hbm>> -> memref<10240x128xf32, #tpu.memory_space<hbm>>
    %dma_start3A_394 = arith.constant 0 : i32
    %dma_start3A_395 = tpu.memref_slice %dma_start3A_393[%add3A_389, %dma_start3A_394] : memref<10240x128xf32, #tpu.memory_space<hbm>> -> memref<64x128xf32, #tpu.memory_space<hbm>>
    %dma_start3A_396 = arith.constant 0 : i32
    %dma_start3A_397 = tpu.memref_slice %arg12[%add3A_385, %dma_start3A_396] : memref<10240x128xf32, #tpu.memory_space<vmem_shared>> -> memref<64x128xf32, #tpu.memory_space<vmem_shared>>
    tpu.enqueue_dma source(%dma_start3A_397 : memref<64x128xf32, #tpu.memory_space<vmem_shared>>) target(%dma_start3A_395 : memref<64x128xf32, #tpu.memory_space<hbm>>) target_semaphore(%arg14 : memref<!tpu.dma_semaphore, #tpu.memory_space<semaphore_mem>>)
    %mul3A_398 = arith.constant 640 : i32
    %mul3A_399 = arith.muli %arg1, %mul3A_398 : i32
    %add3A_400 = arith.constant 384 : i32
    %add3A_401 = arith.addi %mul3A_399, %add3A_400 : i32
    %mul3A_402 = arith.constant 640 : i32
    %mul3A_403 = arith.muli %arg1, %mul3A_402 : i32
    %add3A_404 = arith.constant 384 : i32
    %add3A_405 = arith.addi %mul3A_403, %add3A_404 : i32
    %dma_start3A_406 = arith.constant 0 : i32
    %dma_start3A_407 = arith.constant 0 : i32
    %dma_start3A_408 = tpu.memref_slice %arg6[%arg0, %dma_start3A_406, %dma_start3A_407] : memref<2x10240x128xf32, #tpu.memory_space<hbm>> -> memref<1x10240x128xf32, #tpu.memory_space<hbm>>
    %dma_start3A_409 = tpu.memref_squeeze %dma_start3A_408 : memref<1x10240x128xf32, #tpu.memory_space<hbm>> -> memref<10240x128xf32, #tpu.memory_space<hbm>>
    %dma_start3A_410 = arith.constant 0 : i32
    %dma_start3A_411 = tpu.memref_slice %dma_start3A_409[%add3A_405, %dma_start3A_410] : memref<10240x128xf32, #tpu.memory_space<hbm>> -> memref<64x128xf32, #tpu.memory_space<hbm>>
    %dma_start3A_412 = arith.constant 0 : i32
    %dma_start3A_413 = tpu.memref_slice %arg12[%add3A_401, %dma_start3A_412] : memref<10240x128xf32, #tpu.memory_space<vmem_shared>> -> memref<64x128xf32, #tpu.memory_space<vmem_shared>>
    tpu.enqueue_dma source(%dma_start3A_413 : memref<64x128xf32, #tpu.memory_space<vmem_shared>>) target(%dma_start3A_411 : memref<64x128xf32, #tpu.memory_space<hbm>>) target_semaphore(%arg14 : memref<!tpu.dma_semaphore, #tpu.memory_space<semaphore_mem>>)
    %mul3A_414 = arith.constant 640 : i32
    %mul3A_415 = arith.muli %arg1, %mul3A_414 : i32
    %add3A_416 = arith.constant 448 : i32
    %add3A_417 = arith.addi %mul3A_415, %add3A_416 : i32
    %mul3A_418 = arith.constant 640 : i32
    %mul3A_419 = arith.muli %arg1, %mul3A_418 : i32
    %add3A_420 = arith.constant 448 : i32
    %add3A_421 = arith.addi %mul3A_419, %add3A_420 : i32
    %dma_start3A_422 = arith.constant 0 : i32
    %dma_start3A_423 = arith.constant 0 : i32
    %dma_start3A_424 = tpu.memref_slice %arg6[%arg0, %dma_start3A_422, %dma_start3A_423] : memref<2x10240x128xf32, #tpu.memory_space<hbm>> -> memref<1x10240x128xf32, #tpu.memory_space<hbm>>
    %dma_start3A_425 = tpu.memref_squeeze %dma_start3A_424 : memref<1x10240x128xf32, #tpu.memory_space<hbm>> -> memref<10240x128xf32, #tpu.memory_space<hbm>>
    %dma_start3A_426 = arith.constant 0 : i32
    %dma_start3A_427 = tpu.memref_slice %dma_start3A_425[%add3A_421, %dma_start3A_426] : memref<10240x128xf32, #tpu.memory_space<hbm>> -> memref<64x128xf32, #tpu.memory_space<hbm>>
    %dma_start3A_428 = arith.constant 0 : i32
    %dma_start3A_429 = tpu.memref_slice %arg12[%add3A_417, %dma_start3A_428] : memref<10240x128xf32, #tpu.memory_space<vmem_shared>> -> memref<64x128xf32, #tpu.memory_space<vmem_shared>>
    tpu.enqueue_dma source(%dma_start3A_429 : memref<64x128xf32, #tpu.memory_space<vmem_shared>>) target(%dma_start3A_427 : memref<64x128xf32, #tpu.memory_space<hbm>>) target_semaphore(%arg14 : memref<!tpu.dma_semaphore, #tpu.memory_space<semaphore_mem>>)
    %mul3A_430 = arith.constant 640 : i32
    %mul3A_431 = arith.muli %arg1, %mul3A_430 : i32
    %add3A_432 = arith.constant 512 : i32
    %add3A_433 = arith.addi %mul3A_431, %add3A_432 : i32
    %mul3A_434 = arith.constant 640 : i32
    %mul3A_435 = arith.muli %arg1, %mul3A_434 : i32
    %add3A_436 = arith.constant 512 : i32
    %add3A_437 = arith.addi %mul3A_435, %add3A_436 : i32
    %dma_start3A_438 = arith.constant 0 : i32
    %dma_start3A_439 = arith.constant 0 : i32
    %dma_start3A_440 = tpu.memref_slice %arg6[%arg0, %dma_start3A_438, %dma_start3A_439] : memref<2x10240x128xf32, #tpu.memory_space<hbm>> -> memref<1x10240x128xf32, #tpu.memory_space<hbm>>
    %dma_start3A_441 = tpu.memref_squeeze %dma_start3A_440 : memref<1x10240x128xf32, #tpu.memory_space<hbm>> -> memref<10240x128xf32, #tpu.memory_space<hbm>>
    %dma_start3A_442 = arith.constant 0 : i32
    %dma_start3A_443 = tpu.memref_slice %dma_start3A_441[%add3A_437, %dma_start3A_442] : memref<10240x128xf32, #tpu.memory_space<hbm>> -> memref<64x128xf32, #tpu.memory_space<hbm>>
    %dma_start3A_444 = arith.constant 0 : i32
    %dma_start3A_445 = tpu.memref_slice %arg12[%add3A_433, %dma_start3A_444] : memref<10240x128xf32, #tpu.memory_space<vmem_shared>> -> memref<64x128xf32, #tpu.memory_space<vmem_shared>>
    tpu.enqueue_dma source(%dma_start3A_445 : memref<64x128xf32, #tpu.memory_space<vmem_shared>>) target(%dma_start3A_443 : memref<64x128xf32, #tpu.memory_space<hbm>>) target_semaphore(%arg14 : memref<!tpu.dma_semaphore, #tpu.memory_space<semaphore_mem>>)
    %mul3A_446 = arith.constant 640 : i32
    %mul3A_447 = arith.muli %arg1, %mul3A_446 : i32
    %add3A_448 = arith.constant 576 : i32
    %add3A_449 = arith.addi %mul3A_447, %add3A_448 : i32
    %mul3A_450 = arith.constant 640 : i32
    %mul3A_451 = arith.muli %arg1, %mul3A_450 : i32
    %add3A_452 = arith.constant 576 : i32
    %add3A_453 = arith.addi %mul3A_451, %add3A_452 : i32
    %dma_start3A_454 = arith.constant 0 : i32
    %dma_start3A_455 = arith.constant 0 : i32
    %dma_start3A_456 = tpu.memref_slice %arg6[%arg0, %dma_start3A_454, %dma_start3A_455] : memref<2x10240x128xf32, #tpu.memory_space<hbm>> -> memref<1x10240x128xf32, #tpu.memory_space<hbm>>
    %dma_start3A_457 = tpu.memref_squeeze %dma_start3A_456 : memref<1x10240x128xf32, #tpu.memory_space<hbm>> -> memref<10240x128xf32, #tpu.memory_space<hbm>>
    %dma_start3A_458 = arith.constant 0 : i32
    %dma_start3A_459 = tpu.memref_slice %dma_start3A_457[%add3A_453, %dma_start3A_458] : memref<10240x128xf32, #tpu.memory_space<hbm>> -> memref<64x128xf32, #tpu.memory_space<hbm>>
    %dma_start3A_460 = arith.constant 0 : i32
    %dma_start3A_461 = tpu.memref_slice %arg12[%add3A_449, %dma_start3A_460] : memref<10240x128xf32, #tpu.memory_space<vmem_shared>> -> memref<64x128xf32, #tpu.memory_space<vmem_shared>>
    tpu.enqueue_dma source(%dma_start3A_461 : memref<64x128xf32, #tpu.memory_space<vmem_shared>>) target(%dma_start3A_459 : memref<64x128xf32, #tpu.memory_space<hbm>>) target_semaphore(%arg14 : memref<!tpu.dma_semaphore, #tpu.memory_space<semaphore_mem>>)
    %dma_wait3A_462 = arith.constant 0 : i32
    %dma_wait3A_463 = arith.constant 0 : i32
    %dma_wait3A_464 = tpu.memref_slice %arg6[%arg0, %dma_wait3A_462, %dma_wait3A_463] : memref<2x10240x128xf32, #tpu.memory_space<hbm>> -> memref<1x10240x128xf32, #tpu.memory_space<hbm>>
    %dma_wait3A_465 = tpu.memref_squeeze %dma_wait3A_464 : memref<1x10240x128xf32, #tpu.memory_space<hbm>> -> memref<10240x128xf32, #tpu.memory_space<hbm>>
    %dma_wait3A_466 = arith.constant 0 : i32
    %dma_wait3A_467 = tpu.memref_slice %dma_wait3A_465[%add3A_309, %dma_wait3A_466] : memref<10240x128xf32, #tpu.memory_space<hbm>> -> memref<64x128xf32, #tpu.memory_space<hbm>>
    %dma_wait3A_468 = arith.constant 0 : i32
    %dma_wait3A_469 = tpu.memref_slice %arg12[%add3A_305, %dma_wait3A_468] : memref<10240x128xf32, #tpu.memory_space<vmem_shared>> -> memref<64x128xf32, #tpu.memory_space<vmem_shared>>
    tpu.wait_dma2 semaphore(%arg14 : memref<!tpu.dma_semaphore, #tpu.memory_space<semaphore_mem>>) src(%dma_wait3A_469 : memref<64x128xf32, #tpu.memory_space<vmem_shared>>) dst(%dma_wait3A_467 : memref<64x128xf32, #tpu.memory_space<hbm>>)
    %dma_wait3A_470 = arith.constant 0 : i32
    %dma_wait3A_471 = arith.constant 0 : i32
    %dma_wait3A_472 = tpu.memref_slice %arg6[%arg0, %dma_wait3A_470, %dma_wait3A_471] : memref<2x10240x128xf32, #tpu.memory_space<hbm>> -> memref<1x10240x128xf32, #tpu.memory_space<hbm>>
    %dma_wait3A_473 = tpu.memref_squeeze %dma_wait3A_472 : memref<1x10240x128xf32, #tpu.memory_space<hbm>> -> memref<10240x128xf32, #tpu.memory_space<hbm>>
    %dma_wait3A_474 = arith.constant 0 : i32
    %dma_wait3A_475 = tpu.memref_slice %dma_wait3A_473[%add3A_325, %dma_wait3A_474] : memref<10240x128xf32, #tpu.memory_space<hbm>> -> memref<64x128xf32, #tpu.memory_space<hbm>>
    %dma_wait3A_476 = arith.constant 0 : i32
    %dma_wait3A_477 = tpu.memref_slice %arg12[%add3A_321, %dma_wait3A_476] : memref<10240x128xf32, #tpu.memory_space<vmem_shared>> -> memref<64x128xf32, #tpu.memory_space<vmem_shared>>
    tpu.wait_dma2 semaphore(%arg14 : memref<!tpu.dma_semaphore, #tpu.memory_space<semaphore_mem>>) src(%dma_wait3A_477 : memref<64x128xf32, #tpu.memory_space<vmem_shared>>) dst(%dma_wait3A_475 : memref<64x128xf32, #tpu.memory_space<hbm>>)
    %dma_wait3A_478 = arith.constant 0 : i32
    %dma_wait3A_479 = arith.constant 0 : i32
    %dma_wait3A_480 = tpu.memref_slice %arg6[%arg0, %dma_wait3A_478, %dma_wait3A_479] : memref<2x10240x128xf32, #tpu.memory_space<hbm>> -> memref<1x10240x128xf32, #tpu.memory_space<hbm>>
    %dma_wait3A_481 = tpu.memref_squeeze %dma_wait3A_480 : memref<1x10240x128xf32, #tpu.memory_space<hbm>> -> memref<10240x128xf32, #tpu.memory_space<hbm>>
    %dma_wait3A_482 = arith.constant 0 : i32
    %dma_wait3A_483 = tpu.memref_slice %dma_wait3A_481[%add3A_341, %dma_wait3A_482] : memref<10240x128xf32, #tpu.memory_space<hbm>> -> memref<64x128xf32, #tpu.memory_space<hbm>>
    %dma_wait3A_484 = arith.constant 0 : i32
    %dma_wait3A_485 = tpu.memref_slice %arg12[%add3A_337, %dma_wait3A_484] : memref<10240x128xf32, #tpu.memory_space<vmem_shared>> -> memref<64x128xf32, #tpu.memory_space<vmem_shared>>
    tpu.wait_dma2 semaphore(%arg14 : memref<!tpu.dma_semaphore, #tpu.memory_space<semaphore_mem>>) src(%dma_wait3A_485 : memref<64x128xf32, #tpu.memory_space<vmem_shared>>) dst(%dma_wait3A_483 : memref<64x128xf32, #tpu.memory_space<hbm>>)
    %dma_wait3A_486 = arith.constant 0 : i32
    %dma_wait3A_487 = arith.constant 0 : i32
    %dma_wait3A_488 = tpu.memref_slice %arg6[%arg0, %dma_wait3A_486, %dma_wait3A_487] : memref<2x10240x128xf32, #tpu.memory_space<hbm>> -> memref<1x10240x128xf32, #tpu.memory_space<hbm>>
    %dma_wait3A_489 = tpu.memref_squeeze %dma_wait3A_488 : memref<1x10240x128xf32, #tpu.memory_space<hbm>> -> memref<10240x128xf32, #tpu.memory_space<hbm>>
    %dma_wait3A_490 = arith.constant 0 : i32
    %dma_wait3A_491 = tpu.memref_slice %dma_wait3A_489[%add3A_357, %dma_wait3A_490] : memref<10240x128xf32, #tpu.memory_space<hbm>> -> memref<64x128xf32, #tpu.memory_space<hbm>>
    %dma_wait3A_492 = arith.constant 0 : i32
    %dma_wait3A_493 = tpu.memref_slice %arg12[%add3A_353, %dma_wait3A_492] : memref<10240x128xf32, #tpu.memory_space<vmem_shared>> -> memref<64x128xf32, #tpu.memory_space<vmem_shared>>
    tpu.wait_dma2 semaphore(%arg14 : memref<!tpu.dma_semaphore, #tpu.memory_space<semaphore_mem>>) src(%dma_wait3A_493 : memref<64x128xf32, #tpu.memory_space<vmem_shared>>) dst(%dma_wait3A_491 : memref<64x128xf32, #tpu.memory_space<hbm>>)
    %dma_wait3A_494 = arith.constant 0 : i32
    %dma_wait3A_495 = arith.constant 0 : i32
    %dma_wait3A_496 = tpu.memref_slice %arg6[%arg0, %dma_wait3A_494, %dma_wait3A_495] : memref<2x10240x128xf32, #tpu.memory_space<hbm>> -> memref<1x10240x128xf32, #tpu.memory_space<hbm>>
    %dma_wait3A_497 = tpu.memref_squeeze %dma_wait3A_496 : memref<1x10240x128xf32, #tpu.memory_space<hbm>> -> memref<10240x128xf32, #tpu.memory_space<hbm>>
    %dma_wait3A_498 = arith.constant 0 : i32
    %dma_wait3A_499 = tpu.memref_slice %dma_wait3A_497[%add3A_373, %dma_wait3A_498] : memref<10240x128xf32, #tpu.memory_space<hbm>> -> memref<64x128xf32, #tpu.memory_space<hbm>>
    %dma_wait3A_500 = arith.constant 0 : i32
    %dma_wait3A_501 = tpu.memref_slice %arg12[%add3A_369, %dma_wait3A_500] : memref<10240x128xf32, #tpu.memory_space<vmem_shared>> -> memref<64x128xf32, #tpu.memory_space<vmem_shared>>
    tpu.wait_dma2 semaphore(%arg14 : memref<!tpu.dma_semaphore, #tpu.memory_space<semaphore_mem>>) src(%dma_wait3A_501 : memref<64x128xf32, #tpu.memory_space<vmem_shared>>) dst(%dma_wait3A_499 : memref<64x128xf32, #tpu.memory_space<hbm>>)
    %dma_wait3A_502 = arith.constant 0 : i32
    %dma_wait3A_503 = arith.constant 0 : i32
    %dma_wait3A_504 = tpu.memref_slice %arg6[%arg0, %dma_wait3A_502, %dma_wait3A_503] : memref<2x10240x128xf32, #tpu.memory_space<hbm>> -> memref<1x10240x128xf32, #tpu.memory_space<hbm>>
    %dma_wait3A_505 = tpu.memref_squeeze %dma_wait3A_504 : memref<1x10240x128xf32, #tpu.memory_space<hbm>> -> memref<10240x128xf32, #tpu.memory_space<hbm>>
    %dma_wait3A_506 = arith.constant 0 : i32
    %dma_wait3A_507 = tpu.memref_slice %dma_wait3A_505[%add3A_389, %dma_wait3A_506] : memref<10240x128xf32, #tpu.memory_space<hbm>> -> memref<64x128xf32, #tpu.memory_space<hbm>>
    %dma_wait3A_508 = arith.constant 0 : i32
    %dma_wait3A_509 = tpu.memref_slice %arg12[%add3A_385, %dma_wait3A_508] : memref<10240x128xf32, #tpu.memory_space<vmem_shared>> -> memref<64x128xf32, #tpu.memory_space<vmem_shared>>
    tpu.wait_dma2 semaphore(%arg14 : memref<!tpu.dma_semaphore, #tpu.memory_space<semaphore_mem>>) src(%dma_wait3A_509 : memref<64x128xf32, #tpu.memory_space<vmem_shared>>) dst(%dma_wait3A_507 : memref<64x128xf32, #tpu.memory_space<hbm>>)
    %dma_wait3A_510 = arith.constant 0 : i32
    %dma_wait3A_511 = arith.constant 0 : i32
    %dma_wait3A_512 = tpu.memref_slice %arg6[%arg0, %dma_wait3A_510, %dma_wait3A_511] : memref<2x10240x128xf32, #tpu.memory_space<hbm>> -> memref<1x10240x128xf32, #tpu.memory_space<hbm>>
    %dma_wait3A_513 = tpu.memref_squeeze %dma_wait3A_512 : memref<1x10240x128xf32, #tpu.memory_space<hbm>> -> memref<10240x128xf32, #tpu.memory_space<hbm>>
    %dma_wait3A_514 = arith.constant 0 : i32
    %dma_wait3A_515 = tpu.memref_slice %dma_wait3A_513[%add3A_405, %dma_wait3A_514] : memref<10240x128xf32, #tpu.memory_space<hbm>> -> memref<64x128xf32, #tpu.memory_space<hbm>>
    %dma_wait3A_516 = arith.constant 0 : i32
    %dma_wait3A_517 = tpu.memref_slice %arg12[%add3A_401, %dma_wait3A_516] : memref<10240x128xf32, #tpu.memory_space<vmem_shared>> -> memref<64x128xf32, #tpu.memory_space<vmem_shared>>
    tpu.wait_dma2 semaphore(%arg14 : memref<!tpu.dma_semaphore, #tpu.memory_space<semaphore_mem>>) src(%dma_wait3A_517 : memref<64x128xf32, #tpu.memory_space<vmem_shared>>) dst(%dma_wait3A_515 : memref<64x128xf32, #tpu.memory_space<hbm>>)
    %dma_wait3A_518 = arith.constant 0 : i32
    %dma_wait3A_519 = arith.constant 0 : i32
    %dma_wait3A_520 = tpu.memref_slice %arg6[%arg0, %dma_wait3A_518, %dma_wait3A_519] : memref<2x10240x128xf32, #tpu.memory_space<hbm>> -> memref<1x10240x128xf32, #tpu.memory_space<hbm>>
    %dma_wait3A_521 = tpu.memref_squeeze %dma_wait3A_520 : memref<1x10240x128xf32, #tpu.memory_space<hbm>> -> memref<10240x128xf32, #tpu.memory_space<hbm>>
    %dma_wait3A_522 = arith.constant 0 : i32
    %dma_wait3A_523 = tpu.memref_slice %dma_wait3A_521[%add3A_421, %dma_wait3A_522] : memref<10240x128xf32, #tpu.memory_space<hbm>> -> memref<64x128xf32, #tpu.memory_space<hbm>>
    %dma_wait3A_524 = arith.constant 0 : i32
    %dma_wait3A_525 = tpu.memref_slice %arg12[%add3A_417, %dma_wait3A_524] : memref<10240x128xf32, #tpu.memory_space<vmem_shared>> -> memref<64x128xf32, #tpu.memory_space<vmem_shared>>
    tpu.wait_dma2 semaphore(%arg14 : memref<!tpu.dma_semaphore, #tpu.memory_space<semaphore_mem>>) src(%dma_wait3A_525 : memref<64x128xf32, #tpu.memory_space<vmem_shared>>) dst(%dma_wait3A_523 : memref<64x128xf32, #tpu.memory_space<hbm>>)
    %dma_wait3A_526 = arith.constant 0 : i32
    %dma_wait3A_527 = arith.constant 0 : i32
    %dma_wait3A_528 = tpu.memref_slice %arg6[%arg0, %dma_wait3A_526, %dma_wait3A_527] : memref<2x10240x128xf32, #tpu.memory_space<hbm>> -> memref<1x10240x128xf32, #tpu.memory_space<hbm>>
    %dma_wait3A_529 = tpu.memref_squeeze %dma_wait3A_528 : memref<1x10240x128xf32, #tpu.memory_space<hbm>> -> memref<10240x128xf32, #tpu.memory_space<hbm>>
    %dma_wait3A_530 = arith.constant 0 : i32
    %dma_wait3A_531 = tpu.memref_slice %dma_wait3A_529[%add3A_437, %dma_wait3A_530] : memref<10240x128xf32, #tpu.memory_space<hbm>> -> memref<64x128xf32, #tpu.memory_space<hbm>>
    %dma_wait3A_532 = arith.constant 0 : i32
    %dma_wait3A_533 = tpu.memref_slice %arg12[%add3A_433, %dma_wait3A_532] : memref<10240x128xf32, #tpu.memory_space<vmem_shared>> -> memref<64x128xf32, #tpu.memory_space<vmem_shared>>
    tpu.wait_dma2 semaphore(%arg14 : memref<!tpu.dma_semaphore, #tpu.memory_space<semaphore_mem>>) src(%dma_wait3A_533 : memref<64x128xf32, #tpu.memory_space<vmem_shared>>) dst(%dma_wait3A_531 : memref<64x128xf32, #tpu.memory_space<hbm>>)
    %dma_wait3A_534 = arith.constant 0 : i32
    %dma_wait3A_535 = arith.constant 0 : i32
    %dma_wait3A_536 = tpu.memref_slice %arg6[%arg0, %dma_wait3A_534, %dma_wait3A_535] : memref<2x10240x128xf32, #tpu.memory_space<hbm>> -> memref<1x10240x128xf32, #tpu.memory_space<hbm>>
    %dma_wait3A_537 = tpu.memref_squeeze %dma_wait3A_536 : memref<1x10240x128xf32, #tpu.memory_space<hbm>> -> memref<10240x128xf32, #tpu.memory_space<hbm>>
    %dma_wait3A_538 = arith.constant 0 : i32
    %dma_wait3A_539 = tpu.memref_slice %dma_wait3A_537[%add3A_453, %dma_wait3A_538] : memref<10240x128xf32, #tpu.memory_space<hbm>> -> memref<64x128xf32, #tpu.memory_space<hbm>>
    %dma_wait3A_540 = arith.constant 0 : i32
    %dma_wait3A_541 = tpu.memref_slice %arg12[%add3A_449, %dma_wait3A_540] : memref<10240x128xf32, #tpu.memory_space<vmem_shared>> -> memref<64x128xf32, #tpu.memory_space<vmem_shared>>
    tpu.wait_dma2 semaphore(%arg14 : memref<!tpu.dma_semaphore, #tpu.memory_space<semaphore_mem>>) src(%dma_wait3A_541 : memref<64x128xf32, #tpu.memory_space<vmem_shared>>) dst(%dma_wait3A_539 : memref<64x128xf32, #tpu.memory_space<hbm>>)
    return
  }
}

#map = affine_map<(d0, d1) -> (0)>
#map1 = affine_map<(d0, d1) -> (0, 0)>
module attributes {stable_mosaic.version = 14 : i64} {
  func.func @_b2_body(%arg0: i32, %arg1: i32, %arg2: memref<320000xf32, #tpu.memory_space<hbm>>, %arg3: memref<320000xi32, #tpu.memory_space<hbm>>, %arg4: memref<320000xi32, #tpu.memory_space<hbm>>, %arg5: memref<16xf32, #tpu.memory_space<hbm>>, %arg6: memref<32x10240xi32, #tpu.memory_space<hbm>>, %arg7: memref<32x10240xi32, #tpu.memory_space<hbm>>, %arg8: memref<32x16xi32, #tpu.memory_space<hbm>>, %arg9: memref<32x10240xf32, #tpu.memory_space<hbm>>, %arg10: memref<10000xf32, #tpu.memory_space<vmem>>, %arg11: memref<10000xi32, #tpu.memory_space<vmem>>, %arg12: memref<10000xi32, #tpu.memory_space<vmem>>, %arg13: memref<10240xi32, #tpu.memory_space<vmem>>, %arg14: memref<10240xi32, #tpu.memory_space<vmem>>, %arg15: memref<10240xf32, #tpu.memory_space<vmem>>, %arg16: memref<16xf32, #tpu.memory_space<vmem>>, %arg17: memref<16xi32, #tpu.memory_space<vmem>>, %arg18: memref<!tpu.dma_semaphore, #tpu.memory_space<semaphore_mem>>) attributes {dimension_semantics = [#tpu.dimension_semantics<core_parallel>, #tpu.dimension_semantics<subcore_parallel>], iteration_bounds = array<i64: 2, 16>, scalar_prefetch = 0 : i64, scratch_operands = 9 : i64, tpu.core_type = #tpu.core_type<sc_vector_subcore>, window_params = [{transform_indices = #map}, {transform_indices = #map}, {transform_indices = #map}, {transform_indices = #map}, {transform_indices = #map1}, {transform_indices = #map1}, {transform_indices = #map1}, {transform_indices = #map1}]} {
    %mul3A = arith.constant 2 : i32
    %mul3A_0 = arith.muli %arg1, %mul3A : i32
    %add3A = arith.addi %mul3A_0, %arg0 : i32
    %mul3A_1 = arith.constant 10000 : i32
    %mul3A_2 = arith.muli %add3A, %mul3A_1 : i32
    %dma_start3A = tpu.memref_slice %arg2[%mul3A_2] : memref<320000xf32, #tpu.memory_space<hbm>> -> memref<10000xf32, #tpu.memory_space<hbm>>
    %dma_start3A_3 = tpu.memref_slice %arg2[%mul3A_2] : memref<320000xf32, #tpu.memory_space<hbm>> -> memref<10000xf32, #tpu.memory_space<hbm>>
    tpu.enqueue_dma source(%dma_start3A_3 : memref<10000xf32, #tpu.memory_space<hbm>>) target(%arg10 : memref<10000xf32, #tpu.memory_space<vmem>>) target_semaphore(%arg18 : memref<!tpu.dma_semaphore, #tpu.memory_space<semaphore_mem>>)
    %dma_start3A_4 = tpu.memref_slice %arg3[%mul3A_2] : memref<320000xi32, #tpu.memory_space<hbm>> -> memref<10000xi32, #tpu.memory_space<hbm>>
    %dma_start3A_5 = tpu.memref_slice %arg3[%mul3A_2] : memref<320000xi32, #tpu.memory_space<hbm>> -> memref<10000xi32, #tpu.memory_space<hbm>>
    tpu.enqueue_dma source(%dma_start3A_5 : memref<10000xi32, #tpu.memory_space<hbm>>) target(%arg11 : memref<10000xi32, #tpu.memory_space<vmem>>) target_semaphore(%arg18 : memref<!tpu.dma_semaphore, #tpu.memory_space<semaphore_mem>>)
    %dma_start3A_6 = tpu.memref_slice %arg4[%mul3A_2] : memref<320000xi32, #tpu.memory_space<hbm>> -> memref<10000xi32, #tpu.memory_space<hbm>>
    %dma_start3A_7 = tpu.memref_slice %arg4[%mul3A_2] : memref<320000xi32, #tpu.memory_space<hbm>> -> memref<10000xi32, #tpu.memory_space<hbm>>
    tpu.enqueue_dma source(%dma_start3A_7 : memref<10000xi32, #tpu.memory_space<hbm>>) target(%arg12 : memref<10000xi32, #tpu.memory_space<vmem>>) target_semaphore(%arg18 : memref<!tpu.dma_semaphore, #tpu.memory_space<semaphore_mem>>)
    tpu.enqueue_dma source(%arg5 : memref<16xf32, #tpu.memory_space<hbm>>) target(%arg16 : memref<16xf32, #tpu.memory_space<vmem>>) target_semaphore(%arg18 : memref<!tpu.dma_semaphore, #tpu.memory_space<semaphore_mem>>)
    %dma_wait3A = tpu.memref_slice %arg2[%mul3A_2] : memref<320000xf32, #tpu.memory_space<hbm>> -> memref<10000xf32, #tpu.memory_space<hbm>>
    %dma_wait3A_8 = tpu.memref_slice %arg2[%mul3A_2] : memref<320000xf32, #tpu.memory_space<hbm>> -> memref<10000xf32, #tpu.memory_space<hbm>>
    tpu.wait_dma2 semaphore(%arg18 : memref<!tpu.dma_semaphore, #tpu.memory_space<semaphore_mem>>) src(%dma_wait3A_8 : memref<10000xf32, #tpu.memory_space<hbm>>) dst(%arg10 : memref<10000xf32, #tpu.memory_space<vmem>>)
    %dma_wait3A_9 = tpu.memref_slice %arg3[%mul3A_2] : memref<320000xi32, #tpu.memory_space<hbm>> -> memref<10000xi32, #tpu.memory_space<hbm>>
    %dma_wait3A_10 = tpu.memref_slice %arg3[%mul3A_2] : memref<320000xi32, #tpu.memory_space<hbm>> -> memref<10000xi32, #tpu.memory_space<hbm>>
    tpu.wait_dma2 semaphore(%arg18 : memref<!tpu.dma_semaphore, #tpu.memory_space<semaphore_mem>>) src(%dma_wait3A_10 : memref<10000xi32, #tpu.memory_space<hbm>>) dst(%arg11 : memref<10000xi32, #tpu.memory_space<vmem>>)
    %dma_wait3A_11 = tpu.memref_slice %arg4[%mul3A_2] : memref<320000xi32, #tpu.memory_space<hbm>> -> memref<10000xi32, #tpu.memory_space<hbm>>
    %dma_wait3A_12 = tpu.memref_slice %arg4[%mul3A_2] : memref<320000xi32, #tpu.memory_space<hbm>> -> memref<10000xi32, #tpu.memory_space<hbm>>
    tpu.wait_dma2 semaphore(%arg18 : memref<!tpu.dma_semaphore, #tpu.memory_space<semaphore_mem>>) src(%dma_wait3A_12 : memref<10000xi32, #tpu.memory_space<hbm>>) dst(%arg12 : memref<10000xi32, #tpu.memory_space<vmem>>)
    tpu.wait_dma2 semaphore(%arg18 : memref<!tpu.dma_semaphore, #tpu.memory_space<semaphore_mem>>) src(%arg5 : memref<16xf32, #tpu.memory_space<hbm>>) dst(%arg16 : memref<16xf32, #tpu.memory_space<vmem>>)
    %scan3A = arith.constant 0 : i32
    %scan3A_13 = arith.constant 0 : i32
    %scan3A_14 = arith.constant 640 : i32
    %scan3A_15 = arith.addi %scan3A_13, %scan3A_14 : i32
    %scan3A_16 = arith.constant 1 : i32
    %scan3A_17 = scf.for %scan3A_147 = %scan3A_13 to %scan3A_15 step %scan3A_16 iter_args(%scan3A_148 = %scan3A) -> (i32)  : i32 {
      %broadcast_in_dim3A_149 = arith.constant 0.000000e+00 : f32
      %broadcast_in_dim3A_150 = vector.broadcast %broadcast_in_dim3A_149 : f32 to vector<16xf32>
      %mul3A_151 = arith.constant 16 : i32
      %mul3A_152 = arith.muli %scan3A_147, %mul3A_151 : i32
      %swap3A_153 = arith.index_cast %mul3A_152 : i32 to index
      %swap3A_154 = tpu.vector_load %arg15[%swap3A_153] {strides = array<i32>} : memref<10240xf32, #tpu.memory_space<vmem>>, vector<16xf32>,
      tpu.vector_store %arg15[%swap3A_153], %broadcast_in_dim3A_150 {strides = array<i32>} : memref<10240xf32, #tpu.memory_space<vmem>>, vector<16xf32>,
      %scan3A_155 = arith.constant 0 : i32
      scf.yield %scan3A_155 : i32
    }
    %scan3A_18 = arith.constant 640 : i32
    %get3A = arith.constant 0 : index
    %get3A_19 = tpu.vector_load %arg16[%get3A] {strides = array<i32>} : memref<16xf32, #tpu.memory_space<vmem>>, vector<16xf32>,
    %slice3A = vector.extract_strided_slice %get3A_19 {offsets = [0], sizes = [1], strides = [1]} : vector<16xf32> to vector<1xf32>
    %squeeze3A = vector.extract %slice3A[0] : f32 from vector<1xf32>
    %broadcast_in_dim3A = arith.constant 1.000000e+00 : f32
    %broadcast_in_dim3A_20 = vector.broadcast %broadcast_in_dim3A : f32 to vector<16xf32>
    %scan3A_21 = arith.constant 0 : i32
    %scan3A_22 = arith.constant 0 : i32
    %scan3A_23 = arith.constant 625 : i32
    %scan3A_24 = arith.addi %scan3A_22, %scan3A_23 : i32
    %scan3A_25 = arith.constant 1 : i32
    %scan3A_26 = scf.for %scan3A_147 = %scan3A_22 to %scan3A_24 step %scan3A_25 iter_args(%scan3A_148 = %scan3A_21) -> (i32)  : i32 {
      %mul3A_149 = arith.constant 16 : i32
      %mul3A_150 = arith.muli %scan3A_147, %mul3A_149 : i32
      %get3A_151 = arith.index_cast %mul3A_150 : i32 to index
      %get3A_152 = tpu.vector_load %arg10[%get3A_151] {strides = array<i32>} : memref<10000xf32, #tpu.memory_space<vmem>>, vector<16xf32>,
      %gt3A = vector.broadcast %squeeze3A : f32 to vector<16xf32>
      %gt3A_153 = arith.cmpf ogt, %get3A_152, %gt3A : vector<16xf32>
      %mul3A_154 = arith.constant 16 : i32
      %mul3A_155 = arith.muli %scan3A_147, %mul3A_154 : i32
      %get3A_156 = arith.index_cast %mul3A_155 : i32 to index
      %get3A_157 = tpu.vector_load %arg11[%get3A_156] {strides = array<i32>} : memref<10000xi32, #tpu.memory_space<vmem>>, vector<16xi32>,
      %mul3A_158 = arith.constant 16 : i32
      %mul3A_159 = arith.muli %scan3A_147, %mul3A_158 : i32
      %get3A_160 = arith.index_cast %mul3A_159 : i32 to index
      %get3A_161 = tpu.vector_load %arg12[%get3A_160] {strides = array<i32>} : memref<10000xi32, #tpu.memory_space<vmem>>, vector<16xi32>,
      %swap3A_162 = arith.index_cast %scan3A_148 : i32 to index
      %swap3A_163 = tpu.vector_load %arg13[%swap3A_162] masked %gt3A_153 {strides = array<i32>} : memref<10240xi32, #tpu.memory_space<vmem>>, vector<16xi32>, vector<16xi1>
      tpu.vector_store %arg13[%swap3A_162], %get3A_157 masked %gt3A_153 {strides = array<i32>} : memref<10240xi32, #tpu.memory_space<vmem>>, vector<16xi32>, vector<16xi1>
      %swap3A_164 = arith.index_cast %scan3A_148 : i32 to index
      %swap3A_165 = tpu.vector_load %arg14[%swap3A_164] masked %gt3A_153 {strides = array<i32>} : memref<10240xi32, #tpu.memory_space<vmem>>, vector<16xi32>, vector<16xi1>
      tpu.vector_store %arg14[%swap3A_164], %get3A_161 masked %gt3A_153 {strides = array<i32>} : memref<10240xi32, #tpu.memory_space<vmem>>, vector<16xi32>, vector<16xi1>
      tpu.vector_store_idx %arg15[%get3A_161], %broadcast_in_dim3A_20 masked %gt3A_153 {add = true} : memref<10240xf32, #tpu.memory_space<vmem>>[vector<16xi32>], vector<16xf32>, vector<16xi1>
      %convert_element_type3A = arith.extui %gt3A_153 : vector<16xi1> to vector<16xi32>
      %reduce_sum3A = arith.constant true
      %reduce_sum3A_166 = vector.broadcast %reduce_sum3A : i1 to vector<16xi1>
      %reduce_sum3A_167 = tpu.scan <sum>, %convert_element_type3A masked %reduce_sum3A_166 : vector<16xi32>, vector<16xi1> -> vector<16xi32>
      %reduce_sum3A_168 = vector.extract %reduce_sum3A_167[15] : i32 from vector<16xi32>
      %add3A_169 = arith.addi %scan3A_148, %reduce_sum3A_168 : i32
      scf.yield %add3A_169 : i32
    }
    %scan3A_27 = arith.constant 625 : i32
    %broadcast_in_dim3A_28 = arith.constant 10000 : i32
    %broadcast_in_dim3A_29 = vector.broadcast %broadcast_in_dim3A_28 : i32 to vector<16xi32>
    %add3A_30 = arith.constant 0 : i32
    %add3A_31 = arith.addi %scan3A_26, %add3A_30 : i32
    %swap3A = arith.index_cast %add3A_31 : i32 to index
    %swap3A_32 = tpu.vector_load %arg13[%swap3A] {strides = array<i32>} : memref<10240xi32, #tpu.memory_space<vmem>>, vector<16xi32>,
    tpu.vector_store %arg13[%swap3A], %broadcast_in_dim3A_29 {strides = array<i32>} : memref<10240xi32, #tpu.memory_space<vmem>>, vector<16xi32>,
    %add3A_33 = arith.constant 0 : i32
    %add3A_34 = arith.addi %scan3A_26, %add3A_33 : i32
    %swap3A_35 = arith.index_cast %add3A_34 : i32 to index
    %swap3A_36 = tpu.vector_load %arg14[%swap3A_35] {strides = array<i32>} : memref<10240xi32, #tpu.memory_space<vmem>>, vector<16xi32>,
    tpu.vector_store %arg14[%swap3A_35], %broadcast_in_dim3A_29 {strides = array<i32>} : memref<10240xi32, #tpu.memory_space<vmem>>, vector<16xi32>,
    %add3A_37 = arith.constant 16 : i32
    %add3A_38 = arith.addi %scan3A_26, %add3A_37 : i32
    %swap3A_39 = arith.index_cast %add3A_38 : i32 to index
    %swap3A_40 = tpu.vector_load %arg13[%swap3A_39] {strides = array<i32>} : memref<10240xi32, #tpu.memory_space<vmem>>, vector<16xi32>,
    tpu.vector_store %arg13[%swap3A_39], %broadcast_in_dim3A_29 {strides = array<i32>} : memref<10240xi32, #tpu.memory_space<vmem>>, vector<16xi32>,
    %add3A_41 = arith.constant 16 : i32
    %add3A_42 = arith.addi %scan3A_26, %add3A_41 : i32
    %swap3A_43 = arith.index_cast %add3A_42 : i32 to index
    %swap3A_44 = tpu.vector_load %arg14[%swap3A_43] {strides = array<i32>} : memref<10240xi32, #tpu.memory_space<vmem>>, vector<16xi32>,
    tpu.vector_store %arg14[%swap3A_43], %broadcast_in_dim3A_29 {strides = array<i32>} : memref<10240xi32, #tpu.memory_space<vmem>>, vector<16xi32>,
    %add3A_45 = arith.constant 32 : i32
    %add3A_46 = arith.addi %scan3A_26, %add3A_45 : i32
    %swap3A_47 = arith.index_cast %add3A_46 : i32 to index
    %swap3A_48 = tpu.vector_load %arg13[%swap3A_47] {strides = array<i32>} : memref<10240xi32, #tpu.memory_space<vmem>>, vector<16xi32>,
    tpu.vector_store %arg13[%swap3A_47], %broadcast_in_dim3A_29 {strides = array<i32>} : memref<10240xi32, #tpu.memory_space<vmem>>, vector<16xi32>,
    %add3A_49 = arith.constant 32 : i32
    %add3A_50 = arith.addi %scan3A_26, %add3A_49 : i32
    %swap3A_51 = arith.index_cast %add3A_50 : i32 to index
    %swap3A_52 = tpu.vector_load %arg14[%swap3A_51] {strides = array<i32>} : memref<10240xi32, #tpu.memory_space<vmem>>, vector<16xi32>,
    tpu.vector_store %arg14[%swap3A_51], %broadcast_in_dim3A_29 {strides = array<i32>} : memref<10240xi32, #tpu.memory_space<vmem>>, vector<16xi32>,
    %add3A_53 = arith.constant 48 : i32
    %add3A_54 = arith.addi %scan3A_26, %add3A_53 : i32
    %swap3A_55 = arith.index_cast %add3A_54 : i32 to index
    %swap3A_56 = tpu.vector_load %arg13[%swap3A_55] {strides = array<i32>} : memref<10240xi32, #tpu.memory_space<vmem>>, vector<16xi32>,
    tpu.vector_store %arg13[%swap3A_55], %broadcast_in_dim3A_29 {strides = array<i32>} : memref<10240xi32, #tpu.memory_space<vmem>>, vector<16xi32>,
    %add3A_57 = arith.constant 48 : i32
    %add3A_58 = arith.addi %scan3A_26, %add3A_57 : i32
    %swap3A_59 = arith.index_cast %add3A_58 : i32 to index
    %swap3A_60 = tpu.vector_load %arg14[%swap3A_59] {strides = array<i32>} : memref<10240xi32, #tpu.memory_space<vmem>>, vector<16xi32>,
    tpu.vector_store %arg14[%swap3A_59], %broadcast_in_dim3A_29 {strides = array<i32>} : memref<10240xi32, #tpu.memory_space<vmem>>, vector<16xi32>,
    %add3A_61 = arith.constant 64 : i32
    %add3A_62 = arith.addi %scan3A_26, %add3A_61 : i32
    %swap3A_63 = arith.index_cast %add3A_62 : i32 to index
    %swap3A_64 = tpu.vector_load %arg13[%swap3A_63] {strides = array<i32>} : memref<10240xi32, #tpu.memory_space<vmem>>, vector<16xi32>,
    tpu.vector_store %arg13[%swap3A_63], %broadcast_in_dim3A_29 {strides = array<i32>} : memref<10240xi32, #tpu.memory_space<vmem>>, vector<16xi32>,
    %add3A_65 = arith.constant 64 : i32
    %add3A_66 = arith.addi %scan3A_26, %add3A_65 : i32
    %swap3A_67 = arith.index_cast %add3A_66 : i32 to index
    %swap3A_68 = tpu.vector_load %arg14[%swap3A_67] {strides = array<i32>} : memref<10240xi32, #tpu.memory_space<vmem>>, vector<16xi32>,
    tpu.vector_store %arg14[%swap3A_67], %broadcast_in_dim3A_29 {strides = array<i32>} : memref<10240xi32, #tpu.memory_space<vmem>>, vector<16xi32>,
    %add3A_69 = arith.constant 80 : i32
    %add3A_70 = arith.addi %scan3A_26, %add3A_69 : i32
    %swap3A_71 = arith.index_cast %add3A_70 : i32 to index
    %swap3A_72 = tpu.vector_load %arg13[%swap3A_71] {strides = array<i32>} : memref<10240xi32, #tpu.memory_space<vmem>>, vector<16xi32>,
    tpu.vector_store %arg13[%swap3A_71], %broadcast_in_dim3A_29 {strides = array<i32>} : memref<10240xi32, #tpu.memory_space<vmem>>, vector<16xi32>,
    %add3A_73 = arith.constant 80 : i32
    %add3A_74 = arith.addi %scan3A_26, %add3A_73 : i32
    %swap3A_75 = arith.index_cast %add3A_74 : i32 to index
    %swap3A_76 = tpu.vector_load %arg14[%swap3A_75] {strides = array<i32>} : memref<10240xi32, #tpu.memory_space<vmem>>, vector<16xi32>,
    tpu.vector_store %arg14[%swap3A_75], %broadcast_in_dim3A_29 {strides = array<i32>} : memref<10240xi32, #tpu.memory_space<vmem>>, vector<16xi32>,
    %add3A_77 = arith.constant 96 : i32
    %add3A_78 = arith.addi %scan3A_26, %add3A_77 : i32
    %swap3A_79 = arith.index_cast %add3A_78 : i32 to index
    %swap3A_80 = tpu.vector_load %arg13[%swap3A_79] {strides = array<i32>} : memref<10240xi32, #tpu.memory_space<vmem>>, vector<16xi32>,
    tpu.vector_store %arg13[%swap3A_79], %broadcast_in_dim3A_29 {strides = array<i32>} : memref<10240xi32, #tpu.memory_space<vmem>>, vector<16xi32>,
    %add3A_81 = arith.constant 96 : i32
    %add3A_82 = arith.addi %scan3A_26, %add3A_81 : i32
    %swap3A_83 = arith.index_cast %add3A_82 : i32 to index
    %swap3A_84 = tpu.vector_load %arg14[%swap3A_83] {strides = array<i32>} : memref<10240xi32, #tpu.memory_space<vmem>>, vector<16xi32>,
    tpu.vector_store %arg14[%swap3A_83], %broadcast_in_dim3A_29 {strides = array<i32>} : memref<10240xi32, #tpu.memory_space<vmem>>, vector<16xi32>,
    %add3A_85 = arith.constant 112 : i32
    %add3A_86 = arith.addi %scan3A_26, %add3A_85 : i32
    %swap3A_87 = arith.index_cast %add3A_86 : i32 to index
    %swap3A_88 = tpu.vector_load %arg13[%swap3A_87] {strides = array<i32>} : memref<10240xi32, #tpu.memory_space<vmem>>, vector<16xi32>,
    tpu.vector_store %arg13[%swap3A_87], %broadcast_in_dim3A_29 {strides = array<i32>} : memref<10240xi32, #tpu.memory_space<vmem>>, vector<16xi32>,
    %add3A_89 = arith.constant 112 : i32
    %add3A_90 = arith.addi %scan3A_26, %add3A_89 : i32
    %swap3A_91 = arith.index_cast %add3A_90 : i32 to index
    %swap3A_92 = tpu.vector_load %arg14[%swap3A_91] {strides = array<i32>} : memref<10240xi32, #tpu.memory_space<vmem>>, vector<16xi32>,
    tpu.vector_store %arg14[%swap3A_91], %broadcast_in_dim3A_29 {strides = array<i32>} : memref<10240xi32, #tpu.memory_space<vmem>>, vector<16xi32>,
    %iota3A = tpu.iota {dimensions = array<i32: 0>} : vector<16xi32>
    %eq3A = arith.constant 0 : i32
    %eq3A_93 = vector.broadcast %eq3A : i32 to vector<16xi32>
    %eq3A_94 = arith.cmpi eq, %iota3A, %eq3A_93 : vector<16xi32>
    %jit3A = arith.constant 0 : i32
    %broadcast_in_dim3A_95 = vector.broadcast %scan3A_26 : i32 to vector<16xi32>
    %broadcast_in_dim3A_96 = vector.broadcast %jit3A : i32 to vector<16xi32>
    %select_n3A = arith.select %eq3A_94, %broadcast_in_dim3A_95, %broadcast_in_dim3A_96 : vector<16xi1>, vector<16xi32>
    %swap3A_97 = arith.constant 0 : index
    %swap3A_98 = tpu.vector_load %arg17[%swap3A_97] {strides = array<i32>} : memref<16xi32, #tpu.memory_space<vmem>>, vector<16xi32>,
    tpu.vector_store %arg17[%swap3A_97], %select_n3A {strides = array<i32>} : memref<16xi32, #tpu.memory_space<vmem>>, vector<16xi32>,
    %dma_start3A_99 = arith.constant 0 : i32
    %dma_start3A_100 = tpu.memref_slice %arg6[%add3A, %dma_start3A_99] : memref<32x10240xi32, #tpu.memory_space<hbm>> -> memref<1x10240xi32, #tpu.memory_space<hbm>>
    %dma_start3A_101 = tpu.memref_squeeze %dma_start3A_100 : memref<1x10240xi32, #tpu.memory_space<hbm>> -> memref<10240xi32, #tpu.memory_space<hbm>>
    %dma_start3A_102 = arith.constant 0 : i32
    %dma_start3A_103 = tpu.memref_slice %arg6[%add3A, %dma_start3A_102] : memref<32x10240xi32, #tpu.memory_space<hbm>> -> memref<1x10240xi32, #tpu.memory_space<hbm>>
    %dma_start3A_104 = tpu.memref_squeeze %dma_start3A_103 : memref<1x10240xi32, #tpu.memory_space<hbm>> -> memref<10240xi32, #tpu.memory_space<hbm>>
    tpu.enqueue_dma source(%arg13 : memref<10240xi32, #tpu.memory_space<vmem>>) target(%dma_start3A_104 : memref<10240xi32, #tpu.memory_space<hbm>>) target_semaphore(%arg18 : memref<!tpu.dma_semaphore, #tpu.memory_space<semaphore_mem>>)
    %dma_start3A_105 = arith.constant 0 : i32
    %dma_start3A_106 = tpu.memref_slice %arg7[%add3A, %dma_start3A_105] : memref<32x10240xi32, #tpu.memory_space<hbm>> -> memref<1x10240xi32, #tpu.memory_space<hbm>>
    %dma_start3A_107 = tpu.memref_squeeze %dma_start3A_106 : memref<1x10240xi32, #tpu.memory_space<hbm>> -> memref<10240xi32, #tpu.memory_space<hbm>>
    %dma_start3A_108 = arith.constant 0 : i32
    %dma_start3A_109 = tpu.memref_slice %arg7[%add3A, %dma_start3A_108] : memref<32x10240xi32, #tpu.memory_space<hbm>> -> memref<1x10240xi32, #tpu.memory_space<hbm>>
    %dma_start3A_110 = tpu.memref_squeeze %dma_start3A_109 : memref<1x10240xi32, #tpu.memory_space<hbm>> -> memref<10240xi32, #tpu.memory_space<hbm>>
    tpu.enqueue_dma source(%arg14 : memref<10240xi32, #tpu.memory_space<vmem>>) target(%dma_start3A_110 : memref<10240xi32, #tpu.memory_space<hbm>>) target_semaphore(%arg18 : memref<!tpu.dma_semaphore, #tpu.memory_space<semaphore_mem>>)
    %dma_start3A_111 = arith.constant 0 : i32
    %dma_start3A_112 = tpu.memref_slice %arg8[%add3A, %dma_start3A_111] : memref<32x16xi32, #tpu.memory_space<hbm>> -> memref<1x16xi32, #tpu.memory_space<hbm>>
    %dma_start3A_113 = tpu.memref_squeeze %dma_start3A_112 : memref<1x16xi32, #tpu.memory_space<hbm>> -> memref<16xi32, #tpu.memory_space<hbm>>
    %dma_start3A_114 = arith.constant 0 : i32
    %dma_start3A_115 = tpu.memref_slice %arg8[%add3A, %dma_start3A_114] : memref<32x16xi32, #tpu.memory_space<hbm>> -> memref<1x16xi32, #tpu.memory_space<hbm>>
    %dma_start3A_116 = tpu.memref_squeeze %dma_start3A_115 : memref<1x16xi32, #tpu.memory_space<hbm>> -> memref<16xi32, #tpu.memory_space<hbm>>
    tpu.enqueue_dma source(%arg17 : memref<16xi32, #tpu.memory_space<vmem>>) target(%dma_start3A_116 : memref<16xi32, #tpu.memory_space<hbm>>) target_semaphore(%arg18 : memref<!tpu.dma_semaphore, #tpu.memory_space<semaphore_mem>>)
    %dma_start3A_117 = arith.constant 0 : i32
    %dma_start3A_118 = tpu.memref_slice %arg9[%add3A, %dma_start3A_117] : memref<32x10240xf32, #tpu.memory_space<hbm>> -> memref<1x10240xf32, #tpu.memory_space<hbm>>
    %dma_start3A_119 = tpu.memref_squeeze %dma_start3A_118 : memref<1x10240xf32, #tpu.memory_space<hbm>> -> memref<10240xf32, #tpu.memory_space<hbm>>
    %dma_start3A_120 = arith.constant 0 : i32
    %dma_start3A_121 = tpu.memref_slice %arg9[%add3A, %dma_start3A_120] : memref<32x10240xf32, #tpu.memory_space<hbm>> -> memref<1x10240xf32, #tpu.memory_space<hbm>>
    %dma_start3A_122 = tpu.memref_squeeze %dma_start3A_121 : memref<1x10240xf32, #tpu.memory_space<hbm>> -> memref<10240xf32, #tpu.memory_space<hbm>>
    tpu.enqueue_dma source(%arg15 : memref<10240xf32, #tpu.memory_space<vmem>>) target(%dma_start3A_122 : memref<10240xf32, #tpu.memory_space<hbm>>) target_semaphore(%arg18 : memref<!tpu.dma_semaphore, #tpu.memory_space<semaphore_mem>>)
    %dma_wait3A_123 = arith.constant 0 : i32
    %dma_wait3A_124 = tpu.memref_slice %arg6[%add3A, %dma_wait3A_123] : memref<32x10240xi32, #tpu.memory_space<hbm>> -> memref<1x10240xi32, #tpu.memory_space<hbm>>
    %dma_wait3A_125 = tpu.memref_squeeze %dma_wait3A_124 : memref<1x10240xi32, #tpu.memory_space<hbm>> -> memref<10240xi32, #tpu.memory_space<hbm>>
    %dma_wait3A_126 = arith.constant 0 : i32
    %dma_wait3A_127 = tpu.memref_slice %arg6[%add3A, %dma_wait3A_126] : memref<32x10240xi32, #tpu.memory_space<hbm>> -> memref<1x10240xi32, #tpu.memory_space<hbm>>
    %dma_wait3A_128 = tpu.memref_squeeze %dma_wait3A_127 : memref<1x10240xi32, #tpu.memory_space<hbm>> -> memref<10240xi32, #tpu.memory_space<hbm>>
    tpu.wait_dma2 semaphore(%arg18 : memref<!tpu.dma_semaphore, #tpu.memory_space<semaphore_mem>>) src(%arg13 : memref<10240xi32, #tpu.memory_space<vmem>>) dst(%dma_wait3A_128 : memref<10240xi32, #tpu.memory_space<hbm>>)
    %dma_wait3A_129 = arith.constant 0 : i32
    %dma_wait3A_130 = tpu.memref_slice %arg7[%add3A, %dma_wait3A_129] : memref<32x10240xi32, #tpu.memory_space<hbm>> -> memref<1x10240xi32, #tpu.memory_space<hbm>>
    %dma_wait3A_131 = tpu.memref_squeeze %dma_wait3A_130 : memref<1x10240xi32, #tpu.memory_space<hbm>> -> memref<10240xi32, #tpu.memory_space<hbm>>
    %dma_wait3A_132 = arith.constant 0 : i32
    %dma_wait3A_133 = tpu.memref_slice %arg7[%add3A, %dma_wait3A_132] : memref<32x10240xi32, #tpu.memory_space<hbm>> -> memref<1x10240xi32, #tpu.memory_space<hbm>>
    %dma_wait3A_134 = tpu.memref_squeeze %dma_wait3A_133 : memref<1x10240xi32, #tpu.memory_space<hbm>> -> memref<10240xi32, #tpu.memory_space<hbm>>
    tpu.wait_dma2 semaphore(%arg18 : memref<!tpu.dma_semaphore, #tpu.memory_space<semaphore_mem>>) src(%arg14 : memref<10240xi32, #tpu.memory_space<vmem>>) dst(%dma_wait3A_134 : memref<10240xi32, #tpu.memory_space<hbm>>)
    %dma_wait3A_135 = arith.constant 0 : i32
    %dma_wait3A_136 = tpu.memref_slice %arg8[%add3A, %dma_wait3A_135] : memref<32x16xi32, #tpu.memory_space<hbm>> -> memref<1x16xi32, #tpu.memory_space<hbm>>
    %dma_wait3A_137 = tpu.memref_squeeze %dma_wait3A_136 : memref<1x16xi32, #tpu.memory_space<hbm>> -> memref<16xi32, #tpu.memory_space<hbm>>
    %dma_wait3A_138 = arith.constant 0 : i32
    %dma_wait3A_139 = tpu.memref_slice %arg8[%add3A, %dma_wait3A_138] : memref<32x16xi32, #tpu.memory_space<hbm>> -> memref<1x16xi32, #tpu.memory_space<hbm>>
    %dma_wait3A_140 = tpu.memref_squeeze %dma_wait3A_139 : memref<1x16xi32, #tpu.memory_space<hbm>> -> memref<16xi32, #tpu.memory_space<hbm>>
    tpu.wait_dma2 semaphore(%arg18 : memref<!tpu.dma_semaphore, #tpu.memory_space<semaphore_mem>>) src(%arg17 : memref<16xi32, #tpu.memory_space<vmem>>) dst(%dma_wait3A_140 : memref<16xi32, #tpu.memory_space<hbm>>)
    %dma_wait3A_141 = arith.constant 0 : i32
    %dma_wait3A_142 = tpu.memref_slice %arg9[%add3A, %dma_wait3A_141] : memref<32x10240xf32, #tpu.memory_space<hbm>> -> memref<1x10240xf32, #tpu.memory_space<hbm>>
    %dma_wait3A_143 = tpu.memref_squeeze %dma_wait3A_142 : memref<1x10240xf32, #tpu.memory_space<hbm>> -> memref<10240xf32, #tpu.memory_space<hbm>>
    %dma_wait3A_144 = arith.constant 0 : i32
    %dma_wait3A_145 = tpu.memref_slice %arg9[%add3A, %dma_wait3A_144] : memref<32x10240xf32, #tpu.memory_space<hbm>> -> memref<1x10240xf32, #tpu.memory_space<hbm>>
    %dma_wait3A_146 = tpu.memref_squeeze %dma_wait3A_145 : memref<1x10240xf32, #tpu.memory_space<hbm>> -> memref<10240xf32, #tpu.memory_space<hbm>>
    tpu.wait_dma2 semaphore(%arg18 : memref<!tpu.dma_semaphore, #tpu.memory_space<semaphore_mem>>) src(%arg15 : memref<10240xf32, #tpu.memory_space<vmem>>) dst(%dma_wait3A_146 : memref<10240xf32, #tpu.memory_space<hbm>>)
    return
  }
}

module attributes {stable_mosaic.version = 14 : i64} {
  func.func @_a_body(%arg0: i32, %arg1: memref<256x128xf32, #tpu.memory_space<vmem>>, %arg2: memref<128x128xf32, #tpu.memory_space<vmem>>, %arg3: memref<1x128xf32, #tpu.memory_space<vmem>>, %arg4: memref<128x64xf32, #tpu.memory_space<vmem>>, %arg5: memref<1x64xf32, #tpu.memory_space<vmem>>, %arg6: memref<64x1xf32, #tpu.memory_space<vmem>>, %arg7: memref<1x1xf32, #tpu.memory_space<vmem>>, %arg8: memref<128x128xf32, #tpu.memory_space<vmem>>, %arg9: memref<256x128xf32, #tpu.memory_space<vmem>>, %arg10: memref<256x1xf32, #tpu.memory_space<vmem>>, %arg11: memref<256x128xf32, #tpu.memory_space<vmem>>) attributes {dimension_semantics = [#tpu.dimension_semantics<arbitrary>], iteration_bounds = array<i64: 40>, scalar_prefetch = 0 : i64, scratch_operands = 0 : i64, tpu.core_type = #tpu.core_type<tc>, window_params = [{transform_indices = @transform_0, window_bounds = array<i64: 256, 128>}, {pipeline_mode = #tpu.pipeline_mode<synchronous>, transform_indices = @transform_1, window_bounds = array<i64: 128, 128>}, {pipeline_mode = #tpu.pipeline_mode<synchronous>, transform_indices = @transform_2, window_bounds = array<i64: 1, 128>}, {pipeline_mode = #tpu.pipeline_mode<synchronous>, transform_indices = @transform_3, window_bounds = array<i64: 128, 64>}, {pipeline_mode = #tpu.pipeline_mode<synchronous>, transform_indices = @transform_4, window_bounds = array<i64: 1, 64>}, {pipeline_mode = #tpu.pipeline_mode<synchronous>, transform_indices = @transform_5, window_bounds = array<i64: 64, 1>}, {pipeline_mode = #tpu.pipeline_mode<synchronous>, transform_indices = @transform_6, window_bounds = array<i64: 1, 1>}, {pipeline_mode = #tpu.pipeline_mode<synchronous>, transform_indices = @transform_7, window_bounds = array<i64: 128, 128>}, {transform_indices = @transform_8, window_bounds = array<i64: 256, 128>}, {transform_indices = @transform_9, window_bounds = array<i64: 256, 1>}, {transform_indices = @transform_10, window_bounds = array<i64: 256, 128>}]} {
    %get3A = arith.constant 0 : index
    %get3A_0 = arith.constant 0 : index
    %get3A_1 = vector.load %arg1[%get3A, %get3A_0] : memref<256x128xf32, #tpu.memory_space<vmem>>, vector<256x128xf32>
    %get3A_2 = arith.constant 0 : index
    %get3A_3 = arith.constant 0 : index
    %get3A_4 = vector.load %arg2[%get3A_2, %get3A_3] : memref<128x128xf32, #tpu.memory_space<vmem>>, vector<128x128xf32>
    %dot_general3A = arith.constant dense<0.000000e+00> : vector<256x128xf32>
    %dot_general3A_5 = tpu.matmul %get3A_1, %get3A_4, %dot_general3A {dimension_numbers = #tpu.dot_dimension_numbers<[1], [0], [0], [1], [0, 0, 1, 1], [], []>, transpose_lhs_hint = false} : vector<256x128xf32>, vector<128x128xf32>, vector<256x128xf32> -> vector<256x128xf32>
    %get3A_6 = arith.constant 0 : index
    %get3A_7 = arith.constant 0 : index
    %get3A_8 = vector.load %arg3[%get3A_6, %get3A_7] : memref<1x128xf32, #tpu.memory_space<vmem>>, vector<1x128xf32>
    %add3A = vector.broadcast %get3A_8 : vector<1x128xf32> to vector<256x128xf32>
    %add3A_9 = arith.addf %dot_general3A_5, %add3A : vector<256x128xf32>
    %max3A = arith.constant 0.000000e+00 : f32
    %max3A_10 = vector.broadcast %max3A : f32 to vector<256x128xf32>
    %max3A_11 = arith.maximumf %add3A_9, %max3A_10 : vector<256x128xf32>
    %get3A_12 = arith.constant 0 : index
    %get3A_13 = arith.constant 0 : index
    %get3A_14 = vector.load %arg4[%get3A_12, %get3A_13] : memref<128x64xf32, #tpu.memory_space<vmem>>, vector<128x64xf32>
    %dot_general3A_15 = arith.constant dense<0.000000e+00> : vector<256x64xf32>
    %dot_general3A_16 = tpu.matmul %max3A_11, %get3A_14, %dot_general3A_15 {dimension_numbers = #tpu.dot_dimension_numbers<[1], [0], [0], [1], [0, 0, 1, 1], [], []>, transpose_lhs_hint = false} : vector<256x128xf32>, vector<128x64xf32>, vector<256x64xf32> -> vector<256x64xf32>
    %get3A_17 = arith.constant 0 : index
    %get3A_18 = arith.constant 0 : index
    %get3A_19 = vector.load %arg5[%get3A_17, %get3A_18] : memref<1x64xf32, #tpu.memory_space<vmem>>, vector<1x64xf32>
    %add3A_20 = vector.broadcast %get3A_19 : vector<1x64xf32> to vector<256x64xf32>
    %add3A_21 = arith.addf %dot_general3A_16, %add3A_20 : vector<256x64xf32>
    %max3A_22 = arith.constant 0.000000e+00 : f32
    %max3A_23 = vector.broadcast %max3A_22 : f32 to vector<256x64xf32>
    %max3A_24 = arith.maximumf %add3A_21, %max3A_23 : vector<256x64xf32>
    %get3A_25 = arith.constant 0 : index
    %get3A_26 = arith.constant 0 : index
    %get3A_27 = vector.load %arg6[%get3A_25, %get3A_26] : memref<64x1xf32, #tpu.memory_space<vmem>>, vector<64x1xf32>
    %dot_general3A_28 = arith.constant dense<0.000000e+00> : vector<256x1xf32>
    %dot_general3A_29 = tpu.matmul %max3A_24, %get3A_27, %dot_general3A_28 {dimension_numbers = #tpu.dot_dimension_numbers<[1], [0], [0], [1], [0, 0, 1, 1], [], []>, transpose_lhs_hint = false} : vector<256x64xf32>, vector<64x1xf32>, vector<256x1xf32> -> vector<256x1xf32>
    %get3A_30 = arith.constant 0 : index
    %get3A_31 = arith.constant 0 : index
    %get3A_32 = vector.load %arg7[%get3A_30, %get3A_31] : memref<1x1xf32, #tpu.memory_space<vmem>>, vector<1x1xf32>
    %add3A_33 = vector.broadcast %get3A_32 : vector<1x1xf32> to vector<256x1xf32>
    %add3A_34 = arith.addf %dot_general3A_29, %add3A_33 : vector<256x1xf32>
    %swap3A = arith.constant 0 : index
    %swap3A_35 = arith.constant 0 : index
    %swap3A_36 = vector.load %arg9[%swap3A, %swap3A_35] : memref<256x128xf32, #tpu.memory_space<vmem>>, vector<256x128xf32>
    tpu.vector_store %arg9[%swap3A, %swap3A_35], %max3A_11 {strides = array<i32>} : memref<256x128xf32, #tpu.memory_space<vmem>>, vector<256x128xf32>,
    %logistic3A = arith.negf %add3A_34 : vector<256x1xf32>
    %logistic3A_37 = math.exp %logistic3A : vector<256x1xf32>
    %logistic3A_38 = arith.constant 1.000000e+00 : f32
    %logistic3A_39 = vector.broadcast %logistic3A_38 : f32 to vector<256x1xf32>
    %logistic3A_40 = arith.addf %logistic3A_39, %logistic3A_37 : vector<256x1xf32>
    %logistic3A_41 = arith.divf %logistic3A_39, %logistic3A_40 : vector<256x1xf32>
    %swap3A_42 = arith.constant 0 : index
    %swap3A_43 = arith.constant 0 : index
    %swap3A_44 = vector.load %arg10[%swap3A_42, %swap3A_43] : memref<256x1xf32, #tpu.memory_space<vmem>>, vector<256x1xf32>
    tpu.vector_store %arg10[%swap3A_42, %swap3A_43], %logistic3A_41 {strides = array<i32>} : memref<256x1xf32, #tpu.memory_space<vmem>>, vector<256x1xf32>,
    %get3A_45 = arith.constant 0 : index
    %get3A_46 = arith.constant 0 : index
    %get3A_47 = vector.load %arg8[%get3A_45, %get3A_46] : memref<128x128xf32, #tpu.memory_space<vmem>>, vector<128x128xf32>
    %dot_general3A_48 = arith.constant dense<0.000000e+00> : vector<256x128xf32>
    %dot_general3A_49 = tpu.matmul %max3A_11, %get3A_47, %dot_general3A_48 {dimension_numbers = #tpu.dot_dimension_numbers<[1], [0], [0], [1], [0, 0, 1, 1], [], []>, transpose_lhs_hint = false} : vector<256x128xf32>, vector<128x128xf32>, vector<256x128xf32> -> vector<256x128xf32>
    %swap3A_50 = arith.constant 0 : index
    %swap3A_51 = arith.constant 0 : index
    %swap3A_52 = vector.load %arg11[%swap3A_50, %swap3A_51] : memref<256x128xf32, #tpu.memory_space<vmem>>, vector<256x128xf32>
    tpu.vector_store %arg11[%swap3A_50, %swap3A_51], %dot_general3A_49 {strides = array<i32>} : memref<256x128xf32, #tpu.memory_space<vmem>>, vector<256x128xf32>,
    return
  }
  func.func @transform_0(%arg0: i32) -> (i32, i32) {
    %c0_i32 = arith.constant 0 : i32
    %c0_i32_0 = arith.constant 0 : i32
    return %arg0, %c0_i32 : i32, i32
  }
  func.func @transform_1(%arg0: i32) -> (i32, i32) {
    %c0_i32 = arith.constant 0 : i32
    %c0_i32_0 = arith.constant 0 : i32
    %c0_i32_1 = arith.constant 0 : i32
    return %c0_i32, %c0_i32_0 : i32, i32
  }
  func.func @transform_2(%arg0: i32) -> (i32, i32) {
    %c0_i32 = arith.constant 0 : i32
    %c0_i32_0 = arith.constant 0 : i32
    %c0_i32_1 = arith.constant 0 : i32
    return %c0_i32, %c0_i32_0 : i32, i32
  }
  func.func @transform_3(%arg0: i32) -> (i32, i32) {
    %c0_i32 = arith.constant 0 : i32
    %c0_i32_0 = arith.constant 0 : i32
    %c0_i32_1 = arith.constant 0 : i32
    return %c0_i32, %c0_i32_0 : i32, i32
  }
  func.func @transform_4(%arg0: i32) -> (i32, i32) {
    %c0_i32 = arith.constant 0 : i32
    %c0_i32_0 = arith.constant 0 : i32
    %c0_i32_1 = arith.constant 0 : i32
    return %c0_i32, %c0_i32_0 : i32, i32
  }
  func.func @transform_5(%arg0: i32) -> (i32, i32) {
    %c0_i32 = arith.constant 0 : i32
    %c0_i32_0 = arith.constant 0 : i32
    %c0_i32_1 = arith.constant 0 : i32
    return %c0_i32, %c0_i32_0 : i32, i32
  }
  func.func @transform_6(%arg0: i32) -> (i32, i32) {
    %c0_i32 = arith.constant 0 : i32
    %c0_i32_0 = arith.constant 0 : i32
    %c0_i32_1 = arith.constant 0 : i32
    return %c0_i32, %c0_i32_0 : i32, i32
  }
  func.func @transform_7(%arg0: i32) -> (i32, i32) {
    %c0_i32 = arith.constant 0 : i32
    %c0_i32_0 = arith.constant 0 : i32
    %c0_i32_1 = arith.constant 0 : i32
    return %c0_i32, %c0_i32_0 : i32, i32
  }
  func.func @transform_8(%arg0: i32) -> (i32, i32) {
    %c0_i32 = arith.constant 0 : i32
    %c0_i32_0 = arith.constant 0 : i32
    return %arg0, %c0_i32 : i32, i32
  }
  func.func @transform_9(%arg0: i32) -> (i32, i32) {
    %c0_i32 = arith.constant 0 : i32
    %c0_i32_0 = arith.constant 0 : i32
    return %arg0, %c0_i32 : i32, i32
  }
  func.func @transform_10(%arg0: i32) -> (i32, i32) {
    %c0_i32 = arith.constant 0 : i32
    %c0_i32_0 = arith.constant 0 : i32
    return %arg0, %c0_i32 : i32, i32
  }
}

module attributes {stable_mosaic.version = 14 : i64} {
  func.func @_e0_body(%arg0: i32, %arg1: memref<256x128xf32, #tpu.memory_space<vmem>>, %arg2: memref<32x256xf32, #tpu.memory_space<vmem>>, %arg3: memref<256x128xf32, #tpu.memory_space<vmem>>, %arg4: memref<256x1xf32, #tpu.memory_space<vmem>>) attributes {dimension_semantics = [#tpu.dimension_semantics<arbitrary>], iteration_bounds = array<i64: 40>, scalar_prefetch = 0 : i64, scratch_operands = 0 : i64, tpu.core_type = #tpu.core_type<tc>, window_params = [{transform_indices = @transform_0, window_bounds = array<i64: 256, 128>}, {transform_indices = @transform_1, window_bounds = array<i64: 32, 256>}, {transform_indices = @transform_2, window_bounds = array<i64: 256, 128>}, {transform_indices = @transform_3, window_bounds = array<i64: 256, 1>}]} {
    %get3A = arith.constant 0 : index
    %get3A_0 = arith.constant 0 : index
    %get3A_1 = vector.load %arg2[%get3A, %get3A_0] : memref<32x256xf32, #tpu.memory_space<vmem>>, vector<32x256xf32>
    %broadcast_in_dim3A = arith.constant 1.000000e+00 : f32
    %broadcast_in_dim3A_2 = vector.broadcast %broadcast_in_dim3A : f32 to vector<32x1xf32>
    %dot_general3A = arith.constant dense<0.000000e+00> : vector<256x1xf32>
    %dot_general3A_3 = tpu.matmul %get3A_1, %broadcast_in_dim3A_2, %dot_general3A {dimension_numbers = #tpu.dot_dimension_numbers<[0], [0], [1], [1], [0, 1, 1, 1], [], []>, transpose_lhs_hint = false} : vector<32x256xf32>, vector<32x1xf32>, vector<256x1xf32> -> vector<256x1xf32>
    %add3A = arith.constant 1.000000e+00 : f32
    %add3A_4 = vector.broadcast %add3A : f32 to vector<256x1xf32>
    %add3A_5 = arith.addf %dot_general3A_3, %add3A_4 : vector<256x1xf32>
    %rsqrt3A = math.rsqrt %add3A_5 : vector<256x1xf32>
    %mul3A = arith.constant 256 : i32
    %mul3A_6 = arith.muli %arg0, %mul3A : i32
    %iota3A = tpu.iota {dimensions = array<i32: 0>} : vector<256x1xi32>
    %add3A_7 = vector.broadcast %mul3A_6 : i32 to vector<256x1xi32>
    %add3A_8 = arith.addi %add3A_7, %iota3A : vector<256x1xi32>
    %lt3A = arith.constant 10000 : i32
    %lt3A_9 = vector.broadcast %lt3A : i32 to vector<256x1xi32>
    %lt3A_10 = arith.cmpi slt, %add3A_8, %lt3A_9 : vector<256x1xi32>
    %jit3A = arith.constant 0.000000e+00 : f32
    %broadcast_in_dim3A_11 = vector.broadcast %jit3A : f32 to vector<256x1xf32>
    %select_n3A = arith.select %lt3A_10, %rsqrt3A, %broadcast_in_dim3A_11 : vector<256x1xi1>, vector<256x1xf32>
    %get3A_12 = arith.constant 0 : index
    %get3A_13 = arith.constant 0 : index
    %get3A_14 = vector.load %arg1[%get3A_12, %get3A_13] : memref<256x128xf32, #tpu.memory_space<vmem>>, vector<256x128xf32>
    %mul3A_15 = vector.broadcast %select_n3A : vector<256x1xf32> to vector<256x128xf32>
    %mul3A_16 = arith.mulf %get3A_14, %mul3A_15 : vector<256x128xf32>
    %swap3A = arith.constant 0 : index
    %swap3A_17 = arith.constant 0 : index
    %swap3A_18 = vector.load %arg3[%swap3A, %swap3A_17] : memref<256x128xf32, #tpu.memory_space<vmem>>, vector<256x128xf32>
    tpu.vector_store %arg3[%swap3A, %swap3A_17], %mul3A_16 {strides = array<i32>} : memref<256x128xf32, #tpu.memory_space<vmem>>, vector<256x128xf32>,
    %swap3A_19 = arith.constant 0 : index
    %swap3A_20 = arith.constant 0 : index
    %swap3A_21 = vector.load %arg4[%swap3A_19, %swap3A_20] : memref<256x1xf32, #tpu.memory_space<vmem>>, vector<256x1xf32>
    tpu.vector_store %arg4[%swap3A_19, %swap3A_20], %select_n3A {strides = array<i32>} : memref<256x1xf32, #tpu.memory_space<vmem>>, vector<256x1xf32>,
    return
  }
  func.func @transform_0(%arg0: i32) -> (i32, i32) {
    %c0_i32 = arith.constant 0 : i32
    %c0_i32_0 = arith.constant 0 : i32
    return %arg0, %c0_i32 : i32, i32
  }
  func.func @transform_1(%arg0: i32) -> (i32, i32) {
    %c0_i32 = arith.constant 0 : i32
    %c0_i32_0 = arith.constant 0 : i32
    return %c0_i32, %arg0 : i32, i32
  }
  func.func @transform_2(%arg0: i32) -> (i32, i32) {
    %c0_i32 = arith.constant 0 : i32
    %c0_i32_0 = arith.constant 0 : i32
    return %arg0, %c0_i32 : i32, i32
  }
  func.func @transform_3(%arg0: i32) -> (i32, i32) {
    %c0_i32 = arith.constant 0 : i32
    %c0_i32_0 = arith.constant 0 : i32
    return %arg0, %c0_i32 : i32, i32
  }
}

module attributes {stable_mosaic.version = 14 : i64} {
  func.func @_e1_body(%arg0: i32, %arg1: memref<2x256x128xf32, #tpu.memory_space<vmem>>, %arg2: memref<256x128xf32, #tpu.memory_space<vmem>>, %arg3: memref<256x1xf32, #tpu.memory_space<vmem>>, %arg4: memref<1x128xf32, #tpu.memory_space<vmem>>, %arg5: memref<128x128xf32, #tpu.memory_space<vmem>>, %arg6: memref<256x128xf32, #tpu.memory_space<vmem>>, %arg7: memref<128x1xf32, #tpu.memory_space<vmem>>, %arg8: memref<128x1xf32, #tpu.memory_space<vmem>>, %arg9: memref<256x128xf32, #tpu.memory_space<vmem>>, %arg10: memref<256x128xf32, #tpu.memory_space<vmem>>, %arg11: memref<256x1xf32, #tpu.memory_space<vmem>>) attributes {dimension_semantics = [#tpu.dimension_semantics<arbitrary>], iteration_bounds = array<i64: 40>, scalar_prefetch = 0 : i64, scratch_operands = 0 : i64, tpu.core_type = #tpu.core_type<tc>, window_params = [{transform_indices = @transform_0, window_bounds = array<i64: 2, 256, 128>}, {transform_indices = @transform_1, window_bounds = array<i64: 256, 128>}, {transform_indices = @transform_2, window_bounds = array<i64: 256, 1>}, {pipeline_mode = #tpu.pipeline_mode<synchronous>, transform_indices = @transform_3, window_bounds = array<i64: 1, 128>}, {pipeline_mode = #tpu.pipeline_mode<synchronous>, transform_indices = @transform_4, window_bounds = array<i64: 128, 128>}, {transform_indices = @transform_5, window_bounds = array<i64: 256, 128>}, {pipeline_mode = #tpu.pipeline_mode<synchronous>, transform_indices = @transform_6, window_bounds = array<i64: 128, 1>}, {pipeline_mode = #tpu.pipeline_mode<synchronous>, transform_indices = @transform_7, window_bounds = array<i64: 128, 1>}, {transform_indices = @transform_8, window_bounds = array<i64: 256, 128>}, {transform_indices = @transform_9, window_bounds = array<i64: 256, 128>}, {transform_indices = @transform_10, window_bounds = array<i64: 256, 1>}]} {
    %get3A = arith.constant 0 : index
    %get3A_0 = arith.constant 0 : index
    %get3A_1 = arith.constant 0 : index
    %get3A_2 = vector.load %arg1[%get3A, %get3A_0, %get3A_1] : memref<2x256x128xf32, #tpu.memory_space<vmem>>, vector<1x256x128xf32>
    %get3A_3 = vector.shape_cast %get3A_2 : vector<1x256x128xf32> to vector<256x128xf32>
    %get3A_4 = arith.constant 1 : index
    %get3A_5 = arith.constant 0 : index
    %get3A_6 = arith.constant 0 : index
    %get3A_7 = vector.load %arg1[%get3A_4, %get3A_5, %get3A_6] : memref<2x256x128xf32, #tpu.memory_space<vmem>>, vector<1x256x128xf32>
    %get3A_8 = vector.shape_cast %get3A_7 : vector<1x256x128xf32> to vector<256x128xf32>
    %add3A = arith.addf %get3A_3, %get3A_8 : vector<256x128xf32>
    %get3A_9 = arith.constant 0 : index
    %get3A_10 = arith.constant 0 : index
    %get3A_11 = vector.load %arg3[%get3A_9, %get3A_10] : memref<256x1xf32, #tpu.memory_space<vmem>>, vector<256x1xf32>
    %mul3A = vector.broadcast %get3A_11 : vector<256x1xf32> to vector<256x128xf32>
    %mul3A_12 = arith.mulf %mul3A, %add3A : vector<256x128xf32>
    %get3A_13 = arith.constant 0 : index
    %get3A_14 = arith.constant 0 : index
    %get3A_15 = vector.load %arg2[%get3A_13, %get3A_14] : memref<256x128xf32, #tpu.memory_space<vmem>>, vector<256x128xf32>
    %mul3A_16 = arith.mulf %get3A_11, %get3A_11 : vector<256x1xf32>
    %mul3A_17 = vector.broadcast %mul3A_16 : vector<256x1xf32> to vector<256x128xf32>
    %mul3A_18 = arith.mulf %get3A_15, %mul3A_17 : vector<256x128xf32>
    %add3A_19 = arith.addf %mul3A_12, %mul3A_18 : vector<256x128xf32>
    %get3A_20 = arith.constant 0 : index
    %get3A_21 = arith.constant 0 : index
    %get3A_22 = vector.load %arg4[%get3A_20, %get3A_21] : memref<1x128xf32, #tpu.memory_space<vmem>>, vector<1x128xf32>
    %add3A_23 = vector.broadcast %get3A_22 : vector<1x128xf32> to vector<256x128xf32>
    %add3A_24 = arith.addf %add3A_19, %add3A_23 : vector<256x128xf32>
    %max3A = arith.constant 0.000000e+00 : f32
    %max3A_25 = vector.broadcast %max3A : f32 to vector<256x128xf32>
    %max3A_26 = arith.maximumf %add3A_24, %max3A_25 : vector<256x128xf32>
    %get3A_27 = arith.constant 0 : index
    %get3A_28 = arith.constant 0 : index
    %get3A_29 = vector.load %arg5[%get3A_27, %get3A_28] : memref<128x128xf32, #tpu.memory_space<vmem>>, vector<128x128xf32>
    %dot_general3A = arith.constant dense<0.000000e+00> : vector<256x128xf32>
    %dot_general3A_30 = tpu.matmul %max3A_26, %get3A_29, %dot_general3A {dimension_numbers = #tpu.dot_dimension_numbers<[1], [0], [0], [1], [0, 0, 1, 1], [], []>, transpose_lhs_hint = false} : vector<256x128xf32>, vector<128x128xf32>, vector<256x128xf32> -> vector<256x128xf32>
    %swap3A = arith.constant 0 : index
    %swap3A_31 = arith.constant 0 : index
    %swap3A_32 = vector.load %arg9[%swap3A, %swap3A_31] : memref<256x128xf32, #tpu.memory_space<vmem>>, vector<256x128xf32>
    tpu.vector_store %arg9[%swap3A, %swap3A_31], %dot_general3A_30 {strides = array<i32>} : memref<256x128xf32, #tpu.memory_space<vmem>>, vector<256x128xf32>,
    %mul3A_33 = vector.broadcast %get3A_11 : vector<256x1xf32> to vector<256x128xf32>
    %mul3A_34 = arith.mulf %dot_general3A_30, %mul3A_33 : vector<256x128xf32>
    %swap3A_35 = arith.constant 0 : index
    %swap3A_36 = arith.constant 0 : index
    %swap3A_37 = vector.load %arg10[%swap3A_35, %swap3A_36] : memref<256x128xf32, #tpu.memory_space<vmem>>, vector<256x128xf32>
    tpu.vector_store %arg10[%swap3A_35, %swap3A_36], %mul3A_34 {strides = array<i32>} : memref<256x128xf32, #tpu.memory_space<vmem>>, vector<256x128xf32>,
    %get3A_38 = arith.constant 0 : index
    %get3A_39 = arith.constant 0 : index
    %get3A_40 = vector.load %arg6[%get3A_38, %get3A_39] : memref<256x128xf32, #tpu.memory_space<vmem>>, vector<256x128xf32>
    %get3A_41 = arith.constant 0 : index
    %get3A_42 = arith.constant 0 : index
    %get3A_43 = vector.load %arg7[%get3A_41, %get3A_42] : memref<128x1xf32, #tpu.memory_space<vmem>>, vector<128x1xf32>
    %dot_general3A_44 = arith.constant dense<0.000000e+00> : vector<256x1xf32>
    %dot_general3A_45 = tpu.matmul %get3A_40, %get3A_43, %dot_general3A_44 {dimension_numbers = #tpu.dot_dimension_numbers<[1], [0], [0], [1], [0, 0, 1, 1], [], []>, transpose_lhs_hint = false} : vector<256x128xf32>, vector<128x1xf32>, vector<256x1xf32> -> vector<256x1xf32>
    %get3A_46 = arith.constant 0 : index
    %get3A_47 = arith.constant 0 : index
    %get3A_48 = vector.load %arg8[%get3A_46, %get3A_47] : memref<128x1xf32, #tpu.memory_space<vmem>>, vector<128x1xf32>
    %dot_general3A_49 = arith.constant dense<0.000000e+00> : vector<256x1xf32>
    %dot_general3A_50 = tpu.matmul %max3A_26, %get3A_48, %dot_general3A_49 {dimension_numbers = #tpu.dot_dimension_numbers<[1], [0], [0], [1], [0, 0, 1, 1], [], []>, transpose_lhs_hint = false} : vector<256x128xf32>, vector<128x1xf32>, vector<256x1xf32> -> vector<256x1xf32>
    %add3A_51 = arith.addf %dot_general3A_45, %dot_general3A_50 : vector<256x1xf32>
    %swap3A_52 = arith.constant 0 : index
    %swap3A_53 = arith.constant 0 : index
    %swap3A_54 = vector.load %arg11[%swap3A_52, %swap3A_53] : memref<256x1xf32, #tpu.memory_space<vmem>>, vector<256x1xf32>
    tpu.vector_store %arg11[%swap3A_52, %swap3A_53], %add3A_51 {strides = array<i32>} : memref<256x1xf32, #tpu.memory_space<vmem>>, vector<256x1xf32>,
    return
  }
  func.func @transform_0(%arg0: i32) -> (i32, i32, i32) {
    %c0_i32 = arith.constant 0 : i32
    %c0_i32_0 = arith.constant 0 : i32
    %c0_i32_1 = arith.constant 0 : i32
    return %c0_i32, %arg0, %c0_i32_0 : i32, i32, i32
  }
  func.func @transform_1(%arg0: i32) -> (i32, i32) {
    %c0_i32 = arith.constant 0 : i32
    %c0_i32_0 = arith.constant 0 : i32
    return %arg0, %c0_i32 : i32, i32
  }
  func.func @transform_2(%arg0: i32) -> (i32, i32) {
    %c0_i32 = arith.constant 0 : i32
    %c0_i32_0 = arith.constant 0 : i32
    return %arg0, %c0_i32 : i32, i32
  }
  func.func @transform_3(%arg0: i32) -> (i32, i32) {
    %c0_i32 = arith.constant 0 : i32
    %c0_i32_0 = arith.constant 0 : i32
    %c0_i32_1 = arith.constant 0 : i32
    return %c0_i32, %c0_i32_0 : i32, i32
  }
  func.func @transform_4(%arg0: i32) -> (i32, i32) {
    %c0_i32 = arith.constant 0 : i32
    %c0_i32_0 = arith.constant 0 : i32
    %c0_i32_1 = arith.constant 0 : i32
    return %c0_i32, %c0_i32_0 : i32, i32
  }
  func.func @transform_5(%arg0: i32) -> (i32, i32) {
    %c0_i32 = arith.constant 0 : i32
    %c0_i32_0 = arith.constant 0 : i32
    return %arg0, %c0_i32 : i32, i32
  }
  func.func @transform_6(%arg0: i32) -> (i32, i32) {
    %c0_i32 = arith.constant 0 : i32
    %c0_i32_0 = arith.constant 0 : i32
    %c0_i32_1 = arith.constant 0 : i32
    return %c0_i32, %c0_i32_0 : i32, i32
  }
  func.func @transform_7(%arg0: i32) -> (i32, i32) {
    %c0_i32 = arith.constant 0 : i32
    %c0_i32_0 = arith.constant 0 : i32
    %c0_i32_1 = arith.constant 0 : i32
    return %c0_i32, %c0_i32_0 : i32, i32
  }
  func.func @transform_8(%arg0: i32) -> (i32, i32) {
    %c0_i32 = arith.constant 0 : i32
    %c0_i32_0 = arith.constant 0 : i32
    return %arg0, %c0_i32 : i32, i32
  }
  func.func @transform_9(%arg0: i32) -> (i32, i32) {
    %c0_i32 = arith.constant 0 : i32
    %c0_i32_0 = arith.constant 0 : i32
    return %arg0, %c0_i32 : i32, i32
  }
  func.func @transform_10(%arg0: i32) -> (i32, i32) {
    %c0_i32 = arith.constant 0 : i32
    %c0_i32_0 = arith.constant 0 : i32
    return %arg0, %c0_i32 : i32, i32
  }
}

module attributes {stable_mosaic.version = 14 : i64} {
  func.func @_f_body(%arg0: i32, %arg1: memref<2x256x128xf32, #tpu.memory_space<vmem>>, %arg2: memref<256x128xf32, #tpu.memory_space<vmem>>, %arg3: memref<256x1xf32, #tpu.memory_space<vmem>>, %arg4: memref<1x128xf32, #tpu.memory_space<vmem>>, %arg5: memref<256x1xf32, #tpu.memory_space<vmem>>, %arg6: memref<128x1xf32, #tpu.memory_space<vmem>>, %arg7: memref<1x1xf32, #tpu.memory_space<vmem>>, %arg8: memref<256x1xf32, #tpu.memory_space<vmem>>) attributes {dimension_semantics = [#tpu.dimension_semantics<arbitrary>], iteration_bounds = array<i64: 40>, scalar_prefetch = 0 : i64, scratch_operands = 0 : i64, tpu.core_type = #tpu.core_type<tc>, window_params = [{transform_indices = @transform_0, window_bounds = array<i64: 2, 256, 128>}, {transform_indices = @transform_1, window_bounds = array<i64: 256, 128>}, {transform_indices = @transform_2, window_bounds = array<i64: 256, 1>}, {pipeline_mode = #tpu.pipeline_mode<synchronous>, transform_indices = @transform_3, window_bounds = array<i64: 1, 128>}, {transform_indices = @transform_4, window_bounds = array<i64: 256, 1>}, {pipeline_mode = #tpu.pipeline_mode<synchronous>, transform_indices = @transform_5, window_bounds = array<i64: 128, 1>}, {pipeline_mode = #tpu.pipeline_mode<synchronous>, transform_indices = @transform_6, window_bounds = array<i64: 1, 1>}, {transform_indices = @transform_7, window_bounds = array<i64: 256, 1>}]} {
    %get3A = arith.constant 0 : index
    %get3A_0 = arith.constant 0 : index
    %get3A_1 = arith.constant 0 : index
    %get3A_2 = vector.load %arg1[%get3A, %get3A_0, %get3A_1] : memref<2x256x128xf32, #tpu.memory_space<vmem>>, vector<1x256x128xf32>
    %get3A_3 = vector.shape_cast %get3A_2 : vector<1x256x128xf32> to vector<256x128xf32>
    %get3A_4 = arith.constant 1 : index
    %get3A_5 = arith.constant 0 : index
    %get3A_6 = arith.constant 0 : index
    %get3A_7 = vector.load %arg1[%get3A_4, %get3A_5, %get3A_6] : memref<2x256x128xf32, #tpu.memory_space<vmem>>, vector<1x256x128xf32>
    %get3A_8 = vector.shape_cast %get3A_7 : vector<1x256x128xf32> to vector<256x128xf32>
    %add3A = arith.addf %get3A_3, %get3A_8 : vector<256x128xf32>
    %get3A_9 = arith.constant 0 : index
    %get3A_10 = arith.constant 0 : index
    %get3A_11 = vector.load %arg3[%get3A_9, %get3A_10] : memref<256x1xf32, #tpu.memory_space<vmem>>, vector<256x1xf32>
    %mul3A = vector.broadcast %get3A_11 : vector<256x1xf32> to vector<256x128xf32>
    %mul3A_12 = arith.mulf %mul3A, %add3A : vector<256x128xf32>
    %get3A_13 = arith.constant 0 : index
    %get3A_14 = arith.constant 0 : index
    %get3A_15 = vector.load %arg2[%get3A_13, %get3A_14] : memref<256x128xf32, #tpu.memory_space<vmem>>, vector<256x128xf32>
    %mul3A_16 = arith.mulf %get3A_11, %get3A_11 : vector<256x1xf32>
    %mul3A_17 = vector.broadcast %mul3A_16 : vector<256x1xf32> to vector<256x128xf32>
    %mul3A_18 = arith.mulf %get3A_15, %mul3A_17 : vector<256x128xf32>
    %add3A_19 = arith.addf %mul3A_12, %mul3A_18 : vector<256x128xf32>
    %get3A_20 = arith.constant 0 : index
    %get3A_21 = arith.constant 0 : index
    %get3A_22 = vector.load %arg4[%get3A_20, %get3A_21] : memref<1x128xf32, #tpu.memory_space<vmem>>, vector<1x128xf32>
    %add3A_23 = vector.broadcast %get3A_22 : vector<1x128xf32> to vector<256x128xf32>
    %add3A_24 = arith.addf %add3A_19, %add3A_23 : vector<256x128xf32>
    %max3A = arith.constant 0.000000e+00 : f32
    %max3A_25 = vector.broadcast %max3A : f32 to vector<256x128xf32>
    %max3A_26 = arith.maximumf %add3A_24, %max3A_25 : vector<256x128xf32>
    %get3A_27 = arith.constant 0 : index
    %get3A_28 = arith.constant 0 : index
    %get3A_29 = vector.load %arg5[%get3A_27, %get3A_28] : memref<256x1xf32, #tpu.memory_space<vmem>>, vector<256x1xf32>
    %get3A_30 = arith.constant 0 : index
    %get3A_31 = arith.constant 0 : index
    %get3A_32 = vector.load %arg6[%get3A_30, %get3A_31] : memref<128x1xf32, #tpu.memory_space<vmem>>, vector<128x1xf32>
    %dot_general3A = arith.constant dense<0.000000e+00> : vector<256x1xf32>
    %dot_general3A_33 = tpu.matmul %max3A_26, %get3A_32, %dot_general3A {dimension_numbers = #tpu.dot_dimension_numbers<[1], [0], [0], [1], [0, 0, 1, 1], [], []>, transpose_lhs_hint = false} : vector<256x128xf32>, vector<128x1xf32>, vector<256x1xf32> -> vector<256x1xf32>
    %add3A_34 = arith.addf %get3A_29, %dot_general3A_33 : vector<256x1xf32>
    %get3A_35 = arith.constant 0 : index
    %get3A_36 = arith.constant 0 : index
    %get3A_37 = vector.load %arg7[%get3A_35, %get3A_36] : memref<1x1xf32, #tpu.memory_space<vmem>>, vector<1x1xf32>
    %add3A_38 = vector.broadcast %get3A_37 : vector<1x1xf32> to vector<256x1xf32>
    %add3A_39 = arith.addf %add3A_34, %add3A_38 : vector<256x1xf32>
    %swap3A = arith.constant 0 : index
    %swap3A_40 = arith.constant 0 : index
    %swap3A_41 = vector.load %arg8[%swap3A, %swap3A_40] : memref<256x1xf32, #tpu.memory_space<vmem>>, vector<256x1xf32>
    tpu.vector_store %arg8[%swap3A, %swap3A_40], %add3A_39 {strides = array<i32>} : memref<256x1xf32, #tpu.memory_space<vmem>>, vector<256x1xf32>,
    return
  }
  func.func @transform_0(%arg0: i32) -> (i32, i32, i32) {
    %c0_i32 = arith.constant 0 : i32
    %c0_i32_0 = arith.constant 0 : i32
    %c0_i32_1 = arith.constant 0 : i32
    return %c0_i32, %arg0, %c0_i32_0 : i32, i32, i32
  }
  func.func @transform_1(%arg0: i32) -> (i32, i32) {
    %c0_i32 = arith.constant 0 : i32
    %c0_i32_0 = arith.constant 0 : i32
    return %arg0, %c0_i32 : i32, i32
  }
  func.func @transform_2(%arg0: i32) -> (i32, i32) {
    %c0_i32 = arith.constant 0 : i32
    %c0_i32_0 = arith.constant 0 : i32
    return %arg0, %c0_i32 : i32, i32
  }
  func.func @transform_3(%arg0: i32) -> (i32, i32) {
    %c0_i32 = arith.constant 0 : i32
    %c0_i32_0 = arith.constant 0 : i32
    %c0_i32_1 = arith.constant 0 : i32
    return %c0_i32, %c0_i32_0 : i32, i32
  }
  func.func @transform_4(%arg0: i32) -> (i32, i32) {
    %c0_i32 = arith.constant 0 : i32
    %c0_i32_0 = arith.constant 0 : i32
    return %arg0, %c0_i32 : i32, i32
  }
  func.func @transform_5(%arg0: i32) -> (i32, i32) {
    %c0_i32 = arith.constant 0 : i32
    %c0_i32_0 = arith.constant 0 : i32
    %c0_i32_1 = arith.constant 0 : i32
    return %c0_i32, %c0_i32_0 : i32, i32
  }
  func.func @transform_6(%arg0: i32) -> (i32, i32) {
    %c0_i32 = arith.constant 0 : i32
    %c0_i32_0 = arith.constant 0 : i32
    %c0_i32_1 = arith.constant 0 : i32
    return %c0_i32, %c0_i32_0 : i32, i32
  }
  func.func @transform_7(%arg0: i32) -> (i32, i32) {
    %c0_i32 = arith.constant 0 : i32
    %c0_i32_0 = arith.constant 0 : i32
    return %arg0, %c0_i32 : i32, i32
  }
}

</mosaic_0001>

<sc_bundles>
// kernel: kernel.10.cloned.1.call-start
scs
__scs_entry_jumppad:
0x0: {  	(pc) =	sbr.rel $0x88, $3  }
0x1: {  	(tag) =	ssettag $0x0;
	lr =	simm.s32 $0x1  }
0x2: {  	[smem:$0x3F93] =	sst lr;
	_ =	strace $0xD0000000  }
0x3: {  	_ = 	snop  }
0x4: {  	_ = 	snop  }
0x5: {  	_ = 	snop  }
0x6: {  	_ = 	snop  }
0x7: {  	_ = 	snop  }
__scs_overlays_trampoline_lowered:
0x8: {  	[smem:$0x3FA2] =	sst s0  }
0x9: {  	[smem:$0x3FA3] =	sst s1  }
0xa: {  	[smem:$0x3FA4] =	sst s2  }
0xb: {  	[smem:$0x3FA5] =	sst s3  }
0xc: {  	[smem:$0x3FA6] =	sst s4  }
0xd: {  	[smem:$0x3FA7] =	sst s5  }
0xe: {  	[smem:$0x3FA8] =	sst s6  }
0xf: {  	[smem:$0x3FA9] =	sst s7  }
0x10: {  	[smem:$0x3FAA] =	sst s8  }
0x11: {  	[smem:$0x3FAB] =	sst s9;
	s0 =	simm.s32 @!p0 $0x0  }
0x12: {  	s1 =	sld [smem:$0x3F91];
	s0 =	simm.s32 @p0 $0x1  }
0x13: {  	[smem:$0x3FAC] =	sst s0;
	s0 =	simm.s32 @!p1 $0x0  }
0x14: {  	s2 =	sld [smem:$0x3F90];
	s0 =	simm.s32 @p1 $0x1  }
0x15: {  	[smem:$0x3FAD] =	sst s0;
	s0 =	simm.s32 @!p2 $0x0  }
0x16: {  	s3 =	sld [smem:$0x3FDB];
	s0 =	simm.s32 @p2 $0x1  }
0x17: {  	s4 =	simm.s32 $0x1BF5;
	[smem:$0x3FAF] =	sst s0  }
0x18: {  	s0 =	sld [smem:$0x3F92];
	_ =	swait.ge [sflag:s4], $0x0  }
0x19: {  	s7 =	sld [smem:$0x3F93]  }
0x1a: {  	s8 =	sadd.s32 $0xFFFFE003, lr  }
0x1b: {  	s9 =	sadd.s32 $0xFFFFFEF7, lr;
	s5 =	simm.s32 $0xFFFFFFFF;
	p2 =	slt.u32 s8, $0xFFFFF086  }
0x1c: {  	p1 =	slt.u32 s9, $0xF7A;
	s5 =	simm.s32 @!p2 $0x0  }
0x1d: {  	s5 =	simm.s32 @p1 $0x1;
	p0 =	seq.s32 s7, s2  }
0x1e: {  	s7 =	smul.u32 @!p0 $0xF7A, s2;
	p2 =	seq.s32 @!p0 s5, $0x0  }
0x1f: {  	s9 =	smul.u32 $0xF7A, s1;
	s8 =	simm.s32 @!p0 $0x1BF5;
	p2 =	por !p2, p0  }
0x20: {  	[sflag:s8] =	ssyncset.s32 @!p0 $0xFFFFF086;
	s6 =	sadd.s32 @!p0 s3, s7;
	s7 =	simm.s32 @!p0 $0x108  }
0x21: {  	s3 =	sadd.s32 s3, s9;
	s6 =	sadd.s32 @!p0 $0x88, s6;
	s7 =	simm.s32 @p2 $0x1082  }
0x22: {  	[simem:s7], [sflag:s8] =	dma.local @!p0 [hbm:s6], $0xF7A  }
0x23: {  	s9 =	sor.u32 $0xD0000000, s2;
	s6 =	simm.s32 $0x108;
	_ =	swait.ge @!p0 [sflag:s8], $0x0  }
0x24: {  	s3 =	sadd.s32 $0x88, s3;
	s6 =	simm.s32 @!p1 $0x1082;
	[sflag:s4] =	ssyncset.s32 $0xFFFFF086  }
0x25: {  	[simem:s6], [sflag:s4] =	dma.local [hbm:s3], $0xF7A  }
0x26: {  	[smem:$0x3F93] =	sst s1;
	(tag) =	ssettag s2;
	_ =	strace s9  }
0x27: {  	s1 =	sld [smem:$0x3FA3]  }
0x28: {  	s2 =	sld [smem:$0x3FA4]  }
0x29: {  	s4 =	sld [smem:$0x3FA6]  }
0x2a: {  	p0 =	seq.s32 s5, $0x0;
	s5 =	sld [smem:$0x3FA7]  }
0x2b: {  	s6 =	sld [smem:$0x3FA8]  }
0x2c: {  	s7 =	sld [smem:$0x3FA9]  }
0x2d: {  	s3 =	simm.s32 $0x108;
	s8 =	sld [smem:$0x3FAA]  }
0x2e: {  	s3 =	simm.s32 @!p0 $0x1082;
	s9 =	sld [smem:$0x3FAB]  }
0x2f: {  	lr =	sadd.s32 s0, s3;
	s0 =	sld [smem:$0x3FA2]  }
0x30: {  	s3 =	sld [smem:$0x3FA5]  }
0x31: {  	[smem:$0x3FAE] =	sst s10  }
0x32: {  	s10 =	sld [smem:$0x3FAC];
	_ =	sdelay $0x3  }
0x33: {  	p0 =	seq.s32 s10, $0x1;
	s10 =	sld [smem:$0x3FAE];
	_ =	sdelay $0x3  }
0x34: {  	[smem:$0x3FAE] =	sst s10  }
0x35: {  	s10 =	sld [smem:$0x3FAD];
	_ =	sdelay $0x3  }
0x36: {  	p1 =	seq.s32 s10, $0x1;
	s10 =	sld [smem:$0x3FAE];
	_ =	sdelay $0x3  }
0x37: {  	[smem:$0x3FAE] =	sst s10  }
0x38: {  	s10 =	sld [smem:$0x3FAF]  }
0x39: {  	_ = 	snop;
	(pc) =	sbr.ind lr, $3  }
0x3a: {  	_ = 	snop  }
0x3b: {  	_ = 	snop  }
0x3c: {  	p2 =	seq.s32 s10, $0x1;
	s10 =	sld [smem:$0x3FAE]  }
0x3d: {  	_ =	shalt  }
0x3e: {  	_ =	shalt  }
0x3f: {  	_ =	shalt  }
0x40: {  	_ =	shalt  }
0x41: {  	_ =	shalt  }
0x42: {  	_ =	shalt  }
0x43: {  	_ =	shalt  }
0x44: {  	_ =	shalt  }
0x45: {  	_ =	shalt  }
0x46: {  	_ =	shalt  }
0x47: {  	_ =	shalt  }
0x48: {  	_ =	shalt  }
0x49: {  	_ =	shalt  }
0x4a: {  	_ =	shalt  }
0x4b: {  	_ =	shalt  }
0x4c: {  	_ =	shalt  }
0x4d: {  	_ =	shalt  }
0x4e: {  	_ =	shalt  }
0x4f: {  	_ =	shalt  }
0x50: {  	_ =	shalt  }
0x51: {  	_ =	shalt  }
0x52: {  	_ =	shalt  }
0x53: {  	_ =	shalt  }
0x54: {  	_ =	shalt  }
0x55: {  	_ =	shalt  }
0x56: {  	_ =	shalt  }
0x57: {  	_ =	shalt  }
0x58: {  	_ =	shalt  }
0x59: {  	_ =	shalt  }
0x5a: {  	_ =	shalt  }
0x5b: {  	_ =	shalt  }
0x5c: {  	_ =	shalt  }
0x5d: {  	_ =	shalt  }
0x5e: {  	_ =	shalt  }
0x5f: {  	_ =	shalt  }
0x60: {  	_ =	shalt  }
0x61: {  	_ =	shalt  }
0x62: {  	_ =	shalt  }
0x63: {  	_ =	shalt  }
0x64: {  	_ =	shalt  }
0x65: {  	_ =	shalt  }
0x66: {  	_ =	shalt  }
0x67: {  	_ =	shalt  }
0x68: {  	_ =	shalt  }
0x69: {  	_ =	shalt  }
0x6a: {  	_ =	shalt  }
0x6b: {  	_ =	shalt  }
0x6c: {  	_ =	shalt  }
0x6d: {  	_ =	shalt  }
0x6e: {  	_ =	shalt  }
0x6f: {  	_ =	shalt  }
0x70: {  	_ =	shalt  }
0x71: {  	_ =	shalt  }
0x72: {  	_ =	shalt  }
0x73: {  	_ =	shalt  }
0x74: {  	_ =	shalt  }
0x75: {  	_ =	shalt  }
0x76: {  	_ =	shalt  }
0x77: {  	_ =	shalt  }
0x78: {  	_ =	shalt  }
0x79: {  	_ =	shalt  }
0x7a: {  	_ =	shalt  }
0x7b: {  	_ =	shalt  }
0x7c: {  	_ =	shalt  }
0x7d: {  	_ =	shalt  }
0x7e: {  	_ =	shalt  }
0x7f: {  	_ =	shalt  }
0x80: {  	_ =	shalt  }
0x81: {  	_ =	shalt  }
0x82: {  	_ =	shalt  }
0x83: {  	_ =	shalt  }
0x84: {  	_ =	shalt  }
0x85: {  	_ =	shalt  }
0x86: {  	_ =	shalt  }
0x87: {  	_ =	shalt  }
.Lfunc_end0:
.L_simem_size_0:
called_computation_lowered:
.L_overlay_start_0:
0x88: {  	s2 =	sld [smem:$0x3FD9]  }
0x89: {  	s3 =	sld [smem:$0x3FFE];
	_ =	sdelay $0x1  }
0x8a: {  	s1 =	srdreg.scid  }
0x8b: {  	s0 =	sand.u32 $0x1, s1  }
0x8c: {  	s17 =	sshll.u32 s0, $0xA;
	s2 =	sadd.s32 s3, s2  }
0x8d: {  	s2 =	sadd.s32 s2, s17  }
0x8e: {  	[smem:$0x3FBA] =	sst s2  }
0x8f: {  	_ = 	snop  }
0x90: {  	s2 =	sld [smem:$0x3FD0];
	(tm) =	ssettm $0x1  }
0x91: {  	s18 =	sld [smem:$0x3FFB];
	_ =	sdelay $0x3  }
0x92: {  	_ =	strace s18  }
0x93: {  	s3 =	sld [smem:$0x3FFC];
	_ =	sdelay $0x3  }
0x94: {  	_ =	strace s3  }
0x95: {  	s3 =	sld [smem:$0x3FFD];
	_ =	sdelay $0x3  }
0x96: {  	_ =	strace s3  }
0x97: {  	_ =	strace $0x8FFFFFFF  }
0x98: {  	s19 =	sld [smem:$0x3FDB];
	_ =	sdelay $0x1  }
0x99: {  	s4 =	simm.s32 $_scs_section_size  }
0x9a: {  	s5 =	simm.s32 $_size__tile_overlayer_lowered;
	s6 =	simm.s32 $_tile_overlayer_lowered  }
0x9b: {  	s22 =	simm.s32 $0x1BFF;
	s21 =	sshll.u32 s6, $0x1;
	s3 =	sadd.s32 s4, s19  }
0x9c: {  	s7 =	simm.s32 $0x0;
	s20 =	sshll.u32 s5, $0x1;
	s5 =	sadd.s32 s21, s3  }
0x9d: {  	[timem:s7], [sflag:s22] =	dma.local [hbm:s5], s20  }
0x9e: {  	_ =	swait.ge [sflag:s22], s20  }
0x9f: {  	s4 =	ssub.s32 $0x0, s20;
	[sflag:s22] =	ssyncset.done $0x0  }
0xa0: {  	[sflag:s22] =	ssyncadd.s32 s4;
	_ =	sdelay $0x1  }
0xa1: {  	s23 =	simm.s32 $0x1B8B  }
0xa2: {  	_ =	swait.ge [sflag:s23], $0x1  }
0xa3: {  	[sflag:s23] =	ssyncset.done $0x0  }
0xa4: {  	s25 =	simm.s32 $0x1B8E;
	s24 =	sld [smem:$0x3FFE];
	[sflag:s23] =	ssyncadd.s32 $0xFFFFFFFF  }
0xa5: {  	s26 =	simm.s32 $execute0_lowered;
	[smem:$0x3FD2] =	sst s25  }
0xa6: {  	s5 =	sshll.u32 s26, $0x1;
	_ =	strace $0x80000046;
	[dreg:$0x1] =	wrdreg $0xFFFFFFFF  }
0xa7: {  	s28 =	simm.s32 $_size_execute0_lowered;
	s3 =	sadd.s32 s3, s5;
	[dreg:$0x0] =	wrdreg $0x0  }
0xa8: {  	s5 =	sshll.u32 s28, $0x1;
	[dreg:$0x2] =	wrdreg s3  }
0xa9: {  	[dreg:$0x3] =	wrdreg s5  }
0xaa: {  	[dreg:$0x4] =	wrdreg $0xC0  }
0xab: {  	_ =	task [dreg:s7], $0x5FFFF  }
0xac: {  	[dreg:$0x1] =	wrdreg $0xFFFFFFFF  }
0xad: {  	[dreg:$0x0] =	wrdreg $0x60  }
0xae: {  	[dreg:$0x2] =	wrdreg s2  }
0xaf: {  	[dreg:$0x3] =	wrdreg s24  }
0xb0: {  	[dreg:$0x4] =	wrdreg $0x9  }
0xb1: {  	_ =	task.clear_ibuf [dreg:s7], $0x5FFFF;
	_ =	strace $0x90000046  }
0xb2: {  	s29 =	simm.s32 $0x9;
	_ =	strace $0x80000048  }
0xb3: {  	_ =	swait.ge [sflag:s29], $0x1  }
0xb4: {  	[sflag:s29] =	ssyncadd.s32 $0xFFFFFFFF  }
0xb5: {  	_ =	strace $0x90000048  }
0xb6: {  	_ =	sfence  }
0xb7: {  	s30 =	sld [smem:$0x0];
	_ =	sdelay $0x2  }
0xb8: {  	s31 =	sshll.u32 s1, $0xD;
	s1 =	sshrl.u32 s1, $0x2  }
0xb9: {  	s3 =	sand.u32 $0x4000, s31;
	s1 =	sadd.s32 s1, s30  }
0xba: {  	s0 =	sor.u32 s3, s0;
	s1 =	sshll.u32 s1, $0x11  }
0xbb: {  	s0 =	sor.u32 s1, s0  }
0xbc: {  	s0 =	sadd.s32 $0x8F2B, s0  }
0xbd: {  	[sflag:s0] =	ssyncadd.remote.s32 $0x1  }
0xbe: {  	_ =	sfence.sel $0xFFFF  }
0xbf: {  	[dreg:$0x0] =	wrdreg $0xFFFFFFFF;
	(pc) =	sbr.abs _section_cstart, $3  }
0xc0: {  	[dreg:$0x1] =	wrdreg $0xFFFFFFFF  }
0xc1: {  	_ =	task.clear_ibuf [dreg:s7], $0x2FFFF;
	_ =	strace $0x9FFFFFFF  }
0xc2: {  	(tm) =	ssettm $0x7FFFFFFF  }
0xc3: {  	_ =	shalt  }
tec
execute0_lowered:
.L_overlay_start_1:
0x0: {  	(tag) =	ssettag $0x1  }
0x1: {  	s2 =	rddreg [dreg:$0x0];
	s1 =	srdreg.scid  }
0x2: {  	s0 =	stileid.u32;
	s4 =	rddreg [dreg:$0x1];
	s3 =	simm.s32 $0x0  }
0x3: {  	s10 =	simm.s32 $0x4F80;
	s11 =	simm.s32 $0x1;
	s12 =	simm.s32 $0x7700  }
0x4: {  	s13 =	simm.s32 $0x9E80;
	s5 =	sand.u32 $0x1, s1;
	s6 =	sshll.u32 s0, $0x1  }
0x5: {  	s14 =	simm.s32 $0x0;
	s1 =	rddreg [dreg:$0x2];
	s6 =	sor.u32 s5, s6  }
0x6: {  	[smem:$0x7FF] =	sst s3;
	s5 =	ssub.s32 $0x2, s5;
	s7 =	smul.u32 $0x4E2, s6  }
0x7: {  	_ =	strace $0x80000047;
	s6 =	sshll.u32 s6, $0x4;
	s31 =	sshrl.u32 s5, $0x1  }
0x8: {  	s8 =	sadd.s32 s6, s4;
	s9 =	ssub.s32 s5, s31;
	s7 =	sadd.s32 s7, s4  }
0x9: {  	s4 =	sadd.s32 $0xC400, s7;
	s5 =	sadd.s32 $0x2600, s7;
	s6 =	sadd.s32 $0x3E400, s7  }
0xa: {  	vm0 =	vcmask $0x704;
	vm1 =	vcmask $0x3F04;
	s7 =	sadd.s32 $0x3E200, s8;
	s8 =	smax.u32 s9, $0x1;
	s9 =	simm.s32 $0x2800  }
.LBB2_1:
0xb: {  	[tilespmem:s3], [sflag:$0x1] =	stream.linear.gather [hbm4b:s2+s3], $0x2800, $0x38;
	[tilespmem:$0x9F00] =	vst v63  }
0xc: {  	_ = 	snop  }
0xd: {  	[tilespmem:s9], [sflag:$0x1] =	stream.linear.gather [hbm4b:s4+s3], $0x2710, $0x38;
	[tilespmem:$0x9F00] =	vst v63  }
0xe: {  	_ = 	snop  }
0xf: {  	[tilespmem:s10], [sflag:$0x1] =	stream.linear.gather [hbm4b:s5+s3], $0x2710, $0x38;
	[tilespmem:$0x9F00] =	vst v63  }
0x10: {  	_ =	swait.ge [sflag:s11], $0x2800  }
0x11: {  	[sflag:s11] =	ssyncset.done $0x0  }
0x12: {  	[sflag:s11] =	ssyncadd.s32 $0xFFFFD800  }
0x13: {  	_ =	swait.ge [sflag:s11], $0x2710  }
0x14: {  	[sflag:s11] =	ssyncset.done $0x0  }
0x15: {  	[sflag:s11] =	ssyncadd.s32 $0xFFFFD8F0  }
0x16: {  	_ =	swait.ge [sflag:s11], $0x2710  }
0x17: {  	[sflag:s11] =	ssyncset.done $0x0  }
0x18: {  	s15 =	simm.s32 $0x0;
	[sflag:s11] =	ssyncadd.s32 $0xFFFFD8F0  }
0x19: {  	v0 =	vld [tilespmem:s15+$0x4F80]  }
0x1a: {  	v1 =	vld [tilespmem:s15+$0x2800];
	_ =	sdelay $0x6  }
0x1b: {  	v2 =	vld.idx.msk [tilespmem:v0+s3+$0x0], $0xffff  }
0x1c: {  	s16 =	simm.s32 $0x40;
	s17 =	simm.s32 $0x80;
	v0 =	vimm.f32 $0.0e+00;
	v3 =	vld.idx.msk [tilespmem:v1+s3+$0x0], $0xffff;
	v1 =	vimm.f32 $0.0e+00  }
.LBB2_2:
0x1d: {  	p0 =	sne.s32 s17, $0x9C00;
	s18 =	sshra.s32 s16, $0x2;
	s16 =	smov.u32 s17  }
0x1e: {  	v4 =	vld [tilespmem:s18+$0x4F80]  }
0x1f: {  	v5 =	vld [tilespmem:s18+$0x2800];
	_ =	sdelay $0x1  }
0x20: {  	v2 =	vadd.f32 v2, v3;
	_ =	sdelay $0x1  }
0x21: {  	v2 =	vmul.f32 $5.000000000e-01, v2  }
.Ltmp0:
0x22: {  	(pc) =	sbr.rel @p0 .LBB2_2-.Ltmp0, $4  }
0x23: {  	v0 =	vadd.f32 v2, v0;
	v6 =	vmul.f32 v2, v2;
	[tilespmem:s15+$0x7700] =	vst v2;
	s15 =	smov.u32 s18  }
0x24: {  	v2 =	vld.idx.msk [tilespmem:v4+s3+$0x0], $0xffff  }
0x25: {  	v1 =	vadd.f32 v6, v1;
	v3 =	vld.idx.msk [tilespmem:v5+s3+$0x0], $0xffff  }
0x26: {  	s17 =	sadd.s32 $0x40, s17  }
0x27: {  	s16 =	sshra.s32 s16, $0x2  }
0x28: {  	v4 =	vld [tilespmem:s16+$0x4F80]  }
0x29: {  	v5 =	vld [tilespmem:s16+$0x2800];
	_ =	sdelay $0x1  }
0x2a: {  	v2 =	vadd.f32 v2, v3;
	_ =	sdelay $0x1  }
0x2b: {  	v2 =	vmul.f32 $5.000000000e-01, v2;
	_ =	sdelay $0x1  }
0x2c: {  	[tilespmem:s15+$0x7700] =	vst v2  }
0x2d: {  	v60 =	vld.idx.msk [tilespmem:v4+s3+$0x0], $0xffff  }
0x2e: {  	v61 =	vld.idx.msk [tilespmem:v5+s3+$0x0], $0xffff;
	_ =	sdelay $0x4  }
0x2f: {  	v3 =	vadd.f32 v60, v61;
	_ =	sdelay $0x1  }
0x30: {  	v62 =	vmul.f32 v2, v2;
	v3 =	vmul.f32 $5.000000000e-01, v3  }
0x31: {  	v0 =	vadd.f32 v2, v0  }
0x32: {  	v1 =	vadd.f32 v62, v1;
	v63 =	vmul.f32 v3, v3  }
0x33: {  	v0 =	vadd.f32 v3, v0  }
0x34: {  	v1 =	vadd.f32 v63, v1  }
0x35: {  	(xrf2) =	vadd.scan.msk.f32 $0xffff, v0  }
0x36: {  	(xrf2) =	vadd.scan.msk.f32 $0xffff, v1;
	_ =	sdelay $0x8  }
0x37: {  	v0, _, _ =	vpop (xrf2)  }
0x38: {  	v1, _, _ =	vpop (xrf2)  }
0x39: {  	v1 =	vbroadcast v1, $0xF  }
0x3a: {  	v0 =	vbroadcast v0, $0xF  }
0x3b: {  	v1 =	vnsel vm0, $0x0, v1  }
0x3c: {  	[tilespmem:s16+$0x7700] =	vst v3;
	v0 =	vsel vm1, v1, v0  }
0x3d: {  	[tilespmem:$0x9E80] =	vst v0  }
0x3e: {  	[hbm4b:s6+s3] =	stream.linear.scatter [tilespmem:s12], [sflag:$0x1], $0x2710, $0x38;
	[tilespmem:$0x9F00] =	vst v63  }
0x3f: {  	s14 =	sadd.s32 $0x1, s14  }
0x40: {  	[hbm4b:s7+s3] =	stream.linear.scatter [tilespmem:s13], [sflag:$0x1], $0x80, $0x38;
	[tilespmem:$0x9F00] =	vst v63  }
0x41: {  	p0 =	sne.s32 s14, s8;
	_ =	swait.ge [sflag:s11], $0x2710  }
.Ltmp1:
0x42: {  	[sflag:s11] =	ssyncset.done $0x0;
	(pc) =	sbr.rel @p0 .LBB2_1-.Ltmp1, $4  }
0x43: {  	[sflag:s11] =	ssyncadd.s32 $0xFFFFD8F0  }
0x44: {  	_ =	swait.ge [sflag:s11], $0x80  }
0x45: {  	[sflag:s11] =	ssyncset.done $0x0  }
0x46: {  	[sflag:s11] =	ssyncadd.s32 $0xFFFFFF80  }
0x47: {  	_ =	sfence.sel $0x180000  }
0x48: {  	[bflag:$0x0] =	sbarrier.arrive $0xFFFF  }
0x49: {  	p0 =	sne.s32 s0, $0x0;
	_ =	strace $0x90000047  }
0x4a: {  	s0 =	sadd.s32 @!p0 $0x100000, s1;
	[bflag:$0x2] =	sbarrier.arrive $0xFFFF  }
0x4b: {  	[sflag:s0] =	ssyncadd.tile.s32 @!p0 $0x1;
	_ =	shalt  }
.Lfunc_end2:
_tile_overlayer_lowered:
.L_overlay_start_2:
0x4c: {  	(tag) =	ssettag $0x2  }
0x4d: {  	s0 =	rddreg [dreg:$0x0];
	s2 =	stileid.u32  }
0x4e: {  	s1 =	rddreg [dreg:$0x1];
	p0 =	sne.s32 s2, $0x0  }
0x4f: {  	s3 =	rddreg [dreg:$0x2];
	[bflag:$0x3] =	sbarrier.arrive $0xFFFF;
	s2 =	simm.s32 @!p0 $0x1C02  }
0x50: {  	[timem:s3], [sflag:s2] =	dma.local @!p0 [hbm:s0], s1  }
0x51: {  	s0 =	simm.s32 @!p0 $0x2  }
0x52: {  	_ =	swait.ge @!p0 [sflag:s0], s1  }
0x53: {  	s1 =	ssub.s32 @!p0 $0x0, s1;
	[sflag:s0] =	ssyncset.done @!p0 $0x0  }
0x54: {  	[sflag:s0] =	ssyncadd.s32 @!p0 s1  }
0x55: {  	[bflag:$0x3] =	sbarrier.arrive $0xFFFF  }
0x56: {  	_ =	shalt  }

// kernel: kernel.13.cloned.1.call-start
scs
__scs_entry_jumppad:
0x0: {  	(pc) =	sbr.rel $0x88, $3  }
0x1: {  	(tag) =	ssettag $0x0;
	lr =	simm.s32 $0x1  }
0x2: {  	[smem:$0x3F93] =	sst lr;
	_ =	strace $0xD0000000  }
0x3: {  	_ = 	snop  }
0x4: {  	_ = 	snop  }
0x5: {  	_ = 	snop  }
0x6: {  	_ = 	snop  }
0x7: {  	_ = 	snop  }
__scs_overlays_trampoline_lowered:
0x8: {  	[smem:$0x3FA2] =	sst s0  }
0x9: {  	[smem:$0x3FA3] =	sst s1  }
0xa: {  	[smem:$0x3FA4] =	sst s2  }
0xb: {  	[smem:$0x3FA5] =	sst s3  }
0xc: {  	[smem:$0x3FA6] =	sst s4  }
0xd: {  	[smem:$0x3FA7] =	sst s5  }
0xe: {  	[smem:$0x3FA8] =	sst s6  }
0xf: {  	[smem:$0x3FA9] =	sst s7  }
0x10: {  	[smem:$0x3FAA] =	sst s8  }
0x11: {  	[smem:$0x3FAB] =	sst s9;
	s0 =	simm.s32 @!p0 $0x0  }
0x12: {  	s1 =	sld [smem:$0x3F91];
	s0 =	simm.s32 @p0 $0x1  }
0x13: {  	[smem:$0x3FAC] =	sst s0;
	s0 =	simm.s32 @!p1 $0x0  }
0x14: {  	s2 =	sld [smem:$0x3F90];
	s0 =	simm.s32 @p1 $0x1  }
0x15: {  	[smem:$0x3FAD] =	sst s0;
	s0 =	simm.s32 @!p2 $0x0  }
0x16: {  	s3 =	sld [smem:$0x3FDB];
	s0 =	simm.s32 @p2 $0x1  }
0x17: {  	s4 =	simm.s32 $0x1BF5;
	[smem:$0x3FAF] =	sst s0  }
0x18: {  	s0 =	sld [smem:$0x3F92];
	_ =	swait.ge [sflag:s4], $0x0  }
0x19: {  	s7 =	sld [smem:$0x3F93]  }
0x1a: {  	s8 =	sadd.s32 $0xFFFFE003, lr  }
0x1b: {  	s9 =	sadd.s32 $0xFFFFFEF7, lr;
	s5 =	simm.s32 $0xFFFFFFFF;
	p2 =	slt.u32 s8, $0xFFFFF086  }
0x1c: {  	p1 =	slt.u32 s9, $0xF7A;
	s5 =	simm.s32 @!p2 $0x0  }
0x1d: {  	s5 =	simm.s32 @p1 $0x1;
	p0 =	seq.s32 s7, s2  }
0x1e: {  	s7 =	smul.u32 @!p0 $0xF7A, s2;
	p2 =	seq.s32 @!p0 s5, $0x0  }
0x1f: {  	s9 =	smul.u32 $0xF7A, s1;
	s8 =	simm.s32 @!p0 $0x1BF5;
	p2 =	por !p2, p0  }
0x20: {  	[sflag:s8] =	ssyncset.s32 @!p0 $0xFFFFF086;
	s6 =	sadd.s32 @!p0 s3, s7;
	s7 =	simm.s32 @!p0 $0x108  }
0x21: {  	s3 =	sadd.s32 s3, s9;
	s6 =	sadd.s32 @!p0 $0x88, s6;
	s7 =	simm.s32 @p2 $0x1082  }
0x22: {  	[simem:s7], [sflag:s8] =	dma.local @!p0 [hbm:s6], $0xF7A  }
0x23: {  	s9 =	sor.u32 $0xD0000000, s2;
	s6 =	simm.s32 $0x108;
	_ =	swait.ge @!p0 [sflag:s8], $0x0  }
0x24: {  	s3 =	sadd.s32 $0x88, s3;
	s6 =	simm.s32 @!p1 $0x1082;
	[sflag:s4] =	ssyncset.s32 $0xFFFFF086  }
0x25: {  	[simem:s6], [sflag:s4] =	dma.local [hbm:s3], $0xF7A  }
0x26: {  	[smem:$0x3F93] =	sst s1;
	(tag) =	ssettag s2;
	_ =	strace s9  }
0x27: {  	s1 =	sld [smem:$0x3FA3]  }
0x28: {  	s2 =	sld [smem:$0x3FA4]  }
0x29: {  	s4 =	sld [smem:$0x3FA6]  }
0x2a: {  	p0 =	seq.s32 s5, $0x0;
	s5 =	sld [smem:$0x3FA7]  }
0x2b: {  	s6 =	sld [smem:$0x3FA8]  }
0x2c: {  	s7 =	sld [smem:$0x3FA9]  }
0x2d: {  	s3 =	simm.s32 $0x108;
	s8 =	sld [smem:$0x3FAA]  }
0x2e: {  	s3 =	simm.s32 @!p0 $0x1082;
	s9 =	sld [smem:$0x3FAB]  }
0x2f: {  	lr =	sadd.s32 s0, s3;
	s0 =	sld [smem:$0x3FA2]  }
0x30: {  	s3 =	sld [smem:$0x3FA5]  }
0x31: {  	[smem:$0x3FAE] =	sst s10  }
0x32: {  	s10 =	sld [smem:$0x3FAC];
	_ =	sdelay $0x3  }
0x33: {  	p0 =	seq.s32 s10, $0x1;
	s10 =	sld [smem:$0x3FAE];
	_ =	sdelay $0x3  }
0x34: {  	[smem:$0x3FAE] =	sst s10  }
0x35: {  	s10 =	sld [smem:$0x3FAD];
	_ =	sdelay $0x3  }
0x36: {  	p1 =	seq.s32 s10, $0x1;
	s10 =	sld [smem:$0x3FAE];
	_ =	sdelay $0x3  }
0x37: {  	[smem:$0x3FAE] =	sst s10  }
0x38: {  	s10 =	sld [smem:$0x3FAF]  }
0x39: {  	_ = 	snop;
	(pc) =	sbr.ind lr, $3  }
0x3a: {  	_ = 	snop  }
0x3b: {  	_ = 	snop  }
0x3c: {  	p2 =	seq.s32 s10, $0x1;
	s10 =	sld [smem:$0x3FAE]  }
0x3d: {  	_ =	shalt  }
0x3e: {  	_ =	shalt  }
0x3f: {  	_ =	shalt  }
0x40: {  	_ =	shalt  }
0x41: {  	_ =	shalt  }
0x42: {  	_ =	shalt  }
0x43: {  	_ =	shalt  }
0x44: {  	_ =	shalt  }
0x45: {  	_ =	shalt  }
0x46: {  	_ =	shalt  }
0x47: {  	_ =	shalt  }
0x48: {  	_ =	shalt  }
0x49: {  	_ =	shalt  }
0x4a: {  	_ =	shalt  }
0x4b: {  	_ =	shalt  }
0x4c: {  	_ =	shalt  }
0x4d: {  	_ =	shalt  }
0x4e: {  	_ =	shalt  }
0x4f: {  	_ =	shalt  }
0x50: {  	_ =	shalt  }
0x51: {  	_ =	shalt  }
0x52: {  	_ =	shalt  }
0x53: {  	_ =	shalt  }
0x54: {  	_ =	shalt  }
0x55: {  	_ =	shalt  }
0x56: {  	_ =	shalt  }
0x57: {  	_ =	shalt  }
0x58: {  	_ =	shalt  }
0x59: {  	_ =	shalt  }
0x5a: {  	_ =	shalt  }
0x5b: {  	_ =	shalt  }
0x5c: {  	_ =	shalt  }
0x5d: {  	_ =	shalt  }
0x5e: {  	_ =	shalt  }
0x5f: {  	_ =	shalt  }
0x60: {  	_ =	shalt  }
0x61: {  	_ =	shalt  }
0x62: {  	_ =	shalt  }
0x63: {  	_ =	shalt  }
0x64: {  	_ =	shalt  }
0x65: {  	_ =	shalt  }
0x66: {  	_ =	shalt  }
0x67: {  	_ =	shalt  }
0x68: {  	_ =	shalt  }
0x69: {  	_ =	shalt  }
0x6a: {  	_ =	shalt  }
0x6b: {  	_ =	shalt  }
0x6c: {  	_ =	shalt  }
0x6d: {  	_ =	shalt  }
0x6e: {  	_ =	shalt  }
0x6f: {  	_ =	shalt  }
0x70: {  	_ =	shalt  }
0x71: {  	_ =	shalt  }
0x72: {  	_ =	shalt  }
0x73: {  	_ =	shalt  }
0x74: {  	_ =	shalt  }
0x75: {  	_ =	shalt  }
0x76: {  	_ =	shalt  }
0x77: {  	_ =	shalt  }
0x78: {  	_ =	shalt  }
0x79: {  	_ =	shalt  }
0x7a: {  	_ =	shalt  }
0x7b: {  	_ =	shalt  }
0x7c: {  	_ =	shalt  }
0x7d: {  	_ =	shalt  }
0x7e: {  	_ =	shalt  }
0x7f: {  	_ =	shalt  }
0x80: {  	_ =	shalt  }
0x81: {  	_ =	shalt  }
0x82: {  	_ =	shalt  }
0x83: {  	_ =	shalt  }
0x84: {  	_ =	shalt  }
0x85: {  	_ =	shalt  }
0x86: {  	_ =	shalt  }
0x87: {  	_ =	shalt  }
.Lfunc_end0:
.L_simem_size_0:
called_computation.1_lowered:
.L_overlay_start_0:
0x88: {  	s2 =	sld [smem:$0x3FD9]  }
0x89: {  	s3 =	sld [smem:$0x3FFE];
	_ =	sdelay $0x1  }
0x8a: {  	s1 =	srdreg.scid  }
0x8b: {  	s0 =	sand.u32 $0x1, s1  }
0x8c: {  	s17 =	sshll.u32 s0, $0xA;
	s2 =	sadd.s32 s3, s2  }
0x8d: {  	s2 =	sadd.s32 s2, s17  }
0x8e: {  	[smem:$0x3FBA] =	sst s2  }
0x8f: {  	_ = 	snop  }
0x90: {  	s2 =	sld [smem:$0x3FD0];
	(tm) =	ssettm $0x1  }
0x91: {  	s18 =	sld [smem:$0x3FFB];
	_ =	sdelay $0x3  }
0x92: {  	_ =	strace s18  }
0x93: {  	s3 =	sld [smem:$0x3FFC];
	_ =	sdelay $0x3  }
0x94: {  	_ =	strace s3  }
0x95: {  	s3 =	sld [smem:$0x3FFD];
	_ =	sdelay $0x3  }
0x96: {  	_ =	strace s3  }
0x97: {  	_ =	strace $0x8FFFFFFF  }
0x98: {  	s19 =	sld [smem:$0x3FDB];
	_ =	sdelay $0x1  }
0x99: {  	s4 =	simm.s32 $_scs_section_size  }
0x9a: {  	s5 =	simm.s32 $_size__tile_overlayer_lowered;
	s6 =	simm.s32 $_tile_overlayer_lowered  }
0x9b: {  	s22 =	simm.s32 $0x1BFF;
	s21 =	sshll.u32 s6, $0x1;
	s3 =	sadd.s32 s4, s19  }
0x9c: {  	s7 =	simm.s32 $0x0;
	s20 =	sshll.u32 s5, $0x1;
	s5 =	sadd.s32 s21, s3  }
0x9d: {  	[timem:s7], [sflag:s22] =	dma.local [hbm:s5], s20  }
0x9e: {  	_ =	swait.ge [sflag:s22], s20  }
0x9f: {  	s4 =	ssub.s32 $0x0, s20;
	[sflag:s22] =	ssyncset.done $0x0  }
0xa0: {  	[sflag:s22] =	ssyncadd.s32 s4;
	_ =	sdelay $0x1  }
0xa1: {  	s23 =	simm.s32 $0x1B8B  }
0xa2: {  	_ =	swait.ge [sflag:s23], $0x1  }
0xa3: {  	[sflag:s23] =	ssyncset.done $0x0  }
0xa4: {  	s25 =	simm.s32 $0x1B8E;
	s24 =	sld [smem:$0x3FFE];
	[sflag:s23] =	ssyncadd.s32 $0xFFFFFFFF  }
0xa5: {  	s26 =	simm.s32 $execute0_lowered;
	[smem:$0x3FD2] =	sst s25  }
0xa6: {  	s5 =	sshll.u32 s26, $0x1;
	_ =	strace $0x80000049;
	[dreg:$0x1] =	wrdreg $0xFFFFFFFF  }
0xa7: {  	s28 =	simm.s32 $_size_execute0_lowered;
	s3 =	sadd.s32 s3, s5;
	[dreg:$0x0] =	wrdreg $0x0  }
0xa8: {  	s5 =	sshll.u32 s28, $0x1;
	[dreg:$0x2] =	wrdreg s3  }
0xa9: {  	[dreg:$0x3] =	wrdreg s5  }
0xaa: {  	[dreg:$0x4] =	wrdreg $0xC0  }
0xab: {  	_ =	task [dreg:s7], $0x5FFFF  }
0xac: {  	[dreg:$0x1] =	wrdreg $0xFFFFFFFF  }
0xad: {  	[dreg:$0x0] =	wrdreg $0x60  }
0xae: {  	[dreg:$0x2] =	wrdreg s24  }
0xaf: {  	[dreg:$0x3] =	wrdreg s2  }
0xb0: {  	[dreg:$0x4] =	wrdreg $0x9  }
0xb1: {  	_ =	task.clear_ibuf [dreg:s7], $0x5FFFF;
	_ =	strace $0x90000049  }
0xb2: {  	s29 =	simm.s32 $0x9;
	_ =	strace $0x8000004B  }
0xb3: {  	_ =	swait.ge [sflag:s29], $0x1  }
0xb4: {  	[sflag:s29] =	ssyncadd.s32 $0xFFFFFFFF  }
0xb5: {  	_ =	strace $0x9000004B  }
0xb6: {  	_ =	sfence  }
0xb7: {  	s30 =	sld [smem:$0x0];
	_ =	sdelay $0x2  }
0xb8: {  	s31 =	sshll.u32 s1, $0xD;
	s1 =	sshrl.u32 s1, $0x2  }
0xb9: {  	s3 =	sand.u32 $0x4000, s31;
	s1 =	sadd.s32 s1, s30  }
0xba: {  	s0 =	sor.u32 s3, s0;
	s1 =	sshll.u32 s1, $0x11  }
0xbb: {  	s0 =	sor.u32 s1, s0  }
0xbc: {  	s0 =	sadd.s32 $0x8F2B, s0  }
0xbd: {  	[sflag:s0] =	ssyncadd.remote.s32 $0x1  }
0xbe: {  	_ =	sfence.sel $0xFFFF  }
0xbf: {  	[dreg:$0x0] =	wrdreg $0xFFFFFFFF;
	(pc) =	sbr.abs _section_cstart, $3  }
0xc0: {  	[dreg:$0x1] =	wrdreg $0xFFFFFFFF  }
0xc1: {  	_ =	task.clear_ibuf [dreg:s7], $0x2FFFF;
	_ =	strace $0x9FFFFFFF  }
0xc2: {  	(tm) =	ssettm $0x7FFFFFFF  }
0xc3: {  	_ =	shalt  }
tec
execute0_lowered:
.L_overlay_start_1:
0x0: {  	(tag) =	ssettag $0x1  }
0x1: {  	s4 =	rddreg [dreg:$0x0];
	s1 =	srdreg.scid  }
0x2: {  	s0 =	stileid.u32;
	s9 =	rddreg [dreg:$0x1]  }
0x3: {  	s13 =	simm.s32 $0x4F00;
	s14 =	simm.s32 $0xEE80;
	s15 =	simm.s32 $0x1  }
0x4: {  	s16 =	simm.s32 $0xC680;
	s17 =	simm.s32 $0x80;
	s18 =	simm.s32 $0x400  }
0x5: {  	s19 =	simm.s32 $0x7680;
	s20 =	simm.s32 $0x9E80;
	s21 =	simm.s32 $0xEF00  }
0x6: {  	s22 =	simm.s32 $0x0;
	s3 =	sand.u32 $0x1, s1;
	s2 =	sshll.u32 s0, $0x1  }
0x7: {  	s1 =	rddreg [dreg:$0x2];
	s7 =	sshrl.u32 s0, $0x2;
	s5 =	sor.u32 s3, s2  }
0x8: {  	s2 =	simm.s32 $0x0;
	s8 =	smul.u32 $0x14000, s7;
	s30 =	ssub.s32 $0x2, s3  }
0x9: {  	s3 =	sadd.s32 $0x3E200, s4;
	s7 =	sshll.u32 s7, $0xA;
	s6 =	smul.u32 $0x4E2, s5  }
0xa: {  	[smem:$0x7FF] =	sst s2;
	s5 =	sshll.u32 s5, $0x7;
	s11 =	sshrl.u32 s30, $0x1  }
0xb: {  	_ =	strace $0x8000004A;
	s10 =	sand.u32 $0x380, s5;
	s11 =	ssub.s32 s30, s11  }
0xc: {  	s6 =	sadd.s32 s6, s4;
	s5 =	sor.u32 s8, s10;
	s31 =	sor.u32 s7, s10  }
0xd: {  	s11 =	smax.u32 s11, $0x1;
	s5 =	sshrl.u32 s5, $0x3;
	s10 =	sshrl.u32 s31, $0x3  }
0xe: {  	s12 =	sadd.s32 s5, s4;
	s4 =	sadd.s32 $0x3E400, s6;
	s5 =	sadd.s32 $0xC400, s6  }
0xf: {  	v0 =	vimm.f32 $0.0e+00;
	v1 =	vimm.f32 $1.000000000e+00;
	s6 =	sadd.s32 $0x2600, s6;
	s9 =	sadd.s32 s9, s10;
	s7 =	sadd.s32 $0x48200, s12  }
0x10: {  	v2 =	vimm.s32 $0x0;
	v3 =	vimm.s32 $0x2710;
	vm0 =	vcmask $0x300;
	s8 =	sadd.s32 $0x52200, s12;
	s10 =	sadd.s32 $0x5C200, s12;
	s12 =	simm.s32 $0x2780  }
.LBB2_1:
0x11: {  	[tilespmem:s2], [sflag:$0x1] =	stream.linear.gather [hbm4b:s4+s2], $0x2710, $0x38;
	[tilespmem:$0xEF80] =	vst v63  }
0x12: {  	_ = 	snop  }
0x13: {  	[tilespmem:s12], [sflag:$0x1] =	stream.linear.gather [hbm4b:s5+s2], $0x2710, $0x38;
	[tilespmem:$0xEF80] =	vst v63  }
0x14: {  	_ = 	snop  }
0x15: {  	[tilespmem:s13], [sflag:$0x1] =	stream.linear.gather [hbm4b:s6+s2], $0x2710, $0x38;
	[tilespmem:$0xEF80] =	vst v63  }
0x16: {  	_ = 	snop  }
0x17: {  	[tilespmem:s14], [sflag:$0x1] =	stream.linear.gather [hbm4b:s3+s2], $0x80, $0x38;
	[tilespmem:$0xEF80] =	vst v63  }
0x18: {  	_ =	swait.ge [sflag:s15], $0x2710  }
0x19: {  	[sflag:s15] =	ssyncset.done $0x0  }
0x1a: {  	[sflag:s15] =	ssyncadd.s32 $0xFFFFD8F0  }
0x1b: {  	_ =	swait.ge [sflag:s15], $0x2710  }
0x1c: {  	[sflag:s15] =	ssyncset.done $0x0  }
0x1d: {  	[sflag:s15] =	ssyncadd.s32 $0xFFFFD8F0  }
0x1e: {  	_ =	swait.ge [sflag:s15], $0x2710  }
0x1f: {  	[sflag:s15] =	ssyncset.done $0x0  }
0x20: {  	[sflag:s15] =	ssyncadd.s32 $0xFFFFD8F0  }
0x21: {  	_ =	swait.ge [sflag:s15], $0x80  }
0x22: {  	[sflag:s15] =	ssyncset.done $0x0  }
0x23: {  	s23 =	simm.s32 $0x40;
	s24 =	simm.s32 $0x0;
	[sflag:s15] =	ssyncadd.s32 $0xFFFFFF80  }
.LBB2_2:
0x24: {  	p0 =	sne.s32 s23, $0x9FC0;
	[tilespmem:s24+$0xC680] =	vst v0;
	s24 =	smov.u32 s23;
	s23 =	sadd.s32 $0x40, s23  }
.Ltmp0:
0x25: {  	(pc) =	sbr.rel @p0 .LBB2_2-.Ltmp0, $2  }
0x26: {  	_ =	sdelay $0x2  }
0x27: {  	s24 =	sshra.s32 s24, $0x2  }
0x28: {  	[tilespmem:s24+$0xC680] =	vst v0  }
0x29: {  	s23 =	simm.s32 $0x0;
	v4 =	vld.msk [tilespmem:$0xEE80 ss:$0x0], $0xffff  }
0x2a: {  	v5 =	vld [tilespmem:s23+$0x0];
	_ =	sdelay $0x4  }
0x2b: {  	vm1 =	vgt.f32 v5, v4  }
0x2c: {  	v6 =	vsel vm1, $0x1, v2  }
0x2d: {  	(xrf0) =	vadd.scan.msk.s32 $0xffff, v6  }
0x2e: {  	v5 =	vld [tilespmem:s23+$0x4F00]  }
0x2f: {  	v7 =	vld [tilespmem:s23+$0x2780];
	_ =	sdelay $0x3  }
0x30: {  	s23 =	simm.s32 $0x0;
	v6, _, _ =	vpop (xrf0)  }
0x31: {  	[tilespmem:s23+$0x7680] =	vst.msk vm1, v7;
	(v2sf) =	vpush v6, $0xF  }
0x32: {  	[tilespmem:s23+$0x9E80] =	vst.msk vm1, v5  }
0x33: {  	s25 =	simm.s32 $0x10;
	s24 =	simm.s32 $0x80;
	[tilespmem:v5+s16+$0x0] =	vst.idx.add.f32.msk vm1, v1  }
.LBB2_4:
0x34: {  	p0 =	sne.s32 s24, $0x9C00;
	v5 =	vld [tilespmem:s25+$0x0]  }
0x35: {  	v6 =	vld [tilespmem:s25+$0x4F00]  }
0x36: {  	v7 =	vld [tilespmem:s25+$0x2780];
	_ =	sdelay $0x2  }
0x37: {  	vm1 =	vgt.f32 v5, v4  }
0x38: {  	v5 =	vsel vm1, $0x1, v2  }
0x39: {  	(xrf0) =	vadd.scan.msk.s32 $0xffff, v5;
	_ =	sdelay $0x4  }
.Ltmp1:
0x3a: {  	s25 =	spop (v2sf);
	(pc) =	sbr.rel @p0 .LBB2_4-.Ltmp1, $4  }
0x3b: {  	v5, _, _ =	vpop (xrf0);
	s23 =	sadd.s32 s23, s25  }
0x3c: {  	[tilespmem:s23+$0x7680] =	vst.msk vm1, v7;
	(v2sf) =	vpush v5, $0xF  }
0x3d: {  	[tilespmem:s23+$0x9E80] =	vst.msk vm1, v6  }
0x3e: {  	s25 =	sshra.s32 s24, $0x2;
	s24 =	sadd.s32 $0x40, s24;
	[tilespmem:v6+s16+$0x0] =	vst.idx.add.f32.msk vm1, v1  }
0x3f: {  	v5 =	vld [tilespmem:s25+$0x0];
	_ =	sdelay $0x4  }
0x40: {  	vm1 =	vgt.f32 v5, v4  }
0x41: {  	v4 =	vsel vm1, $0x1, v2  }
0x42: {  	(xrf0) =	vadd.scan.msk.s32 $0xffff, v4;
	_ =	sdelay $0x5  }
0x43: {  	v4, _, _ =	vpop (xrf0)  }
0x44: {  	(v2sf) =	vpush v4, $0xF;
	_ =	sdelay $0x7  }
0x45: {  	v4 =	vld [tilespmem:s25+$0x4F00]  }
0x46: {  	v5 =	vld [tilespmem:s25+$0x2780];
	_ =	sdelay $0x2  }
0x47: {  	s24 =	spop (v2sf)  }
0x48: {  	s23 =	sadd.s32 s23, s24  }
0x49: {  	[tilespmem:s23+$0x7680] =	vst.msk vm1, v5  }
0x4a: {  	[tilespmem:s23+$0x9E80] =	vst.msk vm1, v4;
	s31 =	spop (v2sf)  }
0x4b: {  	[tilespmem:v4+s16+$0x0] =	vst.idx.add.f32.msk vm1, v1;
	s23 =	sadd.s32 s23, s31  }
0x4c: {  	[tilespmem:s23+$0x7680] =	vst v3  }
0x4d: {  	[tilespmem:s23+$0x9E80] =	vst v3  }
0x4e: {  	[tilespmem:s23+$0x7690] =	vst v3  }
0x4f: {  	[tilespmem:s23+$0x9E90] =	vst v3  }
0x50: {  	[tilespmem:s23+$0x76A0] =	vst v3  }
0x51: {  	[tilespmem:s23+$0x9EA0] =	vst v3  }
0x52: {  	[tilespmem:s23+$0x76B0] =	vst v3  }
0x53: {  	[tilespmem:s23+$0x9EB0] =	vst v3  }
0x54: {  	[tilespmem:s23+$0x76C0] =	vst v3  }
0x55: {  	[tilespmem:s23+$0x9EC0] =	vst v3  }
0x56: {  	[tilespmem:s23+$0x76D0] =	vst v3  }
0x57: {  	[tilespmem:s23+$0x9ED0] =	vst v3  }
0x58: {  	[tilespmem:s23+$0x76E0] =	vst v3  }
0x59: {  	[tilespmem:s23+$0x9EE0] =	vst v3  }
0x5a: {  	[tilespmem:s23+$0x76F0] =	vst v3;
	v4 =	vmov s23  }
0x5b: {  	[tilespmem:s23+$0x9EF0] =	vst v3;
	v4 =	vnsel vm0, $0x0, v4  }
0x5c: {  	[tilespmem:$0xEF00] =	vst v4  }
0x5d: {  	[hbm4b:s7+s17] =	stream.strided.scatter [tilespmem:s19], [sflag:$0x1], $0x2800, s18, s17, $0x38;
	[tilespmem:$0xEF80] =	vst v63  }
0x5e: {  	_ = 	snop  }
0x5f: {  	[hbm4b:s8+s17] =	stream.strided.scatter [tilespmem:s20], [sflag:$0x1], $0x2800, s18, s17, $0x38;
	[tilespmem:$0xEF80] =	vst v63  }
0x60: {  	_ = 	snop  }
0x61: {  	[hbm4b:s9+s2] =	stream.linear.scatter [tilespmem:s21], [sflag:$0x1], $0x80, $0x38;
	[tilespmem:$0xEF80] =	vst v63  }
0x62: {  	_ = 	snop  }
0x63: {  	[hbm4b:s10+s17] =	stream.strided.scatter [tilespmem:s16], [sflag:$0x1], $0x2800, s18, s17, $0x38;
	[tilespmem:$0xEF80] =	vst v63  }
0x64: {  	_ =	swait.ge [sflag:s15], $0x2800  }
0x65: {  	[sflag:s15] =	ssyncset.done $0x0  }
0x66: {  	[sflag:s15] =	ssyncadd.s32 $0xFFFFD800  }
0x67: {  	_ =	swait.ge [sflag:s15], $0x2800  }
0x68: {  	[sflag:s15] =	ssyncset.done $0x0  }
0x69: {  	s22 =	sadd.s32 $0x1, s22;
	[sflag:s15] =	ssyncadd.s32 $0xFFFFD800  }
0x6a: {  	p0 =	sne.s32 s22, s11;
	_ =	swait.ge [sflag:s15], $0x80  }
.Ltmp2:
0x6b: {  	[sflag:s15] =	ssyncset.done $0x0;
	(pc) =	sbr.rel @p0 .LBB2_1-.Ltmp2, $4  }
0x6c: {  	[sflag:s15] =	ssyncadd.s32 $0xFFFFFF80  }
0x6d: {  	_ =	swait.ge [sflag:s15], $0x2800  }
0x6e: {  	[sflag:s15] =	ssyncset.done $0x0  }
0x6f: {  	[sflag:s15] =	ssyncadd.s32 $0xFFFFD800  }
0x70: {  	_ =	sfence.sel $0x180000  }
0x71: {  	[bflag:$0x0] =	sbarrier.arrive $0xFFFF  }
0x72: {  	p0 =	sne.s32 s0, $0x0;
	_ =	strace $0x9000004A  }
0x73: {  	s0 =	sadd.s32 @!p0 $0x100000, s1;
	[bflag:$0x2] =	sbarrier.arrive $0xFFFF  }
0x74: {  	[sflag:s0] =	ssyncadd.tile.s32 @!p0 $0x1;
	_ =	shalt  }
.Lfunc_end2:
_tile_overlayer_lowered:
.L_overlay_start_2:
0x75: {  	(tag) =	ssettag $0x2  }
0x76: {  	s0 =	rddreg [dreg:$0x0];
	s2 =	stileid.u32  }
0x77: {  	s1 =	rddreg [dreg:$0x1];
	p0 =	sne.s32 s2, $0x0  }
0x78: {  	s3 =	rddreg [dreg:$0x2];
	[bflag:$0x3] =	sbarrier.arrive $0xFFFF;
	s2 =	simm.s32 @!p0 $0x1C02  }
0x79: {  	[timem:s3], [sflag:s2] =	dma.local @!p0 [hbm:s0], s1  }
0x7a: {  	s0 =	simm.s32 @!p0 $0x2  }
0x7b: {  	_ =	swait.ge @!p0 [sflag:s0], s1  }
0x7c: {  	s1 =	ssub.s32 @!p0 $0x0, s1;
	[sflag:s0] =	ssyncset.done @!p0 $0x0  }
0x7d: {  	[sflag:s0] =	ssyncadd.s32 @!p0 s1  }
0x7e: {  	[bflag:$0x3] =	sbarrier.arrive $0xFFFF  }
0x7f: {  	_ =	shalt  }

// kernel: kernel.16.cloned.1.call-start
scs
__scs_entry_jumppad:
0x0: {  	(pc) =	sbr.rel $0x88, $3  }
0x1: {  	(tag) =	ssettag $0x0;
	lr =	simm.s32 $0x1  }
0x2: {  	[smem:$0x3F93] =	sst lr;
	_ =	strace $0xD0000000  }
0x3: {  	_ = 	snop  }
0x4: {  	_ = 	snop  }
0x5: {  	_ = 	snop  }
0x6: {  	_ = 	snop  }
0x7: {  	_ = 	snop  }
__scs_overlays_trampoline_lowered:
0x8: {  	[smem:$0x3FA2] =	sst s0  }
0x9: {  	[smem:$0x3FA3] =	sst s1  }
0xa: {  	[smem:$0x3FA4] =	sst s2  }
0xb: {  	[smem:$0x3FA5] =	sst s3  }
0xc: {  	[smem:$0x3FA6] =	sst s4  }
0xd: {  	[smem:$0x3FA7] =	sst s5  }
0xe: {  	[smem:$0x3FA8] =	sst s6  }
0xf: {  	[smem:$0x3FA9] =	sst s7  }
0x10: {  	[smem:$0x3FAA] =	sst s8  }
0x11: {  	[smem:$0x3FAB] =	sst s9;
	s0 =	simm.s32 @!p0 $0x0  }
0x12: {  	s1 =	sld [smem:$0x3F91];
	s0 =	simm.s32 @p0 $0x1  }
0x13: {  	[smem:$0x3FAC] =	sst s0;
	s0 =	simm.s32 @!p1 $0x0  }
0x14: {  	s2 =	sld [smem:$0x3F90];
	s0 =	simm.s32 @p1 $0x1  }
0x15: {  	[smem:$0x3FAD] =	sst s0;
	s0 =	simm.s32 @!p2 $0x0  }
0x16: {  	s3 =	sld [smem:$0x3FDB];
	s0 =	simm.s32 @p2 $0x1  }
0x17: {  	s4 =	simm.s32 $0x1BF5;
	[smem:$0x3FAF] =	sst s0  }
0x18: {  	s0 =	sld [smem:$0x3F92];
	_ =	swait.ge [sflag:s4], $0x0  }
0x19: {  	s7 =	sld [smem:$0x3F93]  }
0x1a: {  	s8 =	sadd.s32 $0xFFFFE003, lr  }
0x1b: {  	s9 =	sadd.s32 $0xFFFFFEF7, lr;
	s5 =	simm.s32 $0xFFFFFFFF;
	p2 =	slt.u32 s8, $0xFFFFF086  }
0x1c: {  	p1 =	slt.u32 s9, $0xF7A;
	s5 =	simm.s32 @!p2 $0x0  }
0x1d: {  	s5 =	simm.s32 @p1 $0x1;
	p0 =	seq.s32 s7, s2  }
0x1e: {  	s7 =	smul.u32 @!p0 $0xF7A, s2;
	p2 =	seq.s32 @!p0 s5, $0x0  }
0x1f: {  	s9 =	smul.u32 $0xF7A, s1;
	s8 =	simm.s32 @!p0 $0x1BF5;
	p2 =	por !p2, p0  }
0x20: {  	[sflag:s8] =	ssyncset.s32 @!p0 $0xFFFFF086;
	s6 =	sadd.s32 @!p0 s3, s7;
	s7 =	simm.s32 @!p0 $0x108  }
0x21: {  	s3 =	sadd.s32 s3, s9;
	s6 =	sadd.s32 @!p0 $0x88, s6;
	s7 =	simm.s32 @p2 $0x1082  }
0x22: {  	[simem:s7], [sflag:s8] =	dma.local @!p0 [hbm:s6], $0xF7A  }
0x23: {  	s9 =	sor.u32 $0xD0000000, s2;
	s6 =	simm.s32 $0x108;
	_ =	swait.ge @!p0 [sflag:s8], $0x0  }
0x24: {  	s3 =	sadd.s32 $0x88, s3;
	s6 =	simm.s32 @!p1 $0x1082;
	[sflag:s4] =	ssyncset.s32 $0xFFFFF086  }
0x25: {  	[simem:s6], [sflag:s4] =	dma.local [hbm:s3], $0xF7A  }
0x26: {  	[smem:$0x3F93] =	sst s1;
	(tag) =	ssettag s2;
	_ =	strace s9  }
0x27: {  	s1 =	sld [smem:$0x3FA3]  }
0x28: {  	s2 =	sld [smem:$0x3FA4]  }
0x29: {  	s4 =	sld [smem:$0x3FA6]  }
0x2a: {  	p0 =	seq.s32 s5, $0x0;
	s5 =	sld [smem:$0x3FA7]  }
0x2b: {  	s6 =	sld [smem:$0x3FA8]  }
0x2c: {  	s7 =	sld [smem:$0x3FA9]  }
0x2d: {  	s3 =	simm.s32 $0x108;
	s8 =	sld [smem:$0x3FAA]  }
0x2e: {  	s3 =	simm.s32 @!p0 $0x1082;
	s9 =	sld [smem:$0x3FAB]  }
0x2f: {  	lr =	sadd.s32 s0, s3;
	s0 =	sld [smem:$0x3FA2]  }
0x30: {  	s3 =	sld [smem:$0x3FA5]  }
0x31: {  	[smem:$0x3FAE] =	sst s10  }
0x32: {  	s10 =	sld [smem:$0x3FAC];
	_ =	sdelay $0x3  }
0x33: {  	p0 =	seq.s32 s10, $0x1;
	s10 =	sld [smem:$0x3FAE];
	_ =	sdelay $0x3  }
0x34: {  	[smem:$0x3FAE] =	sst s10  }
0x35: {  	s10 =	sld [smem:$0x3FAD];
	_ =	sdelay $0x3  }
0x36: {  	p1 =	seq.s32 s10, $0x1;
	s10 =	sld [smem:$0x3FAE];
	_ =	sdelay $0x3  }
0x37: {  	[smem:$0x3FAE] =	sst s10  }
0x38: {  	s10 =	sld [smem:$0x3FAF]  }
0x39: {  	_ = 	snop;
	(pc) =	sbr.ind lr, $3  }
0x3a: {  	_ = 	snop  }
0x3b: {  	_ = 	snop  }
0x3c: {  	p2 =	seq.s32 s10, $0x1;
	s10 =	sld [smem:$0x3FAE]  }
0x3d: {  	_ =	shalt  }
0x3e: {  	_ =	shalt  }
0x3f: {  	_ =	shalt  }
0x40: {  	_ =	shalt  }
0x41: {  	_ =	shalt  }
0x42: {  	_ =	shalt  }
0x43: {  	_ =	shalt  }
0x44: {  	_ =	shalt  }
0x45: {  	_ =	shalt  }
0x46: {  	_ =	shalt  }
0x47: {  	_ =	shalt  }
0x48: {  	_ =	shalt  }
0x49: {  	_ =	shalt  }
0x4a: {  	_ =	shalt  }
0x4b: {  	_ =	shalt  }
0x4c: {  	_ =	shalt  }
0x4d: {  	_ =	shalt  }
0x4e: {  	_ =	shalt  }
0x4f: {  	_ =	shalt  }
0x50: {  	_ =	shalt  }
0x51: {  	_ =	shalt  }
0x52: {  	_ =	shalt  }
0x53: {  	_ =	shalt  }
0x54: {  	_ =	shalt  }
0x55: {  	_ =	shalt  }
0x56: {  	_ =	shalt  }
0x57: {  	_ =	shalt  }
0x58: {  	_ =	shalt  }
0x59: {  	_ =	shalt  }
0x5a: {  	_ =	shalt  }
0x5b: {  	_ =	shalt  }
0x5c: {  	_ =	shalt  }
0x5d: {  	_ =	shalt  }
0x5e: {  	_ =	shalt  }
0x5f: {  	_ =	shalt  }
0x60: {  	_ =	shalt  }
0x61: {  	_ =	shalt  }
0x62: {  	_ =	shalt  }
0x63: {  	_ =	shalt  }
0x64: {  	_ =	shalt  }
0x65: {  	_ =	shalt  }
0x66: {  	_ =	shalt  }
0x67: {  	_ =	shalt  }
0x68: {  	_ =	shalt  }
0x69: {  	_ =	shalt  }
0x6a: {  	_ =	shalt  }
0x6b: {  	_ =	shalt  }
0x6c: {  	_ =	shalt  }
0x6d: {  	_ =	shalt  }
0x6e: {  	_ =	shalt  }
0x6f: {  	_ =	shalt  }
0x70: {  	_ =	shalt  }
0x71: {  	_ =	shalt  }
0x72: {  	_ =	shalt  }
0x73: {  	_ =	shalt  }
0x74: {  	_ =	shalt  }
0x75: {  	_ =	shalt  }
0x76: {  	_ =	shalt  }
0x77: {  	_ =	shalt  }
0x78: {  	_ =	shalt  }
0x79: {  	_ =	shalt  }
0x7a: {  	_ =	shalt  }
0x7b: {  	_ =	shalt  }
0x7c: {  	_ =	shalt  }
0x7d: {  	_ =	shalt  }
0x7e: {  	_ =	shalt  }
0x7f: {  	_ =	shalt  }
0x80: {  	_ =	shalt  }
0x81: {  	_ =	shalt  }
0x82: {  	_ =	shalt  }
0x83: {  	_ =	shalt  }
0x84: {  	_ =	shalt  }
0x85: {  	_ =	shalt  }
0x86: {  	_ =	shalt  }
0x87: {  	_ =	shalt  }
.Lfunc_end0:
.L_simem_size_0:
called_computation.2_lowered:
.L_overlay_start_0:
0x88: {  	s2 =	sld [smem:$0x3FD9]  }
0x89: {  	s3 =	sld [smem:$0x3FFE];
	_ =	sdelay $0x1  }
0x8a: {  	s1 =	srdreg.scid  }
0x8b: {  	s0 =	sand.u32 $0x1, s1  }
0x8c: {  	s17 =	sshll.u32 s0, $0xA;
	s2 =	sadd.s32 s3, s2  }
0x8d: {  	s2 =	sadd.s32 s2, s17  }
0x8e: {  	[smem:$0x3FBA] =	sst s2  }
0x8f: {  	_ = 	snop  }
0x90: {  	s2 =	sld [smem:$0x3FD0];
	(tm) =	ssettm $0x1  }
0x91: {  	s18 =	sld [smem:$0x3FFB];
	_ =	sdelay $0x3  }
0x92: {  	_ =	strace s18  }
0x93: {  	s3 =	sld [smem:$0x3FFC];
	_ =	sdelay $0x3  }
0x94: {  	_ =	strace s3  }
0x95: {  	s3 =	sld [smem:$0x3FFD];
	_ =	sdelay $0x3  }
0x96: {  	_ =	strace s3  }
0x97: {  	_ =	strace $0x8FFFFFFF  }
0x98: {  	s19 =	sld [smem:$0x3FDB];
	_ =	sdelay $0x1  }
0x99: {  	s4 =	simm.s32 $_scs_section_size  }
0x9a: {  	s5 =	simm.s32 $_size__tile_overlayer_lowered;
	s6 =	simm.s32 $_tile_overlayer_lowered  }
0x9b: {  	s22 =	simm.s32 $0x1BFF;
	s21 =	sshll.u32 s6, $0x1;
	s3 =	sadd.s32 s4, s19  }
0x9c: {  	s7 =	simm.s32 $0x0;
	s20 =	sshll.u32 s5, $0x1;
	s5 =	sadd.s32 s21, s3  }
0x9d: {  	[timem:s7], [sflag:s22] =	dma.local [hbm:s5], s20  }
0x9e: {  	_ =	swait.ge [sflag:s22], s20  }
0x9f: {  	s4 =	ssub.s32 $0x0, s20;
	[sflag:s22] =	ssyncset.done $0x0  }
0xa0: {  	[sflag:s22] =	ssyncadd.s32 s4;
	_ =	sdelay $0x1  }
0xa1: {  	s23 =	simm.s32 $0x1B8B  }
0xa2: {  	_ =	swait.ge [sflag:s23], $0x1  }
0xa3: {  	[sflag:s23] =	ssyncset.done $0x0  }
0xa4: {  	s25 =	simm.s32 $0x1B8E;
	s24 =	sld [smem:$0x3FFE];
	[sflag:s23] =	ssyncadd.s32 $0xFFFFFFFF  }
0xa5: {  	s26 =	simm.s32 $execute0_lowered;
	[smem:$0x3FD2] =	sst s25  }
0xa6: {  	s5 =	sshll.u32 s26, $0x1;
	_ =	strace $0x8000004C;
	[dreg:$0x1] =	wrdreg $0xFFFFFFFF  }
0xa7: {  	s28 =	simm.s32 $_size_execute0_lowered;
	s3 =	sadd.s32 s3, s5;
	[dreg:$0x0] =	wrdreg $0x0  }
0xa8: {  	s5 =	sshll.u32 s28, $0x1;
	[dreg:$0x2] =	wrdreg s3  }
0xa9: {  	[dreg:$0x3] =	wrdreg s5  }
0xaa: {  	[dreg:$0x4] =	wrdreg $0xC0  }
0xab: {  	_ =	task [dreg:s7], $0x5FFFF  }
0xac: {  	[dreg:$0x1] =	wrdreg $0xFFFFFFFF  }
0xad: {  	[dreg:$0x0] =	wrdreg $0x60  }
0xae: {  	[dreg:$0x2] =	wrdreg s24  }
0xaf: {  	[dreg:$0x3] =	wrdreg s2  }
0xb0: {  	[dreg:$0x4] =	wrdreg $0x98800  }
0xb1: {  	[dreg:$0x5] =	wrdreg $0x9  }
0xb2: {  	_ =	task.clear_ibuf [dreg:s7], $0x6FFFF;
	_ =	strace $0x9000004C  }
0xb3: {  	s29 =	simm.s32 $0x9;
	_ =	strace $0x8000004E  }
0xb4: {  	_ =	swait.ge [sflag:s29], $0x1  }
0xb5: {  	[sflag:s29] =	ssyncadd.s32 $0xFFFFFFFF  }
0xb6: {  	_ =	strace $0x9000004E  }
0xb7: {  	_ =	sfence  }
0xb8: {  	s30 =	sld [smem:$0x0];
	_ =	sdelay $0x2  }
0xb9: {  	s31 =	sshll.u32 s1, $0xD;
	s1 =	sshrl.u32 s1, $0x2  }
0xba: {  	s3 =	sand.u32 $0x4000, s31;
	s1 =	sadd.s32 s1, s30  }
0xbb: {  	s0 =	sor.u32 s3, s0;
	s1 =	sshll.u32 s1, $0x11  }
0xbc: {  	s0 =	sor.u32 s1, s0  }
0xbd: {  	s0 =	sadd.s32 $0x8F2B, s0  }
0xbe: {  	[sflag:s0] =	ssyncadd.remote.s32 $0x1  }
0xbf: {  	_ =	sfence.sel $0xFFFF  }
0xc0: {  	[dreg:$0x0] =	wrdreg $0xFFFFFFFF;
	(pc) =	sbr.abs _section_cstart, $3  }
0xc1: {  	[dreg:$0x1] =	wrdreg $0xFFFFFFFF  }
0xc2: {  	_ =	task.clear_ibuf [dreg:s7], $0x2FFFF;
	_ =	strace $0x9FFFFFFF  }
0xc3: {  	(tm) =	ssettm $0x7FFFFFFF  }
tec
execute0_lowered:
.L_overlay_start_1:
0x0: {  	(tag) =	ssettag $0x1  }
0x1: {  	s1 =	rddreg [dreg:$0x0];
	s0 =	srdreg.scid  }
0x2: {  	s3 =	rddreg [dreg:$0x1];
	s2 =	simm.s32 $0x0;
	s16 =	stileid.u32  }
0x3: {  	s30 =	simm.s32 $0x400;
	s4 =	sand.u32 $0x1, s0;
	s0 =	rddreg [dreg:$0x2]  }
0x4: {  	s31 =	simm.s32 $0x80;
	[smem:$0x7FF] =	sst s2;
	s9 =	smul.u32 $0x280, s16  }
0x5: {  	s8 =	sshll.u32 s16, $0x1;
	s23 =	smul.u32 $0x2800, s16;
	s6 =	ssub.s32 $0x2, s4  }
0x6: {  	s5 =	smul.u32 $0x28000, s4;
	s4 =	sor.u32 s4, s8;
	s7 =	sshrl.u32 s6, $0x1  }
0x7: {  	s8 =	sor.u32 $0x40, s9;
	s10 =	sadd.s32 $0x80, s9;
	s11 =	sadd.s32 $0xC0, s9  }
0x8: {  	s12 =	sadd.s32 $0x100, s9;
	s13 =	sadd.s32 $0x140, s9;
	s14 =	sadd.s32 $0x180, s9  }
0x9: {  	s19 =	sadd.s32 $0x1C0, s9;
	s25 =	sadd.s32 $0x200, s9;
	s15 =	sshll.u32 s4, $0x4  }
0xa: {  	s9 =	sadd.s32 $0x240, s9;
	s29 =	smul.u32 $0x2800, s4;
	s5 =	sadd.s32 s5, s1  }
0xb: {  	s6 =	ssub.s32 s6, s7;
	s7 =	smul.u32 $0x50000, s16;
	s3 =	sadd.s32 s3, s15  }
0xc: {  	s24 =	sshll.u32 s8, $0x4;
	s26 =	sshll.u32 s10, $0x4;
	s17 =	sshll.u32 s11, $0x4  }
0xd: {  	s18 =	sshll.u32 s12, $0x4;
	[dreg:$0x4] =	wrdreg s3;
	s3 =	sadd.s32 $0x98200, s5  }
0xe: {  	s20 =	sshll.u32 s13, $0x4;
	s21 =	sshll.u32 s14, $0x4;
	s5 =	sadd.s32 s23, s3  }
0xf: {  	s22 =	sshll.u32 s19, $0x4;
	s15 =	sadd.s32 s24, s3;
	[dreg:$0x5] =	wrdreg s5  }
0x10: {  	s8 =	sshll.u32 s8, $0x7;
	s16 =	sadd.s32 s26, s3;
	[dreg:$0x6] =	wrdreg s15  }
0x11: {  	s10 =	sshll.u32 s10, $0x7;
	s17 =	sadd.s32 s17, s3;
	[dreg:$0x7] =	wrdreg s16  }
0x12: {  	s11 =	sshll.u32 s11, $0x7;
	s18 =	sadd.s32 s18, s3;
	[dreg:$0x8] =	wrdreg s17  }
0x13: {  	s20 =	sadd.s32 s20, s3;
	s21 =	sadd.s32 s21, s3;
	[dreg:$0x9] =	wrdreg s18  }
0x14: {  	s23 =	sadd.s32 s22, s3;
	s24 =	sshll.u32 s25, $0x4;
	[dreg:$0xa] =	wrdreg s20  }
0x15: {  	s26 =	sshll.u32 s9, $0x4;
	s7 =	sshrl.u32 s7, $0x2;
	[dreg:$0xb] =	wrdreg s21  }
0x16: {  	s22 =	sshll.u32 s13, $0x7;
	[dreg:$0xc] =	wrdreg s23;
	s5 =	sadd.s32 s24, s3  }
0x17: {  	s3 =	sadd.s32 s26, s3;
	s15 =	sadd.s32 $0x48200, s1;
	s16 =	sadd.s32 $0x2600, s1  }
0x18: {  	s17 =	sadd.s32 $0x3E200, s1;
	s18 =	sadd.s32 s7, s0;
	[dreg:$0xd] =	wrdreg s5  }
0x19: {  	s20 =	sadd.s32 s11, s0;
	s21 =	sshll.u32 s12, $0x7;
	[dreg:$0xe] =	wrdreg s3  }
0x1a: {  	s1 =	sadd.s32 s21, s0;
	_ =	strace $0x8000004D;
	[dreg:$0xf] =	wrdreg s20  }
0x1b: {  	s23 =	sshll.u32 s14, $0x7;
	s24 =	sadd.s32 s22, s0;
	[dreg:$0x10] =	wrdreg s1  }
0x1c: {  	s7 =	sadd.s32 s8, s0;
	s26 =	sadd.s32 s23, s0;
	[dreg:$0x11] =	wrdreg s24  }
0x1d: {  	s8 =	sadd.s32 s10, s0;
	s10 =	smax.u32 s6, $0x1;
	[dreg:$0x12] =	wrdreg s26  }
0x1e: {  	s9 =	sshll.u32 s9, $0x7;
	s11 =	sadd.s32 $0x1000, s18;
	[dreg:$0x13] =	wrdreg s10  }
0x1f: {  	s28 =	sadd.s32 s9, s0;
	s12 =	sadd.s32 $0x3000, s18;
	[dreg:$0x14] =	wrdreg s11  }
0x20: {  	s3 =	sshll.u32 s19, $0x7;
	s13 =	sadd.s32 $0x5000, s18;
	[dreg:$0x15] =	wrdreg s12  }
0x21: {  	s5 =	sshll.u32 s25, $0x7;
	s14 =	sadd.s32 $0x7000, s18;
	[dreg:$0x16] =	wrdreg s13  }
0x22: {  	s19 =	sadd.s32 $0x9000, s18;
	s21 =	sadd.s32 $0xD000, s18;
	[dreg:$0x17] =	wrdreg s14  }
0x23: {  	s22 =	sadd.s32 $0xF000, s18;
	s23 =	sadd.s32 $0x11000, s18;
	[dreg:$0x18] =	wrdreg s19  }
.Ltmp0:
0x24: {  	s25 =	sadd.s32 s3, s0;
	[dreg:$0x1a] =	wrdreg s21;
	(pc) =	sbr.rel .LBB2_1-.Ltmp0, $4  }
0x25: {  	s26 =	sadd.s32 s5, s0;
	s20 =	sadd.s32 $0xB000, s18;
	[dreg:$0x1b] =	wrdreg s22  }
0x26: {  	[dreg:$0x1c] =	wrdreg s23;
	s24 =	sadd.s32 $0x13000, s18;
	s11 =	simm.s32 $0x8880  }
0x27: {  	s12 =	simm.s32 $0x2;
	s14 =	simm.s32 $0x1;
	[dreg:$0x19] =	wrdreg s20  }
0x28: {  	v0 =	vimm.f32 $0.0e+00;
	s10 =	simm.s32 $0x880;
	s1 =	simm.s32 $0x0;
	[dreg:$0x1d] =	wrdreg s24  }
.LBB2_10:
0x29: {  	s3 =	stileid.u32  }
0x2a: {  	[bflag:$0x0] =	sbarrier.arrive $0xFFFF;
	s3 =	sshll.u32 s3, $0x6  }
0x2b: {  	s4 =	sshrl.u32 s18, $0x3;
	s5 =	rddreg [dreg:$0x5];
	s3 =	sor.u32 $0x1C02, s3  }
0x2c: {  	[hbm:s5], [sflag:s3] =	dma.local [spmem:s4], $0x400  }
0x2d: {  	s19 =	sshrl.u32 s23, $0x3;
	s5 =	rddreg [dreg:$0x6]  }
0x2e: {  	[hbm:s5], [sflag:s3] =	dma.local [spmem:s19], $0x400  }
0x2f: {  	s20 =	sshrl.u32 s24, $0x3;
	s5 =	rddreg [dreg:$0x7]  }
0x30: {  	[hbm:s5], [sflag:s3] =	dma.local [spmem:s20], $0x400  }
0x31: {  	s4 =	rddreg [dreg:$0xf]  }
0x32: {  	s5 =	rddreg [dreg:$0x8];
	s4 =	sshrl.u32 s4, $0x3  }
0x33: {  	[hbm:s5], [sflag:s3] =	dma.local [spmem:s4], $0x400  }
0x34: {  	s4 =	rddreg [dreg:$0x10]  }
0x35: {  	s5 =	rddreg [dreg:$0x9];
	s4 =	sshrl.u32 s4, $0x3  }
0x36: {  	[hbm:s5], [sflag:s3] =	dma.local [spmem:s4], $0x400  }
0x37: {  	s4 =	rddreg [dreg:$0x11]  }
0x38: {  	s5 =	rddreg [dreg:$0xa];
	s4 =	sshrl.u32 s4, $0x3  }
0x39: {  	[hbm:s5], [sflag:s3] =	dma.local [spmem:s4], $0x400  }
0x3a: {  	s4 =	rddreg [dreg:$0x12]  }
0x3b: {  	s5 =	rddreg [dreg:$0xb];
	s4 =	sshrl.u32 s4, $0x3  }
0x3c: {  	[hbm:s5], [sflag:s3] =	dma.local [spmem:s4], $0x400  }
0x3d: {  	s21 =	sshrl.u32 s25, $0x3;
	s5 =	rddreg [dreg:$0xc]  }
0x3e: {  	[hbm:s5], [sflag:s3] =	dma.local [spmem:s21], $0x400  }
0x3f: {  	s22 =	sshrl.u32 s26, $0x3;
	s5 =	rddreg [dreg:$0xd]  }
0x40: {  	[hbm:s5], [sflag:s3] =	dma.local [spmem:s22], $0x400  }
0x41: {  	s7 =	smov.u32 s23;
	s23 =	sshrl.u32 s28, $0x3;
	s5 =	rddreg [dreg:$0xe]  }
0x42: {  	[hbm:s5], [sflag:s3] =	dma.local [spmem:s23], $0x400  }
0x43: {  	_ =	swait.ge [sflag:s12], $0x400  }
0x44: {  	[sflag:s12] =	ssyncset.done $0x0  }
0x45: {  	[sflag:s12] =	ssyncadd.s32 $0xFFFFFC00  }
0x46: {  	_ =	swait.ge [sflag:s12], $0x400  }
0x47: {  	[sflag:s12] =	ssyncset.done $0x0  }
0x48: {  	[sflag:s12] =	ssyncadd.s32 $0xFFFFFC00  }
0x49: {  	_ =	swait.ge [sflag:s12], $0x400  }
0x4a: {  	[sflag:s12] =	ssyncset.done $0x0  }
0x4b: {  	[sflag:s12] =	ssyncadd.s32 $0xFFFFFC00  }
0x4c: {  	_ =	swait.ge [sflag:s12], $0x400  }
0x4d: {  	[sflag:s12] =	ssyncset.done $0x0  }
0x4e: {  	[sflag:s12] =	ssyncadd.s32 $0xFFFFFC00  }
0x4f: {  	_ =	swait.ge [sflag:s12], $0x400  }
0x50: {  	[sflag:s12] =	ssyncset.done $0x0  }
0x51: {  	[sflag:s12] =	ssyncadd.s32 $0xFFFFFC00  }
0x52: {  	_ =	swait.ge [sflag:s12], $0x400  }
0x53: {  	[sflag:s12] =	ssyncset.done $0x0  }
0x54: {  	[sflag:s12] =	ssyncadd.s32 $0xFFFFFC00  }
0x55: {  	_ =	swait.ge [sflag:s12], $0x400  }
0x56: {  	[sflag:s12] =	ssyncset.done $0x0  }
0x57: {  	[sflag:s12] =	ssyncadd.s32 $0xFFFFFC00  }
0x58: {  	_ =	swait.ge [sflag:s12], $0x400  }
0x59: {  	[sflag:s12] =	ssyncset.done $0x0  }
0x5a: {  	[sflag:s12] =	ssyncadd.s32 $0xFFFFFC00  }
0x5b: {  	_ =	swait.ge [sflag:s12], $0x400  }
0x5c: {  	[sflag:s12] =	ssyncset.done $0x0  }
0x5d: {  	[sflag:s12] =	ssyncadd.s32 $0xFFFFFC00  }
0x5e: {  	_ =	swait.ge [sflag:s12], $0x400  }
0x5f: {  	s8 =	smov.u32 s24;
	s1 =	sadd.s32 $0x1, s1;
	s24 =	rddreg [dreg:$0x13]  }
0x60: {  	p0 =	sne.s32 s1, s24  }
.Ltmp1:
0x61: {  	_ = 	snop;
	(pc) =	sbr.rel @!p0 .LBB2_11-.Ltmp1, $3  }
0x62: {  	_ =	sdelay $0x1  }
0x63: {  	[sflag:s12] =	ssyncset.done $0x0  }
0x64: {  	[sflag:s12] =	ssyncadd.s32 $0xFFFFFC00  }
.LBB2_1:
0x65: {  	s3 =	simm.s32 $0x0;
	s4 =	simm.s32 $0x200  }
.LBB2_2:
0x66: {  	p0 =	sne.s32 s4, $0x3E00;
	[tilespmem:s3+$0x88F0] =	vst v0  }
0x67: {  	[tilespmem:s3+$0x8880] =	vst v0  }
0x68: {  	[tilespmem:s3+$0x8890] =	vst v0  }
.Ltmp2:
0x69: {  	[tilespmem:s3+$0x88A0] =	vst v0;
	(pc) =	sbr.rel @p0 .LBB2_2-.Ltmp2, $4  }
0x6a: {  	[tilespmem:s3+$0x88B0] =	vst v0  }
0x6b: {  	[tilespmem:s3+$0x88C0] =	vst v0  }
0x6c: {  	[tilespmem:s3+$0x88D0] =	vst v0  }
0x6d: {  	[tilespmem:s3+$0x88E0] =	vst v0;
	s3 =	sshra.s32 s4, $0x2;
	s4 =	sadd.s32 $0x200, s4  }
0x6e: {  	[tilespmem:s3+$0x88F0] =	vst v0  }
0x6f: {  	[tilespmem:s3+$0x8880] =	vst v0  }
0x70: {  	[tilespmem:s3+$0x8890] =	vst v0  }
0x71: {  	[tilespmem:s3+$0x88A0] =	vst v0  }
0x72: {  	[tilespmem:s3+$0x88B0] =	vst v0  }
0x73: {  	[tilespmem:s3+$0x88C0] =	vst v0  }
0x74: {  	[tilespmem:s3+$0x88D0] =	vst v0  }
0x75: {  	[tilespmem:s3+$0x88E0] =	vst v0  }
0x76: {  	[spmem:s18] =	stream.linear.scatter [tilespmem:s11], [sflag:$0x2], $0x1000, $0x38;
	[tilespmem:$0x1D880] =	vst v63  }
0x77: {  	s6 =	rddreg [dreg:$0x14]  }
0x78: {  	[spmem:s6] =	stream.linear.scatter [tilespmem:s11], [sflag:$0x2], $0x1000, $0x38;
	[tilespmem:$0x1D880] =	vst v63  }
0x79: {  	_ = 	snop  }
0x7a: {  	[spmem:s7] =	stream.linear.scatter [tilespmem:s11], [sflag:$0x2], $0x1000, $0x38;
	[tilespmem:$0x1D880] =	vst v63  }
0x7b: {  	s23 =	smov.u32 s7;
	s7 =	rddreg [dreg:$0x15]  }
0x7c: {  	[spmem:s7] =	stream.linear.scatter [tilespmem:s11], [sflag:$0x2], $0x1000, $0x38;
	[tilespmem:$0x1D880] =	vst v63  }
0x7d: {  	_ = 	snop  }
0x7e: {  	[spmem:s8] =	stream.linear.scatter [tilespmem:s11], [sflag:$0x2], $0x1000, $0x38;
	[tilespmem:$0x1D880] =	vst v63  }
0x7f: {  	s24 =	smov.u32 s8;
	s8 =	rddreg [dreg:$0x16]  }
0x80: {  	[spmem:s8] =	stream.linear.scatter [tilespmem:s11], [sflag:$0x2], $0x1000, $0x38;
	[tilespmem:$0x1D880] =	vst v63  }
0x81: {  	s9 =	rddreg [dreg:$0xf]  }
0x82: {  	[spmem:s9] =	stream.linear.scatter [tilespmem:s11], [sflag:$0x2], $0x1000, $0x38;
	[tilespmem:$0x1D880] =	vst v63  }
0x83: {  	s13 =	rddreg [dreg:$0x17]  }
0x84: {  	[spmem:s13] =	stream.linear.scatter [tilespmem:s11], [sflag:$0x2], $0x1000, $0x38;
	[tilespmem:$0x1D880] =	vst v63  }
0x85: {  	s19 =	rddreg [dreg:$0x10]  }
0x86: {  	[spmem:s19] =	stream.linear.scatter [tilespmem:s11], [sflag:$0x2], $0x1000, $0x38;
	[tilespmem:$0x1D880] =	vst v63  }
0x87: {  	s20 =	rddreg [dreg:$0x18]  }
0x88: {  	[spmem:s20] =	stream.linear.scatter [tilespmem:s11], [sflag:$0x2], $0x1000, $0x38;
	[tilespmem:$0x1D880] =	vst v63  }
0x89: {  	s21 =	rddreg [dreg:$0x11]  }
0x8a: {  	[spmem:s21] =	stream.linear.scatter [tilespmem:s11], [sflag:$0x2], $0x1000, $0x38;
	[tilespmem:$0x1D880] =	vst v63  }
0x8b: {  	s22 =	rddreg [dreg:$0x19]  }
0x8c: {  	[spmem:s22] =	stream.linear.scatter [tilespmem:s11], [sflag:$0x2], $0x1000, $0x38;
	[tilespmem:$0x1D880] =	vst v63  }
0x8d: {  	s4 =	rddreg [dreg:$0x12]  }
0x8e: {  	[spmem:s4] =	stream.linear.scatter [tilespmem:s11], [sflag:$0x2], $0x1000, $0x38;
	[tilespmem:$0x1D880] =	vst v63  }
0x8f: {  	s5 =	rddreg [dreg:$0x1a]  }
0x90: {  	[spmem:s5] =	stream.linear.scatter [tilespmem:s11], [sflag:$0x2], $0x1000, $0x38;
	[tilespmem:$0x1D880] =	vst v63  }
0x91: {  	_ = 	snop  }
0x92: {  	[spmem:s25] =	stream.linear.scatter [tilespmem:s11], [sflag:$0x2], $0x1000, $0x38;
	[tilespmem:$0x1D880] =	vst v63  }
0x93: {  	s6 =	rddreg [dreg:$0x1b]  }
0x94: {  	[spmem:s6] =	stream.linear.scatter [tilespmem:s11], [sflag:$0x2], $0x1000, $0x38;
	[tilespmem:$0x1D880] =	vst v63  }
0x95: {  	_ = 	snop  }
0x96: {  	[spmem:s26] =	stream.linear.scatter [tilespmem:s11], [sflag:$0x2], $0x1000, $0x38;
	[tilespmem:$0x1D880] =	vst v63  }
0x97: {  	s7 =	rddreg [dreg:$0x1c]  }
0x98: {  	[spmem:s7] =	stream.linear.scatter [tilespmem:s11], [sflag:$0x2], $0x1000, $0x38;
	[tilespmem:$0x1D880] =	vst v63  }
0x99: {  	_ = 	snop  }
0x9a: {  	[spmem:s28] =	stream.linear.scatter [tilespmem:s11], [sflag:$0x2], $0x1000, $0x38;
	[tilespmem:$0x1D880] =	vst v63  }
0x9b: {  	s8 =	rddreg [dreg:$0x1d]  }
0x9c: {  	[spmem:s8] =	stream.linear.scatter [tilespmem:s11], [sflag:$0x2], $0x1000, $0x38;
	[tilespmem:$0x1D880] =	vst v63  }
0x9d: {  	_ =	swait.ge [sflag:s12], $0x1000  }
0x9e: {  	[sflag:s12] =	ssyncset.done $0x0  }
0x9f: {  	[sflag:s12] =	ssyncadd.s32 $0xFFFFF000  }
0xa0: {  	_ =	swait.ge [sflag:s12], $0x1000  }
0xa1: {  	[sflag:s12] =	ssyncset.done $0x0  }
0xa2: {  	[sflag:s12] =	ssyncadd.s32 $0xFFFFF000  }
0xa3: {  	_ =	swait.ge [sflag:s12], $0x1000  }
0xa4: {  	[sflag:s12] =	ssyncset.done $0x0  }
0xa5: {  	[sflag:s12] =	ssyncadd.s32 $0xFFFFF000  }
0xa6: {  	_ =	swait.ge [sflag:s12], $0x1000  }
0xa7: {  	[sflag:s12] =	ssyncset.done $0x0  }
0xa8: {  	[sflag:s12] =	ssyncadd.s32 $0xFFFFF000  }
0xa9: {  	_ =	swait.ge [sflag:s12], $0x1000  }
0xaa: {  	[sflag:s12] =	ssyncset.done $0x0  }
0xab: {  	[sflag:s12] =	ssyncadd.s32 $0xFFFFF000  }
0xac: {  	_ =	swait.ge [sflag:s12], $0x1000  }
0xad: {  	[sflag:s12] =	ssyncset.done $0x0  }
0xae: {  	[sflag:s12] =	ssyncadd.s32 $0xFFFFF000  }
0xaf: {  	_ =	swait.ge [sflag:s12], $0x1000  }
0xb0: {  	[sflag:s12] =	ssyncset.done $0x0  }
0xb1: {  	[sflag:s12] =	ssyncadd.s32 $0xFFFFF000  }
0xb2: {  	_ =	swait.ge [sflag:s12], $0x1000  }
0xb3: {  	[sflag:s12] =	ssyncset.done $0x0  }
0xb4: {  	[sflag:s12] =	ssyncadd.s32 $0xFFFFF000  }
0xb5: {  	_ =	swait.ge [sflag:s12], $0x1000  }
0xb6: {  	[sflag:s12] =	ssyncset.done $0x0  }
0xb7: {  	[sflag:s12] =	ssyncadd.s32 $0xFFFFF000  }
0xb8: {  	_ =	swait.ge [sflag:s12], $0x1000  }
0xb9: {  	[sflag:s12] =	ssyncset.done $0x0  }
0xba: {  	[sflag:s12] =	ssyncadd.s32 $0xFFFFF000  }
0xbb: {  	_ =	swait.ge [sflag:s12], $0x1000  }
0xbc: {  	[sflag:s12] =	ssyncset.done $0x0  }
0xbd: {  	[sflag:s12] =	ssyncadd.s32 $0xFFFFF000  }
0xbe: {  	_ =	swait.ge [sflag:s12], $0x1000  }
0xbf: {  	[sflag:s12] =	ssyncset.done $0x0  }
0xc0: {  	[sflag:s12] =	ssyncadd.s32 $0xFFFFF000  }
0xc1: {  	_ =	swait.ge [sflag:s12], $0x1000  }
0xc2: {  	[sflag:s12] =	ssyncset.done $0x0  }
0xc3: {  	[sflag:s12] =	ssyncadd.s32 $0xFFFFF000  }
0xc4: {  	_ =	swait.ge [sflag:s12], $0x1000  }
0xc5: {  	[sflag:s12] =	ssyncset.done $0x0  }
0xc6: {  	[sflag:s12] =	ssyncadd.s32 $0xFFFFF000  }
0xc7: {  	_ =	swait.ge [sflag:s12], $0x1000  }
0xc8: {  	[sflag:s12] =	ssyncset.done $0x0  }
0xc9: {  	[sflag:s12] =	ssyncadd.s32 $0xFFFFF000  }
0xca: {  	_ =	swait.ge [sflag:s12], $0x1000  }
0xcb: {  	[sflag:s12] =	ssyncset.done $0x0  }
0xcc: {  	[sflag:s12] =	ssyncadd.s32 $0xFFFFF000  }
0xcd: {  	_ =	swait.ge [sflag:s12], $0x1000  }
0xce: {  	[sflag:s12] =	ssyncset.done $0x0  }
0xcf: {  	[sflag:s12] =	ssyncadd.s32 $0xFFFFF000  }
0xd0: {  	_ =	swait.ge [sflag:s12], $0x1000  }
0xd1: {  	[sflag:s12] =	ssyncset.done $0x0  }
0xd2: {  	[sflag:s12] =	ssyncadd.s32 $0xFFFFF000  }
0xd3: {  	_ =	swait.ge [sflag:s12], $0x1000  }
0xd4: {  	[sflag:s12] =	ssyncset.done $0x0  }
0xd5: {  	[sflag:s12] =	ssyncadd.s32 $0xFFFFF000  }
0xd6: {  	_ =	swait.ge [sflag:s12], $0x1000  }
0xd7: {  	[sflag:s12] =	ssyncset.done $0x0  }
0xd8: {  	[sflag:s12] =	ssyncadd.s32 $0xFFFFF000  }
0xd9: {  	s3 =	simm.s32 $0x0;
	[bflag:$0x0] =	sbarrier.arrive $0xFFFF  }
0xda: {  	s9 =	simm.s32 $0x3;
	s5 =	simm.s32 $0x800;
	s4 =	rddreg [dreg:$0x4]  }
0xdb: {  	[tilespmem:s5], [sflag:$0x3] =	stream.linear.gather [hbm4b:s4+s3], $0x80, $0x38;
	[tilespmem:$0x1D880] =	vst v63  }
0xdc: {  	_ =	swait.ge [sflag:s9], $0x80  }
0xdd: {  	[sflag:s9] =	ssyncset.done $0x0  }
0xde: {  	[sflag:s9] =	ssyncadd.s32 $0xFFFFFF80  }
0xdf: {  	v1 =	vld [tilespmem:$0x800];
	_ =	sdelay $0x4  }
0xe0: {  	(v2sf) =	vpush v1, $0x0;
	_ =	sdelay $0xe  }
0xe1: {  	s13 =	spop (v2sf)  }
0xe2: {  	s4 =	sadd.s32 $0x7F, s13  }
0xe3: {  	s19 =	sand.u32 $0x7F, s4  }
0xe4: {  	s6 =	sshra.s32 s4, $0x1F;
	p0 =	slt.s32 s4, $0x1;
	p1 =	sne.s32 s19, $0x0  }
0xe5: {  	s20 =	sshrl.u32 s6, $0x19;
	p0 =	por !p0, !p1  }
0xe6: {  	s5 =	simm.s32 $0x1;
	s4 =	sadd.s32 s20, s4;
	p0 =	por !p0, !p0  }
0xe7: {  	s4 =	sshra.s32 s4, $0x7;
	s5 =	simm.s32 @!p0 $0x0  }
0xe8: {  	s6 =	ssub.s32 s4, s5  }
0xe9: {  	s4 =	sadd.s32 $0x7, s6  }
0xea: {  	s21 =	sand.u32 $0x7, s4  }
0xeb: {  	p5 =	slt.s32 s6, $0xFFFFFFFA;
	p6 =	sne.s32 s21, $0x0  }
0xec: {  	s22 =	sshrl.u32 s4, $0x1D;
	p0 =	por !p5, !p6  }
0xed: {  	s5 =	simm.s32 $0x1;
	s4 =	sadd.s32 s22, s4;
	p0 =	por !p0, !p0  }
0xee: {  	s4 =	sshra.s32 s4, $0x3;
	s5 =	simm.s32 @!p0 $0x0  }
0xef: {  	s5 =	ssub.s32 s4, s5  }
0xf0: {  	p0 =	slt.s32 s5, $0x1  }
.Ltmp3:
0xf1: {  	_ = 	snop;
	(pc) =	sbr.rel @!p0 .LBB2_4-.Ltmp3, $4  }
.Ltmp4:
0xf2: {  	_ = 	snop;
	(pc) =	sbr.rel @p0 .LBB2_10-.Ltmp4, $4  }
0xf3: {  	_ = 	snop  }
0xf4: {  	_ = 	snop  }
0xf5: {  	s4 =	smov.u32 s6  }
0xf6: {  	_ = 	snop  }
.LBB2_8:
0xf7: {  	_ =	swait.ge [sflag:s12], $0x4000  }
0xf8: {  	[sflag:s12] =	ssyncset.done $0x0  }
0xf9: {  	[sflag:s12] =	ssyncadd.s32 $0xFFFFC000  }
.LBB2_9:
0xfa: {  	s3 =	sadd.s32 $0x1, s3  }
0xfb: {  	p0 =	sne.s32 s3, s5  }
.Ltmp5:
0xfc: {  	_ = 	snop;
	(pc) =	sbr.rel @!p0 .LBB2_10-.Ltmp5, $2  }
0xfd: {  	_ =	sdelay $0x2  }
0xfe: {  	s4 =	sadd.s32 $0xFFFFFFF8, s4  }
.LBB2_4:
0xff: {  	s7 =	sshll.u32 s3, $0xA  }
0x100: {  	s7 =	sadd.s32 s29, s7  }
0x101: {  	s7 =	sshrl.u32 s7, $0x3  }
0x102: {  	s8 =	sadd.s32 s16, s7  }
0x103: {  	[tilespmem:s2], [sflag:$0x1] =	stream.linear.gather [hbm4b:s8+s2], $0x400, $0x38;
	[tilespmem:$0x1D880] =	vst v63  }
0x104: {  	s22 =	sshll.u32 s3, $0x3;
	s7 =	sadd.s32 s17, s7  }
0x105: {  	[tilespmem:s30], [sflag:$0x1] =	stream.linear.gather [hbm4b:s7+s2], $0x400, $0x38;
	[tilespmem:$0x1D880] =	vst v63  }
0x106: {  	s7 =	ssub.s32 s6, s22  }
0x107: {  	_ =	swait.ge [sflag:s14], $0x400;
	p0 =	slt.s32 s7, $0x1  }
.Ltmp6:
0x108: {  	[sflag:s14] =	ssyncset.done $0x0;
	(pc) =	sbr.rel @p0 .LBB2_9-.Ltmp6, $4  }
0x109: {  	[sflag:s14] =	ssyncadd.s32 $0xFFFFFC00  }
0x10a: {  	_ =	swait.ge [sflag:s14], $0x400  }
0x10b: {  	[sflag:s14] =	ssyncset.done $0x0  }
0x10c: {  	[sflag:s14] =	ssyncadd.s32 $0xFFFFFC00  }
0x10d: {  	[tilespmem:s10], [sflag:$0x1] =	stream.indirect.gather [hbm4b:s15+s31], $0x80, s2, s31, $0xb8;
	[tilespmem:$0x1D880] =	vst v63  }
0x10e: {  	_ =	swait.ge [sflag:s14], $0x4000  }
0x10f: {  	p0 =	seq.s32 s7, $0x1;
	[sflag:s14] =	ssyncset.done $0x0  }
0x110: {  	s8 =	simm.s32 @!p0 $0x80;
	s9 =	simm.s32 @!p0 $0x4880;
	[sflag:s14] =	ssyncadd.s32 $0xFFFFC000  }
0x111: {  	[tilespmem:s9], [sflag:$0x1] =	stream.indirect.gather @!p0 [hbm4b:s15+s8], $0x80, s8, s8, $0xb8;
	[tilespmem:$0x1D880] =	vst v63  }
0x112: {  	p0 =	slt.s32 s4, $0x2  }
.Ltmp7:
0x113: {  	_ = 	snop;
	(pc) =	sbr.rel @p0 .LBB2_8-.Ltmp7, $2  }
0x114: {  	_ =	sdelay $0x2  }
0x115: {  	[spmem:s0] =	stream.indirect.scatter.add.f32 [tilespmem:s10], [sflag:$0x2], $0x80, s30, s31, $0xb8;
	[tilespmem:$0x1D880] =	vst v63  }
0x116: {  	p0 =	sgt.s32 s4, $0x1;
	s8 =	smov.u32 s4;
	_ =	swait.ge [sflag:s14], $0x4000  }
0x117: {  	s9 =	simm.s32 $0x1;
	s8 =	simm.s32 @!p0 $0x1;
	p0 =	slt.s32 s7, $0x8  }
0x118: {  	s13 =	simm.s32 $0x100;
	[sflag:s14] =	ssyncset.done $0x0;
	s7 =	simm.s32 @!p0 $0x8  }
0x119: {  	s9 =	sand.u32 $0x1, s9;
	[sflag:s14] =	ssyncadd.s32 $0xFFFFC000;
	p0 =	sle.s32 s7, $0x2  }
0x11a: {  	s20 =	sshll.u32 s9, $0xE;
	_ =	swait.ge [sflag:s12], $0x4000;
	s19 =	sshll.u32 @!p0 s9, $0xE  }
0x11b: {  	s8 =	smin.u32 s8, $0x8;
	[sflag:s12] =	ssyncset.done $0x0;
	s9 =	sxor.u32 @!p0 $0x4000, s19  }
0x11c: {  	[sflag:s12] =	ssyncadd.s32 $0xFFFFC000;
	s19 =	simm.s32 @!p0 $0x80;
	s9 =	sor.u32 @!p0 $0x880, s9  }
0x11d: {  	[tilespmem:s9], [sflag:$0x1] =	stream.indirect.gather @!p0 [hbm4b:s15+s19], $0x80, s13, s19, $0xb8;
	[tilespmem:$0x1D880] =	vst v63  }
0x11e: {  	p0 =	sne.s32 s8, $0x2  }
.Ltmp8:
0x11f: {  	_ = 	snop;
	(pc) =	sbr.rel @!p0 .LBB2_8-.Ltmp8, $4  }
0x120: {  	_ = 	snop  }
0x121: {  	s22 =	sor.u32 $0x880, s20  }
0x122: {  	s9 =	simm.s32 $0x480;
	s13 =	simm.s32 $0x2;
	s19 =	simm.s32 $0x180  }
0x123: {  	[spmem:s0] =	stream.indirect.scatter.add.f32 [tilespmem:s22], [sflag:$0x2], $0x80, s9, s31, $0xb8;
	[tilespmem:$0x1D880] =	vst v63  }
.LBB2_7:
0x124: {  	_ =	swait.ge [sflag:s14], $0x4000  }
0x125: {  	s9 =	sadd.s32 $0x80, s9;
	s20 =	smov.u32 s13;
	s13 =	sadd.s32 $0x1, s13  }
0x126: {  	[sflag:s14] =	ssyncset.done $0x0;
	p0 =	sne.s32 s8, s13  }
0x127: {  	s20 =	sand.u32 $0x1, s20;
	p1 =	sge.s32 s13, s7;
	[sflag:s14] =	ssyncadd.s32 $0xFFFFC000  }
0x128: {  	s21 =	sshll.u32 @!p1 s20, $0xE;
	s20 =	sshll.u32 s20, $0xE;
	_ =	swait.ge [sflag:s12], $0x4000  }
.Ltmp9:
0x129: {  	s21 =	sxor.u32 @!p1 $0x4000, s21;
	[sflag:s12] =	ssyncset.done $0x0;
	(pc) =	sbr.rel @p0 .LBB2_7-.Ltmp9, $4  }
0x12a: {  	s22 =	simm.s32 @!p1 $0x80;
	s21 =	sor.u32 @!p1 $0x880, s21;
	[sflag:s12] =	ssyncadd.s32 $0xFFFFC000  }
0x12b: {  	[tilespmem:s21], [sflag:$0x1] =	stream.indirect.gather @!p1 [hbm4b:s15+s22], $0x80, s19, s22, $0xb8;
	[tilespmem:$0x1D880] =	vst v63  }
0x12c: {  	s20 =	sor.u32 $0x880, s20;
	s19 =	sadd.s32 $0x80, s19  }
0x12d: {  	[spmem:s0] =	stream.indirect.scatter.add.f32 [tilespmem:s20], [sflag:$0x2], $0x80, s9, s31, $0xb8;
	[tilespmem:$0x1D880] =	vst v63  }
.Ltmp10:
0x12e: {  	_ = 	snop;
	(pc) =	sbr.rel .LBB2_8-.Ltmp10, $1  }
0x12f: {  	_ =	sdelay $0x3  }
.LBB2_11:
0x130: {  	_ =	sfence.sel $0x180000  }
0x131: {  	[bflag:$0x0] =	sbarrier.arrive $0xFFFF  }
0x132: {  	_ =	strace $0x9000004D  }
0x133: {  	s0 =	stileid.u32;
	[bflag:$0x2] =	sbarrier.arrive $0xFFFF  }
0x134: {  	p0 =	sne.s32 s0, $0x0;
	s0 =	rddreg [dreg:$0x3]  }
0x135: {  	s0 =	sadd.s32 @!p0 $0x100000, s0  }
0x136: {  	[sflag:s0] =	ssyncadd.tile.s32 @!p0 $0x1;
	_ =	shalt  }
.Lfunc_end2:
_tile_overlayer_lowered:
.L_overlay_start_2:
0x137: {  	(tag) =	ssettag $0x2  }
0x138: {  	s0 =	rddreg [dreg:$0x0];
	s2 =	stileid.u32  }
0x139: {  	s1 =	rddreg [dreg:$0x1];
	p0 =	sne.s32 s2, $0x0  }
0x13a: {  	s3 =	rddreg [dreg:$0x2];
	[bflag:$0x3] =	sbarrier.arrive $0xFFFF;
	s2 =	simm.s32 @!p0 $0x1C03  }
0x13b: {  	[timem:s3], [sflag:s2] =	dma.local @!p0 [hbm:s0], s1  }
0x13c: {  	s0 =	simm.s32 @!p0 $0x3  }
0x13d: {  	_ =	swait.ge @!p0 [sflag:s0], s1  }
0x13e: {  	s1 =	ssub.s32 @!p0 $0x0, s1;
	[sflag:s0] =	ssyncset.done @!p0 $0x0  }
0x13f: {  	[sflag:s0] =	ssyncadd.s32 @!p0 s1  }
0x140: {  	[bflag:$0x3] =	sbarrier.arrive $0xFFFF  }
0x141: {  	_ =	shalt  }

// kernel: kernel.19.cloned.1.call-start
scs
__scs_entry_jumppad:
0x0: {  	(pc) =	sbr.rel $0x88, $3  }
0x1: {  	(tag) =	ssettag $0x0;
	lr =	simm.s32 $0x1  }
0x2: {  	[smem:$0x3F93] =	sst lr;
	_ =	strace $0xD0000000  }
0x3: {  	_ = 	snop  }
0x4: {  	_ = 	snop  }
0x5: {  	_ = 	snop  }
0x6: {  	_ = 	snop  }
0x7: {  	_ = 	snop  }
__scs_overlays_trampoline_lowered:
0x8: {  	[smem:$0x3FA2] =	sst s0  }
0x9: {  	[smem:$0x3FA3] =	sst s1  }
0xa: {  	[smem:$0x3FA4] =	sst s2  }
0xb: {  	[smem:$0x3FA5] =	sst s3  }
0xc: {  	[smem:$0x3FA6] =	sst s4  }
0xd: {  	[smem:$0x3FA7] =	sst s5  }
0xe: {  	[smem:$0x3FA8] =	sst s6  }
0xf: {  	[smem:$0x3FA9] =	sst s7  }
0x10: {  	[smem:$0x3FAA] =	sst s8  }
0x11: {  	[smem:$0x3FAB] =	sst s9;
	s0 =	simm.s32 @!p0 $0x0  }
0x12: {  	s1 =	sld [smem:$0x3F91];
	s0 =	simm.s32 @p0 $0x1  }
0x13: {  	[smem:$0x3FAC] =	sst s0;
	s0 =	simm.s32 @!p1 $0x0  }
0x14: {  	s2 =	sld [smem:$0x3F90];
	s0 =	simm.s32 @p1 $0x1  }
0x15: {  	[smem:$0x3FAD] =	sst s0;
	s0 =	simm.s32 @!p2 $0x0  }
0x16: {  	s3 =	sld [smem:$0x3FDB];
	s0 =	simm.s32 @p2 $0x1  }
0x17: {  	s4 =	simm.s32 $0x1BF5;
	[smem:$0x3FAF] =	sst s0  }
0x18: {  	s0 =	sld [smem:$0x3F92];
	_ =	swait.ge [sflag:s4], $0x0  }
0x19: {  	s7 =	sld [smem:$0x3F93]  }
0x1a: {  	s8 =	sadd.s32 $0xFFFFE003, lr  }
0x1b: {  	s9 =	sadd.s32 $0xFFFFFEF7, lr;
	s5 =	simm.s32 $0xFFFFFFFF;
	p2 =	slt.u32 s8, $0xFFFFF086  }
0x1c: {  	p1 =	slt.u32 s9, $0xF7A;
	s5 =	simm.s32 @!p2 $0x0  }
0x1d: {  	s5 =	simm.s32 @p1 $0x1;
	p0 =	seq.s32 s7, s2  }
0x1e: {  	s7 =	smul.u32 @!p0 $0xF7A, s2;
	p2 =	seq.s32 @!p0 s5, $0x0  }
0x1f: {  	s9 =	smul.u32 $0xF7A, s1;
	s8 =	simm.s32 @!p0 $0x1BF5;
	p2 =	por !p2, p0  }
0x20: {  	[sflag:s8] =	ssyncset.s32 @!p0 $0xFFFFF086;
	s6 =	sadd.s32 @!p0 s3, s7;
	s7 =	simm.s32 @!p0 $0x108  }
0x21: {  	s3 =	sadd.s32 s3, s9;
	s6 =	sadd.s32 @!p0 $0x88, s6;
	s7 =	simm.s32 @p2 $0x1082  }
0x22: {  	[simem:s7], [sflag:s8] =	dma.local @!p0 [hbm:s6], $0xF7A  }
0x23: {  	s9 =	sor.u32 $0xD0000000, s2;
	s6 =	simm.s32 $0x108;
	_ =	swait.ge @!p0 [sflag:s8], $0x0  }
0x24: {  	s3 =	sadd.s32 $0x88, s3;
	s6 =	simm.s32 @!p1 $0x1082;
	[sflag:s4] =	ssyncset.s32 $0xFFFFF086  }
0x25: {  	[simem:s6], [sflag:s4] =	dma.local [hbm:s3], $0xF7A  }
0x26: {  	[smem:$0x3F93] =	sst s1;
	(tag) =	ssettag s2;
	_ =	strace s9  }
0x27: {  	s1 =	sld [smem:$0x3FA3]  }
0x28: {  	s2 =	sld [smem:$0x3FA4]  }
0x29: {  	s4 =	sld [smem:$0x3FA6]  }
0x2a: {  	p0 =	seq.s32 s5, $0x0;
	s5 =	sld [smem:$0x3FA7]  }
0x2b: {  	s6 =	sld [smem:$0x3FA8]  }
0x2c: {  	s7 =	sld [smem:$0x3FA9]  }
0x2d: {  	s3 =	simm.s32 $0x108;
	s8 =	sld [smem:$0x3FAA]  }
0x2e: {  	s3 =	simm.s32 @!p0 $0x1082;
	s9 =	sld [smem:$0x3FAB]  }
0x2f: {  	lr =	sadd.s32 s0, s3;
	s0 =	sld [smem:$0x3FA2]  }
0x30: {  	s3 =	sld [smem:$0x3FA5]  }
0x31: {  	[smem:$0x3FAE] =	sst s10  }
0x32: {  	s10 =	sld [smem:$0x3FAC];
	_ =	sdelay $0x3  }
0x33: {  	p0 =	seq.s32 s10, $0x1;
	s10 =	sld [smem:$0x3FAE];
	_ =	sdelay $0x3  }
0x34: {  	[smem:$0x3FAE] =	sst s10  }
0x35: {  	s10 =	sld [smem:$0x3FAD];
	_ =	sdelay $0x3  }
0x36: {  	p1 =	seq.s32 s10, $0x1;
	s10 =	sld [smem:$0x3FAE];
	_ =	sdelay $0x3  }
0x37: {  	[smem:$0x3FAE] =	sst s10  }
0x38: {  	s10 =	sld [smem:$0x3FAF]  }
0x39: {  	_ = 	snop;
	(pc) =	sbr.ind lr, $3  }
0x3a: {  	_ = 	snop  }
0x3b: {  	_ = 	snop  }
0x3c: {  	p2 =	seq.s32 s10, $0x1;
	s10 =	sld [smem:$0x3FAE]  }
0x3d: {  	_ =	shalt  }
0x3e: {  	_ =	shalt  }
0x3f: {  	_ =	shalt  }
0x40: {  	_ =	shalt  }
0x41: {  	_ =	shalt  }
0x42: {  	_ =	shalt  }
0x43: {  	_ =	shalt  }
0x44: {  	_ =	shalt  }
0x45: {  	_ =	shalt  }
0x46: {  	_ =	shalt  }
0x47: {  	_ =	shalt  }
0x48: {  	_ =	shalt  }
0x49: {  	_ =	shalt  }
0x4a: {  	_ =	shalt  }
0x4b: {  	_ =	shalt  }
0x4c: {  	_ =	shalt  }
0x4d: {  	_ =	shalt  }
0x4e: {  	_ =	shalt  }
0x4f: {  	_ =	shalt  }
0x50: {  	_ =	shalt  }
0x51: {  	_ =	shalt  }
0x52: {  	_ =	shalt  }
0x53: {  	_ =	shalt  }
0x54: {  	_ =	shalt  }
0x55: {  	_ =	shalt  }
0x56: {  	_ =	shalt  }
0x57: {  	_ =	shalt  }
0x58: {  	_ =	shalt  }
0x59: {  	_ =	shalt  }
0x5a: {  	_ =	shalt  }
0x5b: {  	_ =	shalt  }
0x5c: {  	_ =	shalt  }
0x5d: {  	_ =	shalt  }
0x5e: {  	_ =	shalt  }
0x5f: {  	_ =	shalt  }
0x60: {  	_ =	shalt  }
0x61: {  	_ =	shalt  }
0x62: {  	_ =	shalt  }
0x63: {  	_ =	shalt  }
0x64: {  	_ =	shalt  }
0x65: {  	_ =	shalt  }
0x66: {  	_ =	shalt  }
0x67: {  	_ =	shalt  }
0x68: {  	_ =	shalt  }
0x69: {  	_ =	shalt  }
0x6a: {  	_ =	shalt  }
0x6b: {  	_ =	shalt  }
0x6c: {  	_ =	shalt  }
0x6d: {  	_ =	shalt  }
0x6e: {  	_ =	shalt  }
0x6f: {  	_ =	shalt  }
0x70: {  	_ =	shalt  }
0x71: {  	_ =	shalt  }
0x72: {  	_ =	shalt  }
0x73: {  	_ =	shalt  }
0x74: {  	_ =	shalt  }
0x75: {  	_ =	shalt  }
0x76: {  	_ =	shalt  }
0x77: {  	_ =	shalt  }
0x78: {  	_ =	shalt  }
0x79: {  	_ =	shalt  }
0x7a: {  	_ =	shalt  }
0x7b: {  	_ =	shalt  }
0x7c: {  	_ =	shalt  }
0x7d: {  	_ =	shalt  }
0x7e: {  	_ =	shalt  }
0x7f: {  	_ =	shalt  }
0x80: {  	_ =	shalt  }
0x81: {  	_ =	shalt  }
0x82: {  	_ =	shalt  }
0x83: {  	_ =	shalt  }
0x84: {  	_ =	shalt  }
0x85: {  	_ =	shalt  }
0x86: {  	_ =	shalt  }
0x87: {  	_ =	shalt  }
.Lfunc_end0:
.L_simem_size_0:
called_computation.3_lowered:
.L_overlay_start_0:
0x88: {  	s2 =	sld [smem:$0x3FD9]  }
0x89: {  	s3 =	sld [smem:$0x3FFE];
	_ =	sdelay $0x1  }
0x8a: {  	s1 =	srdreg.scid  }
0x8b: {  	s0 =	sand.u32 $0x1, s1  }
0x8c: {  	s17 =	sshll.u32 s0, $0xA;
	s2 =	sadd.s32 s3, s2  }
0x8d: {  	s2 =	sadd.s32 s2, s17  }
0x8e: {  	[smem:$0x3FBA] =	sst s2  }
0x8f: {  	_ = 	snop  }
0x90: {  	s2 =	sld [smem:$0x3FD0];
	(tm) =	ssettm $0x1  }
0x91: {  	s18 =	sld [smem:$0x3FFB];
	_ =	sdelay $0x3  }
0x92: {  	_ =	strace s18  }
0x93: {  	s3 =	sld [smem:$0x3FFC];
	_ =	sdelay $0x3  }
0x94: {  	_ =	strace s3  }
0x95: {  	s3 =	sld [smem:$0x3FFD];
	_ =	sdelay $0x3  }
0x96: {  	_ =	strace s3  }
0x97: {  	_ =	strace $0x8FFFFFFF  }
0x98: {  	s19 =	sld [smem:$0x3FDB];
	_ =	sdelay $0x1  }
0x99: {  	s4 =	simm.s32 $_scs_section_size  }
0x9a: {  	s5 =	simm.s32 $_size__tile_overlayer_lowered;
	s6 =	simm.s32 $_tile_overlayer_lowered  }
0x9b: {  	s22 =	simm.s32 $0x1BFF;
	s21 =	sshll.u32 s6, $0x1;
	s3 =	sadd.s32 s4, s19  }
0x9c: {  	s7 =	simm.s32 $0x0;
	s20 =	sshll.u32 s5, $0x1;
	s5 =	sadd.s32 s21, s3  }
0x9d: {  	[timem:s7], [sflag:s22] =	dma.local [hbm:s5], s20  }
0x9e: {  	_ =	swait.ge [sflag:s22], s20  }
0x9f: {  	s4 =	ssub.s32 $0x0, s20;
	[sflag:s22] =	ssyncset.done $0x0  }
0xa0: {  	[sflag:s22] =	ssyncadd.s32 s4;
	_ =	sdelay $0x1  }
0xa1: {  	s23 =	simm.s32 $0x1B8B  }
0xa2: {  	_ =	swait.ge [sflag:s23], $0x1  }
0xa3: {  	[sflag:s23] =	ssyncset.done $0x0  }
0xa4: {  	s25 =	simm.s32 $0x1B8E;
	s24 =	sld [smem:$0x3FFE];
	[sflag:s23] =	ssyncadd.s32 $0xFFFFFFFF  }
0xa5: {  	s26 =	simm.s32 $execute0_lowered;
	[smem:$0x3FD2] =	sst s25  }
0xa6: {  	s5 =	sshll.u32 s26, $0x1;
	_ =	strace $0x8000004F;
	[dreg:$0x1] =	wrdreg $0xFFFFFFFF  }
0xa7: {  	s28 =	simm.s32 $_size_execute0_lowered;
	s3 =	sadd.s32 s3, s5;
	[dreg:$0x0] =	wrdreg $0x0  }
0xa8: {  	s5 =	sshll.u32 s28, $0x1;
	[dreg:$0x2] =	wrdreg s3  }
0xa9: {  	[dreg:$0x3] =	wrdreg s5  }
0xaa: {  	[dreg:$0x4] =	wrdreg $0xC0  }
0xab: {  	_ =	task [dreg:s7], $0x5FFFF  }
0xac: {  	[dreg:$0x1] =	wrdreg $0xFFFFFFFF  }
0xad: {  	[dreg:$0x0] =	wrdreg $0x60  }
0xae: {  	[dreg:$0x2] =	wrdreg s24  }
0xaf: {  	[dreg:$0x3] =	wrdreg s2  }
0xb0: {  	[dreg:$0x4] =	wrdreg $0x98800  }
0xb1: {  	[dreg:$0x5] =	wrdreg $0x9  }
0xb2: {  	_ =	task.clear_ibuf [dreg:s7], $0x6FFFF;
	_ =	strace $0x9000004F  }
0xb3: {  	s29 =	simm.s32 $0x9;
	_ =	strace $0x80000051  }
0xb4: {  	_ =	swait.ge [sflag:s29], $0x1  }
0xb5: {  	[sflag:s29] =	ssyncadd.s32 $0xFFFFFFFF  }
0xb6: {  	_ =	strace $0x90000051  }
0xb7: {  	_ =	sfence  }
0xb8: {  	s30 =	sld [smem:$0x0];
	_ =	sdelay $0x2  }
0xb9: {  	s31 =	sshll.u32 s1, $0xD;
	s1 =	sshrl.u32 s1, $0x2  }
0xba: {  	s3 =	sand.u32 $0x4000, s31;
	s1 =	sadd.s32 s1, s30  }
0xbb: {  	s0 =	sor.u32 s3, s0;
	s1 =	sshll.u32 s1, $0x11  }
0xbc: {  	s0 =	sor.u32 s1, s0  }
0xbd: {  	s0 =	sadd.s32 $0x8F2B, s0  }
0xbe: {  	[sflag:s0] =	ssyncadd.remote.s32 $0x1  }
0xbf: {  	_ =	sfence.sel $0xFFFF  }
0xc0: {  	[dreg:$0x0] =	wrdreg $0xFFFFFFFF;
	(pc) =	sbr.abs _section_cstart, $3  }
0xc1: {  	[dreg:$0x1] =	wrdreg $0xFFFFFFFF  }
0xc2: {  	_ =	task.clear_ibuf [dreg:s7], $0x2FFFF;
	_ =	strace $0x9FFFFFFF  }
0xc3: {  	(tm) =	ssettm $0x7FFFFFFF  }
tec
execute0_lowered:
.L_overlay_start_1:
0x0: {  	(tag) =	ssettag $0x1  }
0x1: {  	s1 =	rddreg [dreg:$0x0];
	s0 =	srdreg.scid  }
0x2: {  	s3 =	rddreg [dreg:$0x1];
	s2 =	simm.s32 $0x0;
	s16 =	stileid.u32  }
0x3: {  	s30 =	simm.s32 $0x400;
	s4 =	sand.u32 $0x1, s0;
	s0 =	rddreg [dreg:$0x2]  }
0x4: {  	s31 =	simm.s32 $0x80;
	[smem:$0x7FF] =	sst s2;
	s9 =	smul.u32 $0x280, s16  }
0x5: {  	s8 =	sshll.u32 s16, $0x1;
	s23 =	smul.u32 $0x2800, s16;
	s6 =	ssub.s32 $0x2, s4  }
0x6: {  	s5 =	smul.u32 $0x28000, s4;
	s4 =	sor.u32 s4, s8;
	s7 =	sshrl.u32 s6, $0x1  }
0x7: {  	s8 =	sor.u32 $0x40, s9;
	s10 =	sadd.s32 $0x80, s9;
	s11 =	sadd.s32 $0xC0, s9  }
0x8: {  	s12 =	sadd.s32 $0x100, s9;
	s13 =	sadd.s32 $0x140, s9;
	s14 =	sadd.s32 $0x180, s9  }
0x9: {  	s19 =	sadd.s32 $0x1C0, s9;
	s25 =	sadd.s32 $0x200, s9;
	s15 =	sshll.u32 s4, $0x4  }
0xa: {  	s9 =	sadd.s32 $0x240, s9;
	s29 =	smul.u32 $0x2800, s4;
	s5 =	sadd.s32 s5, s1  }
0xb: {  	s6 =	ssub.s32 s6, s7;
	s7 =	smul.u32 $0x50000, s16;
	s3 =	sadd.s32 s3, s15  }
0xc: {  	s24 =	sshll.u32 s8, $0x4;
	s26 =	sshll.u32 s10, $0x4;
	s17 =	sshll.u32 s11, $0x4  }
0xd: {  	s18 =	sshll.u32 s12, $0x4;
	[dreg:$0x4] =	wrdreg s3;
	s3 =	sadd.s32 $0x98200, s5  }
0xe: {  	s20 =	sshll.u32 s13, $0x4;
	s21 =	sshll.u32 s14, $0x4;
	s5 =	sadd.s32 s23, s3  }
0xf: {  	s22 =	sshll.u32 s19, $0x4;
	s15 =	sadd.s32 s24, s3;
	[dreg:$0x5] =	wrdreg s5  }
0x10: {  	s8 =	sshll.u32 s8, $0x7;
	s16 =	sadd.s32 s26, s3;
	[dreg:$0x6] =	wrdreg s15  }
0x11: {  	s10 =	sshll.u32 s10, $0x7;
	s17 =	sadd.s32 s17, s3;
	[dreg:$0x7] =	wrdreg s16  }
0x12: {  	s11 =	sshll.u32 s11, $0x7;
	s18 =	sadd.s32 s18, s3;
	[dreg:$0x8] =	wrdreg s17  }
0x13: {  	s20 =	sadd.s32 s20, s3;
	s21 =	sadd.s32 s21, s3;
	[dreg:$0x9] =	wrdreg s18  }
0x14: {  	s23 =	sadd.s32 s22, s3;
	s24 =	sshll.u32 s25, $0x4;
	[dreg:$0xa] =	wrdreg s20  }
0x15: {  	s26 =	sshll.u32 s9, $0x4;
	s7 =	sshrl.u32 s7, $0x2;
	[dreg:$0xb] =	wrdreg s21  }
0x16: {  	s22 =	sshll.u32 s13, $0x7;
	[dreg:$0xc] =	wrdreg s23;
	s5 =	sadd.s32 s24, s3  }
0x17: {  	s3 =	sadd.s32 s26, s3;
	s15 =	sadd.s32 $0x48200, s1;
	s16 =	sadd.s32 $0x2600, s1  }
0x18: {  	s17 =	sadd.s32 $0x3E200, s1;
	s18 =	sadd.s32 s7, s0;
	[dreg:$0xd] =	wrdreg s5  }
0x19: {  	s20 =	sadd.s32 s11, s0;
	s21 =	sshll.u32 s12, $0x7;
	[dreg:$0xe] =	wrdreg s3  }
0x1a: {  	s1 =	sadd.s32 s21, s0;
	_ =	strace $0x80000050;
	[dreg:$0xf] =	wrdreg s20  }
0x1b: {  	s23 =	sshll.u32 s14, $0x7;
	s24 =	sadd.s32 s22, s0;
	[dreg:$0x10] =	wrdreg s1  }
0x1c: {  	s7 =	sadd.s32 s8, s0;
	s26 =	sadd.s32 s23, s0;
	[dreg:$0x11] =	wrdreg s24  }
0x1d: {  	s8 =	sadd.s32 s10, s0;
	s10 =	smax.u32 s6, $0x1;
	[dreg:$0x12] =	wrdreg s26  }
0x1e: {  	s9 =	sshll.u32 s9, $0x7;
	s11 =	sadd.s32 $0x1000, s18;
	[dreg:$0x13] =	wrdreg s10  }
0x1f: {  	s28 =	sadd.s32 s9, s0;
	s12 =	sadd.s32 $0x3000, s18;
	[dreg:$0x14] =	wrdreg s11  }
0x20: {  	s3 =	sshll.u32 s19, $0x7;
	s13 =	sadd.s32 $0x5000, s18;
	[dreg:$0x15] =	wrdreg s12  }
0x21: {  	s5 =	sshll.u32 s25, $0x7;
	s14 =	sadd.s32 $0x7000, s18;
	[dreg:$0x16] =	wrdreg s13  }
0x22: {  	s19 =	sadd.s32 $0x9000, s18;
	s21 =	sadd.s32 $0xD000, s18;
	[dreg:$0x17] =	wrdreg s14  }
0x23: {  	s22 =	sadd.s32 $0xF000, s18;
	s23 =	sadd.s32 $0x11000, s18;
	[dreg:$0x18] =	wrdreg s19  }
.Ltmp0:
0x24: {  	s25 =	sadd.s32 s3, s0;
	[dreg:$0x1a] =	wrdreg s21;
	(pc) =	sbr.rel .LBB2_1-.Ltmp0, $4  }
0x25: {  	s26 =	sadd.s32 s5, s0;
	s20 =	sadd.s32 $0xB000, s18;
	[dreg:$0x1b] =	wrdreg s22  }
0x26: {  	[dreg:$0x1c] =	wrdreg s23;
	s24 =	sadd.s32 $0x13000, s18;
	s11 =	simm.s32 $0x8880  }
0x27: {  	s12 =	simm.s32 $0x2;
	s14 =	simm.s32 $0x1;
	[dreg:$0x19] =	wrdreg s20  }
0x28: {  	v0 =	vimm.f32 $0.0e+00;
	s10 =	simm.s32 $0x880;
	s1 =	simm.s32 $0x0;
	[dreg:$0x1d] =	wrdreg s24  }
.LBB2_10:
0x29: {  	s3 =	stileid.u32  }
0x2a: {  	[bflag:$0x0] =	sbarrier.arrive $0xFFFF;
	s3 =	sshll.u32 s3, $0x6  }
0x2b: {  	s4 =	sshrl.u32 s18, $0x3;
	s5 =	rddreg [dreg:$0x5];
	s3 =	sor.u32 $0x1C02, s3  }
0x2c: {  	[hbm:s5], [sflag:s3] =	dma.local [spmem:s4], $0x400  }
0x2d: {  	s19 =	sshrl.u32 s23, $0x3;
	s5 =	rddreg [dreg:$0x6]  }
0x2e: {  	[hbm:s5], [sflag:s3] =	dma.local [spmem:s19], $0x400  }
0x2f: {  	s20 =	sshrl.u32 s24, $0x3;
	s5 =	rddreg [dreg:$0x7]  }
0x30: {  	[hbm:s5], [sflag:s3] =	dma.local [spmem:s20], $0x400  }
0x31: {  	s4 =	rddreg [dreg:$0xf]  }
0x32: {  	s5 =	rddreg [dreg:$0x8];
	s4 =	sshrl.u32 s4, $0x3  }
0x33: {  	[hbm:s5], [sflag:s3] =	dma.local [spmem:s4], $0x400  }
0x34: {  	s4 =	rddreg [dreg:$0x10]  }
0x35: {  	s5 =	rddreg [dreg:$0x9];
	s4 =	sshrl.u32 s4, $0x3  }
0x36: {  	[hbm:s5], [sflag:s3] =	dma.local [spmem:s4], $0x400  }
0x37: {  	s4 =	rddreg [dreg:$0x11]  }
0x38: {  	s5 =	rddreg [dreg:$0xa];
	s4 =	sshrl.u32 s4, $0x3  }
0x39: {  	[hbm:s5], [sflag:s3] =	dma.local [spmem:s4], $0x400  }
0x3a: {  	s4 =	rddreg [dreg:$0x12]  }
0x3b: {  	s5 =	rddreg [dreg:$0xb];
	s4 =	sshrl.u32 s4, $0x3  }
0x3c: {  	[hbm:s5], [sflag:s3] =	dma.local [spmem:s4], $0x400  }
0x3d: {  	s21 =	sshrl.u32 s25, $0x3;
	s5 =	rddreg [dreg:$0xc]  }
0x3e: {  	[hbm:s5], [sflag:s3] =	dma.local [spmem:s21], $0x400  }
0x3f: {  	s22 =	sshrl.u32 s26, $0x3;
	s5 =	rddreg [dreg:$0xd]  }
0x40: {  	[hbm:s5], [sflag:s3] =	dma.local [spmem:s22], $0x400  }
0x41: {  	s7 =	smov.u32 s23;
	s23 =	sshrl.u32 s28, $0x3;
	s5 =	rddreg [dreg:$0xe]  }
0x42: {  	[hbm:s5], [sflag:s3] =	dma.local [spmem:s23], $0x400  }
0x43: {  	_ =	swait.ge [sflag:s12], $0x400  }
0x44: {  	[sflag:s12] =	ssyncset.done $0x0  }
0x45: {  	[sflag:s12] =	ssyncadd.s32 $0xFFFFFC00  }
0x46: {  	_ =	swait.ge [sflag:s12], $0x400  }
0x47: {  	[sflag:s12] =	ssyncset.done $0x0  }
0x48: {  	[sflag:s12] =	ssyncadd.s32 $0xFFFFFC00  }
0x49: {  	_ =	swait.ge [sflag:s12], $0x400  }
0x4a: {  	[sflag:s12] =	ssyncset.done $0x0  }
0x4b: {  	[sflag:s12] =	ssyncadd.s32 $0xFFFFFC00  }
0x4c: {  	_ =	swait.ge [sflag:s12], $0x400  }
0x4d: {  	[sflag:s12] =	ssyncset.done $0x0  }
0x4e: {  	[sflag:s12] =	ssyncadd.s32 $0xFFFFFC00  }
0x4f: {  	_ =	swait.ge [sflag:s12], $0x400  }
0x50: {  	[sflag:s12] =	ssyncset.done $0x0  }
0x51: {  	[sflag:s12] =	ssyncadd.s32 $0xFFFFFC00  }
0x52: {  	_ =	swait.ge [sflag:s12], $0x400  }
0x53: {  	[sflag:s12] =	ssyncset.done $0x0  }
0x54: {  	[sflag:s12] =	ssyncadd.s32 $0xFFFFFC00  }
0x55: {  	_ =	swait.ge [sflag:s12], $0x400  }
0x56: {  	[sflag:s12] =	ssyncset.done $0x0  }
0x57: {  	[sflag:s12] =	ssyncadd.s32 $0xFFFFFC00  }
0x58: {  	_ =	swait.ge [sflag:s12], $0x400  }
0x59: {  	[sflag:s12] =	ssyncset.done $0x0  }
0x5a: {  	[sflag:s12] =	ssyncadd.s32 $0xFFFFFC00  }
0x5b: {  	_ =	swait.ge [sflag:s12], $0x400  }
0x5c: {  	[sflag:s12] =	ssyncset.done $0x0  }
0x5d: {  	[sflag:s12] =	ssyncadd.s32 $0xFFFFFC00  }
0x5e: {  	_ =	swait.ge [sflag:s12], $0x400  }
0x5f: {  	s8 =	smov.u32 s24;
	s1 =	sadd.s32 $0x1, s1;
	s24 =	rddreg [dreg:$0x13]  }
0x60: {  	p0 =	sne.s32 s1, s24  }
.Ltmp1:
0x61: {  	_ = 	snop;
	(pc) =	sbr.rel @!p0 .LBB2_11-.Ltmp1, $3  }
0x62: {  	_ =	sdelay $0x1  }
0x63: {  	[sflag:s12] =	ssyncset.done $0x0  }
0x64: {  	[sflag:s12] =	ssyncadd.s32 $0xFFFFFC00  }
.LBB2_1:
0x65: {  	s3 =	simm.s32 $0x0;
	s4 =	simm.s32 $0x200  }
.LBB2_2:
0x66: {  	p0 =	sne.s32 s4, $0x3E00;
	[tilespmem:s3+$0x88F0] =	vst v0  }
0x67: {  	[tilespmem:s3+$0x8880] =	vst v0  }
0x68: {  	[tilespmem:s3+$0x8890] =	vst v0  }
.Ltmp2:
0x69: {  	[tilespmem:s3+$0x88A0] =	vst v0;
	(pc) =	sbr.rel @p0 .LBB2_2-.Ltmp2, $4  }
0x6a: {  	[tilespmem:s3+$0x88B0] =	vst v0  }
0x6b: {  	[tilespmem:s3+$0x88C0] =	vst v0  }
0x6c: {  	[tilespmem:s3+$0x88D0] =	vst v0  }
0x6d: {  	[tilespmem:s3+$0x88E0] =	vst v0;
	s3 =	sshra.s32 s4, $0x2;
	s4 =	sadd.s32 $0x200, s4  }
0x6e: {  	[tilespmem:s3+$0x88F0] =	vst v0  }
0x6f: {  	[tilespmem:s3+$0x8880] =	vst v0  }
0x70: {  	[tilespmem:s3+$0x8890] =	vst v0  }
0x71: {  	[tilespmem:s3+$0x88A0] =	vst v0  }
0x72: {  	[tilespmem:s3+$0x88B0] =	vst v0  }
0x73: {  	[tilespmem:s3+$0x88C0] =	vst v0  }
0x74: {  	[tilespmem:s3+$0x88D0] =	vst v0  }
0x75: {  	[tilespmem:s3+$0x88E0] =	vst v0  }
0x76: {  	[spmem:s18] =	stream.linear.scatter [tilespmem:s11], [sflag:$0x2], $0x1000, $0x38;
	[tilespmem:$0x1D880] =	vst v63  }
0x77: {  	s6 =	rddreg [dreg:$0x14]  }
0x78: {  	[spmem:s6] =	stream.linear.scatter [tilespmem:s11], [sflag:$0x2], $0x1000, $0x38;
	[tilespmem:$0x1D880] =	vst v63  }
0x79: {  	_ = 	snop  }
0x7a: {  	[spmem:s7] =	stream.linear.scatter [tilespmem:s11], [sflag:$0x2], $0x1000, $0x38;
	[tilespmem:$0x1D880] =	vst v63  }
0x7b: {  	s23 =	smov.u32 s7;
	s7 =	rddreg [dreg:$0x15]  }
0x7c: {  	[spmem:s7] =	stream.linear.scatter [tilespmem:s11], [sflag:$0x2], $0x1000, $0x38;
	[tilespmem:$0x1D880] =	vst v63  }
0x7d: {  	_ = 	snop  }
0x7e: {  	[spmem:s8] =	stream.linear.scatter [tilespmem:s11], [sflag:$0x2], $0x1000, $0x38;
	[tilespmem:$0x1D880] =	vst v63  }
0x7f: {  	s24 =	smov.u32 s8;
	s8 =	rddreg [dreg:$0x16]  }
0x80: {  	[spmem:s8] =	stream.linear.scatter [tilespmem:s11], [sflag:$0x2], $0x1000, $0x38;
	[tilespmem:$0x1D880] =	vst v63  }
0x81: {  	s9 =	rddreg [dreg:$0xf]  }
0x82: {  	[spmem:s9] =	stream.linear.scatter [tilespmem:s11], [sflag:$0x2], $0x1000, $0x38;
	[tilespmem:$0x1D880] =	vst v63  }
0x83: {  	s13 =	rddreg [dreg:$0x17]  }
0x84: {  	[spmem:s13] =	stream.linear.scatter [tilespmem:s11], [sflag:$0x2], $0x1000, $0x38;
	[tilespmem:$0x1D880] =	vst v63  }
0x85: {  	s19 =	rddreg [dreg:$0x10]  }
0x86: {  	[spmem:s19] =	stream.linear.scatter [tilespmem:s11], [sflag:$0x2], $0x1000, $0x38;
	[tilespmem:$0x1D880] =	vst v63  }
0x87: {  	s20 =	rddreg [dreg:$0x18]  }
0x88: {  	[spmem:s20] =	stream.linear.scatter [tilespmem:s11], [sflag:$0x2], $0x1000, $0x38;
	[tilespmem:$0x1D880] =	vst v63  }
0x89: {  	s21 =	rddreg [dreg:$0x11]  }
0x8a: {  	[spmem:s21] =	stream.linear.scatter [tilespmem:s11], [sflag:$0x2], $0x1000, $0x38;
	[tilespmem:$0x1D880] =	vst v63  }
0x8b: {  	s22 =	rddreg [dreg:$0x19]  }
0x8c: {  	[spmem:s22] =	stream.linear.scatter [tilespmem:s11], [sflag:$0x2], $0x1000, $0x38;
	[tilespmem:$0x1D880] =	vst v63  }
0x8d: {  	s4 =	rddreg [dreg:$0x12]  }
0x8e: {  	[spmem:s4] =	stream.linear.scatter [tilespmem:s11], [sflag:$0x2], $0x1000, $0x38;
	[tilespmem:$0x1D880] =	vst v63  }
0x8f: {  	s5 =	rddreg [dreg:$0x1a]  }
0x90: {  	[spmem:s5] =	stream.linear.scatter [tilespmem:s11], [sflag:$0x2], $0x1000, $0x38;
	[tilespmem:$0x1D880] =	vst v63  }
0x91: {  	_ = 	snop  }
0x92: {  	[spmem:s25] =	stream.linear.scatter [tilespmem:s11], [sflag:$0x2], $0x1000, $0x38;
	[tilespmem:$0x1D880] =	vst v63  }
0x93: {  	s6 =	rddreg [dreg:$0x1b]  }
0x94: {  	[spmem:s6] =	stream.linear.scatter [tilespmem:s11], [sflag:$0x2], $0x1000, $0x38;
	[tilespmem:$0x1D880] =	vst v63  }
0x95: {  	_ = 	snop  }
0x96: {  	[spmem:s26] =	stream.linear.scatter [tilespmem:s11], [sflag:$0x2], $0x1000, $0x38;
	[tilespmem:$0x1D880] =	vst v63  }
0x97: {  	s7 =	rddreg [dreg:$0x1c]  }
0x98: {  	[spmem:s7] =	stream.linear.scatter [tilespmem:s11], [sflag:$0x2], $0x1000, $0x38;
	[tilespmem:$0x1D880] =	vst v63  }
0x99: {  	_ = 	snop  }
0x9a: {  	[spmem:s28] =	stream.linear.scatter [tilespmem:s11], [sflag:$0x2], $0x1000, $0x38;
	[tilespmem:$0x1D880] =	vst v63  }
0x9b: {  	s8 =	rddreg [dreg:$0x1d]  }
0x9c: {  	[spmem:s8] =	stream.linear.scatter [tilespmem:s11], [sflag:$0x2], $0x1000, $0x38;
	[tilespmem:$0x1D880] =	vst v63  }
0x9d: {  	_ =	swait.ge [sflag:s12], $0x1000  }
0x9e: {  	[sflag:s12] =	ssyncset.done $0x0  }
0x9f: {  	[sflag:s12] =	ssyncadd.s32 $0xFFFFF000  }
0xa0: {  	_ =	swait.ge [sflag:s12], $0x1000  }
0xa1: {  	[sflag:s12] =	ssyncset.done $0x0  }
0xa2: {  	[sflag:s12] =	ssyncadd.s32 $0xFFFFF000  }
0xa3: {  	_ =	swait.ge [sflag:s12], $0x1000  }
0xa4: {  	[sflag:s12] =	ssyncset.done $0x0  }
0xa5: {  	[sflag:s12] =	ssyncadd.s32 $0xFFFFF000  }
0xa6: {  	_ =	swait.ge [sflag:s12], $0x1000  }
0xa7: {  	[sflag:s12] =	ssyncset.done $0x0  }
0xa8: {  	[sflag:s12] =	ssyncadd.s32 $0xFFFFF000  }
0xa9: {  	_ =	swait.ge [sflag:s12], $0x1000  }
0xaa: {  	[sflag:s12] =	ssyncset.done $0x0  }
0xab: {  	[sflag:s12] =	ssyncadd.s32 $0xFFFFF000  }
0xac: {  	_ =	swait.ge [sflag:s12], $0x1000  }
0xad: {  	[sflag:s12] =	ssyncset.done $0x0  }
0xae: {  	[sflag:s12] =	ssyncadd.s32 $0xFFFFF000  }
0xaf: {  	_ =	swait.ge [sflag:s12], $0x1000  }
0xb0: {  	[sflag:s12] =	ssyncset.done $0x0  }
0xb1: {  	[sflag:s12] =	ssyncadd.s32 $0xFFFFF000  }
0xb2: {  	_ =	swait.ge [sflag:s12], $0x1000  }
0xb3: {  	[sflag:s12] =	ssyncset.done $0x0  }
0xb4: {  	[sflag:s12] =	ssyncadd.s32 $0xFFFFF000  }
0xb5: {  	_ =	swait.ge [sflag:s12], $0x1000  }
0xb6: {  	[sflag:s12] =	ssyncset.done $0x0  }
0xb7: {  	[sflag:s12] =	ssyncadd.s32 $0xFFFFF000  }
0xb8: {  	_ =	swait.ge [sflag:s12], $0x1000  }
0xb9: {  	[sflag:s12] =	ssyncset.done $0x0  }
0xba: {  	[sflag:s12] =	ssyncadd.s32 $0xFFFFF000  }
0xbb: {  	_ =	swait.ge [sflag:s12], $0x1000  }
0xbc: {  	[sflag:s12] =	ssyncset.done $0x0  }
0xbd: {  	[sflag:s12] =	ssyncadd.s32 $0xFFFFF000  }
0xbe: {  	_ =	swait.ge [sflag:s12], $0x1000  }
0xbf: {  	[sflag:s12] =	ssyncset.done $0x0  }
0xc0: {  	[sflag:s12] =	ssyncadd.s32 $0xFFFFF000  }
0xc1: {  	_ =	swait.ge [sflag:s12], $0x1000  }
0xc2: {  	[sflag:s12] =	ssyncset.done $0x0  }
0xc3: {  	[sflag:s12] =	ssyncadd.s32 $0xFFFFF000  }
0xc4: {  	_ =	swait.ge [sflag:s12], $0x1000  }
0xc5: {  	[sflag:s12] =	ssyncset.done $0x0  }
0xc6: {  	[sflag:s12] =	ssyncadd.s32 $0xFFFFF000  }
0xc7: {  	_ =	swait.ge [sflag:s12], $0x1000  }
0xc8: {  	[sflag:s12] =	ssyncset.done $0x0  }
0xc9: {  	[sflag:s12] =	ssyncadd.s32 $0xFFFFF000  }
0xca: {  	_ =	swait.ge [sflag:s12], $0x1000  }
0xcb: {  	[sflag:s12] =	ssyncset.done $0x0  }
0xcc: {  	[sflag:s12] =	ssyncadd.s32 $0xFFFFF000  }
0xcd: {  	_ =	swait.ge [sflag:s12], $0x1000  }
0xce: {  	[sflag:s12] =	ssyncset.done $0x0  }
0xcf: {  	[sflag:s12] =	ssyncadd.s32 $0xFFFFF000  }
0xd0: {  	_ =	swait.ge [sflag:s12], $0x1000  }
0xd1: {  	[sflag:s12] =	ssyncset.done $0x0  }
0xd2: {  	[sflag:s12] =	ssyncadd.s32 $0xFFFFF000  }
0xd3: {  	_ =	swait.ge [sflag:s12], $0x1000  }
0xd4: {  	[sflag:s12] =	ssyncset.done $0x0  }
0xd5: {  	[sflag:s12] =	ssyncadd.s32 $0xFFFFF000  }
0xd6: {  	_ =	swait.ge [sflag:s12], $0x1000  }
0xd7: {  	[sflag:s12] =	ssyncset.done $0x0  }
0xd8: {  	[sflag:s12] =	ssyncadd.s32 $0xFFFFF000  }
0xd9: {  	s3 =	simm.s32 $0x0;
	[bflag:$0x0] =	sbarrier.arrive $0xFFFF  }
0xda: {  	s9 =	simm.s32 $0x3;
	s5 =	simm.s32 $0x800;
	s4 =	rddreg [dreg:$0x4]  }
0xdb: {  	[tilespmem:s5], [sflag:$0x3] =	stream.linear.gather [hbm4b:s4+s3], $0x80, $0x38;
	[tilespmem:$0x1D880] =	vst v63  }
0xdc: {  	_ =	swait.ge [sflag:s9], $0x80  }
0xdd: {  	[sflag:s9] =	ssyncset.done $0x0  }
0xde: {  	[sflag:s9] =	ssyncadd.s32 $0xFFFFFF80  }
0xdf: {  	v1 =	vld [tilespmem:$0x800];
	_ =	sdelay $0x4  }
0xe0: {  	(v2sf) =	vpush v1, $0x0;
	_ =	sdelay $0xe  }
0xe1: {  	s13 =	spop (v2sf)  }
0xe2: {  	s4 =	sadd.s32 $0x7F, s13  }
0xe3: {  	s19 =	sand.u32 $0x7F, s4  }
0xe4: {  	s6 =	sshra.s32 s4, $0x1F;
	p0 =	slt.s32 s4, $0x1;
	p1 =	sne.s32 s19, $0x0  }
0xe5: {  	s20 =	sshrl.u32 s6, $0x19;
	p0 =	por !p0, !p1  }
0xe6: {  	s5 =	simm.s32 $0x1;
	s4 =	sadd.s32 s20, s4;
	p0 =	por !p0, !p0  }
0xe7: {  	s4 =	sshra.s32 s4, $0x7;
	s5 =	simm.s32 @!p0 $0x0  }
0xe8: {  	s6 =	ssub.s32 s4, s5  }
0xe9: {  	s4 =	sadd.s32 $0x7, s6  }
0xea: {  	s21 =	sand.u32 $0x7, s4  }
0xeb: {  	p5 =	slt.s32 s6, $0xFFFFFFFA;
	p6 =	sne.s32 s21, $0x0  }
0xec: {  	s22 =	sshrl.u32 s4, $0x1D;
	p0 =	por !p5, !p6  }
0xed: {  	s5 =	simm.s32 $0x1;
	s4 =	sadd.s32 s22, s4;
	p0 =	por !p0, !p0  }
0xee: {  	s4 =	sshra.s32 s4, $0x3;
	s5 =	simm.s32 @!p0 $0x0  }
0xef: {  	s5 =	ssub.s32 s4, s5  }
0xf0: {  	p0 =	slt.s32 s5, $0x1  }
.Ltmp3:
0xf1: {  	_ = 	snop;
	(pc) =	sbr.rel @!p0 .LBB2_4-.Ltmp3, $4  }
.Ltmp4:
0xf2: {  	_ = 	snop;
	(pc) =	sbr.rel @p0 .LBB2_10-.Ltmp4, $4  }
0xf3: {  	_ = 	snop  }
0xf4: {  	_ = 	snop  }
0xf5: {  	s4 =	smov.u32 s6  }
0xf6: {  	_ = 	snop  }
.LBB2_8:
0xf7: {  	_ =	swait.ge [sflag:s12], $0x4000  }
0xf8: {  	[sflag:s12] =	ssyncset.done $0x0  }
0xf9: {  	[sflag:s12] =	ssyncadd.s32 $0xFFFFC000  }
.LBB2_9:
0xfa: {  	s3 =	sadd.s32 $0x1, s3  }
0xfb: {  	p0 =	sne.s32 s3, s5  }
.Ltmp5:
0xfc: {  	_ = 	snop;
	(pc) =	sbr.rel @!p0 .LBB2_10-.Ltmp5, $2  }
0xfd: {  	_ =	sdelay $0x2  }
0xfe: {  	s4 =	sadd.s32 $0xFFFFFFF8, s4  }
.LBB2_4:
0xff: {  	s7 =	sshll.u32 s3, $0xA  }
0x100: {  	s7 =	sadd.s32 s29, s7  }
0x101: {  	s7 =	sshrl.u32 s7, $0x3  }
0x102: {  	s8 =	sadd.s32 s16, s7  }
0x103: {  	[tilespmem:s2], [sflag:$0x1] =	stream.linear.gather [hbm4b:s8+s2], $0x400, $0x38;
	[tilespmem:$0x1D880] =	vst v63  }
0x104: {  	s22 =	sshll.u32 s3, $0x3;
	s7 =	sadd.s32 s17, s7  }
0x105: {  	[tilespmem:s30], [sflag:$0x1] =	stream.linear.gather [hbm4b:s7+s2], $0x400, $0x38;
	[tilespmem:$0x1D880] =	vst v63  }
0x106: {  	s7 =	ssub.s32 s6, s22  }
0x107: {  	_ =	swait.ge [sflag:s14], $0x400;
	p0 =	slt.s32 s7, $0x1  }
.Ltmp6:
0x108: {  	[sflag:s14] =	ssyncset.done $0x0;
	(pc) =	sbr.rel @p0 .LBB2_9-.Ltmp6, $4  }
0x109: {  	[sflag:s14] =	ssyncadd.s32 $0xFFFFFC00  }
0x10a: {  	_ =	swait.ge [sflag:s14], $0x400  }
0x10b: {  	[sflag:s14] =	ssyncset.done $0x0  }
0x10c: {  	[sflag:s14] =	ssyncadd.s32 $0xFFFFFC00  }
0x10d: {  	[tilespmem:s10], [sflag:$0x1] =	stream.indirect.gather [hbm4b:s15+s31], $0x80, s2, s31, $0xb8;
	[tilespmem:$0x1D880] =	vst v63  }
0x10e: {  	_ =	swait.ge [sflag:s14], $0x4000  }
0x10f: {  	p0 =	seq.s32 s7, $0x1;
	[sflag:s14] =	ssyncset.done $0x0  }
0x110: {  	s8 =	simm.s32 @!p0 $0x80;
	s9 =	simm.s32 @!p0 $0x4880;
	[sflag:s14] =	ssyncadd.s32 $0xFFFFC000  }
0x111: {  	[tilespmem:s9], [sflag:$0x1] =	stream.indirect.gather @!p0 [hbm4b:s15+s8], $0x80, s8, s8, $0xb8;
	[tilespmem:$0x1D880] =	vst v63  }
0x112: {  	p0 =	slt.s32 s4, $0x2  }
.Ltmp7:
0x113: {  	_ = 	snop;
	(pc) =	sbr.rel @p0 .LBB2_8-.Ltmp7, $2  }
0x114: {  	_ =	sdelay $0x2  }
0x115: {  	[spmem:s0] =	stream.indirect.scatter.add.f32 [tilespmem:s10], [sflag:$0x2], $0x80, s30, s31, $0xb8;
	[tilespmem:$0x1D880] =	vst v63  }
0x116: {  	p0 =	sgt.s32 s4, $0x1;
	s8 =	smov.u32 s4;
	_ =	swait.ge [sflag:s14], $0x4000  }
0x117: {  	s9 =	simm.s32 $0x1;
	s8 =	simm.s32 @!p0 $0x1;
	p0 =	slt.s32 s7, $0x8  }
0x118: {  	s13 =	simm.s32 $0x100;
	[sflag:s14] =	ssyncset.done $0x0;
	s7 =	simm.s32 @!p0 $0x8  }
0x119: {  	s9 =	sand.u32 $0x1, s9;
	[sflag:s14] =	ssyncadd.s32 $0xFFFFC000;
	p0 =	sle.s32 s7, $0x2  }
0x11a: {  	s20 =	sshll.u32 s9, $0xE;
	_ =	swait.ge [sflag:s12], $0x4000;
	s19 =	sshll.u32 @!p0 s9, $0xE  }
0x11b: {  	s8 =	smin.u32 s8, $0x8;
	[sflag:s12] =	ssyncset.done $0x0;
	s9 =	sxor.u32 @!p0 $0x4000, s19  }
0x11c: {  	[sflag:s12] =	ssyncadd.s32 $0xFFFFC000;
	s19 =	simm.s32 @!p0 $0x80;
	s9 =	sor.u32 @!p0 $0x880, s9  }
0x11d: {  	[tilespmem:s9], [sflag:$0x1] =	stream.indirect.gather @!p0 [hbm4b:s15+s19], $0x80, s13, s19, $0xb8;
	[tilespmem:$0x1D880] =	vst v63  }
0x11e: {  	p0 =	sne.s32 s8, $0x2  }
.Ltmp8:
0x11f: {  	_ = 	snop;
	(pc) =	sbr.rel @!p0 .LBB2_8-.Ltmp8, $4  }
0x120: {  	_ = 	snop  }
0x121: {  	s22 =	sor.u32 $0x880, s20  }
0x122: {  	s9 =	simm.s32 $0x480;
	s13 =	simm.s32 $0x2;
	s19 =	simm.s32 $0x180  }
0x123: {  	[spmem:s0] =	stream.indirect.scatter.add.f32 [tilespmem:s22], [sflag:$0x2], $0x80, s9, s31, $0xb8;
	[tilespmem:$0x1D880] =	vst v63  }
.LBB2_7:
0x124: {  	_ =	swait.ge [sflag:s14], $0x4000  }
0x125: {  	s9 =	sadd.s32 $0x80, s9;
	s20 =	smov.u32 s13;
	s13 =	sadd.s32 $0x1, s13  }
0x126: {  	[sflag:s14] =	ssyncset.done $0x0;
	p0 =	sne.s32 s8, s13  }
0x127: {  	s20 =	sand.u32 $0x1, s20;
	p1 =	sge.s32 s13, s7;
	[sflag:s14] =	ssyncadd.s32 $0xFFFFC000  }
0x128: {  	s21 =	sshll.u32 @!p1 s20, $0xE;
	s20 =	sshll.u32 s20, $0xE;
	_ =	swait.ge [sflag:s12], $0x4000  }
.Ltmp9:
0x129: {  	s21 =	sxor.u32 @!p1 $0x4000, s21;
	[sflag:s12] =	ssyncset.done $0x0;
	(pc) =	sbr.rel @p0 .LBB2_7-.Ltmp9, $4  }
0x12a: {  	s22 =	simm.s32 @!p1 $0x80;
	s21 =	sor.u32 @!p1 $0x880, s21;
	[sflag:s12] =	ssyncadd.s32 $0xFFFFC000  }
0x12b: {  	[tilespmem:s21], [sflag:$0x1] =	stream.indirect.gather @!p1 [hbm4b:s15+s22], $0x80, s19, s22, $0xb8;
	[tilespmem:$0x1D880] =	vst v63  }
0x12c: {  	s20 =	sor.u32 $0x880, s20;
	s19 =	sadd.s32 $0x80, s19  }
0x12d: {  	[spmem:s0] =	stream.indirect.scatter.add.f32 [tilespmem:s20], [sflag:$0x2], $0x80, s9, s31, $0xb8;
	[tilespmem:$0x1D880] =	vst v63  }
.Ltmp10:
0x12e: {  	_ = 	snop;
	(pc) =	sbr.rel .LBB2_8-.Ltmp10, $1  }
0x12f: {  	_ =	sdelay $0x3  }
.LBB2_11:
0x130: {  	_ =	sfence.sel $0x180000  }
0x131: {  	[bflag:$0x0] =	sbarrier.arrive $0xFFFF  }
0x132: {  	_ =	strace $0x90000050  }
0x133: {  	s0 =	stileid.u32;
	[bflag:$0x2] =	sbarrier.arrive $0xFFFF  }
0x134: {  	p0 =	sne.s32 s0, $0x0;
	s0 =	rddreg [dreg:$0x3]  }
0x135: {  	s0 =	sadd.s32 @!p0 $0x100000, s0  }
0x136: {  	[sflag:s0] =	ssyncadd.tile.s32 @!p0 $0x1;
	_ =	shalt  }
.Lfunc_end2:
_tile_overlayer_lowered:
.L_overlay_start_2:
0x137: {  	(tag) =	ssettag $0x2  }
0x138: {  	s0 =	rddreg [dreg:$0x0];
	s2 =	stileid.u32  }
0x139: {  	s1 =	rddreg [dreg:$0x1];
	p0 =	sne.s32 s2, $0x0  }
0x13a: {  	s3 =	rddreg [dreg:$0x2];
	[bflag:$0x3] =	sbarrier.arrive $0xFFFF;
	s2 =	simm.s32 @!p0 $0x1C03  }
0x13b: {  	[timem:s3], [sflag:s2] =	dma.local @!p0 [hbm:s0], s1  }
0x13c: {  	s0 =	simm.s32 @!p0 $0x3  }
0x13d: {  	_ =	swait.ge @!p0 [sflag:s0], s1  }
0x13e: {  	s1 =	ssub.s32 @!p0 $0x0, s1;
	[sflag:s0] =	ssyncset.done @!p0 $0x0  }
0x13f: {  	[sflag:s0] =	ssyncadd.s32 @!p0 s1  }
0x140: {  	[bflag:$0x3] =	sbarrier.arrive $0xFFFF  }
0x141: {  	_ =	shalt  }

</sc_bundles>
